<compile_context>
chip_gen: v7x
topology: tpu7x:2x2x1
jax: 0.10.2.dev20260603
libtpu: 0.0.44.dev20260713+nightly
codegen_flags: <defaults>
</compile_context>

<pallas_src>
import functools

import jax
import jax.numpy as jnp
from jax import lax
from jax.experimental import pallas as pl
from jax.experimental.pallas import tpu as pltpu
from jax.experimental.pallas import tpu_sc as plsc

N = 10000
E = 320000
D = 128

MIN_NORM = 1e-15
MAXNORM = 1.0 - 4e-3

NC, NS, L = 2, 16, 16
NW = NC * NS
CHUNK = 128
NCHUNKS = 2560
EPAD = NCHUNKS * CHUNK
CPT = NCHUNKS // NW
NPAD = 10112
RPT = NPAD // NS

BLK = 2000
GRID = N // BLK


def _rownorm2(x):
    return jnp.sum(x * x, axis=-1, keepdims=True)


def _expmap0(u):
    n = jnp.maximum(jnp.sqrt(_rownorm2(u)), MIN_NORM)
    return jnp.tanh(n) * u / n


def _artanh(x):
    x = jnp.clip(x, -1.0 + 1e-7, 1.0 - 1e-7)
    return 0.5 * jnp.log((1.0 + x) / (1.0 - x))


def _logmap0(p):
    n = jnp.maximum(jnp.sqrt(_rownorm2(p)), MIN_NORM)
    return _artanh(n) * p / n


def _proj(x):
    n = jnp.maximum(jnp.sqrt(_rownorm2(x)), MIN_NORM)
    return jnp.where(n > MAXNORM, x / n * MAXNORM, x)


def _mobius_add(x, y):
    x2 = _rownorm2(x)
    y2 = _rownorm2(y)
    xy = jnp.sum(x * y, axis=-1, keepdims=True)
    num = (1.0 + 2.0 * xy + y2) * x + (1.0 - x2) * y
    denom = 1.0 + 2.0 * xy + x2 * y2
    return num / jnp.maximum(denom, MIN_NORM)


def _mobius_matvec(Wt, x):
    x2s = _rownorm2(x)
    xn = jnp.maximum(jnp.sqrt(x2s), MIN_NORM)
    mx = jnp.dot(x, Wt, preferred_element_type=jnp.float32)
    mx2s = _rownorm2(mx)
    mxn = jnp.maximum(jnp.sqrt(mx2s), MIN_NORM)
    res = jnp.tanh(mxn / xn * _artanh(xn)) * mx / mxn
    return jnp.where(mx2s == 0.0, jnp.zeros_like(res), res)


def _hyp_linear(x, Wt, b):
    res = _proj(_mobius_matvec(Wt, x))
    hyp_bias = _proj(_expmap0(b))
    return _proj(_mobius_add(res, hyp_bias))



def _tc_pre_body(x_ref, w_ref, b_ref, o_ref):
    xh = _proj(_expmap0(x_ref[...]))
    h = _hyp_linear(xh, w_ref[...], b_ref[...])
    o_ref[...] = _logmap0(h)


def _tc_mid_body(p_ref, w_ref, b_ref, o_ref):
    s = p_ref[0] + p_ref[1]
    h = _proj(_expmap0(s))
    h = _proj(_expmap0(jnp.maximum(_logmap0(h), 0.0)))
    h = _hyp_linear(h, w_ref[...], b_ref[...])
    o_ref[...] = _logmap0(h)


def _tc_post_body(p_ref, o_ref):
    s = p_ref[0] + p_ref[1]
    h = _proj(_expmap0(s))
    o_ref[...] = _proj(_expmap0(jnp.maximum(_logmap0(h), 0.0)))


_row_spec = pl.BlockSpec((BLK, D), lambda i: (i, 0))
_par_spec = pl.BlockSpec((2, BLK, D), lambda i: (0, i, 0))
_w_spec = pl.BlockSpec((D, D), lambda i: (0, 0))
_b_spec = pl.BlockSpec((1, D), lambda i: (0, 0))
_out_sd = jax.ShapeDtypeStruct((N, D), jnp.float32)

_tc_pre = pl.pallas_call(
    _tc_pre_body, grid=(GRID,),
    in_specs=[_row_spec, _w_spec, _b_spec], out_specs=_row_spec,
    out_shape=_out_sd)

_tc_mid = pl.pallas_call(
    _tc_mid_body, grid=(GRID,),
    in_specs=[_par_spec, _w_spec, _b_spec], out_specs=_row_spec,
    out_shape=_out_sd)

_tc_post = pl.pallas_call(
    _tc_post_body, grid=(GRID,),
    in_specs=[_par_spec], out_specs=_row_spec,
    out_shape=_out_sd)



NBUF = 2
GCH = 40
CPT0 = 2 * GCH
CPT1 = 2 * GCH


def _run_edges(t_hbm, srcr_hbm, dstr_hbm, src_v, dst_v, rows_v, acc_sh,
               gsems, base, ngroups):
    for g in range(ngroups):
        pltpu.sync_copy(srcr_hbm.at[pl.ds(base + g * GCH, GCH)], src_v)
        pltpu.sync_copy(dstr_hbm.at[pl.ds(base + g * GCH, GCH)], dst_v)
        for b in range(NBUF):
            pltpu.async_copy(t_hbm.at[src_v.at[b]], rows_v.at[b], gsems[b])

        def body(i, carry):
            for b in range(NBUF):
                j = i * NBUF + b
                pltpu.make_async_copy(
                    t_hbm.at[pl.ds(0, CHUNK)], rows_v.at[b], gsems[b]).wait()
                pltpu.sync_copy(rows_v.at[b], acc_sh.at[dst_v.at[j]],
                                add=True)

                @pl.when(j + NBUF < GCH)
                def _():
                    pltpu.async_copy(
                        t_hbm.at[src_v.at[j + NBUF]], rows_v.at[b], gsems[b])
            return carry

        lax.fori_loop(0, GCH // NBUF, body, 0)


def _sc_agg_body(t_hbm, srcr_hbm, dstr_hbm, out_hbm,
                 src_v, dst_v, rows_v, acc_sh, *gsems):
    c = lax.axis_index("c")
    s = lax.axis_index("s")

    def zrow(r, carry):
        for k in range(D // L):
            rows_v[0, r, pl.ds(k * L, L)] = jnp.zeros((L,), jnp.float32)
        return carry

    lax.fori_loop(0, CHUNK, zrow, 0)
    for k in range(RPT // CHUNK):
        pltpu.sync_copy(rows_v.at[0],
                        acc_sh.at[pl.ds(s * RPT + k * CHUNK, CHUNK)])
    _TAIL = RPT - (RPT // CHUNK) * CHUNK
    pltpu.sync_copy(rows_v.at[0].at[pl.ds(0, _TAIL)],
                    acc_sh.at[pl.ds(s * RPT + RPT - _TAIL, _TAIL)])
    plsc.subcore_barrier()

    @pl.when(c == 0)
    def _():
        _run_edges(t_hbm, srcr_hbm, dstr_hbm, src_v, dst_v, rows_v, acc_sh,
                   gsems, s * CPT0, CPT0 // GCH)

    @pl.when(c == 1)
    def _():
        _run_edges(t_hbm, srcr_hbm, dstr_hbm, src_v, dst_v, rows_v, acc_sh,
                   gsems, NS * CPT0 + s * CPT1, CPT1 // GCH)

    plsc.subcore_barrier()
    pltpu.sync_copy(acc_sh.at[pl.ds(s * RPT, RPT)],
                    out_hbm.at[c].at[pl.ds(s * RPT, RPT)])


@functools.cache
def _sc_agg_call():
    return pl.kernel(
        _sc_agg_body,
        out_type=jax.ShapeDtypeStruct((NC, NPAD, D), jnp.float32),
        mesh=plsc.VectorSubcoreMesh(core_axis_name="c", subcore_axis_name="s"),
        scratch_types=[
            pltpu.VMEM((GCH, CHUNK), jnp.int32),
            pltpu.VMEM((GCH, CHUNK), jnp.int32),
            pltpu.VMEM((NBUF, CHUNK, D), jnp.float32),
            pltpu.VMEM_SHARED((NPAD, D), jnp.float32),
        ] + [pltpu.SemaphoreType.DMA] * NBUF,
    )


def kernel(x, edge_index, W0, b0, W1, b1):
    src = edge_index[0].astype(jnp.int32)
    dst = edge_index[1].astype(jnp.int32)
    srcr = jnp.concatenate(
        [src, jnp.arange(EPAD - E, dtype=jnp.int32)]).reshape(NCHUNKS, CHUNK)
    dstr = jnp.concatenate(
        [dst, jnp.full((EPAD - E,), N, jnp.int32)]).reshape(NCHUNKS, CHUNK)
    W0t = W0.T
    W1t = W1.T
    b0r = b0.reshape(1, D)
    b1r = b1.reshape(1, D)

    sc_agg = _sc_agg_call()
    t0 = _tc_pre(x, W0t, b0r)
    p0 = sc_agg(t0, srcr, dstr)
    t1 = _tc_mid(p0, W1t, b1r)
    p1 = sc_agg(t1, srcr, dstr)
    return _tc_post(p1)

# --- scband reference (transcript-rebuilt; emitter-appended) ---
"""Pipeline reference for scband-hgcn-73495480369554 (READ-ONLY COPY).

The authoritative reference and input builder live on the scoring server;
editing this copy changes nothing except your own understanding.
"""

import jax, jax.numpy as jnp
import numpy as np

MIN_NORM = 1e-15
N_NODES = 10000
N_EDGES = 320000
D_FEAT = 128
D_HID = 128


def artanh(x):
    x = jnp.clip(x, -1.0 + 1e-7, 1.0 - 1e-7)
    return 0.5 * jnp.log((1.0 + x) / (1.0 - x))


def _norm(x):
    return jnp.clip(jnp.linalg.norm(x, axis=-1, keepdims=True), MIN_NORM, None)


def expmap0(u, c):
    sqrt_c = c ** 0.5
    u_norm = _norm(u)
    return jnp.tanh(sqrt_c * u_norm) * u / (sqrt_c * u_norm)


def logmap0(p, c):
    sqrt_c = c ** 0.5
    p_norm = _norm(p)
    return artanh(sqrt_c * p_norm) * p / (sqrt_c * p_norm)


def proj(x, c):
    norm = _norm(x)
    maxnorm = (1.0 - 4e-3) / (c ** 0.5)
    cond = norm > maxnorm
    projected = x / norm * maxnorm
    return jnp.where(cond, projected, x)


def mobius_add(x, y, c):
    x2 = jnp.sum(x * x, axis=-1, keepdims=True)
    y2 = jnp.sum(y * y, axis=-1, keepdims=True)
    xy = jnp.sum(x * y, axis=-1, keepdims=True)
    num = (1.0 + 2.0 * c * xy + c * y2) * x + (1.0 - c * x2) * y
    denom = 1.0 + 2.0 * c * xy + (c ** 2) * x2 * y2
    return num / jnp.clip(denom, MIN_NORM, None)


def mobius_matvec(M, x, c):
    sqrt_c = c ** 0.5
    x_norm = _norm(x)
    mx = x @ M.T
    mx_norm = _norm(mx)
    res_c = jnp.tanh(mx_norm / x_norm * artanh(sqrt_c * x_norm)) * mx / (mx_norm * sqrt_c)
    cond = jnp.all(mx == 0, axis=-1, keepdims=True)
    return jnp.where(cond, jnp.zeros_like(res_c), res_c)


def hyp_linear(x, W, b, c):
    mv = mobius_matvec(W, x, c)
    res = proj(mv, c)
    hyp_bias = proj(expmap0(b[None, :], c), c)
    res = proj(mobius_add(res, hyp_bias, c), c)
    return res


def hyp_agg(x, src, dst, n, c):
    x_t = logmap0(x, c)  # tangent space
    gathered = jnp.take(x_t, src, axis=0)
    support_t = jax.ops.segment_sum(gathered, dst, num_segments=n)  # binary adj spmm
    return proj(expmap0(support_t, c), c)


def hyp_act(x, c_in, c_out):
    xt = jax.nn.relu(logmap0(x, c_in))
    # proj_tan0 is identity on the Poincare ball
    return proj(expmap0(xt, c_out), c_out)


def setup_inputs(seed: int = 0) -> dict:
    key = jax.random.key(seed)
    k1, k2, k3, k4, k5, k6 = jax.random.split(key, 6)
    x = jax.random.normal(k1, (N_NODES, D_FEAT), dtype=jnp.float32)
    edge_index = jax.random.randint(k2, (2, N_EDGES), 0, N_NODES, dtype=jnp.int64 if jax.config.jax_enable_x64 else jnp.int32).astype(jnp.int32)
    W0 = jax.random.normal(k3, (D_HID, D_FEAT), dtype=jnp.float32) * 0.05
    b0 = jax.random.normal(k4, (D_HID,), dtype=jnp.float32) * 0.05
    W1 = jax.random.normal(k5, (D_HID, D_HID), dtype=jnp.float32) * 0.05
    b1 = jax.random.normal(k6, (D_HID,), dtype=jnp.float32) * 0.05
    return {"x": x, "edge_index": edge_index, "W0": W0, "b0": b0, "W1": W1, "b1": b1}


def reference(x, edge_index, W0, b0, W1, b1):
    c0, c1, c2 = 1.0, 1.0, 1.0
    n = x.shape[0]
    src = edge_index[0]
    dst = edge_index[1]
    # HGCN.encode prologue: map features onto the manifold
    x_tan = x  # proj_tan0 identity for PoincareBall
    x_hyp = proj(expmap0(x_tan, c0), c0)
    # Layer 0: HypLinear -> HypAgg -> HypAct
    h = hyp_linear(x_hyp, W0, b0, c0)
    h = hyp_agg(h, src, dst, n, c0)
    h = hyp_act(h, c0, c1)
    # Layer 1
    h = hyp_linear(h, W1, b1, c1)
    h = hyp_agg(h, src, dst, n, c1)
    h = hyp_act(h, c1, c2)
    return h

if __name__ == "__main__":
    import jax
    _d = setup_inputs()
    print(jax.jit(kernel)(*tuple(_d.values())))

</pallas_src>

<mosaic_0001>
#map = affine_map<(d0, d1) -> (0, 0)>
#map1 = affine_map<(d0, d1) -> (0, 0, 0)>
module attributes {stable_mosaic.version = 14 : i64} {
  func.func @_sc_agg_body(%arg0: i32, %arg1: i32, %arg2: memref<10000x128xf32, #tpu.memory_space<hbm>>, %arg3: memref<2560x128xi32, #tpu.memory_space<hbm>>, %arg4: memref<2560x128xi32, #tpu.memory_space<hbm>>, %arg5: memref<2x10112x128xf32, #tpu.memory_space<hbm>>, %arg6: memref<40x128xi32, #tpu.memory_space<vmem>>, %arg7: memref<40x128xi32, #tpu.memory_space<vmem>>, %arg8: memref<2x128x128xf32, #tpu.memory_space<vmem>>, %arg9: memref<10112x128xf32, #tpu.memory_space<vmem_shared>>, %arg10: memref<!tpu.dma_semaphore, #tpu.memory_space<semaphore_mem>>, %arg11: memref<!tpu.dma_semaphore, #tpu.memory_space<semaphore_mem>>) attributes {dimension_semantics = [#tpu.dimension_semantics<core_parallel>, #tpu.dimension_semantics<subcore_parallel>], iteration_bounds = array<i64: 2, 16>, scalar_prefetch = 0 : i64, scratch_operands = 6 : i64, tpu.core_type = #tpu.core_type<sc_vector_subcore>, window_params = [{transform_indices = #map}, {transform_indices = #map}, {transform_indices = #map}, {transform_indices = #map1}]} {
    %scan3A = arith.constant 0 : i32
    %scan3A_0 = arith.constant 0 : i32
    %scan3A_1 = arith.constant 128 : i32
    %scan3A_2 = arith.addi %scan3A_0, %scan3A_1 : i32
    %scan3A_3 = arith.constant 1 : i32
    scf.for %scan3A_40 = %scan3A_0 to %scan3A_2 step %scan3A_3  : i32 {
      %broadcast_in_dim3A = arith.constant 0.000000e+00 : f32
      %broadcast_in_dim3A_41 = vector.broadcast %broadcast_in_dim3A : f32 to vector<16xf32>
      %swap3A = arith.constant 0 : i32
      %swap3A_42 = arith.index_cast %swap3A : i32 to index
      %swap3A_43 = arith.index_cast %scan3A_40 : i32 to index
      %swap3A_44 = arith.constant 0 : index
      %swap3A_45 = tpu.vector_load %arg8[%swap3A_42, %swap3A_43, %swap3A_44] {strides = array<i32>} : memref<2x128x128xf32, #tpu.memory_space<vmem>>, vector<1x1x16xf32>,
      %swap3A_46 = vector.shape_cast %swap3A_45 : vector<1x1x16xf32> to vector<16xf32>
      %swap3A_47 = vector.shape_cast %broadcast_in_dim3A_41 : vector<16xf32> to vector<1x1x16xf32>
      tpu.vector_store %arg8[%swap3A_42, %swap3A_43, %swap3A_44], %swap3A_47 {strides = array<i32>} : memref<2x128x128xf32, #tpu.memory_space<vmem>>, vector<1x1x16xf32>,
      %broadcast_in_dim3A_48 = arith.constant 0.000000e+00 : f32
      %broadcast_in_dim3A_49 = vector.broadcast %broadcast_in_dim3A_48 : f32 to vector<16xf32>
      %swap3A_50 = arith.constant 0 : i32
      %swap3A_51 = arith.index_cast %swap3A_50 : i32 to index
      %swap3A_52 = arith.index_cast %scan3A_40 : i32 to index
      %swap3A_53 = arith.constant 16 : index
      %swap3A_54 = tpu.vector_load %arg8[%swap3A_51, %swap3A_52, %swap3A_53] {strides = array<i32>} : memref<2x128x128xf32, #tpu.memory_space<vmem>>, vector<1x1x16xf32>,
      %swap3A_55 = vector.shape_cast %swap3A_54 : vector<1x1x16xf32> to vector<16xf32>
      %swap3A_56 = vector.shape_cast %broadcast_in_dim3A_49 : vector<16xf32> to vector<1x1x16xf32>
      tpu.vector_store %arg8[%swap3A_51, %swap3A_52, %swap3A_53], %swap3A_56 {strides = array<i32>} : memref<2x128x128xf32, #tpu.memory_space<vmem>>, vector<1x1x16xf32>,
      %broadcast_in_dim3A_57 = arith.constant 0.000000e+00 : f32
      %broadcast_in_dim3A_58 = vector.broadcast %broadcast_in_dim3A_57 : f32 to vector<16xf32>
      %swap3A_59 = arith.constant 0 : i32
      %swap3A_60 = arith.index_cast %swap3A_59 : i32 to index
      %swap3A_61 = arith.index_cast %scan3A_40 : i32 to index
      %swap3A_62 = arith.constant 32 : index
      %swap3A_63 = tpu.vector_load %arg8[%swap3A_60, %swap3A_61, %swap3A_62] {strides = array<i32>} : memref<2x128x128xf32, #tpu.memory_space<vmem>>, vector<1x1x16xf32>,
      %swap3A_64 = vector.shape_cast %swap3A_63 : vector<1x1x16xf32> to vector<16xf32>
      %swap3A_65 = vector.shape_cast %broadcast_in_dim3A_58 : vector<16xf32> to vector<1x1x16xf32>
      tpu.vector_store %arg8[%swap3A_60, %swap3A_61, %swap3A_62], %swap3A_65 {strides = array<i32>} : memref<2x128x128xf32, #tpu.memory_space<vmem>>, vector<1x1x16xf32>,
      %broadcast_in_dim3A_66 = arith.constant 0.000000e+00 : f32
      %broadcast_in_dim3A_67 = vector.broadcast %broadcast_in_dim3A_66 : f32 to vector<16xf32>
      %swap3A_68 = arith.constant 0 : i32
      %swap3A_69 = arith.index_cast %swap3A_68 : i32 to index
      %swap3A_70 = arith.index_cast %scan3A_40 : i32 to index
      %swap3A_71 = arith.constant 48 : index
      %swap3A_72 = tpu.vector_load %arg8[%swap3A_69, %swap3A_70, %swap3A_71] {strides = array<i32>} : memref<2x128x128xf32, #tpu.memory_space<vmem>>, vector<1x1x16xf32>,
      %swap3A_73 = vector.shape_cast %swap3A_72 : vector<1x1x16xf32> to vector<16xf32>
      %swap3A_74 = vector.shape_cast %broadcast_in_dim3A_67 : vector<16xf32> to vector<1x1x16xf32>
      tpu.vector_store %arg8[%swap3A_69, %swap3A_70, %swap3A_71], %swap3A_74 {strides = array<i32>} : memref<2x128x128xf32, #tpu.memory_space<vmem>>, vector<1x1x16xf32>,
      %broadcast_in_dim3A_75 = arith.constant 0.000000e+00 : f32
      %broadcast_in_dim3A_76 = vector.broadcast %broadcast_in_dim3A_75 : f32 to vector<16xf32>
      %swap3A_77 = arith.constant 0 : i32
      %swap3A_78 = arith.index_cast %swap3A_77 : i32 to index
      %swap3A_79 = arith.index_cast %scan3A_40 : i32 to index
      %swap3A_80 = arith.constant 64 : index
      %swap3A_81 = tpu.vector_load %arg8[%swap3A_78, %swap3A_79, %swap3A_80] {strides = array<i32>} : memref<2x128x128xf32, #tpu.memory_space<vmem>>, vector<1x1x16xf32>,
      %swap3A_82 = vector.shape_cast %swap3A_81 : vector<1x1x16xf32> to vector<16xf32>
      %swap3A_83 = vector.shape_cast %broadcast_in_dim3A_76 : vector<16xf32> to vector<1x1x16xf32>
      tpu.vector_store %arg8[%swap3A_78, %swap3A_79, %swap3A_80], %swap3A_83 {strides = array<i32>} : memref<2x128x128xf32, #tpu.memory_space<vmem>>, vector<1x1x16xf32>,
      %broadcast_in_dim3A_84 = arith.constant 0.000000e+00 : f32
      %broadcast_in_dim3A_85 = vector.broadcast %broadcast_in_dim3A_84 : f32 to vector<16xf32>
      %swap3A_86 = arith.constant 0 : i32
      %swap3A_87 = arith.index_cast %swap3A_86 : i32 to index
      %swap3A_88 = arith.index_cast %scan3A_40 : i32 to index
      %swap3A_89 = arith.constant 80 : index
      %swap3A_90 = tpu.vector_load %arg8[%swap3A_87, %swap3A_88, %swap3A_89] {strides = array<i32>} : memref<2x128x128xf32, #tpu.memory_space<vmem>>, vector<1x1x16xf32>,
      %swap3A_91 = vector.shape_cast %swap3A_90 : vector<1x1x16xf32> to vector<16xf32>
      %swap3A_92 = vector.shape_cast %broadcast_in_dim3A_85 : vector<16xf32> to vector<1x1x16xf32>
      tpu.vector_store %arg8[%swap3A_87, %swap3A_88, %swap3A_89], %swap3A_92 {strides = array<i32>} : memref<2x128x128xf32, #tpu.memory_space<vmem>>, vector<1x1x16xf32>,
      %broadcast_in_dim3A_93 = arith.constant 0.000000e+00 : f32
      %broadcast_in_dim3A_94 = vector.broadcast %broadcast_in_dim3A_93 : f32 to vector<16xf32>
      %swap3A_95 = arith.constant 0 : i32
      %swap3A_96 = arith.index_cast %swap3A_95 : i32 to index
      %swap3A_97 = arith.index_cast %scan3A_40 : i32 to index
      %swap3A_98 = arith.constant 96 : index
      %swap3A_99 = tpu.vector_load %arg8[%swap3A_96, %swap3A_97, %swap3A_98] {strides = array<i32>} : memref<2x128x128xf32, #tpu.memory_space<vmem>>, vector<1x1x16xf32>,
      %swap3A_100 = vector.shape_cast %swap3A_99 : vector<1x1x16xf32> to vector<16xf32>
      %swap3A_101 = vector.shape_cast %broadcast_in_dim3A_94 : vector<16xf32> to vector<1x1x16xf32>
      tpu.vector_store %arg8[%swap3A_96, %swap3A_97, %swap3A_98], %swap3A_101 {strides = array<i32>} : memref<2x128x128xf32, #tpu.memory_space<vmem>>, vector<1x1x16xf32>,
      %broadcast_in_dim3A_102 = arith.constant 0.000000e+00 : f32
      %broadcast_in_dim3A_103 = vector.broadcast %broadcast_in_dim3A_102 : f32 to vector<16xf32>
      %swap3A_104 = arith.constant 0 : i32
      %swap3A_105 = arith.index_cast %swap3A_104 : i32 to index
      %swap3A_106 = arith.index_cast %scan3A_40 : i32 to index
      %swap3A_107 = arith.constant 112 : index
      %swap3A_108 = tpu.vector_load %arg8[%swap3A_105, %swap3A_106, %swap3A_107] {strides = array<i32>} : memref<2x128x128xf32, #tpu.memory_space<vmem>>, vector<1x1x16xf32>,
      %swap3A_109 = vector.shape_cast %swap3A_108 : vector<1x1x16xf32> to vector<16xf32>
      %swap3A_110 = vector.shape_cast %broadcast_in_dim3A_103 : vector<16xf32> to vector<1x1x16xf32>
      tpu.vector_store %arg8[%swap3A_105, %swap3A_106, %swap3A_107], %swap3A_110 {strides = array<i32>} : memref<2x128x128xf32, #tpu.memory_space<vmem>>, vector<1x1x16xf32>,
    }
    %scan3A_4 = arith.constant 128 : i32
    %mul3A = arith.constant 632 : i32
    %mul3A_5 = arith.muli %arg1, %mul3A : i32
    %add3A = arith.constant 0 : i32
    %add3A_6 = arith.addi %mul3A_5, %add3A : i32
    %run_scoped3A = arith.constant 0 : i32
    "tpu.region"() ({
      %run_scoped3A_40 = tpu.sem_alloc : memref<!tpu.dma_semaphore, #tpu.memory_space<semaphore_mem>>
      %dma_start3A = arith.constant 0 : i32
      %dma_start3A_41 = arith.constant 0 : i32
      %dma_start3A_42 = tpu.memref_slice %arg8[%run_scoped3A, %dma_start3A, %dma_start3A_41] : memref<2x128x128xf32, #tpu.memory_space<vmem>> -> memref<1x128x128xf32, #tpu.memory_space<vmem>>
      %dma_start3A_43 = tpu.memref_squeeze %dma_start3A_42 : memref<1x128x128xf32, #tpu.memory_space<vmem>> -> memref<128x128xf32, #tpu.memory_space<vmem>>
      %dma_start3A_44 = arith.constant 0 : i32
      %dma_start3A_45 = tpu.memref_slice %arg9[%add3A_6, %dma_start3A_44] : memref<10112x128xf32, #tpu.memory_space<vmem_shared>> -> memref<128x128xf32, #tpu.memory_space<vmem_shared>>
      %dma_start3A_46 = arith.constant 0 : i32
      %dma_start3A_47 = tpu.memref_slice %arg9[%add3A_6, %dma_start3A_46] : memref<10112x128xf32, #tpu.memory_space<vmem_shared>> -> memref<128x128xf32, #tpu.memory_space<vmem_shared>>
      %dma_start3A_48 = arith.constant 0 : i32
      %dma_start3A_49 = arith.constant 0 : i32
      %dma_start3A_50 = tpu.memref_slice %arg8[%run_scoped3A, %dma_start3A_48, %dma_start3A_49] : memref<2x128x128xf32, #tpu.memory_space<vmem>> -> memref<1x128x128xf32, #tpu.memory_space<vmem>>
      %dma_start3A_51 = tpu.memref_squeeze %dma_start3A_50 : memref<1x128x128xf32, #tpu.memory_space<vmem>> -> memref<128x128xf32, #tpu.memory_space<vmem>>
      tpu.enqueue_dma source(%dma_start3A_51 : memref<128x128xf32, #tpu.memory_space<vmem>>) target(%dma_start3A_47 : memref<128x128xf32, #tpu.memory_space<vmem_shared>>) target_semaphore(%run_scoped3A_40 : memref<!tpu.dma_semaphore, #tpu.memory_space<semaphore_mem>>)
      %dma_wait3A = arith.constant 0 : i32
      %dma_wait3A_52 = arith.constant 0 : i32
      %dma_wait3A_53 = tpu.memref_slice %arg8[%run_scoped3A, %dma_wait3A, %dma_wait3A_52] : memref<2x128x128xf32, #tpu.memory_space<vmem>> -> memref<1x128x128xf32, #tpu.memory_space<vmem>>
      %dma_wait3A_54 = tpu.memref_squeeze %dma_wait3A_53 : memref<1x128x128xf32, #tpu.memory_space<vmem>> -> memref<128x128xf32, #tpu.memory_space<vmem>>
      %dma_wait3A_55 = arith.constant 0 : i32
      %dma_wait3A_56 = tpu.memref_slice %arg9[%add3A_6, %dma_wait3A_55] : memref<10112x128xf32, #tpu.memory_space<vmem_shared>> -> memref<128x128xf32, #tpu.memory_space<vmem_shared>>
      %dma_wait3A_57 = arith.constant 0 : i32
      %dma_wait3A_58 = tpu.memref_slice %arg9[%add3A_6, %dma_wait3A_57] : memref<10112x128xf32, #tpu.memory_space<vmem_shared>> -> memref<128x128xf32, #tpu.memory_space<vmem_shared>>
      %dma_wait3A_59 = arith.constant 0 : i32
      %dma_wait3A_60 = arith.constant 0 : i32
      %dma_wait3A_61 = tpu.memref_slice %arg8[%run_scoped3A, %dma_wait3A_59, %dma_wait3A_60] : memref<2x128x128xf32, #tpu.memory_space<vmem>> -> memref<1x128x128xf32, #tpu.memory_space<vmem>>
      %dma_wait3A_62 = tpu.memref_squeeze %dma_wait3A_61 : memref<1x128x128xf32, #tpu.memory_space<vmem>> -> memref<128x128xf32, #tpu.memory_space<vmem>>
      tpu.wait_dma2 semaphore(%run_scoped3A_40 : memref<!tpu.dma_semaphore, #tpu.memory_space<semaphore_mem>>) src(%dma_wait3A_62 : memref<128x128xf32, #tpu.memory_space<vmem>>) dst(%dma_wait3A_58 : memref<128x128xf32, #tpu.memory_space<vmem_shared>>)
      tpu.yield
    }) : () -> ()
    %mul3A_7 = arith.constant 632 : i32
    %mul3A_8 = arith.muli %arg1, %mul3A_7 : i32
    %add3A_9 = arith.constant 128 : i32
    %add3A_10 = arith.addi %mul3A_8, %add3A_9 : i32
    %run_scoped3A_11 = arith.constant 0 : i32
    "tpu.region"() ({
      %run_scoped3A_40 = tpu.sem_alloc : memref<!tpu.dma_semaphore, #tpu.memory_space<semaphore_mem>>
      %dma_start3A = arith.constant 0 : i32
      %dma_start3A_41 = arith.constant 0 : i32
      %dma_start3A_42 = tpu.memref_slice %arg8[%run_scoped3A_11, %dma_start3A, %dma_start3A_41] : memref<2x128x128xf32, #tpu.memory_space<vmem>> -> memref<1x128x128xf32, #tpu.memory_space<vmem>>
      %dma_start3A_43 = tpu.memref_squeeze %dma_start3A_42 : memref<1x128x128xf32, #tpu.memory_space<vmem>> -> memref<128x128xf32, #tpu.memory_space<vmem>>
      %dma_start3A_44 = arith.constant 0 : i32
      %dma_start3A_45 = tpu.memref_slice %arg9[%add3A_10, %dma_start3A_44] : memref<10112x128xf32, #tpu.memory_space<vmem_shared>> -> memref<128x128xf32, #tpu.memory_space<vmem_shared>>
      %dma_start3A_46 = arith.constant 0 : i32
      %dma_start3A_47 = tpu.memref_slice %arg9[%add3A_10, %dma_start3A_46] : memref<10112x128xf32, #tpu.memory_space<vmem_shared>> -> memref<128x128xf32, #tpu.memory_space<vmem_shared>>
      %dma_start3A_48 = arith.constant 0 : i32
      %dma_start3A_49 = arith.constant 0 : i32
      %dma_start3A_50 = tpu.memref_slice %arg8[%run_scoped3A_11, %dma_start3A_48, %dma_start3A_49] : memref<2x128x128xf32, #tpu.memory_space<vmem>> -> memref<1x128x128xf32, #tpu.memory_space<vmem>>
      %dma_start3A_51 = tpu.memref_squeeze %dma_start3A_50 : memref<1x128x128xf32, #tpu.memory_space<vmem>> -> memref<128x128xf32, #tpu.memory_space<vmem>>
      tpu.enqueue_dma source(%dma_start3A_51 : memref<128x128xf32, #tpu.memory_space<vmem>>) target(%dma_start3A_47 : memref<128x128xf32, #tpu.memory_space<vmem_shared>>) target_semaphore(%run_scoped3A_40 : memref<!tpu.dma_semaphore, #tpu.memory_space<semaphore_mem>>)
      %dma_wait3A = arith.constant 0 : i32
      %dma_wait3A_52 = arith.constant 0 : i32
      %dma_wait3A_53 = tpu.memref_slice %arg8[%run_scoped3A_11, %dma_wait3A, %dma_wait3A_52] : memref<2x128x128xf32, #tpu.memory_space<vmem>> -> memref<1x128x128xf32, #tpu.memory_space<vmem>>
      %dma_wait3A_54 = tpu.memref_squeeze %dma_wait3A_53 : memref<1x128x128xf32, #tpu.memory_space<vmem>> -> memref<128x128xf32, #tpu.memory_space<vmem>>
      %dma_wait3A_55 = arith.constant 0 : i32
      %dma_wait3A_56 = tpu.memref_slice %arg9[%add3A_10, %dma_wait3A_55] : memref<10112x128xf32, #tpu.memory_space<vmem_shared>> -> memref<128x128xf32, #tpu.memory_space<vmem_shared>>
      %dma_wait3A_57 = arith.constant 0 : i32
      %dma_wait3A_58 = tpu.memref_slice %arg9[%add3A_10, %dma_wait3A_57] : memref<10112x128xf32, #tpu.memory_space<vmem_shared>> -> memref<128x128xf32, #tpu.memory_space<vmem_shared>>
      %dma_wait3A_59 = arith.constant 0 : i32
      %dma_wait3A_60 = arith.constant 0 : i32
      %dma_wait3A_61 = tpu.memref_slice %arg8[%run_scoped3A_11, %dma_wait3A_59, %dma_wait3A_60] : memref<2x128x128xf32, #tpu.memory_space<vmem>> -> memref<1x128x128xf32, #tpu.memory_space<vmem>>
      %dma_wait3A_62 = tpu.memref_squeeze %dma_wait3A_61 : memref<1x128x128xf32, #tpu.memory_space<vmem>> -> memref<128x128xf32, #tpu.memory_space<vmem>>
      tpu.wait_dma2 semaphore(%run_scoped3A_40 : memref<!tpu.dma_semaphore, #tpu.memory_space<semaphore_mem>>) src(%dma_wait3A_62 : memref<128x128xf32, #tpu.memory_space<vmem>>) dst(%dma_wait3A_58 : memref<128x128xf32, #tpu.memory_space<vmem_shared>>)
      tpu.yield
    }) : () -> ()
    %mul3A_12 = arith.constant 632 : i32
    %mul3A_13 = arith.muli %arg1, %mul3A_12 : i32
    %add3A_14 = arith.constant 256 : i32
    %add3A_15 = arith.addi %mul3A_13, %add3A_14 : i32
    %run_scoped3A_16 = arith.constant 0 : i32
    "tpu.region"() ({
      %run_scoped3A_40 = tpu.sem_alloc : memref<!tpu.dma_semaphore, #tpu.memory_space<semaphore_mem>>
      %dma_start3A = arith.constant 0 : i32
      %dma_start3A_41 = arith.constant 0 : i32
      %dma_start3A_42 = tpu.memref_slice %arg8[%run_scoped3A_16, %dma_start3A, %dma_start3A_41] : memref<2x128x128xf32, #tpu.memory_space<vmem>> -> memref<1x128x128xf32, #tpu.memory_space<vmem>>
      %dma_start3A_43 = tpu.memref_squeeze %dma_start3A_42 : memref<1x128x128xf32, #tpu.memory_space<vmem>> -> memref<128x128xf32, #tpu.memory_space<vmem>>
      %dma_start3A_44 = arith.constant 0 : i32
      %dma_start3A_45 = tpu.memref_slice %arg9[%add3A_15, %dma_start3A_44] : memref<10112x128xf32, #tpu.memory_space<vmem_shared>> -> memref<128x128xf32, #tpu.memory_space<vmem_shared>>
      %dma_start3A_46 = arith.constant 0 : i32
      %dma_start3A_47 = tpu.memref_slice %arg9[%add3A_15, %dma_start3A_46] : memref<10112x128xf32, #tpu.memory_space<vmem_shared>> -> memref<128x128xf32, #tpu.memory_space<vmem_shared>>
      %dma_start3A_48 = arith.constant 0 : i32
      %dma_start3A_49 = arith.constant 0 : i32
      %dma_start3A_50 = tpu.memref_slice %arg8[%run_scoped3A_16, %dma_start3A_48, %dma_start3A_49] : memref<2x128x128xf32, #tpu.memory_space<vmem>> -> memref<1x128x128xf32, #tpu.memory_space<vmem>>
      %dma_start3A_51 = tpu.memref_squeeze %dma_start3A_50 : memref<1x128x128xf32, #tpu.memory_space<vmem>> -> memref<128x128xf32, #tpu.memory_space<vmem>>
      tpu.enqueue_dma source(%dma_start3A_51 : memref<128x128xf32, #tpu.memory_space<vmem>>) target(%dma_start3A_47 : memref<128x128xf32, #tpu.memory_space<vmem_shared>>) target_semaphore(%run_scoped3A_40 : memref<!tpu.dma_semaphore, #tpu.memory_space<semaphore_mem>>)
      %dma_wait3A = arith.constant 0 : i32
      %dma_wait3A_52 = arith.constant 0 : i32
      %dma_wait3A_53 = tpu.memref_slice %arg8[%run_scoped3A_16, %dma_wait3A, %dma_wait3A_52] : memref<2x128x128xf32, #tpu.memory_space<vmem>> -> memref<1x128x128xf32, #tpu.memory_space<vmem>>
      %dma_wait3A_54 = tpu.memref_squeeze %dma_wait3A_53 : memref<1x128x128xf32, #tpu.memory_space<vmem>> -> memref<128x128xf32, #tpu.memory_space<vmem>>
      %dma_wait3A_55 = arith.constant 0 : i32
      %dma_wait3A_56 = tpu.memref_slice %arg9[%add3A_15, %dma_wait3A_55] : memref<10112x128xf32, #tpu.memory_space<vmem_shared>> -> memref<128x128xf32, #tpu.memory_space<vmem_shared>>
      %dma_wait3A_57 = arith.constant 0 : i32
      %dma_wait3A_58 = tpu.memref_slice %arg9[%add3A_15, %dma_wait3A_57] : memref<10112x128xf32, #tpu.memory_space<vmem_shared>> -> memref<128x128xf32, #tpu.memory_space<vmem_shared>>
      %dma_wait3A_59 = arith.constant 0 : i32
      %dma_wait3A_60 = arith.constant 0 : i32
      %dma_wait3A_61 = tpu.memref_slice %arg8[%run_scoped3A_16, %dma_wait3A_59, %dma_wait3A_60] : memref<2x128x128xf32, #tpu.memory_space<vmem>> -> memref<1x128x128xf32, #tpu.memory_space<vmem>>
      %dma_wait3A_62 = tpu.memref_squeeze %dma_wait3A_61 : memref<1x128x128xf32, #tpu.memory_space<vmem>> -> memref<128x128xf32, #tpu.memory_space<vmem>>
      tpu.wait_dma2 semaphore(%run_scoped3A_40 : memref<!tpu.dma_semaphore, #tpu.memory_space<semaphore_mem>>) src(%dma_wait3A_62 : memref<128x128xf32, #tpu.memory_space<vmem>>) dst(%dma_wait3A_58 : memref<128x128xf32, #tpu.memory_space<vmem_shared>>)
      tpu.yield
    }) : () -> ()
    %mul3A_17 = arith.constant 632 : i32
    %mul3A_18 = arith.muli %arg1, %mul3A_17 : i32
    %add3A_19 = arith.constant 384 : i32
    %add3A_20 = arith.addi %mul3A_18, %add3A_19 : i32
    %run_scoped3A_21 = arith.constant 0 : i32
    "tpu.region"() ({
      %run_scoped3A_40 = tpu.sem_alloc : memref<!tpu.dma_semaphore, #tpu.memory_space<semaphore_mem>>
      %dma_start3A = arith.constant 0 : i32
      %dma_start3A_41 = arith.constant 0 : i32
      %dma_start3A_42 = tpu.memref_slice %arg8[%run_scoped3A_21, %dma_start3A, %dma_start3A_41] : memref<2x128x128xf32, #tpu.memory_space<vmem>> -> memref<1x128x128xf32, #tpu.memory_space<vmem>>
      %dma_start3A_43 = tpu.memref_squeeze %dma_start3A_42 : memref<1x128x128xf32, #tpu.memory_space<vmem>> -> memref<128x128xf32, #tpu.memory_space<vmem>>
      %dma_start3A_44 = arith.constant 0 : i32
      %dma_start3A_45 = tpu.memref_slice %arg9[%add3A_20, %dma_start3A_44] : memref<10112x128xf32, #tpu.memory_space<vmem_shared>> -> memref<128x128xf32, #tpu.memory_space<vmem_shared>>
      %dma_start3A_46 = arith.constant 0 : i32
      %dma_start3A_47 = tpu.memref_slice %arg9[%add3A_20, %dma_start3A_46] : memref<10112x128xf32, #tpu.memory_space<vmem_shared>> -> memref<128x128xf32, #tpu.memory_space<vmem_shared>>
      %dma_start3A_48 = arith.constant 0 : i32
      %dma_start3A_49 = arith.constant 0 : i32
      %dma_start3A_50 = tpu.memref_slice %arg8[%run_scoped3A_21, %dma_start3A_48, %dma_start3A_49] : memref<2x128x128xf32, #tpu.memory_space<vmem>> -> memref<1x128x128xf32, #tpu.memory_space<vmem>>
      %dma_start3A_51 = tpu.memref_squeeze %dma_start3A_50 : memref<1x128x128xf32, #tpu.memory_space<vmem>> -> memref<128x128xf32, #tpu.memory_space<vmem>>
      tpu.enqueue_dma source(%dma_start3A_51 : memref<128x128xf32, #tpu.memory_space<vmem>>) target(%dma_start3A_47 : memref<128x128xf32, #tpu.memory_space<vmem_shared>>) target_semaphore(%run_scoped3A_40 : memref<!tpu.dma_semaphore, #tpu.memory_space<semaphore_mem>>)
      %dma_wait3A = arith.constant 0 : i32
      %dma_wait3A_52 = arith.constant 0 : i32
      %dma_wait3A_53 = tpu.memref_slice %arg8[%run_scoped3A_21, %dma_wait3A, %dma_wait3A_52] : memref<2x128x128xf32, #tpu.memory_space<vmem>> -> memref<1x128x128xf32, #tpu.memory_space<vmem>>
      %dma_wait3A_54 = tpu.memref_squeeze %dma_wait3A_53 : memref<1x128x128xf32, #tpu.memory_space<vmem>> -> memref<128x128xf32, #tpu.memory_space<vmem>>
      %dma_wait3A_55 = arith.constant 0 : i32
      %dma_wait3A_56 = tpu.memref_slice %arg9[%add3A_20, %dma_wait3A_55] : memref<10112x128xf32, #tpu.memory_space<vmem_shared>> -> memref<128x128xf32, #tpu.memory_space<vmem_shared>>
      %dma_wait3A_57 = arith.constant 0 : i32
      %dma_wait3A_58 = tpu.memref_slice %arg9[%add3A_20, %dma_wait3A_57] : memref<10112x128xf32, #tpu.memory_space<vmem_shared>> -> memref<128x128xf32, #tpu.memory_space<vmem_shared>>
      %dma_wait3A_59 = arith.constant 0 : i32
      %dma_wait3A_60 = arith.constant 0 : i32
      %dma_wait3A_61 = tpu.memref_slice %arg8[%run_scoped3A_21, %dma_wait3A_59, %dma_wait3A_60] : memref<2x128x128xf32, #tpu.memory_space<vmem>> -> memref<1x128x128xf32, #tpu.memory_space<vmem>>
      %dma_wait3A_62 = tpu.memref_squeeze %dma_wait3A_61 : memref<1x128x128xf32, #tpu.memory_space<vmem>> -> memref<128x128xf32, #tpu.memory_space<vmem>>
      tpu.wait_dma2 semaphore(%run_scoped3A_40 : memref<!tpu.dma_semaphore, #tpu.memory_space<semaphore_mem>>) src(%dma_wait3A_62 : memref<128x128xf32, #tpu.memory_space<vmem>>) dst(%dma_wait3A_58 : memref<128x128xf32, #tpu.memory_space<vmem_shared>>)
      tpu.yield
    }) : () -> ()
    %mul3A_22 = arith.constant 632 : i32
    %mul3A_23 = arith.muli %arg1, %mul3A_22 : i32
    %add3A_24 = arith.constant 632 : i32
    %add3A_25 = arith.addi %mul3A_23, %add3A_24 : i32
    %sub3A = arith.constant 120 : i32
    %sub3A_26 = arith.subi %add3A_25, %sub3A : i32
    %run_scoped3A_27 = arith.constant 0 : i32
    "tpu.region"() ({
      %run_scoped3A_40 = tpu.sem_alloc : memref<!tpu.dma_semaphore, #tpu.memory_space<semaphore_mem>>
      %dma_start3A = arith.constant 0 : i32
      %dma_start3A_41 = arith.constant 0 : i32
      %dma_start3A_42 = tpu.memref_slice %arg8[%run_scoped3A_27, %dma_start3A, %dma_start3A_41] : memref<2x128x128xf32, #tpu.memory_space<vmem>> -> memref<1x128x128xf32, #tpu.memory_space<vmem>>
      %dma_start3A_43 = tpu.memref_squeeze %dma_start3A_42 : memref<1x128x128xf32, #tpu.memory_space<vmem>> -> memref<128x128xf32, #tpu.memory_space<vmem>>
      %dma_start3A_44 = arith.constant 0 : i32
      %dma_start3A_45 = arith.constant 0 : i32
      %dma_start3A_46 = tpu.memref_slice %dma_start3A_43[%dma_start3A_44, %dma_start3A_45] : memref<128x128xf32, #tpu.memory_space<vmem>> -> memref<120x128xf32, #tpu.memory_space<vmem>>
      %dma_start3A_47 = arith.constant 0 : i32
      %dma_start3A_48 = tpu.memref_slice %arg9[%sub3A_26, %dma_start3A_47] : memref<10112x128xf32, #tpu.memory_space<vmem_shared>> -> memref<120x128xf32, #tpu.memory_space<vmem_shared>>
      %dma_start3A_49 = arith.constant 0 : i32
      %dma_start3A_50 = tpu.memref_slice %arg9[%sub3A_26, %dma_start3A_49] : memref<10112x128xf32, #tpu.memory_space<vmem_shared>> -> memref<120x128xf32, #tpu.memory_space<vmem_shared>>
      %dma_start3A_51 = arith.constant 0 : i32
      %dma_start3A_52 = arith.constant 0 : i32
      %dma_start3A_53 = tpu.memref_slice %arg8[%run_scoped3A_27, %dma_start3A_51, %dma_start3A_52] : memref<2x128x128xf32, #tpu.memory_space<vmem>> -> memref<1x128x128xf32, #tpu.memory_space<vmem>>
      %dma_start3A_54 = tpu.memref_squeeze %dma_start3A_53 : memref<1x128x128xf32, #tpu.memory_space<vmem>> -> memref<128x128xf32, #tpu.memory_space<vmem>>
      %dma_start3A_55 = arith.constant 0 : i32
      %dma_start3A_56 = arith.constant 0 : i32
      %dma_start3A_57 = tpu.memref_slice %dma_start3A_54[%dma_start3A_55, %dma_start3A_56] : memref<128x128xf32, #tpu.memory_space<vmem>> -> memref<120x128xf32, #tpu.memory_space<vmem>>
      tpu.enqueue_dma source(%dma_start3A_57 : memref<120x128xf32, #tpu.memory_space<vmem>>) target(%dma_start3A_50 : memref<120x128xf32, #tpu.memory_space<vmem_shared>>) target_semaphore(%run_scoped3A_40 : memref<!tpu.dma_semaphore, #tpu.memory_space<semaphore_mem>>)
      %dma_wait3A = arith.constant 0 : i32
      %dma_wait3A_58 = arith.constant 0 : i32
      %dma_wait3A_59 = tpu.memref_slice %arg8[%run_scoped3A_27, %dma_wait3A, %dma_wait3A_58] : memref<2x128x128xf32, #tpu.memory_space<vmem>> -> memref<1x128x128xf32, #tpu.memory_space<vmem>>
      %dma_wait3A_60 = tpu.memref_squeeze %dma_wait3A_59 : memref<1x128x128xf32, #tpu.memory_space<vmem>> -> memref<128x128xf32, #tpu.memory_space<vmem>>
      %dma_wait3A_61 = arith.constant 0 : i32
      %dma_wait3A_62 = arith.constant 0 : i32
      %dma_wait3A_63 = tpu.memref_slice %dma_wait3A_60[%dma_wait3A_61, %dma_wait3A_62] : memref<128x128xf32, #tpu.memory_space<vmem>> -> memref<120x128xf32, #tpu.memory_space<vmem>>
      %dma_wait3A_64 = arith.constant 0 : i32
      %dma_wait3A_65 = tpu.memref_slice %arg9[%sub3A_26, %dma_wait3A_64] : memref<10112x128xf32, #tpu.memory_space<vmem_shared>> -> memref<120x128xf32, #tpu.memory_space<vmem_shared>>
      %dma_wait3A_66 = arith.constant 0 : i32
      %dma_wait3A_67 = tpu.memref_slice %arg9[%sub3A_26, %dma_wait3A_66] : memref<10112x128xf32, #tpu.memory_space<vmem_shared>> -> memref<120x128xf32, #tpu.memory_space<vmem_shared>>
      %dma_wait3A_68 = arith.constant 0 : i32
      %dma_wait3A_69 = arith.constant 0 : i32
      %dma_wait3A_70 = tpu.memref_slice %arg8[%run_scoped3A_27, %dma_wait3A_68, %dma_wait3A_69] : memref<2x128x128xf32, #tpu.memory_space<vmem>> -> memref<1x128x128xf32, #tpu.memory_space<vmem>>
      %dma_wait3A_71 = tpu.memref_squeeze %dma_wait3A_70 : memref<1x128x128xf32, #tpu.memory_space<vmem>> -> memref<128x128xf32, #tpu.memory_space<vmem>>
      %dma_wait3A_72 = arith.constant 0 : i32
      %dma_wait3A_73 = arith.constant 0 : i32
      %dma_wait3A_74 = tpu.memref_slice %dma_wait3A_71[%dma_wait3A_72, %dma_wait3A_73] : memref<128x128xf32, #tpu.memory_space<vmem>> -> memref<120x128xf32, #tpu.memory_space<vmem>>
      tpu.wait_dma2 semaphore(%run_scoped3A_40 : memref<!tpu.dma_semaphore, #tpu.memory_space<semaphore_mem>>) src(%dma_wait3A_74 : memref<120x128xf32, #tpu.memory_space<vmem>>) dst(%dma_wait3A_67 : memref<120x128xf32, #tpu.memory_space<vmem_shared>>)
      tpu.yield
    }) : () -> ()
    %barrier3A = arith.constant 0 : index
    tpu.barrier barrier_id(%barrier3A)
    %eq3A = arith.constant 0 : i32
    %eq3A_28 = arith.cmpi eq, %arg0, %eq3A : i32
    %convert_element_type3A = arith.extui %eq3A_28 : i1 to i32
    %cond3A = arith.constant 0 : i32
    %cond3A_29 = arith.cmpi ne, %convert_element_type3A, %cond3A : i32
    scf.if %cond3A_29 {
      %mul3A_40 = arith.constant 80 : i32
      %mul3A_41 = arith.muli %arg1, %mul3A_40 : i32
      %add3A_42 = arith.constant 0 : i32
      %add3A_43 = arith.addi %mul3A_41, %add3A_42 : i32
      "tpu.region"() ({
        %run_scoped3A_109 = tpu.sem_alloc : memref<!tpu.dma_semaphore, #tpu.memory_space<semaphore_mem>>
        %dma_start3A_110 = arith.constant 0 : i32
        %dma_start3A_111 = tpu.memref_slice %arg3[%add3A_43, %dma_start3A_110] : memref<2560x128xi32, #tpu.memory_space<hbm>> -> memref<40x128xi32, #tpu.memory_space<hbm>>
        %dma_start3A_112 = arith.constant 0 : i32
        %dma_start3A_113 = tpu.memref_slice %arg3[%add3A_43, %dma_start3A_112] : memref<2560x128xi32, #tpu.memory_space<hbm>> -> memref<40x128xi32, #tpu.memory_space<hbm>>
        tpu.enqueue_dma source(%dma_start3A_113 : memref<40x128xi32, #tpu.memory_space<hbm>>) target(%arg6 : memref<40x128xi32, #tpu.memory_space<vmem>>) target_semaphore(%run_scoped3A_109 : memref<!tpu.dma_semaphore, #tpu.memory_space<semaphore_mem>>)
        %dma_wait3A = arith.constant 0 : i32
        %dma_wait3A_114 = tpu.memref_slice %arg3[%add3A_43, %dma_wait3A] : memref<2560x128xi32, #tpu.memory_space<hbm>> -> memref<40x128xi32, #tpu.memory_space<hbm>>
        %dma_wait3A_115 = arith.constant 0 : i32
        %dma_wait3A_116 = tpu.memref_slice %arg3[%add3A_43, %dma_wait3A_115] : memref<2560x128xi32, #tpu.memory_space<hbm>> -> memref<40x128xi32, #tpu.memory_space<hbm>>
        tpu.wait_dma2 semaphore(%run_scoped3A_109 : memref<!tpu.dma_semaphore, #tpu.memory_space<semaphore_mem>>) src(%dma_wait3A_116 : memref<40x128xi32, #tpu.memory_space<hbm>>) dst(%arg6 : memref<40x128xi32, #tpu.memory_space<vmem>>)
        tpu.yield
      }) : () -> ()
      %add3A_44 = arith.constant 0 : i32
      %add3A_45 = arith.addi %mul3A_41, %add3A_44 : i32
      "tpu.region"() ({
        %run_scoped3A_109 = tpu.sem_alloc : memref<!tpu.dma_semaphore, #tpu.memory_space<semaphore_mem>>
        %dma_start3A_110 = arith.constant 0 : i32
        %dma_start3A_111 = tpu.memref_slice %arg4[%add3A_45, %dma_start3A_110] : memref<2560x128xi32, #tpu.memory_space<hbm>> -> memref<40x128xi32, #tpu.memory_space<hbm>>
        %dma_start3A_112 = arith.constant 0 : i32
        %dma_start3A_113 = tpu.memref_slice %arg4[%add3A_45, %dma_start3A_112] : memref<2560x128xi32, #tpu.memory_space<hbm>> -> memref<40x128xi32, #tpu.memory_space<hbm>>
        tpu.enqueue_dma source(%dma_start3A_113 : memref<40x128xi32, #tpu.memory_space<hbm>>) target(%arg7 : memref<40x128xi32, #tpu.memory_space<vmem>>) target_semaphore(%run_scoped3A_109 : memref<!tpu.dma_semaphore, #tpu.memory_space<semaphore_mem>>)
        %dma_wait3A = arith.constant 0 : i32
        %dma_wait3A_114 = tpu.memref_slice %arg4[%add3A_45, %dma_wait3A] : memref<2560x128xi32, #tpu.memory_space<hbm>> -> memref<40x128xi32, #tpu.memory_space<hbm>>
        %dma_wait3A_115 = arith.constant 0 : i32
        %dma_wait3A_116 = tpu.memref_slice %arg4[%add3A_45, %dma_wait3A_115] : memref<2560x128xi32, #tpu.memory_space<hbm>> -> memref<40x128xi32, #tpu.memory_space<hbm>>
        tpu.wait_dma2 semaphore(%run_scoped3A_109 : memref<!tpu.dma_semaphore, #tpu.memory_space<semaphore_mem>>) src(%dma_wait3A_116 : memref<40x128xi32, #tpu.memory_space<hbm>>) dst(%arg7 : memref<40x128xi32, #tpu.memory_space<vmem>>)
        tpu.yield
      }) : () -> ()
      %dma_start3A = arith.constant 0 : i32
      %dma_start3A_46 = arith.constant 0 : i32
      %dma_start3A_47 = arith.constant 0 : i32
      %dma_start3A_48 = arith.constant 0 : i32
      %dma_start3A_49 = tpu.memref_slice %arg8[%dma_start3A_46, %dma_start3A_47, %dma_start3A_48] : memref<2x128x128xf32, #tpu.memory_space<vmem>> -> memref<1x128x128xf32, #tpu.memory_space<vmem>>
      %dma_start3A_50 = tpu.memref_squeeze %dma_start3A_49 : memref<1x128x128xf32, #tpu.memory_space<vmem>> -> memref<128x128xf32, #tpu.memory_space<vmem>>
      %dma_start3A_51 = arith.constant 0 : i32
      %dma_start3A_52 = tpu.memref_slice %arg6[%dma_start3A, %dma_start3A_51] : memref<40x128xi32, #tpu.memory_space<vmem>> -> memref<1x128xi32, #tpu.memory_space<vmem>>
      %dma_start3A_53 = tpu.memref_squeeze %dma_start3A_52 : memref<1x128xi32, #tpu.memory_space<vmem>> -> memref<128xi32, #tpu.memory_space<vmem>>
      %dma_start3A_54 = arith.constant 0 : i32
      %dma_start3A_55 = arith.constant 0 : i32
      %dma_start3A_56 = tpu.memref_slice %arg2[%dma_start3A_54, %dma_start3A_55] : memref<10000x128xf32, #tpu.memory_space<hbm>> -> memref<10000x128xf32, #tpu.memory_space<hbm>>
      tpu.enqueue_indirect_dma source(%dma_start3A_56 : memref<10000x128xf32, #tpu.memory_space<hbm>>) target(%dma_start3A_50 : memref<128x128xf32, #tpu.memory_space<vmem>>) offsets(%dma_start3A_53 : memref<128xi32, #tpu.memory_space<vmem>>) semaphore(%arg10 : memref<!tpu.dma_semaphore, #tpu.memory_space<semaphore_mem>>)
      %dma_start3A_57 = arith.constant 1 : i32
      %dma_start3A_58 = arith.constant 1 : i32
      %dma_start3A_59 = arith.constant 0 : i32
      %dma_start3A_60 = arith.constant 0 : i32
      %dma_start3A_61 = tpu.memref_slice %arg8[%dma_start3A_58, %dma_start3A_59, %dma_start3A_60] : memref<2x128x128xf32, #tpu.memory_space<vmem>> -> memref<1x128x128xf32, #tpu.memory_space<vmem>>
      %dma_start3A_62 = tpu.memref_squeeze %dma_start3A_61 : memref<1x128x128xf32, #tpu.memory_space<vmem>> -> memref<128x128xf32, #tpu.memory_space<vmem>>
      %dma_start3A_63 = arith.constant 0 : i32
      %dma_start3A_64 = tpu.memref_slice %arg6[%dma_start3A_57, %dma_start3A_63] : memref<40x128xi32, #tpu.memory_space<vmem>> -> memref<1x128xi32, #tpu.memory_space<vmem>>
      %dma_start3A_65 = tpu.memref_squeeze %dma_start3A_64 : memref<1x128xi32, #tpu.memory_space<vmem>> -> memref<128xi32, #tpu.memory_space<vmem>>
      %dma_start3A_66 = arith.constant 0 : i32
      %dma_start3A_67 = arith.constant 0 : i32
      %dma_start3A_68 = tpu.memref_slice %arg2[%dma_start3A_66, %dma_start3A_67] : memref<10000x128xf32, #tpu.memory_space<hbm>> -> memref<10000x128xf32, #tpu.memory_space<hbm>>
      tpu.enqueue_indirect_dma source(%dma_start3A_68 : memref<10000x128xf32, #tpu.memory_space<hbm>>) target(%dma_start3A_62 : memref<128x128xf32, #tpu.memory_space<vmem>>) offsets(%dma_start3A_65 : memref<128xi32, #tpu.memory_space<vmem>>) semaphore(%arg11 : memref<!tpu.dma_semaphore, #tpu.memory_space<semaphore_mem>>)
      %scan3A_69 = arith.constant 0 : i32
      %scan3A_70 = arith.constant 0 : i32
      %scan3A_71 = arith.constant 20 : i32
      %scan3A_72 = arith.addi %scan3A_70, %scan3A_71 : i32
      %scan3A_73 = arith.constant 1 : i32
      scf.for %scan3A_109 = %scan3A_70 to %scan3A_72 step %scan3A_73  : i32 {
        %mul3A_110 = arith.constant 2 : i32
        %mul3A_111 = arith.muli %scan3A_109, %mul3A_110 : i32
        %add3A_112 = arith.constant 0 : i32
        %add3A_113 = arith.addi %mul3A_111, %add3A_112 : i32
        %dma_wait3A = arith.constant 0 : i32
        %dma_wait3A_114 = arith.constant 0 : i32
        %dma_wait3A_115 = arith.constant 0 : i32
        %dma_wait3A_116 = tpu.memref_slice %arg8[%dma_wait3A, %dma_wait3A_114, %dma_wait3A_115] : memref<2x128x128xf32, #tpu.memory_space<vmem>> -> memref<1x128x128xf32, #tpu.memory_space<vmem>>
        %dma_wait3A_117 = tpu.memref_squeeze %dma_wait3A_116 : memref<1x128x128xf32, #tpu.memory_space<vmem>> -> memref<128x128xf32, #tpu.memory_space<vmem>>
        %dma_wait3A_118 = arith.constant 0 : i32
        %dma_wait3A_119 = arith.constant 0 : i32
        %dma_wait3A_120 = tpu.memref_slice %arg2[%dma_wait3A_118, %dma_wait3A_119] : memref<10000x128xf32, #tpu.memory_space<hbm>> -> memref<128x128xf32, #tpu.memory_space<hbm>>
        %dma_wait3A_121 = arith.constant 0 : i32
        %dma_wait3A_122 = arith.constant 0 : i32
        %dma_wait3A_123 = tpu.memref_slice %arg8[%dma_wait3A, %dma_wait3A_121, %dma_wait3A_122] : memref<2x128x128xf32, #tpu.memory_space<vmem>> -> memref<1x128x128xf32, #tpu.memory_space<vmem>>
        %dma_wait3A_124 = tpu.memref_squeeze %dma_wait3A_123 : memref<1x128x128xf32, #tpu.memory_space<vmem>> -> memref<128x128xf32, #tpu.memory_space<vmem>>
        %dma_wait3A_125 = arith.constant 0 : i32
        %dma_wait3A_126 = arith.constant 0 : i32
        %dma_wait3A_127 = tpu.memref_slice %arg2[%dma_wait3A_125, %dma_wait3A_126] : memref<10000x128xf32, #tpu.memory_space<hbm>> -> memref<128x128xf32, #tpu.memory_space<hbm>>
        tpu.wait_dma2 semaphore(%arg10 : memref<!tpu.dma_semaphore, #tpu.memory_space<semaphore_mem>>) src(%dma_wait3A_127 : memref<128x128xf32, #tpu.memory_space<hbm>>) dst(%dma_wait3A_124 : memref<128x128xf32, #tpu.memory_space<vmem>>)
        %run_scoped3A_128 = arith.constant 0 : i32
        "tpu.region"() ({
          %run_scoped3A_162 = tpu.sem_alloc : memref<!tpu.dma_semaphore, #tpu.memory_space<semaphore_mem>>
          %dma_start3A_163 = arith.constant 0 : i32
          %dma_start3A_164 = arith.constant 0 : i32
          %dma_start3A_165 = tpu.memref_slice %arg8[%run_scoped3A_128, %dma_start3A_163, %dma_start3A_164] : memref<2x128x128xf32, #tpu.memory_space<vmem>> -> memref<1x128x128xf32, #tpu.memory_space<vmem>>
          %dma_start3A_166 = tpu.memref_squeeze %dma_start3A_165 : memref<1x128x128xf32, #tpu.memory_space<vmem>> -> memref<128x128xf32, #tpu.memory_space<vmem>>
          %dma_start3A_167 = arith.constant 0 : i32
          %dma_start3A_168 = tpu.memref_slice %arg7[%add3A_113, %dma_start3A_167] : memref<40x128xi32, #tpu.memory_space<vmem>> -> memref<1x128xi32, #tpu.memory_space<vmem>>
          %dma_start3A_169 = tpu.memref_squeeze %dma_start3A_168 : memref<1x128xi32, #tpu.memory_space<vmem>> -> memref<128xi32, #tpu.memory_space<vmem>>
          %dma_start3A_170 = arith.constant 0 : i32
          %dma_start3A_171 = arith.constant 0 : i32
          %dma_start3A_172 = tpu.memref_slice %arg9[%dma_start3A_170, %dma_start3A_171] : memref<10112x128xf32, #tpu.memory_space<vmem_shared>> -> memref<10112x128xf32, #tpu.memory_space<vmem_shared>>
          tpu.enqueue_indirect_dma source(%dma_start3A_166 : memref<128x128xf32, #tpu.memory_space<vmem>>) target(%dma_start3A_172 : memref<10112x128xf32, #tpu.memory_space<vmem_shared>>) offsets(%dma_start3A_169 : memref<128xi32, #tpu.memory_space<vmem>>) semaphore(%run_scoped3A_162 : memref<!tpu.dma_semaphore, #tpu.memory_space<semaphore_mem>>) {add = true}
          %dma_wait3A_173 = arith.constant 0 : i32
          %dma_wait3A_174 = arith.constant 0 : i32
          %dma_wait3A_175 = tpu.memref_slice %arg8[%run_scoped3A_128, %dma_wait3A_173, %dma_wait3A_174] : memref<2x128x128xf32, #tpu.memory_space<vmem>> -> memref<1x128x128xf32, #tpu.memory_space<vmem>>
          %dma_wait3A_176 = tpu.memref_squeeze %dma_wait3A_175 : memref<1x128x128xf32, #tpu.memory_space<vmem>> -> memref<128x128xf32, #tpu.memory_space<vmem>>
          %dma_wait3A_177 = arith.constant 0 : i32
          %dma_wait3A_178 = tpu.memref_slice %arg7[%add3A_113, %dma_wait3A_177] : memref<40x128xi32, #tpu.memory_space<vmem>> -> memref<1x128xi32, #tpu.memory_space<vmem>>
          %dma_wait3A_179 = tpu.memref_squeeze %dma_wait3A_178 : memref<1x128xi32, #tpu.memory_space<vmem>> -> memref<128xi32, #tpu.memory_space<vmem>>
          %dma_wait3A_180 = arith.constant 0 : i32
          %dma_wait3A_181 = arith.constant 0 : i32
          %dma_wait3A_182 = tpu.memref_slice %arg9[%dma_wait3A_180, %dma_wait3A_181] : memref<10112x128xf32, #tpu.memory_space<vmem_shared>> -> memref<10112x128xf32, #tpu.memory_space<vmem_shared>>
          tpu.wait_indirect_dma semaphore(%run_scoped3A_162 : memref<!tpu.dma_semaphore, #tpu.memory_space<semaphore_mem>>) src(%dma_wait3A_176 : memref<128x128xf32, #tpu.memory_space<vmem>>) dst(%dma_wait3A_182 : memref<10112x128xf32, #tpu.memory_space<vmem_shared>>)
          tpu.yield
        }) : () -> ()
        %add3A_129 = arith.constant 2 : i32
        %add3A_130 = arith.addi %add3A_113, %add3A_129 : i32
        %lt3A = arith.constant 40 : i32
        %lt3A_131 = arith.cmpi slt, %add3A_130, %lt3A : i32
        %convert_element_type3A_132 = arith.extui %lt3A_131 : i1 to i32
        %cond3A_133 = arith.constant 0 : i32
        %cond3A_134 = arith.cmpi ne, %convert_element_type3A_132, %cond3A_133 : i32
        scf.if %cond3A_134 {
          %add3A_162 = arith.constant 2 : i32
          %add3A_163 = arith.addi %add3A_113, %add3A_162 : i32
          %dma_start3A_164 = arith.constant 0 : i32
          %dma_start3A_165 = arith.constant 0 : i32
          %dma_start3A_166 = arith.constant 0 : i32
          %dma_start3A_167 = tpu.memref_slice %arg8[%dma_start3A_164, %dma_start3A_165, %dma_start3A_166] : memref<2x128x128xf32, #tpu.memory_space<vmem>> -> memref<1x128x128xf32, #tpu.memory_space<vmem>>
          %dma_start3A_168 = tpu.memref_squeeze %dma_start3A_167 : memref<1x128x128xf32, #tpu.memory_space<vmem>> -> memref<128x128xf32, #tpu.memory_space<vmem>>
          %dma_start3A_169 = arith.constant 0 : i32
          %dma_start3A_170 = tpu.memref_slice %arg6[%add3A_163, %dma_start3A_169] : memref<40x128xi32, #tpu.memory_space<vmem>> -> memref<1x128xi32, #tpu.memory_space<vmem>>
          %dma_start3A_171 = tpu.memref_squeeze %dma_start3A_170 : memref<1x128xi32, #tpu.memory_space<vmem>> -> memref<128xi32, #tpu.memory_space<vmem>>
          %dma_start3A_172 = arith.constant 0 : i32
          %dma_start3A_173 = arith.constant 0 : i32
          %dma_start3A_174 = tpu.memref_slice %arg2[%dma_start3A_172, %dma_start3A_173] : memref<10000x128xf32, #tpu.memory_space<hbm>> -> memref<10000x128xf32, #tpu.memory_space<hbm>>
          tpu.enqueue_indirect_dma source(%dma_start3A_174 : memref<10000x128xf32, #tpu.memory_space<hbm>>) target(%dma_start3A_168 : memref<128x128xf32, #tpu.memory_space<vmem>>) offsets(%dma_start3A_171 : memref<128xi32, #tpu.memory_space<vmem>>) semaphore(%arg10 : memref<!tpu.dma_semaphore, #tpu.memory_space<semaphore_mem>>)
        } else {
        }
        %mul3A_135 = arith.constant 2 : i32
        %mul3A_136 = arith.muli %scan3A_109, %mul3A_135 : i32
        %add3A_137 = arith.constant 1 : i32
        %add3A_138 = arith.addi %mul3A_136, %add3A_137 : i32
        %dma_wait3A_139 = arith.constant 1 : i32
        %dma_wait3A_140 = arith.constant 0 : i32
        %dma_wait3A_141 = arith.constant 0 : i32
        %dma_wait3A_142 = tpu.memref_slice %arg8[%dma_wait3A_139, %dma_wait3A_140, %dma_wait3A_141] : memref<2x128x128xf32, #tpu.memory_space<vmem>> -> memref<1x128x128xf32, #tpu.memory_space<vmem>>
        %dma_wait3A_143 = tpu.memref_squeeze %dma_wait3A_142 : memref<1x128x128xf32, #tpu.memory_space<vmem>> -> memref<128x128xf32, #tpu.memory_space<vmem>>
        %dma_wait3A_144 = arith.constant 0 : i32
        %dma_wait3A_145 = arith.constant 0 : i32
        %dma_wait3A_146 = tpu.memref_slice %arg2[%dma_wait3A_144, %dma_wait3A_145] : memref<10000x128xf32, #tpu.memory_space<hbm>> -> memref<128x128xf32, #tpu.memory_space<hbm>>
        %dma_wait3A_147 = arith.constant 0 : i32
        %dma_wait3A_148 = arith.constant 0 : i32
        %dma_wait3A_149 = tpu.memref_slice %arg8[%dma_wait3A_139, %dma_wait3A_147, %dma_wait3A_148] : memref<2x128x128xf32, #tpu.memory_space<vmem>> -> memref<1x128x128xf32, #tpu.memory_space<vmem>>
        %dma_wait3A_150 = tpu.memref_squeeze %dma_wait3A_149 : memref<1x128x128xf32, #tpu.memory_space<vmem>> -> memref<128x128xf32, #tpu.memory_space<vmem>>
        %dma_wait3A_151 = arith.constant 0 : i32
        %dma_wait3A_152 = arith.constant 0 : i32
        %dma_wait3A_153 = tpu.memref_slice %arg2[%dma_wait3A_151, %dma_wait3A_152] : memref<10000x128xf32, #tpu.memory_space<hbm>> -> memref<128x128xf32, #tpu.memory_space<hbm>>
        tpu.wait_dma2 semaphore(%arg11 : memref<!tpu.dma_semaphore, #tpu.memory_space<semaphore_mem>>) src(%dma_wait3A_153 : memref<128x128xf32, #tpu.memory_space<hbm>>) dst(%dma_wait3A_150 : memref<128x128xf32, #tpu.memory_space<vmem>>)
        %run_scoped3A_154 = arith.constant 1 : i32
        "tpu.region"() ({
          %run_scoped3A_162 = tpu.sem_alloc : memref<!tpu.dma_semaphore, #tpu.memory_space<semaphore_mem>>
          %dma_start3A_163 = arith.constant 0 : i32
          %dma_start3A_164 = arith.constant 0 : i32
          %dma_start3A_165 = tpu.memref_slice %arg8[%run_scoped3A_154, %dma_start3A_163, %dma_start3A_164] : memref<2x128x128xf32, #tpu.memory_space<vmem>> -> memref<1x128x128xf32, #tpu.memory_space<vmem>>
          %dma_start3A_166 = tpu.memref_squeeze %dma_start3A_165 : memref<1x128x128xf32, #tpu.memory_space<vmem>> -> memref<128x128xf32, #tpu.memory_space<vmem>>
          %dma_start3A_167 = arith.constant 0 : i32
          %dma_start3A_168 = tpu.memref_slice %arg7[%add3A_138, %dma_start3A_167] : memref<40x128xi32, #tpu.memory_space<vmem>> -> memref<1x128xi32, #tpu.memory_space<vmem>>
          %dma_start3A_169 = tpu.memref_squeeze %dma_start3A_168 : memref<1x128xi32, #tpu.memory_space<vmem>> -> memref<128xi32, #tpu.memory_space<vmem>>
          %dma_start3A_170 = arith.constant 0 : i32
          %dma_start3A_171 = arith.constant 0 : i32
          %dma_start3A_172 = tpu.memref_slice %arg9[%dma_start3A_170, %dma_start3A_171] : memref<10112x128xf32, #tpu.memory_space<vmem_shared>> -> memref<10112x128xf32, #tpu.memory_space<vmem_shared>>
          tpu.enqueue_indirect_dma source(%dma_start3A_166 : memref<128x128xf32, #tpu.memory_space<vmem>>) target(%dma_start3A_172 : memref<10112x128xf32, #tpu.memory_space<vmem_shared>>) offsets(%dma_start3A_169 : memref<128xi32, #tpu.memory_space<vmem>>) semaphore(%run_scoped3A_162 : memref<!tpu.dma_semaphore, #tpu.memory_space<semaphore_mem>>) {add = true}
          %dma_wait3A_173 = arith.constant 0 : i32
          %dma_wait3A_174 = arith.constant 0 : i32
          %dma_wait3A_175 = tpu.memref_slice %arg8[%run_scoped3A_154, %dma_wait3A_173, %dma_wait3A_174] : memref<2x128x128xf32, #tpu.memory_space<vmem>> -> memref<1x128x128xf32, #tpu.memory_space<vmem>>
          %dma_wait3A_176 = tpu.memref_squeeze %dma_wait3A_175 : memref<1x128x128xf32, #tpu.memory_space<vmem>> -> memref<128x128xf32, #tpu.memory_space<vmem>>
          %dma_wait3A_177 = arith.constant 0 : i32
          %dma_wait3A_178 = tpu.memref_slice %arg7[%add3A_138, %dma_wait3A_177] : memref<40x128xi32, #tpu.memory_space<vmem>> -> memref<1x128xi32, #tpu.memory_space<vmem>>
          %dma_wait3A_179 = tpu.memref_squeeze %dma_wait3A_178 : memref<1x128xi32, #tpu.memory_space<vmem>> -> memref<128xi32, #tpu.memory_space<vmem>>
          %dma_wait3A_180 = arith.constant 0 : i32
          %dma_wait3A_181 = arith.constant 0 : i32
          %dma_wait3A_182 = tpu.memref_slice %arg9[%dma_wait3A_180, %dma_wait3A_181] : memref<10112x128xf32, #tpu.memory_space<vmem_shared>> -> memref<10112x128xf32, #tpu.memory_space<vmem_shared>>
          tpu.wait_indirect_dma semaphore(%run_scoped3A_162 : memref<!tpu.dma_semaphore, #tpu.memory_space<semaphore_mem>>) src(%dma_wait3A_176 : memref<128x128xf32, #tpu.memory_space<vmem>>) dst(%dma_wait3A_182 : memref<10112x128xf32, #tpu.memory_space<vmem_shared>>)
          tpu.yield
        }) : () -> ()
        %add3A_155 = arith.constant 2 : i32
        %add3A_156 = arith.addi %add3A_138, %add3A_155 : i32
        %lt3A_157 = arith.constant 40 : i32
        %lt3A_158 = arith.cmpi slt, %add3A_156, %lt3A_157 : i32
        %convert_element_type3A_159 = arith.extui %lt3A_158 : i1 to i32
        %cond3A_160 = arith.constant 0 : i32
        %cond3A_161 = arith.cmpi ne, %convert_element_type3A_159, %cond3A_160 : i32
        scf.if %cond3A_161 {
          %add3A_162 = arith.constant 2 : i32
          %add3A_163 = arith.addi %add3A_138, %add3A_162 : i32
          %dma_start3A_164 = arith.constant 1 : i32
          %dma_start3A_165 = arith.constant 0 : i32
          %dma_start3A_166 = arith.constant 0 : i32
          %dma_start3A_167 = tpu.memref_slice %arg8[%dma_start3A_164, %dma_start3A_165, %dma_start3A_166] : memref<2x128x128xf32, #tpu.memory_space<vmem>> -> memref<1x128x128xf32, #tpu.memory_space<vmem>>
          %dma_start3A_168 = tpu.memref_squeeze %dma_start3A_167 : memref<1x128x128xf32, #tpu.memory_space<vmem>> -> memref<128x128xf32, #tpu.memory_space<vmem>>
          %dma_start3A_169 = arith.constant 0 : i32
          %dma_start3A_170 = tpu.memref_slice %arg6[%add3A_163, %dma_start3A_169] : memref<40x128xi32, #tpu.memory_space<vmem>> -> memref<1x128xi32, #tpu.memory_space<vmem>>
          %dma_start3A_171 = tpu.memref_squeeze %dma_start3A_170 : memref<1x128xi32, #tpu.memory_space<vmem>> -> memref<128xi32, #tpu.memory_space<vmem>>
          %dma_start3A_172 = arith.constant 0 : i32
          %dma_start3A_173 = arith.constant 0 : i32
          %dma_start3A_174 = tpu.memref_slice %arg2[%dma_start3A_172, %dma_start3A_173] : memref<10000x128xf32, #tpu.memory_space<hbm>> -> memref<10000x128xf32, #tpu.memory_space<hbm>>
          tpu.enqueue_indirect_dma source(%dma_start3A_174 : memref<10000x128xf32, #tpu.memory_space<hbm>>) target(%dma_start3A_168 : memref<128x128xf32, #tpu.memory_space<vmem>>) offsets(%dma_start3A_171 : memref<128xi32, #tpu.memory_space<vmem>>) semaphore(%arg11 : memref<!tpu.dma_semaphore, #tpu.memory_space<semaphore_mem>>)
        } else {
        }
      }
      %scan3A_74 = arith.constant 20 : i32
      %add3A_75 = arith.constant 40 : i32
      %add3A_76 = arith.addi %mul3A_41, %add3A_75 : i32
      "tpu.region"() ({
        %run_scoped3A_109 = tpu.sem_alloc : memref<!tpu.dma_semaphore, #tpu.memory_space<semaphore_mem>>
        %dma_start3A_110 = arith.constant 0 : i32
        %dma_start3A_111 = tpu.memref_slice %arg3[%add3A_76, %dma_start3A_110] : memref<2560x128xi32, #tpu.memory_space<hbm>> -> memref<40x128xi32, #tpu.memory_space<hbm>>
        %dma_start3A_112 = arith.constant 0 : i32
        %dma_start3A_113 = tpu.memref_slice %arg3[%add3A_76, %dma_start3A_112] : memref<2560x128xi32, #tpu.memory_space<hbm>> -> memref<40x128xi32, #tpu.memory_space<hbm>>
        tpu.enqueue_dma source(%dma_start3A_113 : memref<40x128xi32, #tpu.memory_space<hbm>>) target(%arg6 : memref<40x128xi32, #tpu.memory_space<vmem>>) target_semaphore(%run_scoped3A_109 : memref<!tpu.dma_semaphore, #tpu.memory_space<semaphore_mem>>)
        %dma_wait3A = arith.constant 0 : i32
        %dma_wait3A_114 = tpu.memref_slice %arg3[%add3A_76, %dma_wait3A] : memref<2560x128xi32, #tpu.memory_space<hbm>> -> memref<40x128xi32, #tpu.memory_space<hbm>>
        %dma_wait3A_115 = arith.constant 0 : i32
        %dma_wait3A_116 = tpu.memref_slice %arg3[%add3A_76, %dma_wait3A_115] : memref<2560x128xi32, #tpu.memory_space<hbm>> -> memref<40x128xi32, #tpu.memory_space<hbm>>
        tpu.wait_dma2 semaphore(%run_scoped3A_109 : memref<!tpu.dma_semaphore, #tpu.memory_space<semaphore_mem>>) src(%dma_wait3A_116 : memref<40x128xi32, #tpu.memory_space<hbm>>) dst(%arg6 : memref<40x128xi32, #tpu.memory_space<vmem>>)
        tpu.yield
      }) : () -> ()
      %add3A_77 = arith.constant 40 : i32
      %add3A_78 = arith.addi %mul3A_41, %add3A_77 : i32
      "tpu.region"() ({
        %run_scoped3A_109 = tpu.sem_alloc : memref<!tpu.dma_semaphore, #tpu.memory_space<semaphore_mem>>
        %dma_start3A_110 = arith.constant 0 : i32
        %dma_start3A_111 = tpu.memref_slice %arg4[%add3A_78, %dma_start3A_110] : memref<2560x128xi32, #tpu.memory_space<hbm>> -> memref<40x128xi32, #tpu.memory_space<hbm>>
        %dma_start3A_112 = arith.constant 0 : i32
        %dma_start3A_113 = tpu.memref_slice %arg4[%add3A_78, %dma_start3A_112] : memref<2560x128xi32, #tpu.memory_space<hbm>> -> memref<40x128xi32, #tpu.memory_space<hbm>>
        tpu.enqueue_dma source(%dma_start3A_113 : memref<40x128xi32, #tpu.memory_space<hbm>>) target(%arg7 : memref<40x128xi32, #tpu.memory_space<vmem>>) target_semaphore(%run_scoped3A_109 : memref<!tpu.dma_semaphore, #tpu.memory_space<semaphore_mem>>)
        %dma_wait3A = arith.constant 0 : i32
        %dma_wait3A_114 = tpu.memref_slice %arg4[%add3A_78, %dma_wait3A] : memref<2560x128xi32, #tpu.memory_space<hbm>> -> memref<40x128xi32, #tpu.memory_space<hbm>>
        %dma_wait3A_115 = arith.constant 0 : i32
        %dma_wait3A_116 = tpu.memref_slice %arg4[%add3A_78, %dma_wait3A_115] : memref<2560x128xi32, #tpu.memory_space<hbm>> -> memref<40x128xi32, #tpu.memory_space<hbm>>
        tpu.wait_dma2 semaphore(%run_scoped3A_109 : memref<!tpu.dma_semaphore, #tpu.memory_space<semaphore_mem>>) src(%dma_wait3A_116 : memref<40x128xi32, #tpu.memory_space<hbm>>) dst(%arg7 : memref<40x128xi32, #tpu.memory_space<vmem>>)
        tpu.yield
      }) : () -> ()
      %dma_start3A_79 = arith.constant 0 : i32
      %dma_start3A_80 = arith.constant 0 : i32
      %dma_start3A_81 = arith.constant 0 : i32
      %dma_start3A_82 = arith.constant 0 : i32
      %dma_start3A_83 = tpu.memref_slice %arg8[%dma_start3A_80, %dma_start3A_81, %dma_start3A_82] : memref<2x128x128xf32, #tpu.memory_space<vmem>> -> memref<1x128x128xf32, #tpu.memory_space<vmem>>
      %dma_start3A_84 = tpu.memref_squeeze %dma_start3A_83 : memref<1x128x128xf32, #tpu.memory_space<vmem>> -> memref<128x128xf32, #tpu.memory_space<vmem>>
      %dma_start3A_85 = arith.constant 0 : i32
      %dma_start3A_86 = tpu.memref_slice %arg6[%dma_start3A_79, %dma_start3A_85] : memref<40x128xi32, #tpu.memory_space<vmem>> -> memref<1x128xi32, #tpu.memory_space<vmem>>
      %dma_start3A_87 = tpu.memref_squeeze %dma_start3A_86 : memref<1x128xi32, #tpu.memory_space<vmem>> -> memref<128xi32, #tpu.memory_space<vmem>>
      %dma_start3A_88 = arith.constant 0 : i32
      %dma_start3A_89 = arith.constant 0 : i32
      %dma_start3A_90 = tpu.memref_slice %arg2[%dma_start3A_88, %dma_start3A_89] : memref<10000x128xf32, #tpu.memory_space<hbm>> -> memref<10000x128xf32, #tpu.memory_space<hbm>>
      tpu.enqueue_indirect_dma source(%dma_start3A_90 : memref<10000x128xf32, #tpu.memory_space<hbm>>) target(%dma_start3A_84 : memref<128x128xf32, #tpu.memory_space<vmem>>) offsets(%dma_start3A_87 : memref<128xi32, #tpu.memory_space<vmem>>) semaphore(%arg10 : memref<!tpu.dma_semaphore, #tpu.memory_space<semaphore_mem>>)
      %dma_start3A_91 = arith.constant 1 : i32
      %dma_start3A_92 = arith.constant 1 : i32
      %dma_start3A_93 = arith.constant 0 : i32
      %dma_start3A_94 = arith.constant 0 : i32
      %dma_start3A_95 = tpu.memref_slice %arg8[%dma_start3A_92, %dma_start3A_93, %dma_start3A_94] : memref<2x128x128xf32, #tpu.memory_space<vmem>> -> memref<1x128x128xf32, #tpu.memory_space<vmem>>
      %dma_start3A_96 = tpu.memref_squeeze %dma_start3A_95 : memref<1x128x128xf32, #tpu.memory_space<vmem>> -> memref<128x128xf32, #tpu.memory_space<vmem>>
      %dma_start3A_97 = arith.constant 0 : i32
      %dma_start3A_98 = tpu.memref_slice %arg6[%dma_start3A_91, %dma_start3A_97] : memref<40x128xi32, #tpu.memory_space<vmem>> -> memref<1x128xi32, #tpu.memory_space<vmem>>
      %dma_start3A_99 = tpu.memref_squeeze %dma_start3A_98 : memref<1x128xi32, #tpu.memory_space<vmem>> -> memref<128xi32, #tpu.memory_space<vmem>>
      %dma_start3A_100 = arith.constant 0 : i32
      %dma_start3A_101 = arith.constant 0 : i32
      %dma_start3A_102 = tpu.memref_slice %arg2[%dma_start3A_100, %dma_start3A_101] : memref<10000x128xf32, #tpu.memory_space<hbm>> -> memref<10000x128xf32, #tpu.memory_space<hbm>>
      tpu.enqueue_indirect_dma source(%dma_start3A_102 : memref<10000x128xf32, #tpu.memory_space<hbm>>) target(%dma_start3A_96 : memref<128x128xf32, #tpu.memory_space<vmem>>) offsets(%dma_start3A_99 : memref<128xi32, #tpu.memory_space<vmem>>) semaphore(%arg11 : memref<!tpu.dma_semaphore, #tpu.memory_space<semaphore_mem>>)
      %scan3A_103 = arith.constant 0 : i32
      %scan3A_104 = arith.constant 0 : i32
      %scan3A_105 = arith.constant 20 : i32
      %scan3A_106 = arith.addi %scan3A_104, %scan3A_105 : i32
      %scan3A_107 = arith.constant 1 : i32
      scf.for %scan3A_109 = %scan3A_104 to %scan3A_106 step %scan3A_107  : i32 {
        %mul3A_110 = arith.constant 2 : i32
        %mul3A_111 = arith.muli %scan3A_109, %mul3A_110 : i32
        %add3A_112 = arith.constant 0 : i32
        %add3A_113 = arith.addi %mul3A_111, %add3A_112 : i32
        %dma_wait3A = arith.constant 0 : i32
        %dma_wait3A_114 = arith.constant 0 : i32
        %dma_wait3A_115 = arith.constant 0 : i32
        %dma_wait3A_116 = tpu.memref_slice %arg8[%dma_wait3A, %dma_wait3A_114, %dma_wait3A_115] : memref<2x128x128xf32, #tpu.memory_space<vmem>> -> memref<1x128x128xf32, #tpu.memory_space<vmem>>
        %dma_wait3A_117 = tpu.memref_squeeze %dma_wait3A_116 : memref<1x128x128xf32, #tpu.memory_space<vmem>> -> memref<128x128xf32, #tpu.memory_space<vmem>>
        %dma_wait3A_118 = arith.constant 0 : i32
        %dma_wait3A_119 = arith.constant 0 : i32
        %dma_wait3A_120 = tpu.memref_slice %arg2[%dma_wait3A_118, %dma_wait3A_119] : memref<10000x128xf32, #tpu.memory_space<hbm>> -> memref<128x128xf32, #tpu.memory_space<hbm>>
        %dma_wait3A_121 = arith.constant 0 : i32
        %dma_wait3A_122 = arith.constant 0 : i32
        %dma_wait3A_123 = tpu.memref_slice %arg8[%dma_wait3A, %dma_wait3A_121, %dma_wait3A_122] : memref<2x128x128xf32, #tpu.memory_space<vmem>> -> memref<1x128x128xf32, #tpu.memory_space<vmem>>
        %dma_wait3A_124 = tpu.memref_squeeze %dma_wait3A_123 : memref<1x128x128xf32, #tpu.memory_space<vmem>> -> memref<128x128xf32, #tpu.memory_space<vmem>>
        %dma_wait3A_125 = arith.constant 0 : i32
        %dma_wait3A_126 = arith.constant 0 : i32
        %dma_wait3A_127 = tpu.memref_slice %arg2[%dma_wait3A_125, %dma_wait3A_126] : memref<10000x128xf32, #tpu.memory_space<hbm>> -> memref<128x128xf32, #tpu.memory_space<hbm>>
        tpu.wait_dma2 semaphore(%arg10 : memref<!tpu.dma_semaphore, #tpu.memory_space<semaphore_mem>>) src(%dma_wait3A_127 : memref<128x128xf32, #tpu.memory_space<hbm>>) dst(%dma_wait3A_124 : memref<128x128xf32, #tpu.memory_space<vmem>>)
        %run_scoped3A_128 = arith.constant 0 : i32
        "tpu.region"() ({
          %run_scoped3A_162 = tpu.sem_alloc : memref<!tpu.dma_semaphore, #tpu.memory_space<semaphore_mem>>
          %dma_start3A_163 = arith.constant 0 : i32
          %dma_start3A_164 = arith.constant 0 : i32
          %dma_start3A_165 = tpu.memref_slice %arg8[%run_scoped3A_128, %dma_start3A_163, %dma_start3A_164] : memref<2x128x128xf32, #tpu.memory_space<vmem>> -> memref<1x128x128xf32, #tpu.memory_space<vmem>>
          %dma_start3A_166 = tpu.memref_squeeze %dma_start3A_165 : memref<1x128x128xf32, #tpu.memory_space<vmem>> -> memref<128x128xf32, #tpu.memory_space<vmem>>
          %dma_start3A_167 = arith.constant 0 : i32
          %dma_start3A_168 = tpu.memref_slice %arg7[%add3A_113, %dma_start3A_167] : memref<40x128xi32, #tpu.memory_space<vmem>> -> memref<1x128xi32, #tpu.memory_space<vmem>>
          %dma_start3A_169 = tpu.memref_squeeze %dma_start3A_168 : memref<1x128xi32, #tpu.memory_space<vmem>> -> memref<128xi32, #tpu.memory_space<vmem>>
          %dma_start3A_170 = arith.constant 0 : i32
          %dma_start3A_171 = arith.constant 0 : i32
          %dma_start3A_172 = tpu.memref_slice %arg9[%dma_start3A_170, %dma_start3A_171] : memref<10112x128xf32, #tpu.memory_space<vmem_shared>> -> memref<10112x128xf32, #tpu.memory_space<vmem_shared>>
          tpu.enqueue_indirect_dma source(%dma_start3A_166 : memref<128x128xf32, #tpu.memory_space<vmem>>) target(%dma_start3A_172 : memref<10112x128xf32, #tpu.memory_space<vmem_shared>>) offsets(%dma_start3A_169 : memref<128xi32, #tpu.memory_space<vmem>>) semaphore(%run_scoped3A_162 : memref<!tpu.dma_semaphore, #tpu.memory_space<semaphore_mem>>) {add = true}
          %dma_wait3A_173 = arith.constant 0 : i32
          %dma_wait3A_174 = arith.constant 0 : i32
          %dma_wait3A_175 = tpu.memref_slice %arg8[%run_scoped3A_128, %dma_wait3A_173, %dma_wait3A_174] : memref<2x128x128xf32, #tpu.memory_space<vmem>> -> memref<1x128x128xf32, #tpu.memory_space<vmem>>
          %dma_wait3A_176 = tpu.memref_squeeze %dma_wait3A_175 : memref<1x128x128xf32, #tpu.memory_space<vmem>> -> memref<128x128xf32, #tpu.memory_space<vmem>>
          %dma_wait3A_177 = arith.constant 0 : i32
          %dma_wait3A_178 = tpu.memref_slice %arg7[%add3A_113, %dma_wait3A_177] : memref<40x128xi32, #tpu.memory_space<vmem>> -> memref<1x128xi32, #tpu.memory_space<vmem>>
          %dma_wait3A_179 = tpu.memref_squeeze %dma_wait3A_178 : memref<1x128xi32, #tpu.memory_space<vmem>> -> memref<128xi32, #tpu.memory_space<vmem>>
          %dma_wait3A_180 = arith.constant 0 : i32
          %dma_wait3A_181 = arith.constant 0 : i32
          %dma_wait3A_182 = tpu.memref_slice %arg9[%dma_wait3A_180, %dma_wait3A_181] : memref<10112x128xf32, #tpu.memory_space<vmem_shared>> -> memref<10112x128xf32, #tpu.memory_space<vmem_shared>>
          tpu.wait_indirect_dma semaphore(%run_scoped3A_162 : memref<!tpu.dma_semaphore, #tpu.memory_space<semaphore_mem>>) src(%dma_wait3A_176 : memref<128x128xf32, #tpu.memory_space<vmem>>) dst(%dma_wait3A_182 : memref<10112x128xf32, #tpu.memory_space<vmem_shared>>)
          tpu.yield
        }) : () -> ()
        %add3A_129 = arith.constant 2 : i32
        %add3A_130 = arith.addi %add3A_113, %add3A_129 : i32
        %lt3A = arith.constant 40 : i32
        %lt3A_131 = arith.cmpi slt, %add3A_130, %lt3A : i32
        %convert_element_type3A_132 = arith.extui %lt3A_131 : i1 to i32
        %cond3A_133 = arith.constant 0 : i32
        %cond3A_134 = arith.cmpi ne, %convert_element_type3A_132, %cond3A_133 : i32
        scf.if %cond3A_134 {
          %add3A_162 = arith.constant 2 : i32
          %add3A_163 = arith.addi %add3A_113, %add3A_162 : i32
          %dma_start3A_164 = arith.constant 0 : i32
          %dma_start3A_165 = arith.constant 0 : i32
          %dma_start3A_166 = arith.constant 0 : i32
          %dma_start3A_167 = tpu.memref_slice %arg8[%dma_start3A_164, %dma_start3A_165, %dma_start3A_166] : memref<2x128x128xf32, #tpu.memory_space<vmem>> -> memref<1x128x128xf32, #tpu.memory_space<vmem>>
          %dma_start3A_168 = tpu.memref_squeeze %dma_start3A_167 : memref<1x128x128xf32, #tpu.memory_space<vmem>> -> memref<128x128xf32, #tpu.memory_space<vmem>>
          %dma_start3A_169 = arith.constant 0 : i32
          %dma_start3A_170 = tpu.memref_slice %arg6[%add3A_163, %dma_start3A_169] : memref<40x128xi32, #tpu.memory_space<vmem>> -> memref<1x128xi32, #tpu.memory_space<vmem>>
          %dma_start3A_171 = tpu.memref_squeeze %dma_start3A_170 : memref<1x128xi32, #tpu.memory_space<vmem>> -> memref<128xi32, #tpu.memory_space<vmem>>
          %dma_start3A_172 = arith.constant 0 : i32
          %dma_start3A_173 = arith.constant 0 : i32
          %dma_start3A_174 = tpu.memref_slice %arg2[%dma_start3A_172, %dma_start3A_173] : memref<10000x128xf32, #tpu.memory_space<hbm>> -> memref<10000x128xf32, #tpu.memory_space<hbm>>
          tpu.enqueue_indirect_dma source(%dma_start3A_174 : memref<10000x128xf32, #tpu.memory_space<hbm>>) target(%dma_start3A_168 : memref<128x128xf32, #tpu.memory_space<vmem>>) offsets(%dma_start3A_171 : memref<128xi32, #tpu.memory_space<vmem>>) semaphore(%arg10 : memref<!tpu.dma_semaphore, #tpu.memory_space<semaphore_mem>>)
        } else {
        }
        %mul3A_135 = arith.constant 2 : i32
        %mul3A_136 = arith.muli %scan3A_109, %mul3A_135 : i32
        %add3A_137 = arith.constant 1 : i32
        %add3A_138 = arith.addi %mul3A_136, %add3A_137 : i32
        %dma_wait3A_139 = arith.constant 1 : i32
        %dma_wait3A_140 = arith.constant 0 : i32
        %dma_wait3A_141 = arith.constant 0 : i32
        %dma_wait3A_142 = tpu.memref_slice %arg8[%dma_wait3A_139, %dma_wait3A_140, %dma_wait3A_141] : memref<2x128x128xf32, #tpu.memory_space<vmem>> -> memref<1x128x128xf32, #tpu.memory_space<vmem>>
        %dma_wait3A_143 = tpu.memref_squeeze %dma_wait3A_142 : memref<1x128x128xf32, #tpu.memory_space<vmem>> -> memref<128x128xf32, #tpu.memory_space<vmem>>
        %dma_wait3A_144 = arith.constant 0 : i32
        %dma_wait3A_145 = arith.constant 0 : i32
        %dma_wait3A_146 = tpu.memref_slice %arg2[%dma_wait3A_144, %dma_wait3A_145] : memref<10000x128xf32, #tpu.memory_space<hbm>> -> memref<128x128xf32, #tpu.memory_space<hbm>>
        %dma_wait3A_147 = arith.constant 0 : i32
        %dma_wait3A_148 = arith.constant 0 : i32
        %dma_wait3A_149 = tpu.memref_slice %arg8[%dma_wait3A_139, %dma_wait3A_147, %dma_wait3A_148] : memref<2x128x128xf32, #tpu.memory_space<vmem>> -> memref<1x128x128xf32, #tpu.memory_space<vmem>>
        %dma_wait3A_150 = tpu.memref_squeeze %dma_wait3A_149 : memref<1x128x128xf32, #tpu.memory_space<vmem>> -> memref<128x128xf32, #tpu.memory_space<vmem>>
        %dma_wait3A_151 = arith.constant 0 : i32
        %dma_wait3A_152 = arith.constant 0 : i32
        %dma_wait3A_153 = tpu.memref_slice %arg2[%dma_wait3A_151, %dma_wait3A_152] : memref<10000x128xf32, #tpu.memory_space<hbm>> -> memref<128x128xf32, #tpu.memory_space<hbm>>
        tpu.wait_dma2 semaphore(%arg11 : memref<!tpu.dma_semaphore, #tpu.memory_space<semaphore_mem>>) src(%dma_wait3A_153 : memref<128x128xf32, #tpu.memory_space<hbm>>) dst(%dma_wait3A_150 : memref<128x128xf32, #tpu.memory_space<vmem>>)
        %run_scoped3A_154 = arith.constant 1 : i32
        "tpu.region"() ({
          %run_scoped3A_162 = tpu.sem_alloc : memref<!tpu.dma_semaphore, #tpu.memory_space<semaphore_mem>>
          %dma_start3A_163 = arith.constant 0 : i32
          %dma_start3A_164 = arith.constant 0 : i32
          %dma_start3A_165 = tpu.memref_slice %arg8[%run_scoped3A_154, %dma_start3A_163, %dma_start3A_164] : memref<2x128x128xf32, #tpu.memory_space<vmem>> -> memref<1x128x128xf32, #tpu.memory_space<vmem>>
          %dma_start3A_166 = tpu.memref_squeeze %dma_start3A_165 : memref<1x128x128xf32, #tpu.memory_space<vmem>> -> memref<128x128xf32, #tpu.memory_space<vmem>>
          %dma_start3A_167 = arith.constant 0 : i32
          %dma_start3A_168 = tpu.memref_slice %arg7[%add3A_138, %dma_start3A_167] : memref<40x128xi32, #tpu.memory_space<vmem>> -> memref<1x128xi32, #tpu.memory_space<vmem>>
          %dma_start3A_169 = tpu.memref_squeeze %dma_start3A_168 : memref<1x128xi32, #tpu.memory_space<vmem>> -> memref<128xi32, #tpu.memory_space<vmem>>
          %dma_start3A_170 = arith.constant 0 : i32
          %dma_start3A_171 = arith.constant 0 : i32
          %dma_start3A_172 = tpu.memref_slice %arg9[%dma_start3A_170, %dma_start3A_171] : memref<10112x128xf32, #tpu.memory_space<vmem_shared>> -> memref<10112x128xf32, #tpu.memory_space<vmem_shared>>
          tpu.enqueue_indirect_dma source(%dma_start3A_166 : memref<128x128xf32, #tpu.memory_space<vmem>>) target(%dma_start3A_172 : memref<10112x128xf32, #tpu.memory_space<vmem_shared>>) offsets(%dma_start3A_169 : memref<128xi32, #tpu.memory_space<vmem>>) semaphore(%run_scoped3A_162 : memref<!tpu.dma_semaphore, #tpu.memory_space<semaphore_mem>>) {add = true}
          %dma_wait3A_173 = arith.constant 0 : i32
          %dma_wait3A_174 = arith.constant 0 : i32
          %dma_wait3A_175 = tpu.memref_slice %arg8[%run_scoped3A_154, %dma_wait3A_173, %dma_wait3A_174] : memref<2x128x128xf32, #tpu.memory_space<vmem>> -> memref<1x128x128xf32, #tpu.memory_space<vmem>>
          %dma_wait3A_176 = tpu.memref_squeeze %dma_wait3A_175 : memref<1x128x128xf32, #tpu.memory_space<vmem>> -> memref<128x128xf32, #tpu.memory_space<vmem>>
          %dma_wait3A_177 = arith.constant 0 : i32
          %dma_wait3A_178 = tpu.memref_slice %arg7[%add3A_138, %dma_wait3A_177] : memref<40x128xi32, #tpu.memory_space<vmem>> -> memref<1x128xi32, #tpu.memory_space<vmem>>
          %dma_wait3A_179 = tpu.memref_squeeze %dma_wait3A_178 : memref<1x128xi32, #tpu.memory_space<vmem>> -> memref<128xi32, #tpu.memory_space<vmem>>
          %dma_wait3A_180 = arith.constant 0 : i32
          %dma_wait3A_181 = arith.constant 0 : i32
          %dma_wait3A_182 = tpu.memref_slice %arg9[%dma_wait3A_180, %dma_wait3A_181] : memref<10112x128xf32, #tpu.memory_space<vmem_shared>> -> memref<10112x128xf32, #tpu.memory_space<vmem_shared>>
          tpu.wait_indirect_dma semaphore(%run_scoped3A_162 : memref<!tpu.dma_semaphore, #tpu.memory_space<semaphore_mem>>) src(%dma_wait3A_176 : memref<128x128xf32, #tpu.memory_space<vmem>>) dst(%dma_wait3A_182 : memref<10112x128xf32, #tpu.memory_space<vmem_shared>>)
          tpu.yield
        }) : () -> ()
        %add3A_155 = arith.constant 2 : i32
        %add3A_156 = arith.addi %add3A_138, %add3A_155 : i32
        %lt3A_157 = arith.constant 40 : i32
        %lt3A_158 = arith.cmpi slt, %add3A_156, %lt3A_157 : i32
        %convert_element_type3A_159 = arith.extui %lt3A_158 : i1 to i32
        %cond3A_160 = arith.constant 0 : i32
        %cond3A_161 = arith.cmpi ne, %convert_element_type3A_159, %cond3A_160 : i32
        scf.if %cond3A_161 {
          %add3A_162 = arith.constant 2 : i32
          %add3A_163 = arith.addi %add3A_138, %add3A_162 : i32
          %dma_start3A_164 = arith.constant 1 : i32
          %dma_start3A_165 = arith.constant 0 : i32
          %dma_start3A_166 = arith.constant 0 : i32
          %dma_start3A_167 = tpu.memref_slice %arg8[%dma_start3A_164, %dma_start3A_165, %dma_start3A_166] : memref<2x128x128xf32, #tpu.memory_space<vmem>> -> memref<1x128x128xf32, #tpu.memory_space<vmem>>
          %dma_start3A_168 = tpu.memref_squeeze %dma_start3A_167 : memref<1x128x128xf32, #tpu.memory_space<vmem>> -> memref<128x128xf32, #tpu.memory_space<vmem>>
          %dma_start3A_169 = arith.constant 0 : i32
          %dma_start3A_170 = tpu.memref_slice %arg6[%add3A_163, %dma_start3A_169] : memref<40x128xi32, #tpu.memory_space<vmem>> -> memref<1x128xi32, #tpu.memory_space<vmem>>
          %dma_start3A_171 = tpu.memref_squeeze %dma_start3A_170 : memref<1x128xi32, #tpu.memory_space<vmem>> -> memref<128xi32, #tpu.memory_space<vmem>>
          %dma_start3A_172 = arith.constant 0 : i32
          %dma_start3A_173 = arith.constant 0 : i32
          %dma_start3A_174 = tpu.memref_slice %arg2[%dma_start3A_172, %dma_start3A_173] : memref<10000x128xf32, #tpu.memory_space<hbm>> -> memref<10000x128xf32, #tpu.memory_space<hbm>>
          tpu.enqueue_indirect_dma source(%dma_start3A_174 : memref<10000x128xf32, #tpu.memory_space<hbm>>) target(%dma_start3A_168 : memref<128x128xf32, #tpu.memory_space<vmem>>) offsets(%dma_start3A_171 : memref<128xi32, #tpu.memory_space<vmem>>) semaphore(%arg11 : memref<!tpu.dma_semaphore, #tpu.memory_space<semaphore_mem>>)
        } else {
        }
      }
      %scan3A_108 = arith.constant 20 : i32
    } else {
    }
    %eq3A_30 = arith.constant 1 : i32
    %eq3A_31 = arith.cmpi eq, %arg0, %eq3A_30 : i32
    %convert_element_type3A_32 = arith.extui %eq3A_31 : i1 to i32
    %cond3A_33 = arith.constant 0 : i32
    %cond3A_34 = arith.cmpi ne, %convert_element_type3A_32, %cond3A_33 : i32
    scf.if %cond3A_34 {
      %mul3A_40 = arith.constant 80 : i32
      %mul3A_41 = arith.muli %arg1, %mul3A_40 : i32
      %add3A_42 = arith.constant 1280 : i32
      %add3A_43 = arith.addi %add3A_42, %mul3A_41 : i32
      %add3A_44 = arith.constant 0 : i32
      %add3A_45 = arith.addi %add3A_43, %add3A_44 : i32
      "tpu.region"() ({
        %run_scoped3A_111 = tpu.sem_alloc : memref<!tpu.dma_semaphore, #tpu.memory_space<semaphore_mem>>
        %dma_start3A_112 = arith.constant 0 : i32
        %dma_start3A_113 = tpu.memref_slice %arg3[%add3A_45, %dma_start3A_112] : memref<2560x128xi32, #tpu.memory_space<hbm>> -> memref<40x128xi32, #tpu.memory_space<hbm>>
        %dma_start3A_114 = arith.constant 0 : i32
        %dma_start3A_115 = tpu.memref_slice %arg3[%add3A_45, %dma_start3A_114] : memref<2560x128xi32, #tpu.memory_space<hbm>> -> memref<40x128xi32, #tpu.memory_space<hbm>>
        tpu.enqueue_dma source(%dma_start3A_115 : memref<40x128xi32, #tpu.memory_space<hbm>>) target(%arg6 : memref<40x128xi32, #tpu.memory_space<vmem>>) target_semaphore(%run_scoped3A_111 : memref<!tpu.dma_semaphore, #tpu.memory_space<semaphore_mem>>)
        %dma_wait3A = arith.constant 0 : i32
        %dma_wait3A_116 = tpu.memref_slice %arg3[%add3A_45, %dma_wait3A] : memref<2560x128xi32, #tpu.memory_space<hbm>> -> memref<40x128xi32, #tpu.memory_space<hbm>>
        %dma_wait3A_117 = arith.constant 0 : i32
        %dma_wait3A_118 = tpu.memref_slice %arg3[%add3A_45, %dma_wait3A_117] : memref<2560x128xi32, #tpu.memory_space<hbm>> -> memref<40x128xi32, #tpu.memory_space<hbm>>
        tpu.wait_dma2 semaphore(%run_scoped3A_111 : memref<!tpu.dma_semaphore, #tpu.memory_space<semaphore_mem>>) src(%dma_wait3A_118 : memref<40x128xi32, #tpu.memory_space<hbm>>) dst(%arg6 : memref<40x128xi32, #tpu.memory_space<vmem>>)
        tpu.yield
      }) : () -> ()
      %add3A_46 = arith.constant 0 : i32
      %add3A_47 = arith.addi %add3A_43, %add3A_46 : i32
      "tpu.region"() ({
        %run_scoped3A_111 = tpu.sem_alloc : memref<!tpu.dma_semaphore, #tpu.memory_space<semaphore_mem>>
        %dma_start3A_112 = arith.constant 0 : i32
        %dma_start3A_113 = tpu.memref_slice %arg4[%add3A_47, %dma_start3A_112] : memref<2560x128xi32, #tpu.memory_space<hbm>> -> memref<40x128xi32, #tpu.memory_space<hbm>>
        %dma_start3A_114 = arith.constant 0 : i32
        %dma_start3A_115 = tpu.memref_slice %arg4[%add3A_47, %dma_start3A_114] : memref<2560x128xi32, #tpu.memory_space<hbm>> -> memref<40x128xi32, #tpu.memory_space<hbm>>
        tpu.enqueue_dma source(%dma_start3A_115 : memref<40x128xi32, #tpu.memory_space<hbm>>) target(%arg7 : memref<40x128xi32, #tpu.memory_space<vmem>>) target_semaphore(%run_scoped3A_111 : memref<!tpu.dma_semaphore, #tpu.memory_space<semaphore_mem>>)
        %dma_wait3A = arith.constant 0 : i32
        %dma_wait3A_116 = tpu.memref_slice %arg4[%add3A_47, %dma_wait3A] : memref<2560x128xi32, #tpu.memory_space<hbm>> -> memref<40x128xi32, #tpu.memory_space<hbm>>
        %dma_wait3A_117 = arith.constant 0 : i32
        %dma_wait3A_118 = tpu.memref_slice %arg4[%add3A_47, %dma_wait3A_117] : memref<2560x128xi32, #tpu.memory_space<hbm>> -> memref<40x128xi32, #tpu.memory_space<hbm>>
        tpu.wait_dma2 semaphore(%run_scoped3A_111 : memref<!tpu.dma_semaphore, #tpu.memory_space<semaphore_mem>>) src(%dma_wait3A_118 : memref<40x128xi32, #tpu.memory_space<hbm>>) dst(%arg7 : memref<40x128xi32, #tpu.memory_space<vmem>>)
        tpu.yield
      }) : () -> ()
      %dma_start3A = arith.constant 0 : i32
      %dma_start3A_48 = arith.constant 0 : i32
      %dma_start3A_49 = arith.constant 0 : i32
      %dma_start3A_50 = arith.constant 0 : i32
      %dma_start3A_51 = tpu.memref_slice %arg8[%dma_start3A_48, %dma_start3A_49, %dma_start3A_50] : memref<2x128x128xf32, #tpu.memory_space<vmem>> -> memref<1x128x128xf32, #tpu.memory_space<vmem>>
      %dma_start3A_52 = tpu.memref_squeeze %dma_start3A_51 : memref<1x128x128xf32, #tpu.memory_space<vmem>> -> memref<128x128xf32, #tpu.memory_space<vmem>>
      %dma_start3A_53 = arith.constant 0 : i32
      %dma_start3A_54 = tpu.memref_slice %arg6[%dma_start3A, %dma_start3A_53] : memref<40x128xi32, #tpu.memory_space<vmem>> -> memref<1x128xi32, #tpu.memory_space<vmem>>
      %dma_start3A_55 = tpu.memref_squeeze %dma_start3A_54 : memref<1x128xi32, #tpu.memory_space<vmem>> -> memref<128xi32, #tpu.memory_space<vmem>>
      %dma_start3A_56 = arith.constant 0 : i32
      %dma_start3A_57 = arith.constant 0 : i32
      %dma_start3A_58 = tpu.memref_slice %arg2[%dma_start3A_56, %dma_start3A_57] : memref<10000x128xf32, #tpu.memory_space<hbm>> -> memref<10000x128xf32, #tpu.memory_space<hbm>>
      tpu.enqueue_indirect_dma source(%dma_start3A_58 : memref<10000x128xf32, #tpu.memory_space<hbm>>) target(%dma_start3A_52 : memref<128x128xf32, #tpu.memory_space<vmem>>) offsets(%dma_start3A_55 : memref<128xi32, #tpu.memory_space<vmem>>) semaphore(%arg10 : memref<!tpu.dma_semaphore, #tpu.memory_space<semaphore_mem>>)
      %dma_start3A_59 = arith.constant 1 : i32
      %dma_start3A_60 = arith.constant 1 : i32
      %dma_start3A_61 = arith.constant 0 : i32
      %dma_start3A_62 = arith.constant 0 : i32
      %dma_start3A_63 = tpu.memref_slice %arg8[%dma_start3A_60, %dma_start3A_61, %dma_start3A_62] : memref<2x128x128xf32, #tpu.memory_space<vmem>> -> memref<1x128x128xf32, #tpu.memory_space<vmem>>
      %dma_start3A_64 = tpu.memref_squeeze %dma_start3A_63 : memref<1x128x128xf32, #tpu.memory_space<vmem>> -> memref<128x128xf32, #tpu.memory_space<vmem>>
      %dma_start3A_65 = arith.constant 0 : i32
      %dma_start3A_66 = tpu.memref_slice %arg6[%dma_start3A_59, %dma_start3A_65] : memref<40x128xi32, #tpu.memory_space<vmem>> -> memref<1x128xi32, #tpu.memory_space<vmem>>
      %dma_start3A_67 = tpu.memref_squeeze %dma_start3A_66 : memref<1x128xi32, #tpu.memory_space<vmem>> -> memref<128xi32, #tpu.memory_space<vmem>>
      %dma_start3A_68 = arith.constant 0 : i32
      %dma_start3A_69 = arith.constant 0 : i32
      %dma_start3A_70 = tpu.memref_slice %arg2[%dma_start3A_68, %dma_start3A_69] : memref<10000x128xf32, #tpu.memory_space<hbm>> -> memref<10000x128xf32, #tpu.memory_space<hbm>>
      tpu.enqueue_indirect_dma source(%dma_start3A_70 : memref<10000x128xf32, #tpu.memory_space<hbm>>) target(%dma_start3A_64 : memref<128x128xf32, #tpu.memory_space<vmem>>) offsets(%dma_start3A_67 : memref<128xi32, #tpu.memory_space<vmem>>) semaphore(%arg11 : memref<!tpu.dma_semaphore, #tpu.memory_space<semaphore_mem>>)
      %scan3A_71 = arith.constant 0 : i32
      %scan3A_72 = arith.constant 0 : i32
      %scan3A_73 = arith.constant 20 : i32
      %scan3A_74 = arith.addi %scan3A_72, %scan3A_73 : i32
      %scan3A_75 = arith.constant 1 : i32
      scf.for %scan3A_111 = %scan3A_72 to %scan3A_74 step %scan3A_75  : i32 {
        %mul3A_112 = arith.constant 2 : i32
        %mul3A_113 = arith.muli %scan3A_111, %mul3A_112 : i32
        %add3A_114 = arith.constant 0 : i32
        %add3A_115 = arith.addi %mul3A_113, %add3A_114 : i32
        %dma_wait3A = arith.constant 0 : i32
        %dma_wait3A_116 = arith.constant 0 : i32
        %dma_wait3A_117 = arith.constant 0 : i32
        %dma_wait3A_118 = tpu.memref_slice %arg8[%dma_wait3A, %dma_wait3A_116, %dma_wait3A_117] : memref<2x128x128xf32, #tpu.memory_space<vmem>> -> memref<1x128x128xf32, #tpu.memory_space<vmem>>
        %dma_wait3A_119 = tpu.memref_squeeze %dma_wait3A_118 : memref<1x128x128xf32, #tpu.memory_space<vmem>> -> memref<128x128xf32, #tpu.memory_space<vmem>>
        %dma_wait3A_120 = arith.constant 0 : i32
        %dma_wait3A_121 = arith.constant 0 : i32
        %dma_wait3A_122 = tpu.memref_slice %arg2[%dma_wait3A_120, %dma_wait3A_121] : memref<10000x128xf32, #tpu.memory_space<hbm>> -> memref<128x128xf32, #tpu.memory_space<hbm>>
        %dma_wait3A_123 = arith.constant 0 : i32
        %dma_wait3A_124 = arith.constant 0 : i32
        %dma_wait3A_125 = tpu.memref_slice %arg8[%dma_wait3A, %dma_wait3A_123, %dma_wait3A_124] : memref<2x128x128xf32, #tpu.memory_space<vmem>> -> memref<1x128x128xf32, #tpu.memory_space<vmem>>
        %dma_wait3A_126 = tpu.memref_squeeze %dma_wait3A_125 : memref<1x128x128xf32, #tpu.memory_space<vmem>> -> memref<128x128xf32, #tpu.memory_space<vmem>>
        %dma_wait3A_127 = arith.constant 0 : i32
        %dma_wait3A_128 = arith.constant 0 : i32
        %dma_wait3A_129 = tpu.memref_slice %arg2[%dma_wait3A_127, %dma_wait3A_128] : memref<10000x128xf32, #tpu.memory_space<hbm>> -> memref<128x128xf32, #tpu.memory_space<hbm>>
        tpu.wait_dma2 semaphore(%arg10 : memref<!tpu.dma_semaphore, #tpu.memory_space<semaphore_mem>>) src(%dma_wait3A_129 : memref<128x128xf32, #tpu.memory_space<hbm>>) dst(%dma_wait3A_126 : memref<128x128xf32, #tpu.memory_space<vmem>>)
        %run_scoped3A_130 = arith.constant 0 : i32
        "tpu.region"() ({
          %run_scoped3A_164 = tpu.sem_alloc : memref<!tpu.dma_semaphore, #tpu.memory_space<semaphore_mem>>
          %dma_start3A_165 = arith.constant 0 : i32
          %dma_start3A_166 = arith.constant 0 : i32
          %dma_start3A_167 = tpu.memref_slice %arg8[%run_scoped3A_130, %dma_start3A_165, %dma_start3A_166] : memref<2x128x128xf32, #tpu.memory_space<vmem>> -> memref<1x128x128xf32, #tpu.memory_space<vmem>>
          %dma_start3A_168 = tpu.memref_squeeze %dma_start3A_167 : memref<1x128x128xf32, #tpu.memory_space<vmem>> -> memref<128x128xf32, #tpu.memory_space<vmem>>
          %dma_start3A_169 = arith.constant 0 : i32
          %dma_start3A_170 = tpu.memref_slice %arg7[%add3A_115, %dma_start3A_169] : memref<40x128xi32, #tpu.memory_space<vmem>> -> memref<1x128xi32, #tpu.memory_space<vmem>>
          %dma_start3A_171 = tpu.memref_squeeze %dma_start3A_170 : memref<1x128xi32, #tpu.memory_space<vmem>> -> memref<128xi32, #tpu.memory_space<vmem>>
          %dma_start3A_172 = arith.constant 0 : i32
          %dma_start3A_173 = arith.constant 0 : i32
          %dma_start3A_174 = tpu.memref_slice %arg9[%dma_start3A_172, %dma_start3A_173] : memref<10112x128xf32, #tpu.memory_space<vmem_shared>> -> memref<10112x128xf32, #tpu.memory_space<vmem_shared>>
          tpu.enqueue_indirect_dma source(%dma_start3A_168 : memref<128x128xf32, #tpu.memory_space<vmem>>) target(%dma_start3A_174 : memref<10112x128xf32, #tpu.memory_space<vmem_shared>>) offsets(%dma_start3A_171 : memref<128xi32, #tpu.memory_space<vmem>>) semaphore(%run_scoped3A_164 : memref<!tpu.dma_semaphore, #tpu.memory_space<semaphore_mem>>) {add = true}
          %dma_wait3A_175 = arith.constant 0 : i32
          %dma_wait3A_176 = arith.constant 0 : i32
          %dma_wait3A_177 = tpu.memref_slice %arg8[%run_scoped3A_130, %dma_wait3A_175, %dma_wait3A_176] : memref<2x128x128xf32, #tpu.memory_space<vmem>> -> memref<1x128x128xf32, #tpu.memory_space<vmem>>
          %dma_wait3A_178 = tpu.memref_squeeze %dma_wait3A_177 : memref<1x128x128xf32, #tpu.memory_space<vmem>> -> memref<128x128xf32, #tpu.memory_space<vmem>>
          %dma_wait3A_179 = arith.constant 0 : i32
          %dma_wait3A_180 = tpu.memref_slice %arg7[%add3A_115, %dma_wait3A_179] : memref<40x128xi32, #tpu.memory_space<vmem>> -> memref<1x128xi32, #tpu.memory_space<vmem>>
          %dma_wait3A_181 = tpu.memref_squeeze %dma_wait3A_180 : memref<1x128xi32, #tpu.memory_space<vmem>> -> memref<128xi32, #tpu.memory_space<vmem>>
          %dma_wait3A_182 = arith.constant 0 : i32
          %dma_wait3A_183 = arith.constant 0 : i32
          %dma_wait3A_184 = tpu.memref_slice %arg9[%dma_wait3A_182, %dma_wait3A_183] : memref<10112x128xf32, #tpu.memory_space<vmem_shared>> -> memref<10112x128xf32, #tpu.memory_space<vmem_shared>>
          tpu.wait_indirect_dma semaphore(%run_scoped3A_164 : memref<!tpu.dma_semaphore, #tpu.memory_space<semaphore_mem>>) src(%dma_wait3A_178 : memref<128x128xf32, #tpu.memory_space<vmem>>) dst(%dma_wait3A_184 : memref<10112x128xf32, #tpu.memory_space<vmem_shared>>)
          tpu.yield
        }) : () -> ()
        %add3A_131 = arith.constant 2 : i32
        %add3A_132 = arith.addi %add3A_115, %add3A_131 : i32
        %lt3A = arith.constant 40 : i32
        %lt3A_133 = arith.cmpi slt, %add3A_132, %lt3A : i32
        %convert_element_type3A_134 = arith.extui %lt3A_133 : i1 to i32
        %cond3A_135 = arith.constant 0 : i32
        %cond3A_136 = arith.cmpi ne, %convert_element_type3A_134, %cond3A_135 : i32
        scf.if %cond3A_136 {
          %add3A_164 = arith.constant 2 : i32
          %add3A_165 = arith.addi %add3A_115, %add3A_164 : i32
          %dma_start3A_166 = arith.constant 0 : i32
          %dma_start3A_167 = arith.constant 0 : i32
          %dma_start3A_168 = arith.constant 0 : i32
          %dma_start3A_169 = tpu.memref_slice %arg8[%dma_start3A_166, %dma_start3A_167, %dma_start3A_168] : memref<2x128x128xf32, #tpu.memory_space<vmem>> -> memref<1x128x128xf32, #tpu.memory_space<vmem>>
          %dma_start3A_170 = tpu.memref_squeeze %dma_start3A_169 : memref<1x128x128xf32, #tpu.memory_space<vmem>> -> memref<128x128xf32, #tpu.memory_space<vmem>>
          %dma_start3A_171 = arith.constant 0 : i32
          %dma_start3A_172 = tpu.memref_slice %arg6[%add3A_165, %dma_start3A_171] : memref<40x128xi32, #tpu.memory_space<vmem>> -> memref<1x128xi32, #tpu.memory_space<vmem>>
          %dma_start3A_173 = tpu.memref_squeeze %dma_start3A_172 : memref<1x128xi32, #tpu.memory_space<vmem>> -> memref<128xi32, #tpu.memory_space<vmem>>
          %dma_start3A_174 = arith.constant 0 : i32
          %dma_start3A_175 = arith.constant 0 : i32
          %dma_start3A_176 = tpu.memref_slice %arg2[%dma_start3A_174, %dma_start3A_175] : memref<10000x128xf32, #tpu.memory_space<hbm>> -> memref<10000x128xf32, #tpu.memory_space<hbm>>
          tpu.enqueue_indirect_dma source(%dma_start3A_176 : memref<10000x128xf32, #tpu.memory_space<hbm>>) target(%dma_start3A_170 : memref<128x128xf32, #tpu.memory_space<vmem>>) offsets(%dma_start3A_173 : memref<128xi32, #tpu.memory_space<vmem>>) semaphore(%arg10 : memref<!tpu.dma_semaphore, #tpu.memory_space<semaphore_mem>>)
        } else {
        }
        %mul3A_137 = arith.constant 2 : i32
        %mul3A_138 = arith.muli %scan3A_111, %mul3A_137 : i32
        %add3A_139 = arith.constant 1 : i32
        %add3A_140 = arith.addi %mul3A_138, %add3A_139 : i32
        %dma_wait3A_141 = arith.constant 1 : i32
        %dma_wait3A_142 = arith.constant 0 : i32
        %dma_wait3A_143 = arith.constant 0 : i32
        %dma_wait3A_144 = tpu.memref_slice %arg8[%dma_wait3A_141, %dma_wait3A_142, %dma_wait3A_143] : memref<2x128x128xf32, #tpu.memory_space<vmem>> -> memref<1x128x128xf32, #tpu.memory_space<vmem>>
        %dma_wait3A_145 = tpu.memref_squeeze %dma_wait3A_144 : memref<1x128x128xf32, #tpu.memory_space<vmem>> -> memref<128x128xf32, #tpu.memory_space<vmem>>
        %dma_wait3A_146 = arith.constant 0 : i32
        %dma_wait3A_147 = arith.constant 0 : i32
        %dma_wait3A_148 = tpu.memref_slice %arg2[%dma_wait3A_146, %dma_wait3A_147] : memref<10000x128xf32, #tpu.memory_space<hbm>> -> memref<128x128xf32, #tpu.memory_space<hbm>>
        %dma_wait3A_149 = arith.constant 0 : i32
        %dma_wait3A_150 = arith.constant 0 : i32
        %dma_wait3A_151 = tpu.memref_slice %arg8[%dma_wait3A_141, %dma_wait3A_149, %dma_wait3A_150] : memref<2x128x128xf32, #tpu.memory_space<vmem>> -> memref<1x128x128xf32, #tpu.memory_space<vmem>>
        %dma_wait3A_152 = tpu.memref_squeeze %dma_wait3A_151 : memref<1x128x128xf32, #tpu.memory_space<vmem>> -> memref<128x128xf32, #tpu.memory_space<vmem>>
        %dma_wait3A_153 = arith.constant 0 : i32
        %dma_wait3A_154 = arith.constant 0 : i32
        %dma_wait3A_155 = tpu.memref_slice %arg2[%dma_wait3A_153, %dma_wait3A_154] : memref<10000x128xf32, #tpu.memory_space<hbm>> -> memref<128x128xf32, #tpu.memory_space<hbm>>
        tpu.wait_dma2 semaphore(%arg11 : memref<!tpu.dma_semaphore, #tpu.memory_space<semaphore_mem>>) src(%dma_wait3A_155 : memref<128x128xf32, #tpu.memory_space<hbm>>) dst(%dma_wait3A_152 : memref<128x128xf32, #tpu.memory_space<vmem>>)
        %run_scoped3A_156 = arith.constant 1 : i32
        "tpu.region"() ({
          %run_scoped3A_164 = tpu.sem_alloc : memref<!tpu.dma_semaphore, #tpu.memory_space<semaphore_mem>>
          %dma_start3A_165 = arith.constant 0 : i32
          %dma_start3A_166 = arith.constant 0 : i32
          %dma_start3A_167 = tpu.memref_slice %arg8[%run_scoped3A_156, %dma_start3A_165, %dma_start3A_166] : memref<2x128x128xf32, #tpu.memory_space<vmem>> -> memref<1x128x128xf32, #tpu.memory_space<vmem>>
          %dma_start3A_168 = tpu.memref_squeeze %dma_start3A_167 : memref<1x128x128xf32, #tpu.memory_space<vmem>> -> memref<128x128xf32, #tpu.memory_space<vmem>>
          %dma_start3A_169 = arith.constant 0 : i32
          %dma_start3A_170 = tpu.memref_slice %arg7[%add3A_140, %dma_start3A_169] : memref<40x128xi32, #tpu.memory_space<vmem>> -> memref<1x128xi32, #tpu.memory_space<vmem>>
          %dma_start3A_171 = tpu.memref_squeeze %dma_start3A_170 : memref<1x128xi32, #tpu.memory_space<vmem>> -> memref<128xi32, #tpu.memory_space<vmem>>
          %dma_start3A_172 = arith.constant 0 : i32
          %dma_start3A_173 = arith.constant 0 : i32
          %dma_start3A_174 = tpu.memref_slice %arg9[%dma_start3A_172, %dma_start3A_173] : memref<10112x128xf32, #tpu.memory_space<vmem_shared>> -> memref<10112x128xf32, #tpu.memory_space<vmem_shared>>
          tpu.enqueue_indirect_dma source(%dma_start3A_168 : memref<128x128xf32, #tpu.memory_space<vmem>>) target(%dma_start3A_174 : memref<10112x128xf32, #tpu.memory_space<vmem_shared>>) offsets(%dma_start3A_171 : memref<128xi32, #tpu.memory_space<vmem>>) semaphore(%run_scoped3A_164 : memref<!tpu.dma_semaphore, #tpu.memory_space<semaphore_mem>>) {add = true}
          %dma_wait3A_175 = arith.constant 0 : i32
          %dma_wait3A_176 = arith.constant 0 : i32
          %dma_wait3A_177 = tpu.memref_slice %arg8[%run_scoped3A_156, %dma_wait3A_175, %dma_wait3A_176] : memref<2x128x128xf32, #tpu.memory_space<vmem>> -> memref<1x128x128xf32, #tpu.memory_space<vmem>>
          %dma_wait3A_178 = tpu.memref_squeeze %dma_wait3A_177 : memref<1x128x128xf32, #tpu.memory_space<vmem>> -> memref<128x128xf32, #tpu.memory_space<vmem>>
          %dma_wait3A_179 = arith.constant 0 : i32
          %dma_wait3A_180 = tpu.memref_slice %arg7[%add3A_140, %dma_wait3A_179] : memref<40x128xi32, #tpu.memory_space<vmem>> -> memref<1x128xi32, #tpu.memory_space<vmem>>
          %dma_wait3A_181 = tpu.memref_squeeze %dma_wait3A_180 : memref<1x128xi32, #tpu.memory_space<vmem>> -> memref<128xi32, #tpu.memory_space<vmem>>
          %dma_wait3A_182 = arith.constant 0 : i32
          %dma_wait3A_183 = arith.constant 0 : i32
          %dma_wait3A_184 = tpu.memref_slice %arg9[%dma_wait3A_182, %dma_wait3A_183] : memref<10112x128xf32, #tpu.memory_space<vmem_shared>> -> memref<10112x128xf32, #tpu.memory_space<vmem_shared>>
          tpu.wait_indirect_dma semaphore(%run_scoped3A_164 : memref<!tpu.dma_semaphore, #tpu.memory_space<semaphore_mem>>) src(%dma_wait3A_178 : memref<128x128xf32, #tpu.memory_space<vmem>>) dst(%dma_wait3A_184 : memref<10112x128xf32, #tpu.memory_space<vmem_shared>>)
          tpu.yield
        }) : () -> ()
        %add3A_157 = arith.constant 2 : i32
        %add3A_158 = arith.addi %add3A_140, %add3A_157 : i32
        %lt3A_159 = arith.constant 40 : i32
        %lt3A_160 = arith.cmpi slt, %add3A_158, %lt3A_159 : i32
        %convert_element_type3A_161 = arith.extui %lt3A_160 : i1 to i32
        %cond3A_162 = arith.constant 0 : i32
        %cond3A_163 = arith.cmpi ne, %convert_element_type3A_161, %cond3A_162 : i32
        scf.if %cond3A_163 {
          %add3A_164 = arith.constant 2 : i32
          %add3A_165 = arith.addi %add3A_140, %add3A_164 : i32
          %dma_start3A_166 = arith.constant 1 : i32
          %dma_start3A_167 = arith.constant 0 : i32
          %dma_start3A_168 = arith.constant 0 : i32
          %dma_start3A_169 = tpu.memref_slice %arg8[%dma_start3A_166, %dma_start3A_167, %dma_start3A_168] : memref<2x128x128xf32, #tpu.memory_space<vmem>> -> memref<1x128x128xf32, #tpu.memory_space<vmem>>
          %dma_start3A_170 = tpu.memref_squeeze %dma_start3A_169 : memref<1x128x128xf32, #tpu.memory_space<vmem>> -> memref<128x128xf32, #tpu.memory_space<vmem>>
          %dma_start3A_171 = arith.constant 0 : i32
          %dma_start3A_172 = tpu.memref_slice %arg6[%add3A_165, %dma_start3A_171] : memref<40x128xi32, #tpu.memory_space<vmem>> -> memref<1x128xi32, #tpu.memory_space<vmem>>
          %dma_start3A_173 = tpu.memref_squeeze %dma_start3A_172 : memref<1x128xi32, #tpu.memory_space<vmem>> -> memref<128xi32, #tpu.memory_space<vmem>>
          %dma_start3A_174 = arith.constant 0 : i32
          %dma_start3A_175 = arith.constant 0 : i32
          %dma_start3A_176 = tpu.memref_slice %arg2[%dma_start3A_174, %dma_start3A_175] : memref<10000x128xf32, #tpu.memory_space<hbm>> -> memref<10000x128xf32, #tpu.memory_space<hbm>>
          tpu.enqueue_indirect_dma source(%dma_start3A_176 : memref<10000x128xf32, #tpu.memory_space<hbm>>) target(%dma_start3A_170 : memref<128x128xf32, #tpu.memory_space<vmem>>) offsets(%dma_start3A_173 : memref<128xi32, #tpu.memory_space<vmem>>) semaphore(%arg11 : memref<!tpu.dma_semaphore, #tpu.memory_space<semaphore_mem>>)
        } else {
        }
      }
      %scan3A_76 = arith.constant 20 : i32
      %add3A_77 = arith.constant 40 : i32
      %add3A_78 = arith.addi %add3A_43, %add3A_77 : i32
      "tpu.region"() ({
        %run_scoped3A_111 = tpu.sem_alloc : memref<!tpu.dma_semaphore, #tpu.memory_space<semaphore_mem>>
        %dma_start3A_112 = arith.constant 0 : i32
        %dma_start3A_113 = tpu.memref_slice %arg3[%add3A_78, %dma_start3A_112] : memref<2560x128xi32, #tpu.memory_space<hbm>> -> memref<40x128xi32, #tpu.memory_space<hbm>>
        %dma_start3A_114 = arith.constant 0 : i32
        %dma_start3A_115 = tpu.memref_slice %arg3[%add3A_78, %dma_start3A_114] : memref<2560x128xi32, #tpu.memory_space<hbm>> -> memref<40x128xi32, #tpu.memory_space<hbm>>
        tpu.enqueue_dma source(%dma_start3A_115 : memref<40x128xi32, #tpu.memory_space<hbm>>) target(%arg6 : memref<40x128xi32, #tpu.memory_space<vmem>>) target_semaphore(%run_scoped3A_111 : memref<!tpu.dma_semaphore, #tpu.memory_space<semaphore_mem>>)
        %dma_wait3A = arith.constant 0 : i32
        %dma_wait3A_116 = tpu.memref_slice %arg3[%add3A_78, %dma_wait3A] : memref<2560x128xi32, #tpu.memory_space<hbm>> -> memref<40x128xi32, #tpu.memory_space<hbm>>
        %dma_wait3A_117 = arith.constant 0 : i32
        %dma_wait3A_118 = tpu.memref_slice %arg3[%add3A_78, %dma_wait3A_117] : memref<2560x128xi32, #tpu.memory_space<hbm>> -> memref<40x128xi32, #tpu.memory_space<hbm>>
        tpu.wait_dma2 semaphore(%run_scoped3A_111 : memref<!tpu.dma_semaphore, #tpu.memory_space<semaphore_mem>>) src(%dma_wait3A_118 : memref<40x128xi32, #tpu.memory_space<hbm>>) dst(%arg6 : memref<40x128xi32, #tpu.memory_space<vmem>>)
        tpu.yield
      }) : () -> ()
      %add3A_79 = arith.constant 40 : i32
      %add3A_80 = arith.addi %add3A_43, %add3A_79 : i32
      "tpu.region"() ({
        %run_scoped3A_111 = tpu.sem_alloc : memref<!tpu.dma_semaphore, #tpu.memory_space<semaphore_mem>>
        %dma_start3A_112 = arith.constant 0 : i32
        %dma_start3A_113 = tpu.memref_slice %arg4[%add3A_80, %dma_start3A_112] : memref<2560x128xi32, #tpu.memory_space<hbm>> -> memref<40x128xi32, #tpu.memory_space<hbm>>
        %dma_start3A_114 = arith.constant 0 : i32
        %dma_start3A_115 = tpu.memref_slice %arg4[%add3A_80, %dma_start3A_114] : memref<2560x128xi32, #tpu.memory_space<hbm>> -> memref<40x128xi32, #tpu.memory_space<hbm>>
        tpu.enqueue_dma source(%dma_start3A_115 : memref<40x128xi32, #tpu.memory_space<hbm>>) target(%arg7 : memref<40x128xi32, #tpu.memory_space<vmem>>) target_semaphore(%run_scoped3A_111 : memref<!tpu.dma_semaphore, #tpu.memory_space<semaphore_mem>>)
        %dma_wait3A = arith.constant 0 : i32
        %dma_wait3A_116 = tpu.memref_slice %arg4[%add3A_80, %dma_wait3A] : memref<2560x128xi32, #tpu.memory_space<hbm>> -> memref<40x128xi32, #tpu.memory_space<hbm>>
        %dma_wait3A_117 = arith.constant 0 : i32
        %dma_wait3A_118 = tpu.memref_slice %arg4[%add3A_80, %dma_wait3A_117] : memref<2560x128xi32, #tpu.memory_space<hbm>> -> memref<40x128xi32, #tpu.memory_space<hbm>>
        tpu.wait_dma2 semaphore(%run_scoped3A_111 : memref<!tpu.dma_semaphore, #tpu.memory_space<semaphore_mem>>) src(%dma_wait3A_118 : memref<40x128xi32, #tpu.memory_space<hbm>>) dst(%arg7 : memref<40x128xi32, #tpu.memory_space<vmem>>)
        tpu.yield
      }) : () -> ()
      %dma_start3A_81 = arith.constant 0 : i32
      %dma_start3A_82 = arith.constant 0 : i32
      %dma_start3A_83 = arith.constant 0 : i32
      %dma_start3A_84 = arith.constant 0 : i32
      %dma_start3A_85 = tpu.memref_slice %arg8[%dma_start3A_82, %dma_start3A_83, %dma_start3A_84] : memref<2x128x128xf32, #tpu.memory_space<vmem>> -> memref<1x128x128xf32, #tpu.memory_space<vmem>>
      %dma_start3A_86 = tpu.memref_squeeze %dma_start3A_85 : memref<1x128x128xf32, #tpu.memory_space<vmem>> -> memref<128x128xf32, #tpu.memory_space<vmem>>
      %dma_start3A_87 = arith.constant 0 : i32
      %dma_start3A_88 = tpu.memref_slice %arg6[%dma_start3A_81, %dma_start3A_87] : memref<40x128xi32, #tpu.memory_space<vmem>> -> memref<1x128xi32, #tpu.memory_space<vmem>>
      %dma_start3A_89 = tpu.memref_squeeze %dma_start3A_88 : memref<1x128xi32, #tpu.memory_space<vmem>> -> memref<128xi32, #tpu.memory_space<vmem>>
      %dma_start3A_90 = arith.constant 0 : i32
      %dma_start3A_91 = arith.constant 0 : i32
      %dma_start3A_92 = tpu.memref_slice %arg2[%dma_start3A_90, %dma_start3A_91] : memref<10000x128xf32, #tpu.memory_space<hbm>> -> memref<10000x128xf32, #tpu.memory_space<hbm>>
      tpu.enqueue_indirect_dma source(%dma_start3A_92 : memref<10000x128xf32, #tpu.memory_space<hbm>>) target(%dma_start3A_86 : memref<128x128xf32, #tpu.memory_space<vmem>>) offsets(%dma_start3A_89 : memref<128xi32, #tpu.memory_space<vmem>>) semaphore(%arg10 : memref<!tpu.dma_semaphore, #tpu.memory_space<semaphore_mem>>)
      %dma_start3A_93 = arith.constant 1 : i32
      %dma_start3A_94 = arith.constant 1 : i32
      %dma_start3A_95 = arith.constant 0 : i32
      %dma_start3A_96 = arith.constant 0 : i32
      %dma_start3A_97 = tpu.memref_slice %arg8[%dma_start3A_94, %dma_start3A_95, %dma_start3A_96] : memref<2x128x128xf32, #tpu.memory_space<vmem>> -> memref<1x128x128xf32, #tpu.memory_space<vmem>>
      %dma_start3A_98 = tpu.memref_squeeze %dma_start3A_97 : memref<1x128x128xf32, #tpu.memory_space<vmem>> -> memref<128x128xf32, #tpu.memory_space<vmem>>
      %dma_start3A_99 = arith.constant 0 : i32
      %dma_start3A_100 = tpu.memref_slice %arg6[%dma_start3A_93, %dma_start3A_99] : memref<40x128xi32, #tpu.memory_space<vmem>> -> memref<1x128xi32, #tpu.memory_space<vmem>>
      %dma_start3A_101 = tpu.memref_squeeze %dma_start3A_100 : memref<1x128xi32, #tpu.memory_space<vmem>> -> memref<128xi32, #tpu.memory_space<vmem>>
      %dma_start3A_102 = arith.constant 0 : i32
      %dma_start3A_103 = arith.constant 0 : i32
      %dma_start3A_104 = tpu.memref_slice %arg2[%dma_start3A_102, %dma_start3A_103] : memref<10000x128xf32, #tpu.memory_space<hbm>> -> memref<10000x128xf32, #tpu.memory_space<hbm>>
      tpu.enqueue_indirect_dma source(%dma_start3A_104 : memref<10000x128xf32, #tpu.memory_space<hbm>>) target(%dma_start3A_98 : memref<128x128xf32, #tpu.memory_space<vmem>>) offsets(%dma_start3A_101 : memref<128xi32, #tpu.memory_space<vmem>>) semaphore(%arg11 : memref<!tpu.dma_semaphore, #tpu.memory_space<semaphore_mem>>)
      %scan3A_105 = arith.constant 0 : i32
      %scan3A_106 = arith.constant 0 : i32
      %scan3A_107 = arith.constant 20 : i32
      %scan3A_108 = arith.addi %scan3A_106, %scan3A_107 : i32
      %scan3A_109 = arith.constant 1 : i32
      scf.for %scan3A_111 = %scan3A_106 to %scan3A_108 step %scan3A_109  : i32 {
        %mul3A_112 = arith.constant 2 : i32
        %mul3A_113 = arith.muli %scan3A_111, %mul3A_112 : i32
        %add3A_114 = arith.constant 0 : i32
        %add3A_115 = arith.addi %mul3A_113, %add3A_114 : i32
        %dma_wait3A = arith.constant 0 : i32
        %dma_wait3A_116 = arith.constant 0 : i32
        %dma_wait3A_117 = arith.constant 0 : i32
        %dma_wait3A_118 = tpu.memref_slice %arg8[%dma_wait3A, %dma_wait3A_116, %dma_wait3A_117] : memref<2x128x128xf32, #tpu.memory_space<vmem>> -> memref<1x128x128xf32, #tpu.memory_space<vmem>>
        %dma_wait3A_119 = tpu.memref_squeeze %dma_wait3A_118 : memref<1x128x128xf32, #tpu.memory_space<vmem>> -> memref<128x128xf32, #tpu.memory_space<vmem>>
        %dma_wait3A_120 = arith.constant 0 : i32
        %dma_wait3A_121 = arith.constant 0 : i32
        %dma_wait3A_122 = tpu.memref_slice %arg2[%dma_wait3A_120, %dma_wait3A_121] : memref<10000x128xf32, #tpu.memory_space<hbm>> -> memref<128x128xf32, #tpu.memory_space<hbm>>
        %dma_wait3A_123 = arith.constant 0 : i32
        %dma_wait3A_124 = arith.constant 0 : i32
        %dma_wait3A_125 = tpu.memref_slice %arg8[%dma_wait3A, %dma_wait3A_123, %dma_wait3A_124] : memref<2x128x128xf32, #tpu.memory_space<vmem>> -> memref<1x128x128xf32, #tpu.memory_space<vmem>>
        %dma_wait3A_126 = tpu.memref_squeeze %dma_wait3A_125 : memref<1x128x128xf32, #tpu.memory_space<vmem>> -> memref<128x128xf32, #tpu.memory_space<vmem>>
        %dma_wait3A_127 = arith.constant 0 : i32
        %dma_wait3A_128 = arith.constant 0 : i32
        %dma_wait3A_129 = tpu.memref_slice %arg2[%dma_wait3A_127, %dma_wait3A_128] : memref<10000x128xf32, #tpu.memory_space<hbm>> -> memref<128x128xf32, #tpu.memory_space<hbm>>
        tpu.wait_dma2 semaphore(%arg10 : memref<!tpu.dma_semaphore, #tpu.memory_space<semaphore_mem>>) src(%dma_wait3A_129 : memref<128x128xf32, #tpu.memory_space<hbm>>) dst(%dma_wait3A_126 : memref<128x128xf32, #tpu.memory_space<vmem>>)
        %run_scoped3A_130 = arith.constant 0 : i32
        "tpu.region"() ({
          %run_scoped3A_164 = tpu.sem_alloc : memref<!tpu.dma_semaphore, #tpu.memory_space<semaphore_mem>>
          %dma_start3A_165 = arith.constant 0 : i32
          %dma_start3A_166 = arith.constant 0 : i32
          %dma_start3A_167 = tpu.memref_slice %arg8[%run_scoped3A_130, %dma_start3A_165, %dma_start3A_166] : memref<2x128x128xf32, #tpu.memory_space<vmem>> -> memref<1x128x128xf32, #tpu.memory_space<vmem>>
          %dma_start3A_168 = tpu.memref_squeeze %dma_start3A_167 : memref<1x128x128xf32, #tpu.memory_space<vmem>> -> memref<128x128xf32, #tpu.memory_space<vmem>>
          %dma_start3A_169 = arith.constant 0 : i32
          %dma_start3A_170 = tpu.memref_slice %arg7[%add3A_115, %dma_start3A_169] : memref<40x128xi32, #tpu.memory_space<vmem>> -> memref<1x128xi32, #tpu.memory_space<vmem>>
          %dma_start3A_171 = tpu.memref_squeeze %dma_start3A_170 : memref<1x128xi32, #tpu.memory_space<vmem>> -> memref<128xi32, #tpu.memory_space<vmem>>
          %dma_start3A_172 = arith.constant 0 : i32
          %dma_start3A_173 = arith.constant 0 : i32
          %dma_start3A_174 = tpu.memref_slice %arg9[%dma_start3A_172, %dma_start3A_173] : memref<10112x128xf32, #tpu.memory_space<vmem_shared>> -> memref<10112x128xf32, #tpu.memory_space<vmem_shared>>
          tpu.enqueue_indirect_dma source(%dma_start3A_168 : memref<128x128xf32, #tpu.memory_space<vmem>>) target(%dma_start3A_174 : memref<10112x128xf32, #tpu.memory_space<vmem_shared>>) offsets(%dma_start3A_171 : memref<128xi32, #tpu.memory_space<vmem>>) semaphore(%run_scoped3A_164 : memref<!tpu.dma_semaphore, #tpu.memory_space<semaphore_mem>>) {add = true}
          %dma_wait3A_175 = arith.constant 0 : i32
          %dma_wait3A_176 = arith.constant 0 : i32
          %dma_wait3A_177 = tpu.memref_slice %arg8[%run_scoped3A_130, %dma_wait3A_175, %dma_wait3A_176] : memref<2x128x128xf32, #tpu.memory_space<vmem>> -> memref<1x128x128xf32, #tpu.memory_space<vmem>>
          %dma_wait3A_178 = tpu.memref_squeeze %dma_wait3A_177 : memref<1x128x128xf32, #tpu.memory_space<vmem>> -> memref<128x128xf32, #tpu.memory_space<vmem>>
          %dma_wait3A_179 = arith.constant 0 : i32
          %dma_wait3A_180 = tpu.memref_slice %arg7[%add3A_115, %dma_wait3A_179] : memref<40x128xi32, #tpu.memory_space<vmem>> -> memref<1x128xi32, #tpu.memory_space<vmem>>
          %dma_wait3A_181 = tpu.memref_squeeze %dma_wait3A_180 : memref<1x128xi32, #tpu.memory_space<vmem>> -> memref<128xi32, #tpu.memory_space<vmem>>
          %dma_wait3A_182 = arith.constant 0 : i32
          %dma_wait3A_183 = arith.constant 0 : i32
          %dma_wait3A_184 = tpu.memref_slice %arg9[%dma_wait3A_182, %dma_wait3A_183] : memref<10112x128xf32, #tpu.memory_space<vmem_shared>> -> memref<10112x128xf32, #tpu.memory_space<vmem_shared>>
          tpu.wait_indirect_dma semaphore(%run_scoped3A_164 : memref<!tpu.dma_semaphore, #tpu.memory_space<semaphore_mem>>) src(%dma_wait3A_178 : memref<128x128xf32, #tpu.memory_space<vmem>>) dst(%dma_wait3A_184 : memref<10112x128xf32, #tpu.memory_space<vmem_shared>>)
          tpu.yield
        }) : () -> ()
        %add3A_131 = arith.constant 2 : i32
        %add3A_132 = arith.addi %add3A_115, %add3A_131 : i32
        %lt3A = arith.constant 40 : i32
        %lt3A_133 = arith.cmpi slt, %add3A_132, %lt3A : i32
        %convert_element_type3A_134 = arith.extui %lt3A_133 : i1 to i32
        %cond3A_135 = arith.constant 0 : i32
        %cond3A_136 = arith.cmpi ne, %convert_element_type3A_134, %cond3A_135 : i32
        scf.if %cond3A_136 {
          %add3A_164 = arith.constant 2 : i32
          %add3A_165 = arith.addi %add3A_115, %add3A_164 : i32
          %dma_start3A_166 = arith.constant 0 : i32
          %dma_start3A_167 = arith.constant 0 : i32
          %dma_start3A_168 = arith.constant 0 : i32
          %dma_start3A_169 = tpu.memref_slice %arg8[%dma_start3A_166, %dma_start3A_167, %dma_start3A_168] : memref<2x128x128xf32, #tpu.memory_space<vmem>> -> memref<1x128x128xf32, #tpu.memory_space<vmem>>
          %dma_start3A_170 = tpu.memref_squeeze %dma_start3A_169 : memref<1x128x128xf32, #tpu.memory_space<vmem>> -> memref<128x128xf32, #tpu.memory_space<vmem>>
          %dma_start3A_171 = arith.constant 0 : i32
          %dma_start3A_172 = tpu.memref_slice %arg6[%add3A_165, %dma_start3A_171] : memref<40x128xi32, #tpu.memory_space<vmem>> -> memref<1x128xi32, #tpu.memory_space<vmem>>
          %dma_start3A_173 = tpu.memref_squeeze %dma_start3A_172 : memref<1x128xi32, #tpu.memory_space<vmem>> -> memref<128xi32, #tpu.memory_space<vmem>>
          %dma_start3A_174 = arith.constant 0 : i32
          %dma_start3A_175 = arith.constant 0 : i32
          %dma_start3A_176 = tpu.memref_slice %arg2[%dma_start3A_174, %dma_start3A_175] : memref<10000x128xf32, #tpu.memory_space<hbm>> -> memref<10000x128xf32, #tpu.memory_space<hbm>>
          tpu.enqueue_indirect_dma source(%dma_start3A_176 : memref<10000x128xf32, #tpu.memory_space<hbm>>) target(%dma_start3A_170 : memref<128x128xf32, #tpu.memory_space<vmem>>) offsets(%dma_start3A_173 : memref<128xi32, #tpu.memory_space<vmem>>) semaphore(%arg10 : memref<!tpu.dma_semaphore, #tpu.memory_space<semaphore_mem>>)
        } else {
        }
        %mul3A_137 = arith.constant 2 : i32
        %mul3A_138 = arith.muli %scan3A_111, %mul3A_137 : i32
        %add3A_139 = arith.constant 1 : i32
        %add3A_140 = arith.addi %mul3A_138, %add3A_139 : i32
        %dma_wait3A_141 = arith.constant 1 : i32
        %dma_wait3A_142 = arith.constant 0 : i32
        %dma_wait3A_143 = arith.constant 0 : i32
        %dma_wait3A_144 = tpu.memref_slice %arg8[%dma_wait3A_141, %dma_wait3A_142, %dma_wait3A_143] : memref<2x128x128xf32, #tpu.memory_space<vmem>> -> memref<1x128x128xf32, #tpu.memory_space<vmem>>
        %dma_wait3A_145 = tpu.memref_squeeze %dma_wait3A_144 : memref<1x128x128xf32, #tpu.memory_space<vmem>> -> memref<128x128xf32, #tpu.memory_space<vmem>>
        %dma_wait3A_146 = arith.constant 0 : i32
        %dma_wait3A_147 = arith.constant 0 : i32
        %dma_wait3A_148 = tpu.memref_slice %arg2[%dma_wait3A_146, %dma_wait3A_147] : memref<10000x128xf32, #tpu.memory_space<hbm>> -> memref<128x128xf32, #tpu.memory_space<hbm>>
        %dma_wait3A_149 = arith.constant 0 : i32
        %dma_wait3A_150 = arith.constant 0 : i32
        %dma_wait3A_151 = tpu.memref_slice %arg8[%dma_wait3A_141, %dma_wait3A_149, %dma_wait3A_150] : memref<2x128x128xf32, #tpu.memory_space<vmem>> -> memref<1x128x128xf32, #tpu.memory_space<vmem>>
        %dma_wait3A_152 = tpu.memref_squeeze %dma_wait3A_151 : memref<1x128x128xf32, #tpu.memory_space<vmem>> -> memref<128x128xf32, #tpu.memory_space<vmem>>
        %dma_wait3A_153 = arith.constant 0 : i32
        %dma_wait3A_154 = arith.constant 0 : i32
        %dma_wait3A_155 = tpu.memref_slice %arg2[%dma_wait3A_153, %dma_wait3A_154] : memref<10000x128xf32, #tpu.memory_space<hbm>> -> memref<128x128xf32, #tpu.memory_space<hbm>>
        tpu.wait_dma2 semaphore(%arg11 : memref<!tpu.dma_semaphore, #tpu.memory_space<semaphore_mem>>) src(%dma_wait3A_155 : memref<128x128xf32, #tpu.memory_space<hbm>>) dst(%dma_wait3A_152 : memref<128x128xf32, #tpu.memory_space<vmem>>)
        %run_scoped3A_156 = arith.constant 1 : i32
        "tpu.region"() ({
          %run_scoped3A_164 = tpu.sem_alloc : memref<!tpu.dma_semaphore, #tpu.memory_space<semaphore_mem>>
          %dma_start3A_165 = arith.constant 0 : i32
          %dma_start3A_166 = arith.constant 0 : i32
          %dma_start3A_167 = tpu.memref_slice %arg8[%run_scoped3A_156, %dma_start3A_165, %dma_start3A_166] : memref<2x128x128xf32, #tpu.memory_space<vmem>> -> memref<1x128x128xf32, #tpu.memory_space<vmem>>
          %dma_start3A_168 = tpu.memref_squeeze %dma_start3A_167 : memref<1x128x128xf32, #tpu.memory_space<vmem>> -> memref<128x128xf32, #tpu.memory_space<vmem>>
          %dma_start3A_169 = arith.constant 0 : i32
          %dma_start3A_170 = tpu.memref_slice %arg7[%add3A_140, %dma_start3A_169] : memref<40x128xi32, #tpu.memory_space<vmem>> -> memref<1x128xi32, #tpu.memory_space<vmem>>
          %dma_start3A_171 = tpu.memref_squeeze %dma_start3A_170 : memref<1x128xi32, #tpu.memory_space<vmem>> -> memref<128xi32, #tpu.memory_space<vmem>>
          %dma_start3A_172 = arith.constant 0 : i32
          %dma_start3A_173 = arith.constant 0 : i32
          %dma_start3A_174 = tpu.memref_slice %arg9[%dma_start3A_172, %dma_start3A_173] : memref<10112x128xf32, #tpu.memory_space<vmem_shared>> -> memref<10112x128xf32, #tpu.memory_space<vmem_shared>>
          tpu.enqueue_indirect_dma source(%dma_start3A_168 : memref<128x128xf32, #tpu.memory_space<vmem>>) target(%dma_start3A_174 : memref<10112x128xf32, #tpu.memory_space<vmem_shared>>) offsets(%dma_start3A_171 : memref<128xi32, #tpu.memory_space<vmem>>) semaphore(%run_scoped3A_164 : memref<!tpu.dma_semaphore, #tpu.memory_space<semaphore_mem>>) {add = true}
          %dma_wait3A_175 = arith.constant 0 : i32
          %dma_wait3A_176 = arith.constant 0 : i32
          %dma_wait3A_177 = tpu.memref_slice %arg8[%run_scoped3A_156, %dma_wait3A_175, %dma_wait3A_176] : memref<2x128x128xf32, #tpu.memory_space<vmem>> -> memref<1x128x128xf32, #tpu.memory_space<vmem>>
          %dma_wait3A_178 = tpu.memref_squeeze %dma_wait3A_177 : memref<1x128x128xf32, #tpu.memory_space<vmem>> -> memref<128x128xf32, #tpu.memory_space<vmem>>
          %dma_wait3A_179 = arith.constant 0 : i32
          %dma_wait3A_180 = tpu.memref_slice %arg7[%add3A_140, %dma_wait3A_179] : memref<40x128xi32, #tpu.memory_space<vmem>> -> memref<1x128xi32, #tpu.memory_space<vmem>>
          %dma_wait3A_181 = tpu.memref_squeeze %dma_wait3A_180 : memref<1x128xi32, #tpu.memory_space<vmem>> -> memref<128xi32, #tpu.memory_space<vmem>>
          %dma_wait3A_182 = arith.constant 0 : i32
          %dma_wait3A_183 = arith.constant 0 : i32
          %dma_wait3A_184 = tpu.memref_slice %arg9[%dma_wait3A_182, %dma_wait3A_183] : memref<10112x128xf32, #tpu.memory_space<vmem_shared>> -> memref<10112x128xf32, #tpu.memory_space<vmem_shared>>
          tpu.wait_indirect_dma semaphore(%run_scoped3A_164 : memref<!tpu.dma_semaphore, #tpu.memory_space<semaphore_mem>>) src(%dma_wait3A_178 : memref<128x128xf32, #tpu.memory_space<vmem>>) dst(%dma_wait3A_184 : memref<10112x128xf32, #tpu.memory_space<vmem_shared>>)
          tpu.yield
        }) : () -> ()
        %add3A_157 = arith.constant 2 : i32
        %add3A_158 = arith.addi %add3A_140, %add3A_157 : i32
        %lt3A_159 = arith.constant 40 : i32
        %lt3A_160 = arith.cmpi slt, %add3A_158, %lt3A_159 : i32
        %convert_element_type3A_161 = arith.extui %lt3A_160 : i1 to i32
        %cond3A_162 = arith.constant 0 : i32
        %cond3A_163 = arith.cmpi ne, %convert_element_type3A_161, %cond3A_162 : i32
        scf.if %cond3A_163 {
          %add3A_164 = arith.constant 2 : i32
          %add3A_165 = arith.addi %add3A_140, %add3A_164 : i32
          %dma_start3A_166 = arith.constant 1 : i32
          %dma_start3A_167 = arith.constant 0 : i32
          %dma_start3A_168 = arith.constant 0 : i32
          %dma_start3A_169 = tpu.memref_slice %arg8[%dma_start3A_166, %dma_start3A_167, %dma_start3A_168] : memref<2x128x128xf32, #tpu.memory_space<vmem>> -> memref<1x128x128xf32, #tpu.memory_space<vmem>>
          %dma_start3A_170 = tpu.memref_squeeze %dma_start3A_169 : memref<1x128x128xf32, #tpu.memory_space<vmem>> -> memref<128x128xf32, #tpu.memory_space<vmem>>
          %dma_start3A_171 = arith.constant 0 : i32
          %dma_start3A_172 = tpu.memref_slice %arg6[%add3A_165, %dma_start3A_171] : memref<40x128xi32, #tpu.memory_space<vmem>> -> memref<1x128xi32, #tpu.memory_space<vmem>>
          %dma_start3A_173 = tpu.memref_squeeze %dma_start3A_172 : memref<1x128xi32, #tpu.memory_space<vmem>> -> memref<128xi32, #tpu.memory_space<vmem>>
          %dma_start3A_174 = arith.constant 0 : i32
          %dma_start3A_175 = arith.constant 0 : i32
          %dma_start3A_176 = tpu.memref_slice %arg2[%dma_start3A_174, %dma_start3A_175] : memref<10000x128xf32, #tpu.memory_space<hbm>> -> memref<10000x128xf32, #tpu.memory_space<hbm>>
          tpu.enqueue_indirect_dma source(%dma_start3A_176 : memref<10000x128xf32, #tpu.memory_space<hbm>>) target(%dma_start3A_170 : memref<128x128xf32, #tpu.memory_space<vmem>>) offsets(%dma_start3A_173 : memref<128xi32, #tpu.memory_space<vmem>>) semaphore(%arg11 : memref<!tpu.dma_semaphore, #tpu.memory_space<semaphore_mem>>)
        } else {
        }
      }
      %scan3A_110 = arith.constant 20 : i32
    } else {
    }
    %barrier3A_35 = arith.constant 0 : index
    tpu.barrier barrier_id(%barrier3A_35)
    %mul3A_36 = arith.constant 632 : i32
    %mul3A_37 = arith.muli %arg1, %mul3A_36 : i32
    %mul3A_38 = arith.constant 632 : i32
    %mul3A_39 = arith.muli %arg1, %mul3A_38 : i32
    "tpu.region"() ({
      %run_scoped3A_40 = tpu.sem_alloc : memref<!tpu.dma_semaphore, #tpu.memory_space<semaphore_mem>>
      %dma_start3A = arith.constant 0 : i32
      %dma_start3A_41 = arith.constant 0 : i32
      %dma_start3A_42 = tpu.memref_slice %arg5[%arg0, %dma_start3A, %dma_start3A_41] : memref<2x10112x128xf32, #tpu.memory_space<hbm>> -> memref<1x10112x128xf32, #tpu.memory_space<hbm>>
      %dma_start3A_43 = tpu.memref_squeeze %dma_start3A_42 : memref<1x10112x128xf32, #tpu.memory_space<hbm>> -> memref<10112x128xf32, #tpu.memory_space<hbm>>
      %dma_start3A_44 = arith.constant 0 : i32
      %dma_start3A_45 = tpu.memref_slice %dma_start3A_43[%mul3A_39, %dma_start3A_44] : memref<10112x128xf32, #tpu.memory_space<hbm>> -> memref<632x128xf32, #tpu.memory_space<hbm>>
      %dma_start3A_46 = arith.constant 0 : i32
      %dma_start3A_47 = tpu.memref_slice %arg9[%mul3A_37, %dma_start3A_46] : memref<10112x128xf32, #tpu.memory_space<vmem_shared>> -> memref<632x128xf32, #tpu.memory_space<vmem_shared>>
      tpu.enqueue_dma source(%dma_start3A_47 : memref<632x128xf32, #tpu.memory_space<vmem_shared>>) target(%dma_start3A_45 : memref<632x128xf32, #tpu.memory_space<hbm>>) target_semaphore(%run_scoped3A_40 : memref<!tpu.dma_semaphore, #tpu.memory_space<semaphore_mem>>)
      %dma_wait3A = arith.constant 0 : i32
      %dma_wait3A_48 = arith.constant 0 : i32
      %dma_wait3A_49 = tpu.memref_slice %arg5[%arg0, %dma_wait3A, %dma_wait3A_48] : memref<2x10112x128xf32, #tpu.memory_space<hbm>> -> memref<1x10112x128xf32, #tpu.memory_space<hbm>>
      %dma_wait3A_50 = tpu.memref_squeeze %dma_wait3A_49 : memref<1x10112x128xf32, #tpu.memory_space<hbm>> -> memref<10112x128xf32, #tpu.memory_space<hbm>>
      %dma_wait3A_51 = arith.constant 0 : i32
      %dma_wait3A_52 = tpu.memref_slice %dma_wait3A_50[%mul3A_39, %dma_wait3A_51] : memref<10112x128xf32, #tpu.memory_space<hbm>> -> memref<632x128xf32, #tpu.memory_space<hbm>>
      %dma_wait3A_53 = arith.constant 0 : i32
      %dma_wait3A_54 = tpu.memref_slice %arg9[%mul3A_37, %dma_wait3A_53] : memref<10112x128xf32, #tpu.memory_space<vmem_shared>> -> memref<632x128xf32, #tpu.memory_space<vmem_shared>>
      tpu.wait_dma2 semaphore(%run_scoped3A_40 : memref<!tpu.dma_semaphore, #tpu.memory_space<semaphore_mem>>) src(%dma_wait3A_54 : memref<632x128xf32, #tpu.memory_space<vmem_shared>>) dst(%dma_wait3A_52 : memref<632x128xf32, #tpu.memory_space<hbm>>)
      tpu.yield
    }) : () -> ()
    return
  }
}

#map = affine_map<(d0, d1) -> (0, 0)>
#map1 = affine_map<(d0, d1) -> (0, 0, 0)>
module attributes {stable_mosaic.version = 14 : i64} {
  func.func @_sc_agg_body(%arg0: i32, %arg1: i32, %arg2: memref<10000x128xf32, #tpu.memory_space<hbm>>, %arg3: memref<2560x128xi32, #tpu.memory_space<hbm>>, %arg4: memref<2560x128xi32, #tpu.memory_space<hbm>>, %arg5: memref<2x10112x128xf32, #tpu.memory_space<hbm>>, %arg6: memref<40x128xi32, #tpu.memory_space<vmem>>, %arg7: memref<40x128xi32, #tpu.memory_space<vmem>>, %arg8: memref<2x128x128xf32, #tpu.memory_space<vmem>>, %arg9: memref<10112x128xf32, #tpu.memory_space<vmem_shared>>, %arg10: memref<!tpu.dma_semaphore, #tpu.memory_space<semaphore_mem>>, %arg11: memref<!tpu.dma_semaphore, #tpu.memory_space<semaphore_mem>>) attributes {dimension_semantics = [#tpu.dimension_semantics<core_parallel>, #tpu.dimension_semantics<subcore_parallel>], iteration_bounds = array<i64: 2, 16>, scalar_prefetch = 0 : i64, scratch_operands = 6 : i64, tpu.core_type = #tpu.core_type<sc_vector_subcore>, window_params = [{transform_indices = #map}, {transform_indices = #map}, {transform_indices = #map}, {transform_indices = #map1}]} {
    %scan3A = arith.constant 0 : i32
    %scan3A_0 = arith.constant 0 : i32
    %scan3A_1 = arith.constant 128 : i32
    %scan3A_2 = arith.addi %scan3A_0, %scan3A_1 : i32
    %scan3A_3 = arith.constant 1 : i32
    scf.for %scan3A_40 = %scan3A_0 to %scan3A_2 step %scan3A_3  : i32 {
      %broadcast_in_dim3A = arith.constant 0.000000e+00 : f32
      %broadcast_in_dim3A_41 = vector.broadcast %broadcast_in_dim3A : f32 to vector<16xf32>
      %swap3A = arith.constant 0 : i32
      %swap3A_42 = arith.index_cast %swap3A : i32 to index
      %swap3A_43 = arith.index_cast %scan3A_40 : i32 to index
      %swap3A_44 = arith.constant 0 : index
      %swap3A_45 = tpu.vector_load %arg8[%swap3A_42, %swap3A_43, %swap3A_44] {strides = array<i32>} : memref<2x128x128xf32, #tpu.memory_space<vmem>>, vector<1x1x16xf32>,
      %swap3A_46 = vector.shape_cast %swap3A_45 : vector<1x1x16xf32> to vector<16xf32>
      %swap3A_47 = vector.shape_cast %broadcast_in_dim3A_41 : vector<16xf32> to vector<1x1x16xf32>
      tpu.vector_store %arg8[%swap3A_42, %swap3A_43, %swap3A_44], %swap3A_47 {strides = array<i32>} : memref<2x128x128xf32, #tpu.memory_space<vmem>>, vector<1x1x16xf32>,
      %broadcast_in_dim3A_48 = arith.constant 0.000000e+00 : f32
      %broadcast_in_dim3A_49 = vector.broadcast %broadcast_in_dim3A_48 : f32 to vector<16xf32>
      %swap3A_50 = arith.constant 0 : i32
      %swap3A_51 = arith.index_cast %swap3A_50 : i32 to index
      %swap3A_52 = arith.index_cast %scan3A_40 : i32 to index
      %swap3A_53 = arith.constant 16 : index
      %swap3A_54 = tpu.vector_load %arg8[%swap3A_51, %swap3A_52, %swap3A_53] {strides = array<i32>} : memref<2x128x128xf32, #tpu.memory_space<vmem>>, vector<1x1x16xf32>,
      %swap3A_55 = vector.shape_cast %swap3A_54 : vector<1x1x16xf32> to vector<16xf32>
      %swap3A_56 = vector.shape_cast %broadcast_in_dim3A_49 : vector<16xf32> to vector<1x1x16xf32>
      tpu.vector_store %arg8[%swap3A_51, %swap3A_52, %swap3A_53], %swap3A_56 {strides = array<i32>} : memref<2x128x128xf32, #tpu.memory_space<vmem>>, vector<1x1x16xf32>,
      %broadcast_in_dim3A_57 = arith.constant 0.000000e+00 : f32
      %broadcast_in_dim3A_58 = vector.broadcast %broadcast_in_dim3A_57 : f32 to vector<16xf32>
      %swap3A_59 = arith.constant 0 : i32
      %swap3A_60 = arith.index_cast %swap3A_59 : i32 to index
      %swap3A_61 = arith.index_cast %scan3A_40 : i32 to index
      %swap3A_62 = arith.constant 32 : index
      %swap3A_63 = tpu.vector_load %arg8[%swap3A_60, %swap3A_61, %swap3A_62] {strides = array<i32>} : memref<2x128x128xf32, #tpu.memory_space<vmem>>, vector<1x1x16xf32>,
      %swap3A_64 = vector.shape_cast %swap3A_63 : vector<1x1x16xf32> to vector<16xf32>
      %swap3A_65 = vector.shape_cast %broadcast_in_dim3A_58 : vector<16xf32> to vector<1x1x16xf32>
      tpu.vector_store %arg8[%swap3A_60, %swap3A_61, %swap3A_62], %swap3A_65 {strides = array<i32>} : memref<2x128x128xf32, #tpu.memory_space<vmem>>, vector<1x1x16xf32>,
      %broadcast_in_dim3A_66 = arith.constant 0.000000e+00 : f32
      %broadcast_in_dim3A_67 = vector.broadcast %broadcast_in_dim3A_66 : f32 to vector<16xf32>
      %swap3A_68 = arith.constant 0 : i32
      %swap3A_69 = arith.index_cast %swap3A_68 : i32 to index
      %swap3A_70 = arith.index_cast %scan3A_40 : i32 to index
      %swap3A_71 = arith.constant 48 : index
      %swap3A_72 = tpu.vector_load %arg8[%swap3A_69, %swap3A_70, %swap3A_71] {strides = array<i32>} : memref<2x128x128xf32, #tpu.memory_space<vmem>>, vector<1x1x16xf32>,
      %swap3A_73 = vector.shape_cast %swap3A_72 : vector<1x1x16xf32> to vector<16xf32>
      %swap3A_74 = vector.shape_cast %broadcast_in_dim3A_67 : vector<16xf32> to vector<1x1x16xf32>
      tpu.vector_store %arg8[%swap3A_69, %swap3A_70, %swap3A_71], %swap3A_74 {strides = array<i32>} : memref<2x128x128xf32, #tpu.memory_space<vmem>>, vector<1x1x16xf32>,
      %broadcast_in_dim3A_75 = arith.constant 0.000000e+00 : f32
      %broadcast_in_dim3A_76 = vector.broadcast %broadcast_in_dim3A_75 : f32 to vector<16xf32>
      %swap3A_77 = arith.constant 0 : i32
      %swap3A_78 = arith.index_cast %swap3A_77 : i32 to index
      %swap3A_79 = arith.index_cast %scan3A_40 : i32 to index
      %swap3A_80 = arith.constant 64 : index
      %swap3A_81 = tpu.vector_load %arg8[%swap3A_78, %swap3A_79, %swap3A_80] {strides = array<i32>} : memref<2x128x128xf32, #tpu.memory_space<vmem>>, vector<1x1x16xf32>,
      %swap3A_82 = vector.shape_cast %swap3A_81 : vector<1x1x16xf32> to vector<16xf32>
      %swap3A_83 = vector.shape_cast %broadcast_in_dim3A_76 : vector<16xf32> to vector<1x1x16xf32>
      tpu.vector_store %arg8[%swap3A_78, %swap3A_79, %swap3A_80], %swap3A_83 {strides = array<i32>} : memref<2x128x128xf32, #tpu.memory_space<vmem>>, vector<1x1x16xf32>,
      %broadcast_in_dim3A_84 = arith.constant 0.000000e+00 : f32
      %broadcast_in_dim3A_85 = vector.broadcast %broadcast_in_dim3A_84 : f32 to vector<16xf32>
      %swap3A_86 = arith.constant 0 : i32
      %swap3A_87 = arith.index_cast %swap3A_86 : i32 to index
      %swap3A_88 = arith.index_cast %scan3A_40 : i32 to index
      %swap3A_89 = arith.constant 80 : index
      %swap3A_90 = tpu.vector_load %arg8[%swap3A_87, %swap3A_88, %swap3A_89] {strides = array<i32>} : memref<2x128x128xf32, #tpu.memory_space<vmem>>, vector<1x1x16xf32>,
      %swap3A_91 = vector.shape_cast %swap3A_90 : vector<1x1x16xf32> to vector<16xf32>
      %swap3A_92 = vector.shape_cast %broadcast_in_dim3A_85 : vector<16xf32> to vector<1x1x16xf32>
      tpu.vector_store %arg8[%swap3A_87, %swap3A_88, %swap3A_89], %swap3A_92 {strides = array<i32>} : memref<2x128x128xf32, #tpu.memory_space<vmem>>, vector<1x1x16xf32>,
      %broadcast_in_dim3A_93 = arith.constant 0.000000e+00 : f32
      %broadcast_in_dim3A_94 = vector.broadcast %broadcast_in_dim3A_93 : f32 to vector<16xf32>
      %swap3A_95 = arith.constant 0 : i32
      %swap3A_96 = arith.index_cast %swap3A_95 : i32 to index
      %swap3A_97 = arith.index_cast %scan3A_40 : i32 to index
      %swap3A_98 = arith.constant 96 : index
      %swap3A_99 = tpu.vector_load %arg8[%swap3A_96, %swap3A_97, %swap3A_98] {strides = array<i32>} : memref<2x128x128xf32, #tpu.memory_space<vmem>>, vector<1x1x16xf32>,
      %swap3A_100 = vector.shape_cast %swap3A_99 : vector<1x1x16xf32> to vector<16xf32>
      %swap3A_101 = vector.shape_cast %broadcast_in_dim3A_94 : vector<16xf32> to vector<1x1x16xf32>
      tpu.vector_store %arg8[%swap3A_96, %swap3A_97, %swap3A_98], %swap3A_101 {strides = array<i32>} : memref<2x128x128xf32, #tpu.memory_space<vmem>>, vector<1x1x16xf32>,
      %broadcast_in_dim3A_102 = arith.constant 0.000000e+00 : f32
      %broadcast_in_dim3A_103 = vector.broadcast %broadcast_in_dim3A_102 : f32 to vector<16xf32>
      %swap3A_104 = arith.constant 0 : i32
      %swap3A_105 = arith.index_cast %swap3A_104 : i32 to index
      %swap3A_106 = arith.index_cast %scan3A_40 : i32 to index
      %swap3A_107 = arith.constant 112 : index
      %swap3A_108 = tpu.vector_load %arg8[%swap3A_105, %swap3A_106, %swap3A_107] {strides = array<i32>} : memref<2x128x128xf32, #tpu.memory_space<vmem>>, vector<1x1x16xf32>,
      %swap3A_109 = vector.shape_cast %swap3A_108 : vector<1x1x16xf32> to vector<16xf32>
      %swap3A_110 = vector.shape_cast %broadcast_in_dim3A_103 : vector<16xf32> to vector<1x1x16xf32>
      tpu.vector_store %arg8[%swap3A_105, %swap3A_106, %swap3A_107], %swap3A_110 {strides = array<i32>} : memref<2x128x128xf32, #tpu.memory_space<vmem>>, vector<1x1x16xf32>,
    }
    %scan3A_4 = arith.constant 128 : i32
    %mul3A = arith.constant 632 : i32
    %mul3A_5 = arith.muli %arg1, %mul3A : i32
    %add3A = arith.constant 0 : i32
    %add3A_6 = arith.addi %mul3A_5, %add3A : i32
    %run_scoped3A = arith.constant 0 : i32
    "tpu.region"() ({
      %run_scoped3A_40 = tpu.sem_alloc : memref<!tpu.dma_semaphore, #tpu.memory_space<semaphore_mem>>
      %dma_start3A = arith.constant 0 : i32
      %dma_start3A_41 = arith.constant 0 : i32
      %dma_start3A_42 = tpu.memref_slice %arg8[%run_scoped3A, %dma_start3A, %dma_start3A_41] : memref<2x128x128xf32, #tpu.memory_space<vmem>> -> memref<1x128x128xf32, #tpu.memory_space<vmem>>
      %dma_start3A_43 = tpu.memref_squeeze %dma_start3A_42 : memref<1x128x128xf32, #tpu.memory_space<vmem>> -> memref<128x128xf32, #tpu.memory_space<vmem>>
      %dma_start3A_44 = arith.constant 0 : i32
      %dma_start3A_45 = tpu.memref_slice %arg9[%add3A_6, %dma_start3A_44] : memref<10112x128xf32, #tpu.memory_space<vmem_shared>> -> memref<128x128xf32, #tpu.memory_space<vmem_shared>>
      %dma_start3A_46 = arith.constant 0 : i32
      %dma_start3A_47 = tpu.memref_slice %arg9[%add3A_6, %dma_start3A_46] : memref<10112x128xf32, #tpu.memory_space<vmem_shared>> -> memref<128x128xf32, #tpu.memory_space<vmem_shared>>
      %dma_start3A_48 = arith.constant 0 : i32
      %dma_start3A_49 = arith.constant 0 : i32
      %dma_start3A_50 = tpu.memref_slice %arg8[%run_scoped3A, %dma_start3A_48, %dma_start3A_49] : memref<2x128x128xf32, #tpu.memory_space<vmem>> -> memref<1x128x128xf32, #tpu.memory_space<vmem>>
      %dma_start3A_51 = tpu.memref_squeeze %dma_start3A_50 : memref<1x128x128xf32, #tpu.memory_space<vmem>> -> memref<128x128xf32, #tpu.memory_space<vmem>>
      tpu.enqueue_dma source(%dma_start3A_51 : memref<128x128xf32, #tpu.memory_space<vmem>>) target(%dma_start3A_47 : memref<128x128xf32, #tpu.memory_space<vmem_shared>>) target_semaphore(%run_scoped3A_40 : memref<!tpu.dma_semaphore, #tpu.memory_space<semaphore_mem>>)
      %dma_wait3A = arith.constant 0 : i32
      %dma_wait3A_52 = arith.constant 0 : i32
      %dma_wait3A_53 = tpu.memref_slice %arg8[%run_scoped3A, %dma_wait3A, %dma_wait3A_52] : memref<2x128x128xf32, #tpu.memory_space<vmem>> -> memref<1x128x128xf32, #tpu.memory_space<vmem>>
      %dma_wait3A_54 = tpu.memref_squeeze %dma_wait3A_53 : memref<1x128x128xf32, #tpu.memory_space<vmem>> -> memref<128x128xf32, #tpu.memory_space<vmem>>
      %dma_wait3A_55 = arith.constant 0 : i32
      %dma_wait3A_56 = tpu.memref_slice %arg9[%add3A_6, %dma_wait3A_55] : memref<10112x128xf32, #tpu.memory_space<vmem_shared>> -> memref<128x128xf32, #tpu.memory_space<vmem_shared>>
      %dma_wait3A_57 = arith.constant 0 : i32
      %dma_wait3A_58 = tpu.memref_slice %arg9[%add3A_6, %dma_wait3A_57] : memref<10112x128xf32, #tpu.memory_space<vmem_shared>> -> memref<128x128xf32, #tpu.memory_space<vmem_shared>>
      %dma_wait3A_59 = arith.constant 0 : i32
      %dma_wait3A_60 = arith.constant 0 : i32
      %dma_wait3A_61 = tpu.memref_slice %arg8[%run_scoped3A, %dma_wait3A_59, %dma_wait3A_60] : memref<2x128x128xf32, #tpu.memory_space<vmem>> -> memref<1x128x128xf32, #tpu.memory_space<vmem>>
      %dma_wait3A_62 = tpu.memref_squeeze %dma_wait3A_61 : memref<1x128x128xf32, #tpu.memory_space<vmem>> -> memref<128x128xf32, #tpu.memory_space<vmem>>
      tpu.wait_dma2 semaphore(%run_scoped3A_40 : memref<!tpu.dma_semaphore, #tpu.memory_space<semaphore_mem>>) src(%dma_wait3A_62 : memref<128x128xf32, #tpu.memory_space<vmem>>) dst(%dma_wait3A_58 : memref<128x128xf32, #tpu.memory_space<vmem_shared>>)
      tpu.yield
    }) : () -> ()
    %mul3A_7 = arith.constant 632 : i32
    %mul3A_8 = arith.muli %arg1, %mul3A_7 : i32
    %add3A_9 = arith.constant 128 : i32
    %add3A_10 = arith.addi %mul3A_8, %add3A_9 : i32
    %run_scoped3A_11 = arith.constant 0 : i32
    "tpu.region"() ({
      %run_scoped3A_40 = tpu.sem_alloc : memref<!tpu.dma_semaphore, #tpu.memory_space<semaphore_mem>>
      %dma_start3A = arith.constant 0 : i32
      %dma_start3A_41 = arith.constant 0 : i32
      %dma_start3A_42 = tpu.memref_slice %arg8[%run_scoped3A_11, %dma_start3A, %dma_start3A_41] : memref<2x128x128xf32, #tpu.memory_space<vmem>> -> memref<1x128x128xf32, #tpu.memory_space<vmem>>
      %dma_start3A_43 = tpu.memref_squeeze %dma_start3A_42 : memref<1x128x128xf32, #tpu.memory_space<vmem>> -> memref<128x128xf32, #tpu.memory_space<vmem>>
      %dma_start3A_44 = arith.constant 0 : i32
      %dma_start3A_45 = tpu.memref_slice %arg9[%add3A_10, %dma_start3A_44] : memref<10112x128xf32, #tpu.memory_space<vmem_shared>> -> memref<128x128xf32, #tpu.memory_space<vmem_shared>>
      %dma_start3A_46 = arith.constant 0 : i32
      %dma_start3A_47 = tpu.memref_slice %arg9[%add3A_10, %dma_start3A_46] : memref<10112x128xf32, #tpu.memory_space<vmem_shared>> -> memref<128x128xf32, #tpu.memory_space<vmem_shared>>
      %dma_start3A_48 = arith.constant 0 : i32
      %dma_start3A_49 = arith.constant 0 : i32
      %dma_start3A_50 = tpu.memref_slice %arg8[%run_scoped3A_11, %dma_start3A_48, %dma_start3A_49] : memref<2x128x128xf32, #tpu.memory_space<vmem>> -> memref<1x128x128xf32, #tpu.memory_space<vmem>>
      %dma_start3A_51 = tpu.memref_squeeze %dma_start3A_50 : memref<1x128x128xf32, #tpu.memory_space<vmem>> -> memref<128x128xf32, #tpu.memory_space<vmem>>
      tpu.enqueue_dma source(%dma_start3A_51 : memref<128x128xf32, #tpu.memory_space<vmem>>) target(%dma_start3A_47 : memref<128x128xf32, #tpu.memory_space<vmem_shared>>) target_semaphore(%run_scoped3A_40 : memref<!tpu.dma_semaphore, #tpu.memory_space<semaphore_mem>>)
      %dma_wait3A = arith.constant 0 : i32
      %dma_wait3A_52 = arith.constant 0 : i32
      %dma_wait3A_53 = tpu.memref_slice %arg8[%run_scoped3A_11, %dma_wait3A, %dma_wait3A_52] : memref<2x128x128xf32, #tpu.memory_space<vmem>> -> memref<1x128x128xf32, #tpu.memory_space<vmem>>
      %dma_wait3A_54 = tpu.memref_squeeze %dma_wait3A_53 : memref<1x128x128xf32, #tpu.memory_space<vmem>> -> memref<128x128xf32, #tpu.memory_space<vmem>>
      %dma_wait3A_55 = arith.constant 0 : i32
      %dma_wait3A_56 = tpu.memref_slice %arg9[%add3A_10, %dma_wait3A_55] : memref<10112x128xf32, #tpu.memory_space<vmem_shared>> -> memref<128x128xf32, #tpu.memory_space<vmem_shared>>
      %dma_wait3A_57 = arith.constant 0 : i32
      %dma_wait3A_58 = tpu.memref_slice %arg9[%add3A_10, %dma_wait3A_57] : memref<10112x128xf32, #tpu.memory_space<vmem_shared>> -> memref<128x128xf32, #tpu.memory_space<vmem_shared>>
      %dma_wait3A_59 = arith.constant 0 : i32
      %dma_wait3A_60 = arith.constant 0 : i32
      %dma_wait3A_61 = tpu.memref_slice %arg8[%run_scoped3A_11, %dma_wait3A_59, %dma_wait3A_60] : memref<2x128x128xf32, #tpu.memory_space<vmem>> -> memref<1x128x128xf32, #tpu.memory_space<vmem>>
      %dma_wait3A_62 = tpu.memref_squeeze %dma_wait3A_61 : memref<1x128x128xf32, #tpu.memory_space<vmem>> -> memref<128x128xf32, #tpu.memory_space<vmem>>
      tpu.wait_dma2 semaphore(%run_scoped3A_40 : memref<!tpu.dma_semaphore, #tpu.memory_space<semaphore_mem>>) src(%dma_wait3A_62 : memref<128x128xf32, #tpu.memory_space<vmem>>) dst(%dma_wait3A_58 : memref<128x128xf32, #tpu.memory_space<vmem_shared>>)
      tpu.yield
    }) : () -> ()
    %mul3A_12 = arith.constant 632 : i32
    %mul3A_13 = arith.muli %arg1, %mul3A_12 : i32
    %add3A_14 = arith.constant 256 : i32
    %add3A_15 = arith.addi %mul3A_13, %add3A_14 : i32
    %run_scoped3A_16 = arith.constant 0 : i32
    "tpu.region"() ({
      %run_scoped3A_40 = tpu.sem_alloc : memref<!tpu.dma_semaphore, #tpu.memory_space<semaphore_mem>>
      %dma_start3A = arith.constant 0 : i32
      %dma_start3A_41 = arith.constant 0 : i32
      %dma_start3A_42 = tpu.memref_slice %arg8[%run_scoped3A_16, %dma_start3A, %dma_start3A_41] : memref<2x128x128xf32, #tpu.memory_space<vmem>> -> memref<1x128x128xf32, #tpu.memory_space<vmem>>
      %dma_start3A_43 = tpu.memref_squeeze %dma_start3A_42 : memref<1x128x128xf32, #tpu.memory_space<vmem>> -> memref<128x128xf32, #tpu.memory_space<vmem>>
      %dma_start3A_44 = arith.constant 0 : i32
      %dma_start3A_45 = tpu.memref_slice %arg9[%add3A_15, %dma_start3A_44] : memref<10112x128xf32, #tpu.memory_space<vmem_shared>> -> memref<128x128xf32, #tpu.memory_space<vmem_shared>>
      %dma_start3A_46 = arith.constant 0 : i32
      %dma_start3A_47 = tpu.memref_slice %arg9[%add3A_15, %dma_start3A_46] : memref<10112x128xf32, #tpu.memory_space<vmem_shared>> -> memref<128x128xf32, #tpu.memory_space<vmem_shared>>
      %dma_start3A_48 = arith.constant 0 : i32
      %dma_start3A_49 = arith.constant 0 : i32
      %dma_start3A_50 = tpu.memref_slice %arg8[%run_scoped3A_16, %dma_start3A_48, %dma_start3A_49] : memref<2x128x128xf32, #tpu.memory_space<vmem>> -> memref<1x128x128xf32, #tpu.memory_space<vmem>>
      %dma_start3A_51 = tpu.memref_squeeze %dma_start3A_50 : memref<1x128x128xf32, #tpu.memory_space<vmem>> -> memref<128x128xf32, #tpu.memory_space<vmem>>
      tpu.enqueue_dma source(%dma_start3A_51 : memref<128x128xf32, #tpu.memory_space<vmem>>) target(%dma_start3A_47 : memref<128x128xf32, #tpu.memory_space<vmem_shared>>) target_semaphore(%run_scoped3A_40 : memref<!tpu.dma_semaphore, #tpu.memory_space<semaphore_mem>>)
      %dma_wait3A = arith.constant 0 : i32
      %dma_wait3A_52 = arith.constant 0 : i32
      %dma_wait3A_53 = tpu.memref_slice %arg8[%run_scoped3A_16, %dma_wait3A, %dma_wait3A_52] : memref<2x128x128xf32, #tpu.memory_space<vmem>> -> memref<1x128x128xf32, #tpu.memory_space<vmem>>
      %dma_wait3A_54 = tpu.memref_squeeze %dma_wait3A_53 : memref<1x128x128xf32, #tpu.memory_space<vmem>> -> memref<128x128xf32, #tpu.memory_space<vmem>>
      %dma_wait3A_55 = arith.constant 0 : i32
      %dma_wait3A_56 = tpu.memref_slice %arg9[%add3A_15, %dma_wait3A_55] : memref<10112x128xf32, #tpu.memory_space<vmem_shared>> -> memref<128x128xf32, #tpu.memory_space<vmem_shared>>
      %dma_wait3A_57 = arith.constant 0 : i32
      %dma_wait3A_58 = tpu.memref_slice %arg9[%add3A_15, %dma_wait3A_57] : memref<10112x128xf32, #tpu.memory_space<vmem_shared>> -> memref<128x128xf32, #tpu.memory_space<vmem_shared>>
      %dma_wait3A_59 = arith.constant 0 : i32
      %dma_wait3A_60 = arith.constant 0 : i32
      %dma_wait3A_61 = tpu.memref_slice %arg8[%run_scoped3A_16, %dma_wait3A_59, %dma_wait3A_60] : memref<2x128x128xf32, #tpu.memory_space<vmem>> -> memref<1x128x128xf32, #tpu.memory_space<vmem>>
      %dma_wait3A_62 = tpu.memref_squeeze %dma_wait3A_61 : memref<1x128x128xf32, #tpu.memory_space<vmem>> -> memref<128x128xf32, #tpu.memory_space<vmem>>
      tpu.wait_dma2 semaphore(%run_scoped3A_40 : memref<!tpu.dma_semaphore, #tpu.memory_space<semaphore_mem>>) src(%dma_wait3A_62 : memref<128x128xf32, #tpu.memory_space<vmem>>) dst(%dma_wait3A_58 : memref<128x128xf32, #tpu.memory_space<vmem_shared>>)
      tpu.yield
    }) : () -> ()
    %mul3A_17 = arith.constant 632 : i32
    %mul3A_18 = arith.muli %arg1, %mul3A_17 : i32
    %add3A_19 = arith.constant 384 : i32
    %add3A_20 = arith.addi %mul3A_18, %add3A_19 : i32
    %run_scoped3A_21 = arith.constant 0 : i32
    "tpu.region"() ({
      %run_scoped3A_40 = tpu.sem_alloc : memref<!tpu.dma_semaphore, #tpu.memory_space<semaphore_mem>>
      %dma_start3A = arith.constant 0 : i32
      %dma_start3A_41 = arith.constant 0 : i32
      %dma_start3A_42 = tpu.memref_slice %arg8[%run_scoped3A_21, %dma_start3A, %dma_start3A_41] : memref<2x128x128xf32, #tpu.memory_space<vmem>> -> memref<1x128x128xf32, #tpu.memory_space<vmem>>
      %dma_start3A_43 = tpu.memref_squeeze %dma_start3A_42 : memref<1x128x128xf32, #tpu.memory_space<vmem>> -> memref<128x128xf32, #tpu.memory_space<vmem>>
      %dma_start3A_44 = arith.constant 0 : i32
      %dma_start3A_45 = tpu.memref_slice %arg9[%add3A_20, %dma_start3A_44] : memref<10112x128xf32, #tpu.memory_space<vmem_shared>> -> memref<128x128xf32, #tpu.memory_space<vmem_shared>>
      %dma_start3A_46 = arith.constant 0 : i32
      %dma_start3A_47 = tpu.memref_slice %arg9[%add3A_20, %dma_start3A_46] : memref<10112x128xf32, #tpu.memory_space<vmem_shared>> -> memref<128x128xf32, #tpu.memory_space<vmem_shared>>
      %dma_start3A_48 = arith.constant 0 : i32
      %dma_start3A_49 = arith.constant 0 : i32
      %dma_start3A_50 = tpu.memref_slice %arg8[%run_scoped3A_21, %dma_start3A_48, %dma_start3A_49] : memref<2x128x128xf32, #tpu.memory_space<vmem>> -> memref<1x128x128xf32, #tpu.memory_space<vmem>>
      %dma_start3A_51 = tpu.memref_squeeze %dma_start3A_50 : memref<1x128x128xf32, #tpu.memory_space<vmem>> -> memref<128x128xf32, #tpu.memory_space<vmem>>
      tpu.enqueue_dma source(%dma_start3A_51 : memref<128x128xf32, #tpu.memory_space<vmem>>) target(%dma_start3A_47 : memref<128x128xf32, #tpu.memory_space<vmem_shared>>) target_semaphore(%run_scoped3A_40 : memref<!tpu.dma_semaphore, #tpu.memory_space<semaphore_mem>>)
      %dma_wait3A = arith.constant 0 : i32
      %dma_wait3A_52 = arith.constant 0 : i32
      %dma_wait3A_53 = tpu.memref_slice %arg8[%run_scoped3A_21, %dma_wait3A, %dma_wait3A_52] : memref<2x128x128xf32, #tpu.memory_space<vmem>> -> memref<1x128x128xf32, #tpu.memory_space<vmem>>
      %dma_wait3A_54 = tpu.memref_squeeze %dma_wait3A_53 : memref<1x128x128xf32, #tpu.memory_space<vmem>> -> memref<128x128xf32, #tpu.memory_space<vmem>>
      %dma_wait3A_55 = arith.constant 0 : i32
      %dma_wait3A_56 = tpu.memref_slice %arg9[%add3A_20, %dma_wait3A_55] : memref<10112x128xf32, #tpu.memory_space<vmem_shared>> -> memref<128x128xf32, #tpu.memory_space<vmem_shared>>
      %dma_wait3A_57 = arith.constant 0 : i32
      %dma_wait3A_58 = tpu.memref_slice %arg9[%add3A_20, %dma_wait3A_57] : memref<10112x128xf32, #tpu.memory_space<vmem_shared>> -> memref<128x128xf32, #tpu.memory_space<vmem_shared>>
      %dma_wait3A_59 = arith.constant 0 : i32
      %dma_wait3A_60 = arith.constant 0 : i32
      %dma_wait3A_61 = tpu.memref_slice %arg8[%run_scoped3A_21, %dma_wait3A_59, %dma_wait3A_60] : memref<2x128x128xf32, #tpu.memory_space<vmem>> -> memref<1x128x128xf32, #tpu.memory_space<vmem>>
      %dma_wait3A_62 = tpu.memref_squeeze %dma_wait3A_61 : memref<1x128x128xf32, #tpu.memory_space<vmem>> -> memref<128x128xf32, #tpu.memory_space<vmem>>
      tpu.wait_dma2 semaphore(%run_scoped3A_40 : memref<!tpu.dma_semaphore, #tpu.memory_space<semaphore_mem>>) src(%dma_wait3A_62 : memref<128x128xf32, #tpu.memory_space<vmem>>) dst(%dma_wait3A_58 : memref<128x128xf32, #tpu.memory_space<vmem_shared>>)
      tpu.yield
    }) : () -> ()
    %mul3A_22 = arith.constant 632 : i32
    %mul3A_23 = arith.muli %arg1, %mul3A_22 : i32
    %add3A_24 = arith.constant 632 : i32
    %add3A_25 = arith.addi %mul3A_23, %add3A_24 : i32
    %sub3A = arith.constant 120 : i32
    %sub3A_26 = arith.subi %add3A_25, %sub3A : i32
    %run_scoped3A_27 = arith.constant 0 : i32
    "tpu.region"() ({
      %run_scoped3A_40 = tpu.sem_alloc : memref<!tpu.dma_semaphore, #tpu.memory_space<semaphore_mem>>
      %dma_start3A = arith.constant 0 : i32
      %dma_start3A_41 = arith.constant 0 : i32
      %dma_start3A_42 = tpu.memref_slice %arg8[%run_scoped3A_27, %dma_start3A, %dma_start3A_41] : memref<2x128x128xf32, #tpu.memory_space<vmem>> -> memref<1x128x128xf32, #tpu.memory_space<vmem>>
      %dma_start3A_43 = tpu.memref_squeeze %dma_start3A_42 : memref<1x128x128xf32, #tpu.memory_space<vmem>> -> memref<128x128xf32, #tpu.memory_space<vmem>>
      %dma_start3A_44 = arith.constant 0 : i32
      %dma_start3A_45 = arith.constant 0 : i32
      %dma_start3A_46 = tpu.memref_slice %dma_start3A_43[%dma_start3A_44, %dma_start3A_45] : memref<128x128xf32, #tpu.memory_space<vmem>> -> memref<120x128xf32, #tpu.memory_space<vmem>>
      %dma_start3A_47 = arith.constant 0 : i32
      %dma_start3A_48 = tpu.memref_slice %arg9[%sub3A_26, %dma_start3A_47] : memref<10112x128xf32, #tpu.memory_space<vmem_shared>> -> memref<120x128xf32, #tpu.memory_space<vmem_shared>>
      %dma_start3A_49 = arith.constant 0 : i32
      %dma_start3A_50 = tpu.memref_slice %arg9[%sub3A_26, %dma_start3A_49] : memref<10112x128xf32, #tpu.memory_space<vmem_shared>> -> memref<120x128xf32, #tpu.memory_space<vmem_shared>>
      %dma_start3A_51 = arith.constant 0 : i32
      %dma_start3A_52 = arith.constant 0 : i32
      %dma_start3A_53 = tpu.memref_slice %arg8[%run_scoped3A_27, %dma_start3A_51, %dma_start3A_52] : memref<2x128x128xf32, #tpu.memory_space<vmem>> -> memref<1x128x128xf32, #tpu.memory_space<vmem>>
      %dma_start3A_54 = tpu.memref_squeeze %dma_start3A_53 : memref<1x128x128xf32, #tpu.memory_space<vmem>> -> memref<128x128xf32, #tpu.memory_space<vmem>>
      %dma_start3A_55 = arith.constant 0 : i32
      %dma_start3A_56 = arith.constant 0 : i32
      %dma_start3A_57 = tpu.memref_slice %dma_start3A_54[%dma_start3A_55, %dma_start3A_56] : memref<128x128xf32, #tpu.memory_space<vmem>> -> memref<120x128xf32, #tpu.memory_space<vmem>>
      tpu.enqueue_dma source(%dma_start3A_57 : memref<120x128xf32, #tpu.memory_space<vmem>>) target(%dma_start3A_50 : memref<120x128xf32, #tpu.memory_space<vmem_shared>>) target_semaphore(%run_scoped3A_40 : memref<!tpu.dma_semaphore, #tpu.memory_space<semaphore_mem>>)
      %dma_wait3A = arith.constant 0 : i32
      %dma_wait3A_58 = arith.constant 0 : i32
      %dma_wait3A_59 = tpu.memref_slice %arg8[%run_scoped3A_27, %dma_wait3A, %dma_wait3A_58] : memref<2x128x128xf32, #tpu.memory_space<vmem>> -> memref<1x128x128xf32, #tpu.memory_space<vmem>>
      %dma_wait3A_60 = tpu.memref_squeeze %dma_wait3A_59 : memref<1x128x128xf32, #tpu.memory_space<vmem>> -> memref<128x128xf32, #tpu.memory_space<vmem>>
      %dma_wait3A_61 = arith.constant 0 : i32
      %dma_wait3A_62 = arith.constant 0 : i32
      %dma_wait3A_63 = tpu.memref_slice %dma_wait3A_60[%dma_wait3A_61, %dma_wait3A_62] : memref<128x128xf32, #tpu.memory_space<vmem>> -> memref<120x128xf32, #tpu.memory_space<vmem>>
      %dma_wait3A_64 = arith.constant 0 : i32
      %dma_wait3A_65 = tpu.memref_slice %arg9[%sub3A_26, %dma_wait3A_64] : memref<10112x128xf32, #tpu.memory_space<vmem_shared>> -> memref<120x128xf32, #tpu.memory_space<vmem_shared>>
      %dma_wait3A_66 = arith.constant 0 : i32
      %dma_wait3A_67 = tpu.memref_slice %arg9[%sub3A_26, %dma_wait3A_66] : memref<10112x128xf32, #tpu.memory_space<vmem_shared>> -> memref<120x128xf32, #tpu.memory_space<vmem_shared>>
      %dma_wait3A_68 = arith.constant 0 : i32
      %dma_wait3A_69 = arith.constant 0 : i32
      %dma_wait3A_70 = tpu.memref_slice %arg8[%run_scoped3A_27, %dma_wait3A_68, %dma_wait3A_69] : memref<2x128x128xf32, #tpu.memory_space<vmem>> -> memref<1x128x128xf32, #tpu.memory_space<vmem>>
      %dma_wait3A_71 = tpu.memref_squeeze %dma_wait3A_70 : memref<1x128x128xf32, #tpu.memory_space<vmem>> -> memref<128x128xf32, #tpu.memory_space<vmem>>
      %dma_wait3A_72 = arith.constant 0 : i32
      %dma_wait3A_73 = arith.constant 0 : i32
      %dma_wait3A_74 = tpu.memref_slice %dma_wait3A_71[%dma_wait3A_72, %dma_wait3A_73] : memref<128x128xf32, #tpu.memory_space<vmem>> -> memref<120x128xf32, #tpu.memory_space<vmem>>
      tpu.wait_dma2 semaphore(%run_scoped3A_40 : memref<!tpu.dma_semaphore, #tpu.memory_space<semaphore_mem>>) src(%dma_wait3A_74 : memref<120x128xf32, #tpu.memory_space<vmem>>) dst(%dma_wait3A_67 : memref<120x128xf32, #tpu.memory_space<vmem_shared>>)
      tpu.yield
    }) : () -> ()
    %barrier3A = arith.constant 0 : index
    tpu.barrier barrier_id(%barrier3A)
    %eq3A = arith.constant 0 : i32
    %eq3A_28 = arith.cmpi eq, %arg0, %eq3A : i32
    %convert_element_type3A = arith.extui %eq3A_28 : i1 to i32
    %cond3A = arith.constant 0 : i32
    %cond3A_29 = arith.cmpi ne, %convert_element_type3A, %cond3A : i32
    scf.if %cond3A_29 {
      %mul3A_40 = arith.constant 80 : i32
      %mul3A_41 = arith.muli %arg1, %mul3A_40 : i32
      %add3A_42 = arith.constant 0 : i32
      %add3A_43 = arith.addi %mul3A_41, %add3A_42 : i32
      "tpu.region"() ({
        %run_scoped3A_109 = tpu.sem_alloc : memref<!tpu.dma_semaphore, #tpu.memory_space<semaphore_mem>>
        %dma_start3A_110 = arith.constant 0 : i32
        %dma_start3A_111 = tpu.memref_slice %arg3[%add3A_43, %dma_start3A_110] : memref<2560x128xi32, #tpu.memory_space<hbm>> -> memref<40x128xi32, #tpu.memory_space<hbm>>
        %dma_start3A_112 = arith.constant 0 : i32
        %dma_start3A_113 = tpu.memref_slice %arg3[%add3A_43, %dma_start3A_112] : memref<2560x128xi32, #tpu.memory_space<hbm>> -> memref<40x128xi32, #tpu.memory_space<hbm>>
        tpu.enqueue_dma source(%dma_start3A_113 : memref<40x128xi32, #tpu.memory_space<hbm>>) target(%arg6 : memref<40x128xi32, #tpu.memory_space<vmem>>) target_semaphore(%run_scoped3A_109 : memref<!tpu.dma_semaphore, #tpu.memory_space<semaphore_mem>>)
        %dma_wait3A = arith.constant 0 : i32
        %dma_wait3A_114 = tpu.memref_slice %arg3[%add3A_43, %dma_wait3A] : memref<2560x128xi32, #tpu.memory_space<hbm>> -> memref<40x128xi32, #tpu.memory_space<hbm>>
        %dma_wait3A_115 = arith.constant 0 : i32
        %dma_wait3A_116 = tpu.memref_slice %arg3[%add3A_43, %dma_wait3A_115] : memref<2560x128xi32, #tpu.memory_space<hbm>> -> memref<40x128xi32, #tpu.memory_space<hbm>>
        tpu.wait_dma2 semaphore(%run_scoped3A_109 : memref<!tpu.dma_semaphore, #tpu.memory_space<semaphore_mem>>) src(%dma_wait3A_116 : memref<40x128xi32, #tpu.memory_space<hbm>>) dst(%arg6 : memref<40x128xi32, #tpu.memory_space<vmem>>)
        tpu.yield
      }) : () -> ()
      %add3A_44 = arith.constant 0 : i32
      %add3A_45 = arith.addi %mul3A_41, %add3A_44 : i32
      "tpu.region"() ({
        %run_scoped3A_109 = tpu.sem_alloc : memref<!tpu.dma_semaphore, #tpu.memory_space<semaphore_mem>>
        %dma_start3A_110 = arith.constant 0 : i32
        %dma_start3A_111 = tpu.memref_slice %arg4[%add3A_45, %dma_start3A_110] : memref<2560x128xi32, #tpu.memory_space<hbm>> -> memref<40x128xi32, #tpu.memory_space<hbm>>
        %dma_start3A_112 = arith.constant 0 : i32
        %dma_start3A_113 = tpu.memref_slice %arg4[%add3A_45, %dma_start3A_112] : memref<2560x128xi32, #tpu.memory_space<hbm>> -> memref<40x128xi32, #tpu.memory_space<hbm>>
        tpu.enqueue_dma source(%dma_start3A_113 : memref<40x128xi32, #tpu.memory_space<hbm>>) target(%arg7 : memref<40x128xi32, #tpu.memory_space<vmem>>) target_semaphore(%run_scoped3A_109 : memref<!tpu.dma_semaphore, #tpu.memory_space<semaphore_mem>>)
        %dma_wait3A = arith.constant 0 : i32
        %dma_wait3A_114 = tpu.memref_slice %arg4[%add3A_45, %dma_wait3A] : memref<2560x128xi32, #tpu.memory_space<hbm>> -> memref<40x128xi32, #tpu.memory_space<hbm>>
        %dma_wait3A_115 = arith.constant 0 : i32
        %dma_wait3A_116 = tpu.memref_slice %arg4[%add3A_45, %dma_wait3A_115] : memref<2560x128xi32, #tpu.memory_space<hbm>> -> memref<40x128xi32, #tpu.memory_space<hbm>>
        tpu.wait_dma2 semaphore(%run_scoped3A_109 : memref<!tpu.dma_semaphore, #tpu.memory_space<semaphore_mem>>) src(%dma_wait3A_116 : memref<40x128xi32, #tpu.memory_space<hbm>>) dst(%arg7 : memref<40x128xi32, #tpu.memory_space<vmem>>)
        tpu.yield
      }) : () -> ()
      %dma_start3A = arith.constant 0 : i32
      %dma_start3A_46 = arith.constant 0 : i32
      %dma_start3A_47 = arith.constant 0 : i32
      %dma_start3A_48 = arith.constant 0 : i32
      %dma_start3A_49 = tpu.memref_slice %arg8[%dma_start3A_46, %dma_start3A_47, %dma_start3A_48] : memref<2x128x128xf32, #tpu.memory_space<vmem>> -> memref<1x128x128xf32, #tpu.memory_space<vmem>>
      %dma_start3A_50 = tpu.memref_squeeze %dma_start3A_49 : memref<1x128x128xf32, #tpu.memory_space<vmem>> -> memref<128x128xf32, #tpu.memory_space<vmem>>
      %dma_start3A_51 = arith.constant 0 : i32
      %dma_start3A_52 = tpu.memref_slice %arg6[%dma_start3A, %dma_start3A_51] : memref<40x128xi32, #tpu.memory_space<vmem>> -> memref<1x128xi32, #tpu.memory_space<vmem>>
      %dma_start3A_53 = tpu.memref_squeeze %dma_start3A_52 : memref<1x128xi32, #tpu.memory_space<vmem>> -> memref<128xi32, #tpu.memory_space<vmem>>
      %dma_start3A_54 = arith.constant 0 : i32
      %dma_start3A_55 = arith.constant 0 : i32
      %dma_start3A_56 = tpu.memref_slice %arg2[%dma_start3A_54, %dma_start3A_55] : memref<10000x128xf32, #tpu.memory_space<hbm>> -> memref<10000x128xf32, #tpu.memory_space<hbm>>
      tpu.enqueue_indirect_dma source(%dma_start3A_56 : memref<10000x128xf32, #tpu.memory_space<hbm>>) target(%dma_start3A_50 : memref<128x128xf32, #tpu.memory_space<vmem>>) offsets(%dma_start3A_53 : memref<128xi32, #tpu.memory_space<vmem>>) semaphore(%arg10 : memref<!tpu.dma_semaphore, #tpu.memory_space<semaphore_mem>>)
      %dma_start3A_57 = arith.constant 1 : i32
      %dma_start3A_58 = arith.constant 1 : i32
      %dma_start3A_59 = arith.constant 0 : i32
      %dma_start3A_60 = arith.constant 0 : i32
      %dma_start3A_61 = tpu.memref_slice %arg8[%dma_start3A_58, %dma_start3A_59, %dma_start3A_60] : memref<2x128x128xf32, #tpu.memory_space<vmem>> -> memref<1x128x128xf32, #tpu.memory_space<vmem>>
      %dma_start3A_62 = tpu.memref_squeeze %dma_start3A_61 : memref<1x128x128xf32, #tpu.memory_space<vmem>> -> memref<128x128xf32, #tpu.memory_space<vmem>>
      %dma_start3A_63 = arith.constant 0 : i32
      %dma_start3A_64 = tpu.memref_slice %arg6[%dma_start3A_57, %dma_start3A_63] : memref<40x128xi32, #tpu.memory_space<vmem>> -> memref<1x128xi32, #tpu.memory_space<vmem>>
      %dma_start3A_65 = tpu.memref_squeeze %dma_start3A_64 : memref<1x128xi32, #tpu.memory_space<vmem>> -> memref<128xi32, #tpu.memory_space<vmem>>
      %dma_start3A_66 = arith.constant 0 : i32
      %dma_start3A_67 = arith.constant 0 : i32
      %dma_start3A_68 = tpu.memref_slice %arg2[%dma_start3A_66, %dma_start3A_67] : memref<10000x128xf32, #tpu.memory_space<hbm>> -> memref<10000x128xf32, #tpu.memory_space<hbm>>
      tpu.enqueue_indirect_dma source(%dma_start3A_68 : memref<10000x128xf32, #tpu.memory_space<hbm>>) target(%dma_start3A_62 : memref<128x128xf32, #tpu.memory_space<vmem>>) offsets(%dma_start3A_65 : memref<128xi32, #tpu.memory_space<vmem>>) semaphore(%arg11 : memref<!tpu.dma_semaphore, #tpu.memory_space<semaphore_mem>>)
      %scan3A_69 = arith.constant 0 : i32
      %scan3A_70 = arith.constant 0 : i32
      %scan3A_71 = arith.constant 20 : i32
      %scan3A_72 = arith.addi %scan3A_70, %scan3A_71 : i32
      %scan3A_73 = arith.constant 1 : i32
      scf.for %scan3A_109 = %scan3A_70 to %scan3A_72 step %scan3A_73  : i32 {
        %mul3A_110 = arith.constant 2 : i32
        %mul3A_111 = arith.muli %scan3A_109, %mul3A_110 : i32
        %add3A_112 = arith.constant 0 : i32
        %add3A_113 = arith.addi %mul3A_111, %add3A_112 : i32
        %dma_wait3A = arith.constant 0 : i32
        %dma_wait3A_114 = arith.constant 0 : i32
        %dma_wait3A_115 = arith.constant 0 : i32
        %dma_wait3A_116 = tpu.memref_slice %arg8[%dma_wait3A, %dma_wait3A_114, %dma_wait3A_115] : memref<2x128x128xf32, #tpu.memory_space<vmem>> -> memref<1x128x128xf32, #tpu.memory_space<vmem>>
        %dma_wait3A_117 = tpu.memref_squeeze %dma_wait3A_116 : memref<1x128x128xf32, #tpu.memory_space<vmem>> -> memref<128x128xf32, #tpu.memory_space<vmem>>
        %dma_wait3A_118 = arith.constant 0 : i32
        %dma_wait3A_119 = arith.constant 0 : i32
        %dma_wait3A_120 = tpu.memref_slice %arg2[%dma_wait3A_118, %dma_wait3A_119] : memref<10000x128xf32, #tpu.memory_space<hbm>> -> memref<128x128xf32, #tpu.memory_space<hbm>>
        %dma_wait3A_121 = arith.constant 0 : i32
        %dma_wait3A_122 = arith.constant 0 : i32
        %dma_wait3A_123 = tpu.memref_slice %arg8[%dma_wait3A, %dma_wait3A_121, %dma_wait3A_122] : memref<2x128x128xf32, #tpu.memory_space<vmem>> -> memref<1x128x128xf32, #tpu.memory_space<vmem>>
        %dma_wait3A_124 = tpu.memref_squeeze %dma_wait3A_123 : memref<1x128x128xf32, #tpu.memory_space<vmem>> -> memref<128x128xf32, #tpu.memory_space<vmem>>
        %dma_wait3A_125 = arith.constant 0 : i32
        %dma_wait3A_126 = arith.constant 0 : i32
        %dma_wait3A_127 = tpu.memref_slice %arg2[%dma_wait3A_125, %dma_wait3A_126] : memref<10000x128xf32, #tpu.memory_space<hbm>> -> memref<128x128xf32, #tpu.memory_space<hbm>>
        tpu.wait_dma2 semaphore(%arg10 : memref<!tpu.dma_semaphore, #tpu.memory_space<semaphore_mem>>) src(%dma_wait3A_127 : memref<128x128xf32, #tpu.memory_space<hbm>>) dst(%dma_wait3A_124 : memref<128x128xf32, #tpu.memory_space<vmem>>)
        %run_scoped3A_128 = arith.constant 0 : i32
        "tpu.region"() ({
          %run_scoped3A_162 = tpu.sem_alloc : memref<!tpu.dma_semaphore, #tpu.memory_space<semaphore_mem>>
          %dma_start3A_163 = arith.constant 0 : i32
          %dma_start3A_164 = arith.constant 0 : i32
          %dma_start3A_165 = tpu.memref_slice %arg8[%run_scoped3A_128, %dma_start3A_163, %dma_start3A_164] : memref<2x128x128xf32, #tpu.memory_space<vmem>> -> memref<1x128x128xf32, #tpu.memory_space<vmem>>
          %dma_start3A_166 = tpu.memref_squeeze %dma_start3A_165 : memref<1x128x128xf32, #tpu.memory_space<vmem>> -> memref<128x128xf32, #tpu.memory_space<vmem>>
          %dma_start3A_167 = arith.constant 0 : i32
          %dma_start3A_168 = tpu.memref_slice %arg7[%add3A_113, %dma_start3A_167] : memref<40x128xi32, #tpu.memory_space<vmem>> -> memref<1x128xi32, #tpu.memory_space<vmem>>
          %dma_start3A_169 = tpu.memref_squeeze %dma_start3A_168 : memref<1x128xi32, #tpu.memory_space<vmem>> -> memref<128xi32, #tpu.memory_space<vmem>>
          %dma_start3A_170 = arith.constant 0 : i32
          %dma_start3A_171 = arith.constant 0 : i32
          %dma_start3A_172 = tpu.memref_slice %arg9[%dma_start3A_170, %dma_start3A_171] : memref<10112x128xf32, #tpu.memory_space<vmem_shared>> -> memref<10112x128xf32, #tpu.memory_space<vmem_shared>>
          tpu.enqueue_indirect_dma source(%dma_start3A_166 : memref<128x128xf32, #tpu.memory_space<vmem>>) target(%dma_start3A_172 : memref<10112x128xf32, #tpu.memory_space<vmem_shared>>) offsets(%dma_start3A_169 : memref<128xi32, #tpu.memory_space<vmem>>) semaphore(%run_scoped3A_162 : memref<!tpu.dma_semaphore, #tpu.memory_space<semaphore_mem>>) {add = true}
          %dma_wait3A_173 = arith.constant 0 : i32
          %dma_wait3A_174 = arith.constant 0 : i32
          %dma_wait3A_175 = tpu.memref_slice %arg8[%run_scoped3A_128, %dma_wait3A_173, %dma_wait3A_174] : memref<2x128x128xf32, #tpu.memory_space<vmem>> -> memref<1x128x128xf32, #tpu.memory_space<vmem>>
          %dma_wait3A_176 = tpu.memref_squeeze %dma_wait3A_175 : memref<1x128x128xf32, #tpu.memory_space<vmem>> -> memref<128x128xf32, #tpu.memory_space<vmem>>
          %dma_wait3A_177 = arith.constant 0 : i32
          %dma_wait3A_178 = tpu.memref_slice %arg7[%add3A_113, %dma_wait3A_177] : memref<40x128xi32, #tpu.memory_space<vmem>> -> memref<1x128xi32, #tpu.memory_space<vmem>>
          %dma_wait3A_179 = tpu.memref_squeeze %dma_wait3A_178 : memref<1x128xi32, #tpu.memory_space<vmem>> -> memref<128xi32, #tpu.memory_space<vmem>>
          %dma_wait3A_180 = arith.constant 0 : i32
          %dma_wait3A_181 = arith.constant 0 : i32
          %dma_wait3A_182 = tpu.memref_slice %arg9[%dma_wait3A_180, %dma_wait3A_181] : memref<10112x128xf32, #tpu.memory_space<vmem_shared>> -> memref<10112x128xf32, #tpu.memory_space<vmem_shared>>
          tpu.wait_indirect_dma semaphore(%run_scoped3A_162 : memref<!tpu.dma_semaphore, #tpu.memory_space<semaphore_mem>>) src(%dma_wait3A_176 : memref<128x128xf32, #tpu.memory_space<vmem>>) dst(%dma_wait3A_182 : memref<10112x128xf32, #tpu.memory_space<vmem_shared>>)
          tpu.yield
        }) : () -> ()
        %add3A_129 = arith.constant 2 : i32
        %add3A_130 = arith.addi %add3A_113, %add3A_129 : i32
        %lt3A = arith.constant 40 : i32
        %lt3A_131 = arith.cmpi slt, %add3A_130, %lt3A : i32
        %convert_element_type3A_132 = arith.extui %lt3A_131 : i1 to i32
        %cond3A_133 = arith.constant 0 : i32
        %cond3A_134 = arith.cmpi ne, %convert_element_type3A_132, %cond3A_133 : i32
        scf.if %cond3A_134 {
          %add3A_162 = arith.constant 2 : i32
          %add3A_163 = arith.addi %add3A_113, %add3A_162 : i32
          %dma_start3A_164 = arith.constant 0 : i32
          %dma_start3A_165 = arith.constant 0 : i32
          %dma_start3A_166 = arith.constant 0 : i32
          %dma_start3A_167 = tpu.memref_slice %arg8[%dma_start3A_164, %dma_start3A_165, %dma_start3A_166] : memref<2x128x128xf32, #tpu.memory_space<vmem>> -> memref<1x128x128xf32, #tpu.memory_space<vmem>>
          %dma_start3A_168 = tpu.memref_squeeze %dma_start3A_167 : memref<1x128x128xf32, #tpu.memory_space<vmem>> -> memref<128x128xf32, #tpu.memory_space<vmem>>
          %dma_start3A_169 = arith.constant 0 : i32
          %dma_start3A_170 = tpu.memref_slice %arg6[%add3A_163, %dma_start3A_169] : memref<40x128xi32, #tpu.memory_space<vmem>> -> memref<1x128xi32, #tpu.memory_space<vmem>>
          %dma_start3A_171 = tpu.memref_squeeze %dma_start3A_170 : memref<1x128xi32, #tpu.memory_space<vmem>> -> memref<128xi32, #tpu.memory_space<vmem>>
          %dma_start3A_172 = arith.constant 0 : i32
          %dma_start3A_173 = arith.constant 0 : i32
          %dma_start3A_174 = tpu.memref_slice %arg2[%dma_start3A_172, %dma_start3A_173] : memref<10000x128xf32, #tpu.memory_space<hbm>> -> memref<10000x128xf32, #tpu.memory_space<hbm>>
          tpu.enqueue_indirect_dma source(%dma_start3A_174 : memref<10000x128xf32, #tpu.memory_space<hbm>>) target(%dma_start3A_168 : memref<128x128xf32, #tpu.memory_space<vmem>>) offsets(%dma_start3A_171 : memref<128xi32, #tpu.memory_space<vmem>>) semaphore(%arg10 : memref<!tpu.dma_semaphore, #tpu.memory_space<semaphore_mem>>)
        } else {
        }
        %mul3A_135 = arith.constant 2 : i32
        %mul3A_136 = arith.muli %scan3A_109, %mul3A_135 : i32
        %add3A_137 = arith.constant 1 : i32
        %add3A_138 = arith.addi %mul3A_136, %add3A_137 : i32
        %dma_wait3A_139 = arith.constant 1 : i32
        %dma_wait3A_140 = arith.constant 0 : i32
        %dma_wait3A_141 = arith.constant 0 : i32
        %dma_wait3A_142 = tpu.memref_slice %arg8[%dma_wait3A_139, %dma_wait3A_140, %dma_wait3A_141] : memref<2x128x128xf32, #tpu.memory_space<vmem>> -> memref<1x128x128xf32, #tpu.memory_space<vmem>>
        %dma_wait3A_143 = tpu.memref_squeeze %dma_wait3A_142 : memref<1x128x128xf32, #tpu.memory_space<vmem>> -> memref<128x128xf32, #tpu.memory_space<vmem>>
        %dma_wait3A_144 = arith.constant 0 : i32
        %dma_wait3A_145 = arith.constant 0 : i32
        %dma_wait3A_146 = tpu.memref_slice %arg2[%dma_wait3A_144, %dma_wait3A_145] : memref<10000x128xf32, #tpu.memory_space<hbm>> -> memref<128x128xf32, #tpu.memory_space<hbm>>
        %dma_wait3A_147 = arith.constant 0 : i32
        %dma_wait3A_148 = arith.constant 0 : i32
        %dma_wait3A_149 = tpu.memref_slice %arg8[%dma_wait3A_139, %dma_wait3A_147, %dma_wait3A_148] : memref<2x128x128xf32, #tpu.memory_space<vmem>> -> memref<1x128x128xf32, #tpu.memory_space<vmem>>
        %dma_wait3A_150 = tpu.memref_squeeze %dma_wait3A_149 : memref<1x128x128xf32, #tpu.memory_space<vmem>> -> memref<128x128xf32, #tpu.memory_space<vmem>>
        %dma_wait3A_151 = arith.constant 0 : i32
        %dma_wait3A_152 = arith.constant 0 : i32
        %dma_wait3A_153 = tpu.memref_slice %arg2[%dma_wait3A_151, %dma_wait3A_152] : memref<10000x128xf32, #tpu.memory_space<hbm>> -> memref<128x128xf32, #tpu.memory_space<hbm>>
        tpu.wait_dma2 semaphore(%arg11 : memref<!tpu.dma_semaphore, #tpu.memory_space<semaphore_mem>>) src(%dma_wait3A_153 : memref<128x128xf32, #tpu.memory_space<hbm>>) dst(%dma_wait3A_150 : memref<128x128xf32, #tpu.memory_space<vmem>>)
        %run_scoped3A_154 = arith.constant 1 : i32
        "tpu.region"() ({
          %run_scoped3A_162 = tpu.sem_alloc : memref<!tpu.dma_semaphore, #tpu.memory_space<semaphore_mem>>
          %dma_start3A_163 = arith.constant 0 : i32
          %dma_start3A_164 = arith.constant 0 : i32
          %dma_start3A_165 = tpu.memref_slice %arg8[%run_scoped3A_154, %dma_start3A_163, %dma_start3A_164] : memref<2x128x128xf32, #tpu.memory_space<vmem>> -> memref<1x128x128xf32, #tpu.memory_space<vmem>>
          %dma_start3A_166 = tpu.memref_squeeze %dma_start3A_165 : memref<1x128x128xf32, #tpu.memory_space<vmem>> -> memref<128x128xf32, #tpu.memory_space<vmem>>
          %dma_start3A_167 = arith.constant 0 : i32
          %dma_start3A_168 = tpu.memref_slice %arg7[%add3A_138, %dma_start3A_167] : memref<40x128xi32, #tpu.memory_space<vmem>> -> memref<1x128xi32, #tpu.memory_space<vmem>>
          %dma_start3A_169 = tpu.memref_squeeze %dma_start3A_168 : memref<1x128xi32, #tpu.memory_space<vmem>> -> memref<128xi32, #tpu.memory_space<vmem>>
          %dma_start3A_170 = arith.constant 0 : i32
          %dma_start3A_171 = arith.constant 0 : i32
          %dma_start3A_172 = tpu.memref_slice %arg9[%dma_start3A_170, %dma_start3A_171] : memref<10112x128xf32, #tpu.memory_space<vmem_shared>> -> memref<10112x128xf32, #tpu.memory_space<vmem_shared>>
          tpu.enqueue_indirect_dma source(%dma_start3A_166 : memref<128x128xf32, #tpu.memory_space<vmem>>) target(%dma_start3A_172 : memref<10112x128xf32, #tpu.memory_space<vmem_shared>>) offsets(%dma_start3A_169 : memref<128xi32, #tpu.memory_space<vmem>>) semaphore(%run_scoped3A_162 : memref<!tpu.dma_semaphore, #tpu.memory_space<semaphore_mem>>) {add = true}
          %dma_wait3A_173 = arith.constant 0 : i32
          %dma_wait3A_174 = arith.constant 0 : i32
          %dma_wait3A_175 = tpu.memref_slice %arg8[%run_scoped3A_154, %dma_wait3A_173, %dma_wait3A_174] : memref<2x128x128xf32, #tpu.memory_space<vmem>> -> memref<1x128x128xf32, #tpu.memory_space<vmem>>
          %dma_wait3A_176 = tpu.memref_squeeze %dma_wait3A_175 : memref<1x128x128xf32, #tpu.memory_space<vmem>> -> memref<128x128xf32, #tpu.memory_space<vmem>>
          %dma_wait3A_177 = arith.constant 0 : i32
          %dma_wait3A_178 = tpu.memref_slice %arg7[%add3A_138, %dma_wait3A_177] : memref<40x128xi32, #tpu.memory_space<vmem>> -> memref<1x128xi32, #tpu.memory_space<vmem>>
          %dma_wait3A_179 = tpu.memref_squeeze %dma_wait3A_178 : memref<1x128xi32, #tpu.memory_space<vmem>> -> memref<128xi32, #tpu.memory_space<vmem>>
          %dma_wait3A_180 = arith.constant 0 : i32
          %dma_wait3A_181 = arith.constant 0 : i32
          %dma_wait3A_182 = tpu.memref_slice %arg9[%dma_wait3A_180, %dma_wait3A_181] : memref<10112x128xf32, #tpu.memory_space<vmem_shared>> -> memref<10112x128xf32, #tpu.memory_space<vmem_shared>>
          tpu.wait_indirect_dma semaphore(%run_scoped3A_162 : memref<!tpu.dma_semaphore, #tpu.memory_space<semaphore_mem>>) src(%dma_wait3A_176 : memref<128x128xf32, #tpu.memory_space<vmem>>) dst(%dma_wait3A_182 : memref<10112x128xf32, #tpu.memory_space<vmem_shared>>)
          tpu.yield
        }) : () -> ()
        %add3A_155 = arith.constant 2 : i32
        %add3A_156 = arith.addi %add3A_138, %add3A_155 : i32
        %lt3A_157 = arith.constant 40 : i32
        %lt3A_158 = arith.cmpi slt, %add3A_156, %lt3A_157 : i32
        %convert_element_type3A_159 = arith.extui %lt3A_158 : i1 to i32
        %cond3A_160 = arith.constant 0 : i32
        %cond3A_161 = arith.cmpi ne, %convert_element_type3A_159, %cond3A_160 : i32
        scf.if %cond3A_161 {
          %add3A_162 = arith.constant 2 : i32
          %add3A_163 = arith.addi %add3A_138, %add3A_162 : i32
          %dma_start3A_164 = arith.constant 1 : i32
          %dma_start3A_165 = arith.constant 0 : i32
          %dma_start3A_166 = arith.constant 0 : i32
          %dma_start3A_167 = tpu.memref_slice %arg8[%dma_start3A_164, %dma_start3A_165, %dma_start3A_166] : memref<2x128x128xf32, #tpu.memory_space<vmem>> -> memref<1x128x128xf32, #tpu.memory_space<vmem>>
          %dma_start3A_168 = tpu.memref_squeeze %dma_start3A_167 : memref<1x128x128xf32, #tpu.memory_space<vmem>> -> memref<128x128xf32, #tpu.memory_space<vmem>>
          %dma_start3A_169 = arith.constant 0 : i32
          %dma_start3A_170 = tpu.memref_slice %arg6[%add3A_163, %dma_start3A_169] : memref<40x128xi32, #tpu.memory_space<vmem>> -> memref<1x128xi32, #tpu.memory_space<vmem>>
          %dma_start3A_171 = tpu.memref_squeeze %dma_start3A_170 : memref<1x128xi32, #tpu.memory_space<vmem>> -> memref<128xi32, #tpu.memory_space<vmem>>
          %dma_start3A_172 = arith.constant 0 : i32
          %dma_start3A_173 = arith.constant 0 : i32
          %dma_start3A_174 = tpu.memref_slice %arg2[%dma_start3A_172, %dma_start3A_173] : memref<10000x128xf32, #tpu.memory_space<hbm>> -> memref<10000x128xf32, #tpu.memory_space<hbm>>
          tpu.enqueue_indirect_dma source(%dma_start3A_174 : memref<10000x128xf32, #tpu.memory_space<hbm>>) target(%dma_start3A_168 : memref<128x128xf32, #tpu.memory_space<vmem>>) offsets(%dma_start3A_171 : memref<128xi32, #tpu.memory_space<vmem>>) semaphore(%arg11 : memref<!tpu.dma_semaphore, #tpu.memory_space<semaphore_mem>>)
        } else {
        }
      }
      %scan3A_74 = arith.constant 20 : i32
      %add3A_75 = arith.constant 40 : i32
      %add3A_76 = arith.addi %mul3A_41, %add3A_75 : i32
      "tpu.region"() ({
        %run_scoped3A_109 = tpu.sem_alloc : memref<!tpu.dma_semaphore, #tpu.memory_space<semaphore_mem>>
        %dma_start3A_110 = arith.constant 0 : i32
        %dma_start3A_111 = tpu.memref_slice %arg3[%add3A_76, %dma_start3A_110] : memref<2560x128xi32, #tpu.memory_space<hbm>> -> memref<40x128xi32, #tpu.memory_space<hbm>>
        %dma_start3A_112 = arith.constant 0 : i32
        %dma_start3A_113 = tpu.memref_slice %arg3[%add3A_76, %dma_start3A_112] : memref<2560x128xi32, #tpu.memory_space<hbm>> -> memref<40x128xi32, #tpu.memory_space<hbm>>
        tpu.enqueue_dma source(%dma_start3A_113 : memref<40x128xi32, #tpu.memory_space<hbm>>) target(%arg6 : memref<40x128xi32, #tpu.memory_space<vmem>>) target_semaphore(%run_scoped3A_109 : memref<!tpu.dma_semaphore, #tpu.memory_space<semaphore_mem>>)
        %dma_wait3A = arith.constant 0 : i32
        %dma_wait3A_114 = tpu.memref_slice %arg3[%add3A_76, %dma_wait3A] : memref<2560x128xi32, #tpu.memory_space<hbm>> -> memref<40x128xi32, #tpu.memory_space<hbm>>
        %dma_wait3A_115 = arith.constant 0 : i32
        %dma_wait3A_116 = tpu.memref_slice %arg3[%add3A_76, %dma_wait3A_115] : memref<2560x128xi32, #tpu.memory_space<hbm>> -> memref<40x128xi32, #tpu.memory_space<hbm>>
        tpu.wait_dma2 semaphore(%run_scoped3A_109 : memref<!tpu.dma_semaphore, #tpu.memory_space<semaphore_mem>>) src(%dma_wait3A_116 : memref<40x128xi32, #tpu.memory_space<hbm>>) dst(%arg6 : memref<40x128xi32, #tpu.memory_space<vmem>>)
        tpu.yield
      }) : () -> ()
      %add3A_77 = arith.constant 40 : i32
      %add3A_78 = arith.addi %mul3A_41, %add3A_77 : i32
      "tpu.region"() ({
        %run_scoped3A_109 = tpu.sem_alloc : memref<!tpu.dma_semaphore, #tpu.memory_space<semaphore_mem>>
        %dma_start3A_110 = arith.constant 0 : i32
        %dma_start3A_111 = tpu.memref_slice %arg4[%add3A_78, %dma_start3A_110] : memref<2560x128xi32, #tpu.memory_space<hbm>> -> memref<40x128xi32, #tpu.memory_space<hbm>>
        %dma_start3A_112 = arith.constant 0 : i32
        %dma_start3A_113 = tpu.memref_slice %arg4[%add3A_78, %dma_start3A_112] : memref<2560x128xi32, #tpu.memory_space<hbm>> -> memref<40x128xi32, #tpu.memory_space<hbm>>
        tpu.enqueue_dma source(%dma_start3A_113 : memref<40x128xi32, #tpu.memory_space<hbm>>) target(%arg7 : memref<40x128xi32, #tpu.memory_space<vmem>>) target_semaphore(%run_scoped3A_109 : memref<!tpu.dma_semaphore, #tpu.memory_space<semaphore_mem>>)
        %dma_wait3A = arith.constant 0 : i32
        %dma_wait3A_114 = tpu.memref_slice %arg4[%add3A_78, %dma_wait3A] : memref<2560x128xi32, #tpu.memory_space<hbm>> -> memref<40x128xi32, #tpu.memory_space<hbm>>
        %dma_wait3A_115 = arith.constant 0 : i32
        %dma_wait3A_116 = tpu.memref_slice %arg4[%add3A_78, %dma_wait3A_115] : memref<2560x128xi32, #tpu.memory_space<hbm>> -> memref<40x128xi32, #tpu.memory_space<hbm>>
        tpu.wait_dma2 semaphore(%run_scoped3A_109 : memref<!tpu.dma_semaphore, #tpu.memory_space<semaphore_mem>>) src(%dma_wait3A_116 : memref<40x128xi32, #tpu.memory_space<hbm>>) dst(%arg7 : memref<40x128xi32, #tpu.memory_space<vmem>>)
        tpu.yield
      }) : () -> ()
      %dma_start3A_79 = arith.constant 0 : i32
      %dma_start3A_80 = arith.constant 0 : i32
      %dma_start3A_81 = arith.constant 0 : i32
      %dma_start3A_82 = arith.constant 0 : i32
      %dma_start3A_83 = tpu.memref_slice %arg8[%dma_start3A_80, %dma_start3A_81, %dma_start3A_82] : memref<2x128x128xf32, #tpu.memory_space<vmem>> -> memref<1x128x128xf32, #tpu.memory_space<vmem>>
      %dma_start3A_84 = tpu.memref_squeeze %dma_start3A_83 : memref<1x128x128xf32, #tpu.memory_space<vmem>> -> memref<128x128xf32, #tpu.memory_space<vmem>>
      %dma_start3A_85 = arith.constant 0 : i32
      %dma_start3A_86 = tpu.memref_slice %arg6[%dma_start3A_79, %dma_start3A_85] : memref<40x128xi32, #tpu.memory_space<vmem>> -> memref<1x128xi32, #tpu.memory_space<vmem>>
      %dma_start3A_87 = tpu.memref_squeeze %dma_start3A_86 : memref<1x128xi32, #tpu.memory_space<vmem>> -> memref<128xi32, #tpu.memory_space<vmem>>
      %dma_start3A_88 = arith.constant 0 : i32
      %dma_start3A_89 = arith.constant 0 : i32
      %dma_start3A_90 = tpu.memref_slice %arg2[%dma_start3A_88, %dma_start3A_89] : memref<10000x128xf32, #tpu.memory_space<hbm>> -> memref<10000x128xf32, #tpu.memory_space<hbm>>
      tpu.enqueue_indirect_dma source(%dma_start3A_90 : memref<10000x128xf32, #tpu.memory_space<hbm>>) target(%dma_start3A_84 : memref<128x128xf32, #tpu.memory_space<vmem>>) offsets(%dma_start3A_87 : memref<128xi32, #tpu.memory_space<vmem>>) semaphore(%arg10 : memref<!tpu.dma_semaphore, #tpu.memory_space<semaphore_mem>>)
      %dma_start3A_91 = arith.constant 1 : i32
      %dma_start3A_92 = arith.constant 1 : i32
      %dma_start3A_93 = arith.constant 0 : i32
      %dma_start3A_94 = arith.constant 0 : i32
      %dma_start3A_95 = tpu.memref_slice %arg8[%dma_start3A_92, %dma_start3A_93, %dma_start3A_94] : memref<2x128x128xf32, #tpu.memory_space<vmem>> -> memref<1x128x128xf32, #tpu.memory_space<vmem>>
      %dma_start3A_96 = tpu.memref_squeeze %dma_start3A_95 : memref<1x128x128xf32, #tpu.memory_space<vmem>> -> memref<128x128xf32, #tpu.memory_space<vmem>>
      %dma_start3A_97 = arith.constant 0 : i32
      %dma_start3A_98 = tpu.memref_slice %arg6[%dma_start3A_91, %dma_start3A_97] : memref<40x128xi32, #tpu.memory_space<vmem>> -> memref<1x128xi32, #tpu.memory_space<vmem>>
      %dma_start3A_99 = tpu.memref_squeeze %dma_start3A_98 : memref<1x128xi32, #tpu.memory_space<vmem>> -> memref<128xi32, #tpu.memory_space<vmem>>
      %dma_start3A_100 = arith.constant 0 : i32
      %dma_start3A_101 = arith.constant 0 : i32
      %dma_start3A_102 = tpu.memref_slice %arg2[%dma_start3A_100, %dma_start3A_101] : memref<10000x128xf32, #tpu.memory_space<hbm>> -> memref<10000x128xf32, #tpu.memory_space<hbm>>
      tpu.enqueue_indirect_dma source(%dma_start3A_102 : memref<10000x128xf32, #tpu.memory_space<hbm>>) target(%dma_start3A_96 : memref<128x128xf32, #tpu.memory_space<vmem>>) offsets(%dma_start3A_99 : memref<128xi32, #tpu.memory_space<vmem>>) semaphore(%arg11 : memref<!tpu.dma_semaphore, #tpu.memory_space<semaphore_mem>>)
      %scan3A_103 = arith.constant 0 : i32
      %scan3A_104 = arith.constant 0 : i32
      %scan3A_105 = arith.constant 20 : i32
      %scan3A_106 = arith.addi %scan3A_104, %scan3A_105 : i32
      %scan3A_107 = arith.constant 1 : i32
      scf.for %scan3A_109 = %scan3A_104 to %scan3A_106 step %scan3A_107  : i32 {
        %mul3A_110 = arith.constant 2 : i32
        %mul3A_111 = arith.muli %scan3A_109, %mul3A_110 : i32
        %add3A_112 = arith.constant 0 : i32
        %add3A_113 = arith.addi %mul3A_111, %add3A_112 : i32
        %dma_wait3A = arith.constant 0 : i32
        %dma_wait3A_114 = arith.constant 0 : i32
        %dma_wait3A_115 = arith.constant 0 : i32
        %dma_wait3A_116 = tpu.memref_slice %arg8[%dma_wait3A, %dma_wait3A_114, %dma_wait3A_115] : memref<2x128x128xf32, #tpu.memory_space<vmem>> -> memref<1x128x128xf32, #tpu.memory_space<vmem>>
        %dma_wait3A_117 = tpu.memref_squeeze %dma_wait3A_116 : memref<1x128x128xf32, #tpu.memory_space<vmem>> -> memref<128x128xf32, #tpu.memory_space<vmem>>
        %dma_wait3A_118 = arith.constant 0 : i32
        %dma_wait3A_119 = arith.constant 0 : i32
        %dma_wait3A_120 = tpu.memref_slice %arg2[%dma_wait3A_118, %dma_wait3A_119] : memref<10000x128xf32, #tpu.memory_space<hbm>> -> memref<128x128xf32, #tpu.memory_space<hbm>>
        %dma_wait3A_121 = arith.constant 0 : i32
        %dma_wait3A_122 = arith.constant 0 : i32
        %dma_wait3A_123 = tpu.memref_slice %arg8[%dma_wait3A, %dma_wait3A_121, %dma_wait3A_122] : memref<2x128x128xf32, #tpu.memory_space<vmem>> -> memref<1x128x128xf32, #tpu.memory_space<vmem>>
        %dma_wait3A_124 = tpu.memref_squeeze %dma_wait3A_123 : memref<1x128x128xf32, #tpu.memory_space<vmem>> -> memref<128x128xf32, #tpu.memory_space<vmem>>
        %dma_wait3A_125 = arith.constant 0 : i32
        %dma_wait3A_126 = arith.constant 0 : i32
        %dma_wait3A_127 = tpu.memref_slice %arg2[%dma_wait3A_125, %dma_wait3A_126] : memref<10000x128xf32, #tpu.memory_space<hbm>> -> memref<128x128xf32, #tpu.memory_space<hbm>>
        tpu.wait_dma2 semaphore(%arg10 : memref<!tpu.dma_semaphore, #tpu.memory_space<semaphore_mem>>) src(%dma_wait3A_127 : memref<128x128xf32, #tpu.memory_space<hbm>>) dst(%dma_wait3A_124 : memref<128x128xf32, #tpu.memory_space<vmem>>)
        %run_scoped3A_128 = arith.constant 0 : i32
        "tpu.region"() ({
          %run_scoped3A_162 = tpu.sem_alloc : memref<!tpu.dma_semaphore, #tpu.memory_space<semaphore_mem>>
          %dma_start3A_163 = arith.constant 0 : i32
          %dma_start3A_164 = arith.constant 0 : i32
          %dma_start3A_165 = tpu.memref_slice %arg8[%run_scoped3A_128, %dma_start3A_163, %dma_start3A_164] : memref<2x128x128xf32, #tpu.memory_space<vmem>> -> memref<1x128x128xf32, #tpu.memory_space<vmem>>
          %dma_start3A_166 = tpu.memref_squeeze %dma_start3A_165 : memref<1x128x128xf32, #tpu.memory_space<vmem>> -> memref<128x128xf32, #tpu.memory_space<vmem>>
          %dma_start3A_167 = arith.constant 0 : i32
          %dma_start3A_168 = tpu.memref_slice %arg7[%add3A_113, %dma_start3A_167] : memref<40x128xi32, #tpu.memory_space<vmem>> -> memref<1x128xi32, #tpu.memory_space<vmem>>
          %dma_start3A_169 = tpu.memref_squeeze %dma_start3A_168 : memref<1x128xi32, #tpu.memory_space<vmem>> -> memref<128xi32, #tpu.memory_space<vmem>>
          %dma_start3A_170 = arith.constant 0 : i32
          %dma_start3A_171 = arith.constant 0 : i32
          %dma_start3A_172 = tpu.memref_slice %arg9[%dma_start3A_170, %dma_start3A_171] : memref<10112x128xf32, #tpu.memory_space<vmem_shared>> -> memref<10112x128xf32, #tpu.memory_space<vmem_shared>>
          tpu.enqueue_indirect_dma source(%dma_start3A_166 : memref<128x128xf32, #tpu.memory_space<vmem>>) target(%dma_start3A_172 : memref<10112x128xf32, #tpu.memory_space<vmem_shared>>) offsets(%dma_start3A_169 : memref<128xi32, #tpu.memory_space<vmem>>) semaphore(%run_scoped3A_162 : memref<!tpu.dma_semaphore, #tpu.memory_space<semaphore_mem>>) {add = true}
          %dma_wait3A_173 = arith.constant 0 : i32
          %dma_wait3A_174 = arith.constant 0 : i32
          %dma_wait3A_175 = tpu.memref_slice %arg8[%run_scoped3A_128, %dma_wait3A_173, %dma_wait3A_174] : memref<2x128x128xf32, #tpu.memory_space<vmem>> -> memref<1x128x128xf32, #tpu.memory_space<vmem>>
          %dma_wait3A_176 = tpu.memref_squeeze %dma_wait3A_175 : memref<1x128x128xf32, #tpu.memory_space<vmem>> -> memref<128x128xf32, #tpu.memory_space<vmem>>
          %dma_wait3A_177 = arith.constant 0 : i32
          %dma_wait3A_178 = tpu.memref_slice %arg7[%add3A_113, %dma_wait3A_177] : memref<40x128xi32, #tpu.memory_space<vmem>> -> memref<1x128xi32, #tpu.memory_space<vmem>>
          %dma_wait3A_179 = tpu.memref_squeeze %dma_wait3A_178 : memref<1x128xi32, #tpu.memory_space<vmem>> -> memref<128xi32, #tpu.memory_space<vmem>>
          %dma_wait3A_180 = arith.constant 0 : i32
          %dma_wait3A_181 = arith.constant 0 : i32
          %dma_wait3A_182 = tpu.memref_slice %arg9[%dma_wait3A_180, %dma_wait3A_181] : memref<10112x128xf32, #tpu.memory_space<vmem_shared>> -> memref<10112x128xf32, #tpu.memory_space<vmem_shared>>
          tpu.wait_indirect_dma semaphore(%run_scoped3A_162 : memref<!tpu.dma_semaphore, #tpu.memory_space<semaphore_mem>>) src(%dma_wait3A_176 : memref<128x128xf32, #tpu.memory_space<vmem>>) dst(%dma_wait3A_182 : memref<10112x128xf32, #tpu.memory_space<vmem_shared>>)
          tpu.yield
        }) : () -> ()
        %add3A_129 = arith.constant 2 : i32
        %add3A_130 = arith.addi %add3A_113, %add3A_129 : i32
        %lt3A = arith.constant 40 : i32
        %lt3A_131 = arith.cmpi slt, %add3A_130, %lt3A : i32
        %convert_element_type3A_132 = arith.extui %lt3A_131 : i1 to i32
        %cond3A_133 = arith.constant 0 : i32
        %cond3A_134 = arith.cmpi ne, %convert_element_type3A_132, %cond3A_133 : i32
        scf.if %cond3A_134 {
          %add3A_162 = arith.constant 2 : i32
          %add3A_163 = arith.addi %add3A_113, %add3A_162 : i32
          %dma_start3A_164 = arith.constant 0 : i32
          %dma_start3A_165 = arith.constant 0 : i32
          %dma_start3A_166 = arith.constant 0 : i32
          %dma_start3A_167 = tpu.memref_slice %arg8[%dma_start3A_164, %dma_start3A_165, %dma_start3A_166] : memref<2x128x128xf32, #tpu.memory_space<vmem>> -> memref<1x128x128xf32, #tpu.memory_space<vmem>>
          %dma_start3A_168 = tpu.memref_squeeze %dma_start3A_167 : memref<1x128x128xf32, #tpu.memory_space<vmem>> -> memref<128x128xf32, #tpu.memory_space<vmem>>
          %dma_start3A_169 = arith.constant 0 : i32
          %dma_start3A_170 = tpu.memref_slice %arg6[%add3A_163, %dma_start3A_169] : memref<40x128xi32, #tpu.memory_space<vmem>> -> memref<1x128xi32, #tpu.memory_space<vmem>>
          %dma_start3A_171 = tpu.memref_squeeze %dma_start3A_170 : memref<1x128xi32, #tpu.memory_space<vmem>> -> memref<128xi32, #tpu.memory_space<vmem>>
          %dma_start3A_172 = arith.constant 0 : i32
          %dma_start3A_173 = arith.constant 0 : i32
          %dma_start3A_174 = tpu.memref_slice %arg2[%dma_start3A_172, %dma_start3A_173] : memref<10000x128xf32, #tpu.memory_space<hbm>> -> memref<10000x128xf32, #tpu.memory_space<hbm>>
          tpu.enqueue_indirect_dma source(%dma_start3A_174 : memref<10000x128xf32, #tpu.memory_space<hbm>>) target(%dma_start3A_168 : memref<128x128xf32, #tpu.memory_space<vmem>>) offsets(%dma_start3A_171 : memref<128xi32, #tpu.memory_space<vmem>>) semaphore(%arg10 : memref<!tpu.dma_semaphore, #tpu.memory_space<semaphore_mem>>)
        } else {
        }
        %mul3A_135 = arith.constant 2 : i32
        %mul3A_136 = arith.muli %scan3A_109, %mul3A_135 : i32
        %add3A_137 = arith.constant 1 : i32
        %add3A_138 = arith.addi %mul3A_136, %add3A_137 : i32
        %dma_wait3A_139 = arith.constant 1 : i32
        %dma_wait3A_140 = arith.constant 0 : i32
        %dma_wait3A_141 = arith.constant 0 : i32
        %dma_wait3A_142 = tpu.memref_slice %arg8[%dma_wait3A_139, %dma_wait3A_140, %dma_wait3A_141] : memref<2x128x128xf32, #tpu.memory_space<vmem>> -> memref<1x128x128xf32, #tpu.memory_space<vmem>>
        %dma_wait3A_143 = tpu.memref_squeeze %dma_wait3A_142 : memref<1x128x128xf32, #tpu.memory_space<vmem>> -> memref<128x128xf32, #tpu.memory_space<vmem>>
        %dma_wait3A_144 = arith.constant 0 : i32
        %dma_wait3A_145 = arith.constant 0 : i32
        %dma_wait3A_146 = tpu.memref_slice %arg2[%dma_wait3A_144, %dma_wait3A_145] : memref<10000x128xf32, #tpu.memory_space<hbm>> -> memref<128x128xf32, #tpu.memory_space<hbm>>
        %dma_wait3A_147 = arith.constant 0 : i32
        %dma_wait3A_148 = arith.constant 0 : i32
        %dma_wait3A_149 = tpu.memref_slice %arg8[%dma_wait3A_139, %dma_wait3A_147, %dma_wait3A_148] : memref<2x128x128xf32, #tpu.memory_space<vmem>> -> memref<1x128x128xf32, #tpu.memory_space<vmem>>
        %dma_wait3A_150 = tpu.memref_squeeze %dma_wait3A_149 : memref<1x128x128xf32, #tpu.memory_space<vmem>> -> memref<128x128xf32, #tpu.memory_space<vmem>>
        %dma_wait3A_151 = arith.constant 0 : i32
        %dma_wait3A_152 = arith.constant 0 : i32
        %dma_wait3A_153 = tpu.memref_slice %arg2[%dma_wait3A_151, %dma_wait3A_152] : memref<10000x128xf32, #tpu.memory_space<hbm>> -> memref<128x128xf32, #tpu.memory_space<hbm>>
        tpu.wait_dma2 semaphore(%arg11 : memref<!tpu.dma_semaphore, #tpu.memory_space<semaphore_mem>>) src(%dma_wait3A_153 : memref<128x128xf32, #tpu.memory_space<hbm>>) dst(%dma_wait3A_150 : memref<128x128xf32, #tpu.memory_space<vmem>>)
        %run_scoped3A_154 = arith.constant 1 : i32
        "tpu.region"() ({
          %run_scoped3A_162 = tpu.sem_alloc : memref<!tpu.dma_semaphore, #tpu.memory_space<semaphore_mem>>
          %dma_start3A_163 = arith.constant 0 : i32
          %dma_start3A_164 = arith.constant 0 : i32
          %dma_start3A_165 = tpu.memref_slice %arg8[%run_scoped3A_154, %dma_start3A_163, %dma_start3A_164] : memref<2x128x128xf32, #tpu.memory_space<vmem>> -> memref<1x128x128xf32, #tpu.memory_space<vmem>>
          %dma_start3A_166 = tpu.memref_squeeze %dma_start3A_165 : memref<1x128x128xf32, #tpu.memory_space<vmem>> -> memref<128x128xf32, #tpu.memory_space<vmem>>
          %dma_start3A_167 = arith.constant 0 : i32
          %dma_start3A_168 = tpu.memref_slice %arg7[%add3A_138, %dma_start3A_167] : memref<40x128xi32, #tpu.memory_space<vmem>> -> memref<1x128xi32, #tpu.memory_space<vmem>>
          %dma_start3A_169 = tpu.memref_squeeze %dma_start3A_168 : memref<1x128xi32, #tpu.memory_space<vmem>> -> memref<128xi32, #tpu.memory_space<vmem>>
          %dma_start3A_170 = arith.constant 0 : i32
          %dma_start3A_171 = arith.constant 0 : i32
          %dma_start3A_172 = tpu.memref_slice %arg9[%dma_start3A_170, %dma_start3A_171] : memref<10112x128xf32, #tpu.memory_space<vmem_shared>> -> memref<10112x128xf32, #tpu.memory_space<vmem_shared>>
          tpu.enqueue_indirect_dma source(%dma_start3A_166 : memref<128x128xf32, #tpu.memory_space<vmem>>) target(%dma_start3A_172 : memref<10112x128xf32, #tpu.memory_space<vmem_shared>>) offsets(%dma_start3A_169 : memref<128xi32, #tpu.memory_space<vmem>>) semaphore(%run_scoped3A_162 : memref<!tpu.dma_semaphore, #tpu.memory_space<semaphore_mem>>) {add = true}
          %dma_wait3A_173 = arith.constant 0 : i32
          %dma_wait3A_174 = arith.constant 0 : i32
          %dma_wait3A_175 = tpu.memref_slice %arg8[%run_scoped3A_154, %dma_wait3A_173, %dma_wait3A_174] : memref<2x128x128xf32, #tpu.memory_space<vmem>> -> memref<1x128x128xf32, #tpu.memory_space<vmem>>
          %dma_wait3A_176 = tpu.memref_squeeze %dma_wait3A_175 : memref<1x128x128xf32, #tpu.memory_space<vmem>> -> memref<128x128xf32, #tpu.memory_space<vmem>>
          %dma_wait3A_177 = arith.constant 0 : i32
          %dma_wait3A_178 = tpu.memref_slice %arg7[%add3A_138, %dma_wait3A_177] : memref<40x128xi32, #tpu.memory_space<vmem>> -> memref<1x128xi32, #tpu.memory_space<vmem>>
          %dma_wait3A_179 = tpu.memref_squeeze %dma_wait3A_178 : memref<1x128xi32, #tpu.memory_space<vmem>> -> memref<128xi32, #tpu.memory_space<vmem>>
          %dma_wait3A_180 = arith.constant 0 : i32
          %dma_wait3A_181 = arith.constant 0 : i32
          %dma_wait3A_182 = tpu.memref_slice %arg9[%dma_wait3A_180, %dma_wait3A_181] : memref<10112x128xf32, #tpu.memory_space<vmem_shared>> -> memref<10112x128xf32, #tpu.memory_space<vmem_shared>>
          tpu.wait_indirect_dma semaphore(%run_scoped3A_162 : memref<!tpu.dma_semaphore, #tpu.memory_space<semaphore_mem>>) src(%dma_wait3A_176 : memref<128x128xf32, #tpu.memory_space<vmem>>) dst(%dma_wait3A_182 : memref<10112x128xf32, #tpu.memory_space<vmem_shared>>)
          tpu.yield
        }) : () -> ()
        %add3A_155 = arith.constant 2 : i32
        %add3A_156 = arith.addi %add3A_138, %add3A_155 : i32
        %lt3A_157 = arith.constant 40 : i32
        %lt3A_158 = arith.cmpi slt, %add3A_156, %lt3A_157 : i32
        %convert_element_type3A_159 = arith.extui %lt3A_158 : i1 to i32
        %cond3A_160 = arith.constant 0 : i32
        %cond3A_161 = arith.cmpi ne, %convert_element_type3A_159, %cond3A_160 : i32
        scf.if %cond3A_161 {
          %add3A_162 = arith.constant 2 : i32
          %add3A_163 = arith.addi %add3A_138, %add3A_162 : i32
          %dma_start3A_164 = arith.constant 1 : i32
          %dma_start3A_165 = arith.constant 0 : i32
          %dma_start3A_166 = arith.constant 0 : i32
          %dma_start3A_167 = tpu.memref_slice %arg8[%dma_start3A_164, %dma_start3A_165, %dma_start3A_166] : memref<2x128x128xf32, #tpu.memory_space<vmem>> -> memref<1x128x128xf32, #tpu.memory_space<vmem>>
          %dma_start3A_168 = tpu.memref_squeeze %dma_start3A_167 : memref<1x128x128xf32, #tpu.memory_space<vmem>> -> memref<128x128xf32, #tpu.memory_space<vmem>>
          %dma_start3A_169 = arith.constant 0 : i32
          %dma_start3A_170 = tpu.memref_slice %arg6[%add3A_163, %dma_start3A_169] : memref<40x128xi32, #tpu.memory_space<vmem>> -> memref<1x128xi32, #tpu.memory_space<vmem>>
          %dma_start3A_171 = tpu.memref_squeeze %dma_start3A_170 : memref<1x128xi32, #tpu.memory_space<vmem>> -> memref<128xi32, #tpu.memory_space<vmem>>
          %dma_start3A_172 = arith.constant 0 : i32
          %dma_start3A_173 = arith.constant 0 : i32
          %dma_start3A_174 = tpu.memref_slice %arg2[%dma_start3A_172, %dma_start3A_173] : memref<10000x128xf32, #tpu.memory_space<hbm>> -> memref<10000x128xf32, #tpu.memory_space<hbm>>
          tpu.enqueue_indirect_dma source(%dma_start3A_174 : memref<10000x128xf32, #tpu.memory_space<hbm>>) target(%dma_start3A_168 : memref<128x128xf32, #tpu.memory_space<vmem>>) offsets(%dma_start3A_171 : memref<128xi32, #tpu.memory_space<vmem>>) semaphore(%arg11 : memref<!tpu.dma_semaphore, #tpu.memory_space<semaphore_mem>>)
        } else {
        }
      }
      %scan3A_108 = arith.constant 20 : i32
    } else {
    }
    %eq3A_30 = arith.constant 1 : i32
    %eq3A_31 = arith.cmpi eq, %arg0, %eq3A_30 : i32
    %convert_element_type3A_32 = arith.extui %eq3A_31 : i1 to i32
    %cond3A_33 = arith.constant 0 : i32
    %cond3A_34 = arith.cmpi ne, %convert_element_type3A_32, %cond3A_33 : i32
    scf.if %cond3A_34 {
      %mul3A_40 = arith.constant 80 : i32
      %mul3A_41 = arith.muli %arg1, %mul3A_40 : i32
      %add3A_42 = arith.constant 1280 : i32
      %add3A_43 = arith.addi %add3A_42, %mul3A_41 : i32
      %add3A_44 = arith.constant 0 : i32
      %add3A_45 = arith.addi %add3A_43, %add3A_44 : i32
      "tpu.region"() ({
        %run_scoped3A_111 = tpu.sem_alloc : memref<!tpu.dma_semaphore, #tpu.memory_space<semaphore_mem>>
        %dma_start3A_112 = arith.constant 0 : i32
        %dma_start3A_113 = tpu.memref_slice %arg3[%add3A_45, %dma_start3A_112] : memref<2560x128xi32, #tpu.memory_space<hbm>> -> memref<40x128xi32, #tpu.memory_space<hbm>>
        %dma_start3A_114 = arith.constant 0 : i32
        %dma_start3A_115 = tpu.memref_slice %arg3[%add3A_45, %dma_start3A_114] : memref<2560x128xi32, #tpu.memory_space<hbm>> -> memref<40x128xi32, #tpu.memory_space<hbm>>
        tpu.enqueue_dma source(%dma_start3A_115 : memref<40x128xi32, #tpu.memory_space<hbm>>) target(%arg6 : memref<40x128xi32, #tpu.memory_space<vmem>>) target_semaphore(%run_scoped3A_111 : memref<!tpu.dma_semaphore, #tpu.memory_space<semaphore_mem>>)
        %dma_wait3A = arith.constant 0 : i32
        %dma_wait3A_116 = tpu.memref_slice %arg3[%add3A_45, %dma_wait3A] : memref<2560x128xi32, #tpu.memory_space<hbm>> -> memref<40x128xi32, #tpu.memory_space<hbm>>
        %dma_wait3A_117 = arith.constant 0 : i32
        %dma_wait3A_118 = tpu.memref_slice %arg3[%add3A_45, %dma_wait3A_117] : memref<2560x128xi32, #tpu.memory_space<hbm>> -> memref<40x128xi32, #tpu.memory_space<hbm>>
        tpu.wait_dma2 semaphore(%run_scoped3A_111 : memref<!tpu.dma_semaphore, #tpu.memory_space<semaphore_mem>>) src(%dma_wait3A_118 : memref<40x128xi32, #tpu.memory_space<hbm>>) dst(%arg6 : memref<40x128xi32, #tpu.memory_space<vmem>>)
        tpu.yield
      }) : () -> ()
      %add3A_46 = arith.constant 0 : i32
      %add3A_47 = arith.addi %add3A_43, %add3A_46 : i32
      "tpu.region"() ({
        %run_scoped3A_111 = tpu.sem_alloc : memref<!tpu.dma_semaphore, #tpu.memory_space<semaphore_mem>>
        %dma_start3A_112 = arith.constant 0 : i32
        %dma_start3A_113 = tpu.memref_slice %arg4[%add3A_47, %dma_start3A_112] : memref<2560x128xi32, #tpu.memory_space<hbm>> -> memref<40x128xi32, #tpu.memory_space<hbm>>
        %dma_start3A_114 = arith.constant 0 : i32
        %dma_start3A_115 = tpu.memref_slice %arg4[%add3A_47, %dma_start3A_114] : memref<2560x128xi32, #tpu.memory_space<hbm>> -> memref<40x128xi32, #tpu.memory_space<hbm>>
        tpu.enqueue_dma source(%dma_start3A_115 : memref<40x128xi32, #tpu.memory_space<hbm>>) target(%arg7 : memref<40x128xi32, #tpu.memory_space<vmem>>) target_semaphore(%run_scoped3A_111 : memref<!tpu.dma_semaphore, #tpu.memory_space<semaphore_mem>>)
        %dma_wait3A = arith.constant 0 : i32
        %dma_wait3A_116 = tpu.memref_slice %arg4[%add3A_47, %dma_wait3A] : memref<2560x128xi32, #tpu.memory_space<hbm>> -> memref<40x128xi32, #tpu.memory_space<hbm>>
        %dma_wait3A_117 = arith.constant 0 : i32
        %dma_wait3A_118 = tpu.memref_slice %arg4[%add3A_47, %dma_wait3A_117] : memref<2560x128xi32, #tpu.memory_space<hbm>> -> memref<40x128xi32, #tpu.memory_space<hbm>>
        tpu.wait_dma2 semaphore(%run_scoped3A_111 : memref<!tpu.dma_semaphore, #tpu.memory_space<semaphore_mem>>) src(%dma_wait3A_118 : memref<40x128xi32, #tpu.memory_space<hbm>>) dst(%arg7 : memref<40x128xi32, #tpu.memory_space<vmem>>)
        tpu.yield
      }) : () -> ()
      %dma_start3A = arith.constant 0 : i32
      %dma_start3A_48 = arith.constant 0 : i32
      %dma_start3A_49 = arith.constant 0 : i32
      %dma_start3A_50 = arith.constant 0 : i32
      %dma_start3A_51 = tpu.memref_slice %arg8[%dma_start3A_48, %dma_start3A_49, %dma_start3A_50] : memref<2x128x128xf32, #tpu.memory_space<vmem>> -> memref<1x128x128xf32, #tpu.memory_space<vmem>>
      %dma_start3A_52 = tpu.memref_squeeze %dma_start3A_51 : memref<1x128x128xf32, #tpu.memory_space<vmem>> -> memref<128x128xf32, #tpu.memory_space<vmem>>
      %dma_start3A_53 = arith.constant 0 : i32
      %dma_start3A_54 = tpu.memref_slice %arg6[%dma_start3A, %dma_start3A_53] : memref<40x128xi32, #tpu.memory_space<vmem>> -> memref<1x128xi32, #tpu.memory_space<vmem>>
      %dma_start3A_55 = tpu.memref_squeeze %dma_start3A_54 : memref<1x128xi32, #tpu.memory_space<vmem>> -> memref<128xi32, #tpu.memory_space<vmem>>
      %dma_start3A_56 = arith.constant 0 : i32
      %dma_start3A_57 = arith.constant 0 : i32
      %dma_start3A_58 = tpu.memref_slice %arg2[%dma_start3A_56, %dma_start3A_57] : memref<10000x128xf32, #tpu.memory_space<hbm>> -> memref<10000x128xf32, #tpu.memory_space<hbm>>
      tpu.enqueue_indirect_dma source(%dma_start3A_58 : memref<10000x128xf32, #tpu.memory_space<hbm>>) target(%dma_start3A_52 : memref<128x128xf32, #tpu.memory_space<vmem>>) offsets(%dma_start3A_55 : memref<128xi32, #tpu.memory_space<vmem>>) semaphore(%arg10 : memref<!tpu.dma_semaphore, #tpu.memory_space<semaphore_mem>>)
      %dma_start3A_59 = arith.constant 1 : i32
      %dma_start3A_60 = arith.constant 1 : i32
      %dma_start3A_61 = arith.constant 0 : i32
      %dma_start3A_62 = arith.constant 0 : i32
      %dma_start3A_63 = tpu.memref_slice %arg8[%dma_start3A_60, %dma_start3A_61, %dma_start3A_62] : memref<2x128x128xf32, #tpu.memory_space<vmem>> -> memref<1x128x128xf32, #tpu.memory_space<vmem>>
      %dma_start3A_64 = tpu.memref_squeeze %dma_start3A_63 : memref<1x128x128xf32, #tpu.memory_space<vmem>> -> memref<128x128xf32, #tpu.memory_space<vmem>>
      %dma_start3A_65 = arith.constant 0 : i32
      %dma_start3A_66 = tpu.memref_slice %arg6[%dma_start3A_59, %dma_start3A_65] : memref<40x128xi32, #tpu.memory_space<vmem>> -> memref<1x128xi32, #tpu.memory_space<vmem>>
      %dma_start3A_67 = tpu.memref_squeeze %dma_start3A_66 : memref<1x128xi32, #tpu.memory_space<vmem>> -> memref<128xi32, #tpu.memory_space<vmem>>
      %dma_start3A_68 = arith.constant 0 : i32
      %dma_start3A_69 = arith.constant 0 : i32
      %dma_start3A_70 = tpu.memref_slice %arg2[%dma_start3A_68, %dma_start3A_69] : memref<10000x128xf32, #tpu.memory_space<hbm>> -> memref<10000x128xf32, #tpu.memory_space<hbm>>
      tpu.enqueue_indirect_dma source(%dma_start3A_70 : memref<10000x128xf32, #tpu.memory_space<hbm>>) target(%dma_start3A_64 : memref<128x128xf32, #tpu.memory_space<vmem>>) offsets(%dma_start3A_67 : memref<128xi32, #tpu.memory_space<vmem>>) semaphore(%arg11 : memref<!tpu.dma_semaphore, #tpu.memory_space<semaphore_mem>>)
      %scan3A_71 = arith.constant 0 : i32
      %scan3A_72 = arith.constant 0 : i32
      %scan3A_73 = arith.constant 20 : i32
      %scan3A_74 = arith.addi %scan3A_72, %scan3A_73 : i32
      %scan3A_75 = arith.constant 1 : i32
      scf.for %scan3A_111 = %scan3A_72 to %scan3A_74 step %scan3A_75  : i32 {
        %mul3A_112 = arith.constant 2 : i32
        %mul3A_113 = arith.muli %scan3A_111, %mul3A_112 : i32
        %add3A_114 = arith.constant 0 : i32
        %add3A_115 = arith.addi %mul3A_113, %add3A_114 : i32
        %dma_wait3A = arith.constant 0 : i32
        %dma_wait3A_116 = arith.constant 0 : i32
        %dma_wait3A_117 = arith.constant 0 : i32
        %dma_wait3A_118 = tpu.memref_slice %arg8[%dma_wait3A, %dma_wait3A_116, %dma_wait3A_117] : memref<2x128x128xf32, #tpu.memory_space<vmem>> -> memref<1x128x128xf32, #tpu.memory_space<vmem>>
        %dma_wait3A_119 = tpu.memref_squeeze %dma_wait3A_118 : memref<1x128x128xf32, #tpu.memory_space<vmem>> -> memref<128x128xf32, #tpu.memory_space<vmem>>
        %dma_wait3A_120 = arith.constant 0 : i32
        %dma_wait3A_121 = arith.constant 0 : i32
        %dma_wait3A_122 = tpu.memref_slice %arg2[%dma_wait3A_120, %dma_wait3A_121] : memref<10000x128xf32, #tpu.memory_space<hbm>> -> memref<128x128xf32, #tpu.memory_space<hbm>>
        %dma_wait3A_123 = arith.constant 0 : i32
        %dma_wait3A_124 = arith.constant 0 : i32
        %dma_wait3A_125 = tpu.memref_slice %arg8[%dma_wait3A, %dma_wait3A_123, %dma_wait3A_124] : memref<2x128x128xf32, #tpu.memory_space<vmem>> -> memref<1x128x128xf32, #tpu.memory_space<vmem>>
        %dma_wait3A_126 = tpu.memref_squeeze %dma_wait3A_125 : memref<1x128x128xf32, #tpu.memory_space<vmem>> -> memref<128x128xf32, #tpu.memory_space<vmem>>
        %dma_wait3A_127 = arith.constant 0 : i32
        %dma_wait3A_128 = arith.constant 0 : i32
        %dma_wait3A_129 = tpu.memref_slice %arg2[%dma_wait3A_127, %dma_wait3A_128] : memref<10000x128xf32, #tpu.memory_space<hbm>> -> memref<128x128xf32, #tpu.memory_space<hbm>>
        tpu.wait_dma2 semaphore(%arg10 : memref<!tpu.dma_semaphore, #tpu.memory_space<semaphore_mem>>) src(%dma_wait3A_129 : memref<128x128xf32, #tpu.memory_space<hbm>>) dst(%dma_wait3A_126 : memref<128x128xf32, #tpu.memory_space<vmem>>)
        %run_scoped3A_130 = arith.constant 0 : i32
        "tpu.region"() ({
          %run_scoped3A_164 = tpu.sem_alloc : memref<!tpu.dma_semaphore, #tpu.memory_space<semaphore_mem>>
          %dma_start3A_165 = arith.constant 0 : i32
          %dma_start3A_166 = arith.constant 0 : i32
          %dma_start3A_167 = tpu.memref_slice %arg8[%run_scoped3A_130, %dma_start3A_165, %dma_start3A_166] : memref<2x128x128xf32, #tpu.memory_space<vmem>> -> memref<1x128x128xf32, #tpu.memory_space<vmem>>
          %dma_start3A_168 = tpu.memref_squeeze %dma_start3A_167 : memref<1x128x128xf32, #tpu.memory_space<vmem>> -> memref<128x128xf32, #tpu.memory_space<vmem>>
          %dma_start3A_169 = arith.constant 0 : i32
          %dma_start3A_170 = tpu.memref_slice %arg7[%add3A_115, %dma_start3A_169] : memref<40x128xi32, #tpu.memory_space<vmem>> -> memref<1x128xi32, #tpu.memory_space<vmem>>
          %dma_start3A_171 = tpu.memref_squeeze %dma_start3A_170 : memref<1x128xi32, #tpu.memory_space<vmem>> -> memref<128xi32, #tpu.memory_space<vmem>>
          %dma_start3A_172 = arith.constant 0 : i32
          %dma_start3A_173 = arith.constant 0 : i32
          %dma_start3A_174 = tpu.memref_slice %arg9[%dma_start3A_172, %dma_start3A_173] : memref<10112x128xf32, #tpu.memory_space<vmem_shared>> -> memref<10112x128xf32, #tpu.memory_space<vmem_shared>>
          tpu.enqueue_indirect_dma source(%dma_start3A_168 : memref<128x128xf32, #tpu.memory_space<vmem>>) target(%dma_start3A_174 : memref<10112x128xf32, #tpu.memory_space<vmem_shared>>) offsets(%dma_start3A_171 : memref<128xi32, #tpu.memory_space<vmem>>) semaphore(%run_scoped3A_164 : memref<!tpu.dma_semaphore, #tpu.memory_space<semaphore_mem>>) {add = true}
          %dma_wait3A_175 = arith.constant 0 : i32
          %dma_wait3A_176 = arith.constant 0 : i32
          %dma_wait3A_177 = tpu.memref_slice %arg8[%run_scoped3A_130, %dma_wait3A_175, %dma_wait3A_176] : memref<2x128x128xf32, #tpu.memory_space<vmem>> -> memref<1x128x128xf32, #tpu.memory_space<vmem>>
          %dma_wait3A_178 = tpu.memref_squeeze %dma_wait3A_177 : memref<1x128x128xf32, #tpu.memory_space<vmem>> -> memref<128x128xf32, #tpu.memory_space<vmem>>
          %dma_wait3A_179 = arith.constant 0 : i32
          %dma_wait3A_180 = tpu.memref_slice %arg7[%add3A_115, %dma_wait3A_179] : memref<40x128xi32, #tpu.memory_space<vmem>> -> memref<1x128xi32, #tpu.memory_space<vmem>>
          %dma_wait3A_181 = tpu.memref_squeeze %dma_wait3A_180 : memref<1x128xi32, #tpu.memory_space<vmem>> -> memref<128xi32, #tpu.memory_space<vmem>>
          %dma_wait3A_182 = arith.constant 0 : i32
          %dma_wait3A_183 = arith.constant 0 : i32
          %dma_wait3A_184 = tpu.memref_slice %arg9[%dma_wait3A_182, %dma_wait3A_183] : memref<10112x128xf32, #tpu.memory_space<vmem_shared>> -> memref<10112x128xf32, #tpu.memory_space<vmem_shared>>
          tpu.wait_indirect_dma semaphore(%run_scoped3A_164 : memref<!tpu.dma_semaphore, #tpu.memory_space<semaphore_mem>>) src(%dma_wait3A_178 : memref<128x128xf32, #tpu.memory_space<vmem>>) dst(%dma_wait3A_184 : memref<10112x128xf32, #tpu.memory_space<vmem_shared>>)
          tpu.yield
        }) : () -> ()
        %add3A_131 = arith.constant 2 : i32
        %add3A_132 = arith.addi %add3A_115, %add3A_131 : i32
        %lt3A = arith.constant 40 : i32
        %lt3A_133 = arith.cmpi slt, %add3A_132, %lt3A : i32
        %convert_element_type3A_134 = arith.extui %lt3A_133 : i1 to i32
        %cond3A_135 = arith.constant 0 : i32
        %cond3A_136 = arith.cmpi ne, %convert_element_type3A_134, %cond3A_135 : i32
        scf.if %cond3A_136 {
          %add3A_164 = arith.constant 2 : i32
          %add3A_165 = arith.addi %add3A_115, %add3A_164 : i32
          %dma_start3A_166 = arith.constant 0 : i32
          %dma_start3A_167 = arith.constant 0 : i32
          %dma_start3A_168 = arith.constant 0 : i32
          %dma_start3A_169 = tpu.memref_slice %arg8[%dma_start3A_166, %dma_start3A_167, %dma_start3A_168] : memref<2x128x128xf32, #tpu.memory_space<vmem>> -> memref<1x128x128xf32, #tpu.memory_space<vmem>>
          %dma_start3A_170 = tpu.memref_squeeze %dma_start3A_169 : memref<1x128x128xf32, #tpu.memory_space<vmem>> -> memref<128x128xf32, #tpu.memory_space<vmem>>
          %dma_start3A_171 = arith.constant 0 : i32
          %dma_start3A_172 = tpu.memref_slice %arg6[%add3A_165, %dma_start3A_171] : memref<40x128xi32, #tpu.memory_space<vmem>> -> memref<1x128xi32, #tpu.memory_space<vmem>>
          %dma_start3A_173 = tpu.memref_squeeze %dma_start3A_172 : memref<1x128xi32, #tpu.memory_space<vmem>> -> memref<128xi32, #tpu.memory_space<vmem>>
          %dma_start3A_174 = arith.constant 0 : i32
          %dma_start3A_175 = arith.constant 0 : i32
          %dma_start3A_176 = tpu.memref_slice %arg2[%dma_start3A_174, %dma_start3A_175] : memref<10000x128xf32, #tpu.memory_space<hbm>> -> memref<10000x128xf32, #tpu.memory_space<hbm>>
          tpu.enqueue_indirect_dma source(%dma_start3A_176 : memref<10000x128xf32, #tpu.memory_space<hbm>>) target(%dma_start3A_170 : memref<128x128xf32, #tpu.memory_space<vmem>>) offsets(%dma_start3A_173 : memref<128xi32, #tpu.memory_space<vmem>>) semaphore(%arg10 : memref<!tpu.dma_semaphore, #tpu.memory_space<semaphore_mem>>)
        } else {
        }
        %mul3A_137 = arith.constant 2 : i32
        %mul3A_138 = arith.muli %scan3A_111, %mul3A_137 : i32
        %add3A_139 = arith.constant 1 : i32
        %add3A_140 = arith.addi %mul3A_138, %add3A_139 : i32
        %dma_wait3A_141 = arith.constant 1 : i32
        %dma_wait3A_142 = arith.constant 0 : i32
        %dma_wait3A_143 = arith.constant 0 : i32
        %dma_wait3A_144 = tpu.memref_slice %arg8[%dma_wait3A_141, %dma_wait3A_142, %dma_wait3A_143] : memref<2x128x128xf32, #tpu.memory_space<vmem>> -> memref<1x128x128xf32, #tpu.memory_space<vmem>>
        %dma_wait3A_145 = tpu.memref_squeeze %dma_wait3A_144 : memref<1x128x128xf32, #tpu.memory_space<vmem>> -> memref<128x128xf32, #tpu.memory_space<vmem>>
        %dma_wait3A_146 = arith.constant 0 : i32
        %dma_wait3A_147 = arith.constant 0 : i32
        %dma_wait3A_148 = tpu.memref_slice %arg2[%dma_wait3A_146, %dma_wait3A_147] : memref<10000x128xf32, #tpu.memory_space<hbm>> -> memref<128x128xf32, #tpu.memory_space<hbm>>
        %dma_wait3A_149 = arith.constant 0 : i32
        %dma_wait3A_150 = arith.constant 0 : i32
        %dma_wait3A_151 = tpu.memref_slice %arg8[%dma_wait3A_141, %dma_wait3A_149, %dma_wait3A_150] : memref<2x128x128xf32, #tpu.memory_space<vmem>> -> memref<1x128x128xf32, #tpu.memory_space<vmem>>
        %dma_wait3A_152 = tpu.memref_squeeze %dma_wait3A_151 : memref<1x128x128xf32, #tpu.memory_space<vmem>> -> memref<128x128xf32, #tpu.memory_space<vmem>>
        %dma_wait3A_153 = arith.constant 0 : i32
        %dma_wait3A_154 = arith.constant 0 : i32
        %dma_wait3A_155 = tpu.memref_slice %arg2[%dma_wait3A_153, %dma_wait3A_154] : memref<10000x128xf32, #tpu.memory_space<hbm>> -> memref<128x128xf32, #tpu.memory_space<hbm>>
        tpu.wait_dma2 semaphore(%arg11 : memref<!tpu.dma_semaphore, #tpu.memory_space<semaphore_mem>>) src(%dma_wait3A_155 : memref<128x128xf32, #tpu.memory_space<hbm>>) dst(%dma_wait3A_152 : memref<128x128xf32, #tpu.memory_space<vmem>>)
        %run_scoped3A_156 = arith.constant 1 : i32
        "tpu.region"() ({
          %run_scoped3A_164 = tpu.sem_alloc : memref<!tpu.dma_semaphore, #tpu.memory_space<semaphore_mem>>
          %dma_start3A_165 = arith.constant 0 : i32
          %dma_start3A_166 = arith.constant 0 : i32
          %dma_start3A_167 = tpu.memref_slice %arg8[%run_scoped3A_156, %dma_start3A_165, %dma_start3A_166] : memref<2x128x128xf32, #tpu.memory_space<vmem>> -> memref<1x128x128xf32, #tpu.memory_space<vmem>>
          %dma_start3A_168 = tpu.memref_squeeze %dma_start3A_167 : memref<1x128x128xf32, #tpu.memory_space<vmem>> -> memref<128x128xf32, #tpu.memory_space<vmem>>
          %dma_start3A_169 = arith.constant 0 : i32
          %dma_start3A_170 = tpu.memref_slice %arg7[%add3A_140, %dma_start3A_169] : memref<40x128xi32, #tpu.memory_space<vmem>> -> memref<1x128xi32, #tpu.memory_space<vmem>>
          %dma_start3A_171 = tpu.memref_squeeze %dma_start3A_170 : memref<1x128xi32, #tpu.memory_space<vmem>> -> memref<128xi32, #tpu.memory_space<vmem>>
          %dma_start3A_172 = arith.constant 0 : i32
          %dma_start3A_173 = arith.constant 0 : i32
          %dma_start3A_174 = tpu.memref_slice %arg9[%dma_start3A_172, %dma_start3A_173] : memref<10112x128xf32, #tpu.memory_space<vmem_shared>> -> memref<10112x128xf32, #tpu.memory_space<vmem_shared>>
          tpu.enqueue_indirect_dma source(%dma_start3A_168 : memref<128x128xf32, #tpu.memory_space<vmem>>) target(%dma_start3A_174 : memref<10112x128xf32, #tpu.memory_space<vmem_shared>>) offsets(%dma_start3A_171 : memref<128xi32, #tpu.memory_space<vmem>>) semaphore(%run_scoped3A_164 : memref<!tpu.dma_semaphore, #tpu.memory_space<semaphore_mem>>) {add = true}
          %dma_wait3A_175 = arith.constant 0 : i32
          %dma_wait3A_176 = arith.constant 0 : i32
          %dma_wait3A_177 = tpu.memref_slice %arg8[%run_scoped3A_156, %dma_wait3A_175, %dma_wait3A_176] : memref<2x128x128xf32, #tpu.memory_space<vmem>> -> memref<1x128x128xf32, #tpu.memory_space<vmem>>
          %dma_wait3A_178 = tpu.memref_squeeze %dma_wait3A_177 : memref<1x128x128xf32, #tpu.memory_space<vmem>> -> memref<128x128xf32, #tpu.memory_space<vmem>>
          %dma_wait3A_179 = arith.constant 0 : i32
          %dma_wait3A_180 = tpu.memref_slice %arg7[%add3A_140, %dma_wait3A_179] : memref<40x128xi32, #tpu.memory_space<vmem>> -> memref<1x128xi32, #tpu.memory_space<vmem>>
          %dma_wait3A_181 = tpu.memref_squeeze %dma_wait3A_180 : memref<1x128xi32, #tpu.memory_space<vmem>> -> memref<128xi32, #tpu.memory_space<vmem>>
          %dma_wait3A_182 = arith.constant 0 : i32
          %dma_wait3A_183 = arith.constant 0 : i32
          %dma_wait3A_184 = tpu.memref_slice %arg9[%dma_wait3A_182, %dma_wait3A_183] : memref<10112x128xf32, #tpu.memory_space<vmem_shared>> -> memref<10112x128xf32, #tpu.memory_space<vmem_shared>>
          tpu.wait_indirect_dma semaphore(%run_scoped3A_164 : memref<!tpu.dma_semaphore, #tpu.memory_space<semaphore_mem>>) src(%dma_wait3A_178 : memref<128x128xf32, #tpu.memory_space<vmem>>) dst(%dma_wait3A_184 : memref<10112x128xf32, #tpu.memory_space<vmem_shared>>)
          tpu.yield
        }) : () -> ()
        %add3A_157 = arith.constant 2 : i32
        %add3A_158 = arith.addi %add3A_140, %add3A_157 : i32
        %lt3A_159 = arith.constant 40 : i32
        %lt3A_160 = arith.cmpi slt, %add3A_158, %lt3A_159 : i32
        %convert_element_type3A_161 = arith.extui %lt3A_160 : i1 to i32
        %cond3A_162 = arith.constant 0 : i32
        %cond3A_163 = arith.cmpi ne, %convert_element_type3A_161, %cond3A_162 : i32
        scf.if %cond3A_163 {
          %add3A_164 = arith.constant 2 : i32
          %add3A_165 = arith.addi %add3A_140, %add3A_164 : i32
          %dma_start3A_166 = arith.constant 1 : i32
          %dma_start3A_167 = arith.constant 0 : i32
          %dma_start3A_168 = arith.constant 0 : i32
          %dma_start3A_169 = tpu.memref_slice %arg8[%dma_start3A_166, %dma_start3A_167, %dma_start3A_168] : memref<2x128x128xf32, #tpu.memory_space<vmem>> -> memref<1x128x128xf32, #tpu.memory_space<vmem>>
          %dma_start3A_170 = tpu.memref_squeeze %dma_start3A_169 : memref<1x128x128xf32, #tpu.memory_space<vmem>> -> memref<128x128xf32, #tpu.memory_space<vmem>>
          %dma_start3A_171 = arith.constant 0 : i32
          %dma_start3A_172 = tpu.memref_slice %arg6[%add3A_165, %dma_start3A_171] : memref<40x128xi32, #tpu.memory_space<vmem>> -> memref<1x128xi32, #tpu.memory_space<vmem>>
          %dma_start3A_173 = tpu.memref_squeeze %dma_start3A_172 : memref<1x128xi32, #tpu.memory_space<vmem>> -> memref<128xi32, #tpu.memory_space<vmem>>
          %dma_start3A_174 = arith.constant 0 : i32
          %dma_start3A_175 = arith.constant 0 : i32
          %dma_start3A_176 = tpu.memref_slice %arg2[%dma_start3A_174, %dma_start3A_175] : memref<10000x128xf32, #tpu.memory_space<hbm>> -> memref<10000x128xf32, #tpu.memory_space<hbm>>
          tpu.enqueue_indirect_dma source(%dma_start3A_176 : memref<10000x128xf32, #tpu.memory_space<hbm>>) target(%dma_start3A_170 : memref<128x128xf32, #tpu.memory_space<vmem>>) offsets(%dma_start3A_173 : memref<128xi32, #tpu.memory_space<vmem>>) semaphore(%arg11 : memref<!tpu.dma_semaphore, #tpu.memory_space<semaphore_mem>>)
        } else {
        }
      }
      %scan3A_76 = arith.constant 20 : i32
      %add3A_77 = arith.constant 40 : i32
      %add3A_78 = arith.addi %add3A_43, %add3A_77 : i32
      "tpu.region"() ({
        %run_scoped3A_111 = tpu.sem_alloc : memref<!tpu.dma_semaphore, #tpu.memory_space<semaphore_mem>>
        %dma_start3A_112 = arith.constant 0 : i32
        %dma_start3A_113 = tpu.memref_slice %arg3[%add3A_78, %dma_start3A_112] : memref<2560x128xi32, #tpu.memory_space<hbm>> -> memref<40x128xi32, #tpu.memory_space<hbm>>
        %dma_start3A_114 = arith.constant 0 : i32
        %dma_start3A_115 = tpu.memref_slice %arg3[%add3A_78, %dma_start3A_114] : memref<2560x128xi32, #tpu.memory_space<hbm>> -> memref<40x128xi32, #tpu.memory_space<hbm>>
        tpu.enqueue_dma source(%dma_start3A_115 : memref<40x128xi32, #tpu.memory_space<hbm>>) target(%arg6 : memref<40x128xi32, #tpu.memory_space<vmem>>) target_semaphore(%run_scoped3A_111 : memref<!tpu.dma_semaphore, #tpu.memory_space<semaphore_mem>>)
        %dma_wait3A = arith.constant 0 : i32
        %dma_wait3A_116 = tpu.memref_slice %arg3[%add3A_78, %dma_wait3A] : memref<2560x128xi32, #tpu.memory_space<hbm>> -> memref<40x128xi32, #tpu.memory_space<hbm>>
        %dma_wait3A_117 = arith.constant 0 : i32
        %dma_wait3A_118 = tpu.memref_slice %arg3[%add3A_78, %dma_wait3A_117] : memref<2560x128xi32, #tpu.memory_space<hbm>> -> memref<40x128xi32, #tpu.memory_space<hbm>>
        tpu.wait_dma2 semaphore(%run_scoped3A_111 : memref<!tpu.dma_semaphore, #tpu.memory_space<semaphore_mem>>) src(%dma_wait3A_118 : memref<40x128xi32, #tpu.memory_space<hbm>>) dst(%arg6 : memref<40x128xi32, #tpu.memory_space<vmem>>)
        tpu.yield
      }) : () -> ()
      %add3A_79 = arith.constant 40 : i32
      %add3A_80 = arith.addi %add3A_43, %add3A_79 : i32
      "tpu.region"() ({
        %run_scoped3A_111 = tpu.sem_alloc : memref<!tpu.dma_semaphore, #tpu.memory_space<semaphore_mem>>
        %dma_start3A_112 = arith.constant 0 : i32
        %dma_start3A_113 = tpu.memref_slice %arg4[%add3A_80, %dma_start3A_112] : memref<2560x128xi32, #tpu.memory_space<hbm>> -> memref<40x128xi32, #tpu.memory_space<hbm>>
        %dma_start3A_114 = arith.constant 0 : i32
        %dma_start3A_115 = tpu.memref_slice %arg4[%add3A_80, %dma_start3A_114] : memref<2560x128xi32, #tpu.memory_space<hbm>> -> memref<40x128xi32, #tpu.memory_space<hbm>>
        tpu.enqueue_dma source(%dma_start3A_115 : memref<40x128xi32, #tpu.memory_space<hbm>>) target(%arg7 : memref<40x128xi32, #tpu.memory_space<vmem>>) target_semaphore(%run_scoped3A_111 : memref<!tpu.dma_semaphore, #tpu.memory_space<semaphore_mem>>)
        %dma_wait3A = arith.constant 0 : i32
        %dma_wait3A_116 = tpu.memref_slice %arg4[%add3A_80, %dma_wait3A] : memref<2560x128xi32, #tpu.memory_space<hbm>> -> memref<40x128xi32, #tpu.memory_space<hbm>>
        %dma_wait3A_117 = arith.constant 0 : i32
        %dma_wait3A_118 = tpu.memref_slice %arg4[%add3A_80, %dma_wait3A_117] : memref<2560x128xi32, #tpu.memory_space<hbm>> -> memref<40x128xi32, #tpu.memory_space<hbm>>
        tpu.wait_dma2 semaphore(%run_scoped3A_111 : memref<!tpu.dma_semaphore, #tpu.memory_space<semaphore_mem>>) src(%dma_wait3A_118 : memref<40x128xi32, #tpu.memory_space<hbm>>) dst(%arg7 : memref<40x128xi32, #tpu.memory_space<vmem>>)
        tpu.yield
      }) : () -> ()
      %dma_start3A_81 = arith.constant 0 : i32
      %dma_start3A_82 = arith.constant 0 : i32
      %dma_start3A_83 = arith.constant 0 : i32
      %dma_start3A_84 = arith.constant 0 : i32
      %dma_start3A_85 = tpu.memref_slice %arg8[%dma_start3A_82, %dma_start3A_83, %dma_start3A_84] : memref<2x128x128xf32, #tpu.memory_space<vmem>> -> memref<1x128x128xf32, #tpu.memory_space<vmem>>
      %dma_start3A_86 = tpu.memref_squeeze %dma_start3A_85 : memref<1x128x128xf32, #tpu.memory_space<vmem>> -> memref<128x128xf32, #tpu.memory_space<vmem>>
      %dma_start3A_87 = arith.constant 0 : i32
      %dma_start3A_88 = tpu.memref_slice %arg6[%dma_start3A_81, %dma_start3A_87] : memref<40x128xi32, #tpu.memory_space<vmem>> -> memref<1x128xi32, #tpu.memory_space<vmem>>
      %dma_start3A_89 = tpu.memref_squeeze %dma_start3A_88 : memref<1x128xi32, #tpu.memory_space<vmem>> -> memref<128xi32, #tpu.memory_space<vmem>>
      %dma_start3A_90 = arith.constant 0 : i32
      %dma_start3A_91 = arith.constant 0 : i32
      %dma_start3A_92 = tpu.memref_slice %arg2[%dma_start3A_90, %dma_start3A_91] : memref<10000x128xf32, #tpu.memory_space<hbm>> -> memref<10000x128xf32, #tpu.memory_space<hbm>>
      tpu.enqueue_indirect_dma source(%dma_start3A_92 : memref<10000x128xf32, #tpu.memory_space<hbm>>) target(%dma_start3A_86 : memref<128x128xf32, #tpu.memory_space<vmem>>) offsets(%dma_start3A_89 : memref<128xi32, #tpu.memory_space<vmem>>) semaphore(%arg10 : memref<!tpu.dma_semaphore, #tpu.memory_space<semaphore_mem>>)
      %dma_start3A_93 = arith.constant 1 : i32
      %dma_start3A_94 = arith.constant 1 : i32
      %dma_start3A_95 = arith.constant 0 : i32
      %dma_start3A_96 = arith.constant 0 : i32
      %dma_start3A_97 = tpu.memref_slice %arg8[%dma_start3A_94, %dma_start3A_95, %dma_start3A_96] : memref<2x128x128xf32, #tpu.memory_space<vmem>> -> memref<1x128x128xf32, #tpu.memory_space<vmem>>
      %dma_start3A_98 = tpu.memref_squeeze %dma_start3A_97 : memref<1x128x128xf32, #tpu.memory_space<vmem>> -> memref<128x128xf32, #tpu.memory_space<vmem>>
      %dma_start3A_99 = arith.constant 0 : i32
      %dma_start3A_100 = tpu.memref_slice %arg6[%dma_start3A_93, %dma_start3A_99] : memref<40x128xi32, #tpu.memory_space<vmem>> -> memref<1x128xi32, #tpu.memory_space<vmem>>
      %dma_start3A_101 = tpu.memref_squeeze %dma_start3A_100 : memref<1x128xi32, #tpu.memory_space<vmem>> -> memref<128xi32, #tpu.memory_space<vmem>>
      %dma_start3A_102 = arith.constant 0 : i32
      %dma_start3A_103 = arith.constant 0 : i32
      %dma_start3A_104 = tpu.memref_slice %arg2[%dma_start3A_102, %dma_start3A_103] : memref<10000x128xf32, #tpu.memory_space<hbm>> -> memref<10000x128xf32, #tpu.memory_space<hbm>>
      tpu.enqueue_indirect_dma source(%dma_start3A_104 : memref<10000x128xf32, #tpu.memory_space<hbm>>) target(%dma_start3A_98 : memref<128x128xf32, #tpu.memory_space<vmem>>) offsets(%dma_start3A_101 : memref<128xi32, #tpu.memory_space<vmem>>) semaphore(%arg11 : memref<!tpu.dma_semaphore, #tpu.memory_space<semaphore_mem>>)
      %scan3A_105 = arith.constant 0 : i32
      %scan3A_106 = arith.constant 0 : i32
      %scan3A_107 = arith.constant 20 : i32
      %scan3A_108 = arith.addi %scan3A_106, %scan3A_107 : i32
      %scan3A_109 = arith.constant 1 : i32
      scf.for %scan3A_111 = %scan3A_106 to %scan3A_108 step %scan3A_109  : i32 {
        %mul3A_112 = arith.constant 2 : i32
        %mul3A_113 = arith.muli %scan3A_111, %mul3A_112 : i32
        %add3A_114 = arith.constant 0 : i32
        %add3A_115 = arith.addi %mul3A_113, %add3A_114 : i32
        %dma_wait3A = arith.constant 0 : i32
        %dma_wait3A_116 = arith.constant 0 : i32
        %dma_wait3A_117 = arith.constant 0 : i32
        %dma_wait3A_118 = tpu.memref_slice %arg8[%dma_wait3A, %dma_wait3A_116, %dma_wait3A_117] : memref<2x128x128xf32, #tpu.memory_space<vmem>> -> memref<1x128x128xf32, #tpu.memory_space<vmem>>
        %dma_wait3A_119 = tpu.memref_squeeze %dma_wait3A_118 : memref<1x128x128xf32, #tpu.memory_space<vmem>> -> memref<128x128xf32, #tpu.memory_space<vmem>>
        %dma_wait3A_120 = arith.constant 0 : i32
        %dma_wait3A_121 = arith.constant 0 : i32
        %dma_wait3A_122 = tpu.memref_slice %arg2[%dma_wait3A_120, %dma_wait3A_121] : memref<10000x128xf32, #tpu.memory_space<hbm>> -> memref<128x128xf32, #tpu.memory_space<hbm>>
        %dma_wait3A_123 = arith.constant 0 : i32
        %dma_wait3A_124 = arith.constant 0 : i32
        %dma_wait3A_125 = tpu.memref_slice %arg8[%dma_wait3A, %dma_wait3A_123, %dma_wait3A_124] : memref<2x128x128xf32, #tpu.memory_space<vmem>> -> memref<1x128x128xf32, #tpu.memory_space<vmem>>
        %dma_wait3A_126 = tpu.memref_squeeze %dma_wait3A_125 : memref<1x128x128xf32, #tpu.memory_space<vmem>> -> memref<128x128xf32, #tpu.memory_space<vmem>>
        %dma_wait3A_127 = arith.constant 0 : i32
        %dma_wait3A_128 = arith.constant 0 : i32
        %dma_wait3A_129 = tpu.memref_slice %arg2[%dma_wait3A_127, %dma_wait3A_128] : memref<10000x128xf32, #tpu.memory_space<hbm>> -> memref<128x128xf32, #tpu.memory_space<hbm>>
        tpu.wait_dma2 semaphore(%arg10 : memref<!tpu.dma_semaphore, #tpu.memory_space<semaphore_mem>>) src(%dma_wait3A_129 : memref<128x128xf32, #tpu.memory_space<hbm>>) dst(%dma_wait3A_126 : memref<128x128xf32, #tpu.memory_space<vmem>>)
        %run_scoped3A_130 = arith.constant 0 : i32
        "tpu.region"() ({
          %run_scoped3A_164 = tpu.sem_alloc : memref<!tpu.dma_semaphore, #tpu.memory_space<semaphore_mem>>
          %dma_start3A_165 = arith.constant 0 : i32
          %dma_start3A_166 = arith.constant 0 : i32
          %dma_start3A_167 = tpu.memref_slice %arg8[%run_scoped3A_130, %dma_start3A_165, %dma_start3A_166] : memref<2x128x128xf32, #tpu.memory_space<vmem>> -> memref<1x128x128xf32, #tpu.memory_space<vmem>>
          %dma_start3A_168 = tpu.memref_squeeze %dma_start3A_167 : memref<1x128x128xf32, #tpu.memory_space<vmem>> -> memref<128x128xf32, #tpu.memory_space<vmem>>
          %dma_start3A_169 = arith.constant 0 : i32
          %dma_start3A_170 = tpu.memref_slice %arg7[%add3A_115, %dma_start3A_169] : memref<40x128xi32, #tpu.memory_space<vmem>> -> memref<1x128xi32, #tpu.memory_space<vmem>>
          %dma_start3A_171 = tpu.memref_squeeze %dma_start3A_170 : memref<1x128xi32, #tpu.memory_space<vmem>> -> memref<128xi32, #tpu.memory_space<vmem>>
          %dma_start3A_172 = arith.constant 0 : i32
          %dma_start3A_173 = arith.constant 0 : i32
          %dma_start3A_174 = tpu.memref_slice %arg9[%dma_start3A_172, %dma_start3A_173] : memref<10112x128xf32, #tpu.memory_space<vmem_shared>> -> memref<10112x128xf32, #tpu.memory_space<vmem_shared>>
          tpu.enqueue_indirect_dma source(%dma_start3A_168 : memref<128x128xf32, #tpu.memory_space<vmem>>) target(%dma_start3A_174 : memref<10112x128xf32, #tpu.memory_space<vmem_shared>>) offsets(%dma_start3A_171 : memref<128xi32, #tpu.memory_space<vmem>>) semaphore(%run_scoped3A_164 : memref<!tpu.dma_semaphore, #tpu.memory_space<semaphore_mem>>) {add = true}
          %dma_wait3A_175 = arith.constant 0 : i32
          %dma_wait3A_176 = arith.constant 0 : i32
          %dma_wait3A_177 = tpu.memref_slice %arg8[%run_scoped3A_130, %dma_wait3A_175, %dma_wait3A_176] : memref<2x128x128xf32, #tpu.memory_space<vmem>> -> memref<1x128x128xf32, #tpu.memory_space<vmem>>
          %dma_wait3A_178 = tpu.memref_squeeze %dma_wait3A_177 : memref<1x128x128xf32, #tpu.memory_space<vmem>> -> memref<128x128xf32, #tpu.memory_space<vmem>>
          %dma_wait3A_179 = arith.constant 0 : i32
          %dma_wait3A_180 = tpu.memref_slice %arg7[%add3A_115, %dma_wait3A_179] : memref<40x128xi32, #tpu.memory_space<vmem>> -> memref<1x128xi32, #tpu.memory_space<vmem>>
          %dma_wait3A_181 = tpu.memref_squeeze %dma_wait3A_180 : memref<1x128xi32, #tpu.memory_space<vmem>> -> memref<128xi32, #tpu.memory_space<vmem>>
          %dma_wait3A_182 = arith.constant 0 : i32
          %dma_wait3A_183 = arith.constant 0 : i32
          %dma_wait3A_184 = tpu.memref_slice %arg9[%dma_wait3A_182, %dma_wait3A_183] : memref<10112x128xf32, #tpu.memory_space<vmem_shared>> -> memref<10112x128xf32, #tpu.memory_space<vmem_shared>>
          tpu.wait_indirect_dma semaphore(%run_scoped3A_164 : memref<!tpu.dma_semaphore, #tpu.memory_space<semaphore_mem>>) src(%dma_wait3A_178 : memref<128x128xf32, #tpu.memory_space<vmem>>) dst(%dma_wait3A_184 : memref<10112x128xf32, #tpu.memory_space<vmem_shared>>)
          tpu.yield
        }) : () -> ()
        %add3A_131 = arith.constant 2 : i32
        %add3A_132 = arith.addi %add3A_115, %add3A_131 : i32
        %lt3A = arith.constant 40 : i32
        %lt3A_133 = arith.cmpi slt, %add3A_132, %lt3A : i32
        %convert_element_type3A_134 = arith.extui %lt3A_133 : i1 to i32
        %cond3A_135 = arith.constant 0 : i32
        %cond3A_136 = arith.cmpi ne, %convert_element_type3A_134, %cond3A_135 : i32
        scf.if %cond3A_136 {
          %add3A_164 = arith.constant 2 : i32
          %add3A_165 = arith.addi %add3A_115, %add3A_164 : i32
          %dma_start3A_166 = arith.constant 0 : i32
          %dma_start3A_167 = arith.constant 0 : i32
          %dma_start3A_168 = arith.constant 0 : i32
          %dma_start3A_169 = tpu.memref_slice %arg8[%dma_start3A_166, %dma_start3A_167, %dma_start3A_168] : memref<2x128x128xf32, #tpu.memory_space<vmem>> -> memref<1x128x128xf32, #tpu.memory_space<vmem>>
          %dma_start3A_170 = tpu.memref_squeeze %dma_start3A_169 : memref<1x128x128xf32, #tpu.memory_space<vmem>> -> memref<128x128xf32, #tpu.memory_space<vmem>>
          %dma_start3A_171 = arith.constant 0 : i32
          %dma_start3A_172 = tpu.memref_slice %arg6[%add3A_165, %dma_start3A_171] : memref<40x128xi32, #tpu.memory_space<vmem>> -> memref<1x128xi32, #tpu.memory_space<vmem>>
          %dma_start3A_173 = tpu.memref_squeeze %dma_start3A_172 : memref<1x128xi32, #tpu.memory_space<vmem>> -> memref<128xi32, #tpu.memory_space<vmem>>
          %dma_start3A_174 = arith.constant 0 : i32
          %dma_start3A_175 = arith.constant 0 : i32
          %dma_start3A_176 = tpu.memref_slice %arg2[%dma_start3A_174, %dma_start3A_175] : memref<10000x128xf32, #tpu.memory_space<hbm>> -> memref<10000x128xf32, #tpu.memory_space<hbm>>
          tpu.enqueue_indirect_dma source(%dma_start3A_176 : memref<10000x128xf32, #tpu.memory_space<hbm>>) target(%dma_start3A_170 : memref<128x128xf32, #tpu.memory_space<vmem>>) offsets(%dma_start3A_173 : memref<128xi32, #tpu.memory_space<vmem>>) semaphore(%arg10 : memref<!tpu.dma_semaphore, #tpu.memory_space<semaphore_mem>>)
        } else {
        }
        %mul3A_137 = arith.constant 2 : i32
        %mul3A_138 = arith.muli %scan3A_111, %mul3A_137 : i32
        %add3A_139 = arith.constant 1 : i32
        %add3A_140 = arith.addi %mul3A_138, %add3A_139 : i32
        %dma_wait3A_141 = arith.constant 1 : i32
        %dma_wait3A_142 = arith.constant 0 : i32
        %dma_wait3A_143 = arith.constant 0 : i32
        %dma_wait3A_144 = tpu.memref_slice %arg8[%dma_wait3A_141, %dma_wait3A_142, %dma_wait3A_143] : memref<2x128x128xf32, #tpu.memory_space<vmem>> -> memref<1x128x128xf32, #tpu.memory_space<vmem>>
        %dma_wait3A_145 = tpu.memref_squeeze %dma_wait3A_144 : memref<1x128x128xf32, #tpu.memory_space<vmem>> -> memref<128x128xf32, #tpu.memory_space<vmem>>
        %dma_wait3A_146 = arith.constant 0 : i32
        %dma_wait3A_147 = arith.constant 0 : i32
        %dma_wait3A_148 = tpu.memref_slice %arg2[%dma_wait3A_146, %dma_wait3A_147] : memref<10000x128xf32, #tpu.memory_space<hbm>> -> memref<128x128xf32, #tpu.memory_space<hbm>>
        %dma_wait3A_149 = arith.constant 0 : i32
        %dma_wait3A_150 = arith.constant 0 : i32
        %dma_wait3A_151 = tpu.memref_slice %arg8[%dma_wait3A_141, %dma_wait3A_149, %dma_wait3A_150] : memref<2x128x128xf32, #tpu.memory_space<vmem>> -> memref<1x128x128xf32, #tpu.memory_space<vmem>>
        %dma_wait3A_152 = tpu.memref_squeeze %dma_wait3A_151 : memref<1x128x128xf32, #tpu.memory_space<vmem>> -> memref<128x128xf32, #tpu.memory_space<vmem>>
        %dma_wait3A_153 = arith.constant 0 : i32
        %dma_wait3A_154 = arith.constant 0 : i32
        %dma_wait3A_155 = tpu.memref_slice %arg2[%dma_wait3A_153, %dma_wait3A_154] : memref<10000x128xf32, #tpu.memory_space<hbm>> -> memref<128x128xf32, #tpu.memory_space<hbm>>
        tpu.wait_dma2 semaphore(%arg11 : memref<!tpu.dma_semaphore, #tpu.memory_space<semaphore_mem>>) src(%dma_wait3A_155 : memref<128x128xf32, #tpu.memory_space<hbm>>) dst(%dma_wait3A_152 : memref<128x128xf32, #tpu.memory_space<vmem>>)
        %run_scoped3A_156 = arith.constant 1 : i32
        "tpu.region"() ({
          %run_scoped3A_164 = tpu.sem_alloc : memref<!tpu.dma_semaphore, #tpu.memory_space<semaphore_mem>>
          %dma_start3A_165 = arith.constant 0 : i32
          %dma_start3A_166 = arith.constant 0 : i32
          %dma_start3A_167 = tpu.memref_slice %arg8[%run_scoped3A_156, %dma_start3A_165, %dma_start3A_166] : memref<2x128x128xf32, #tpu.memory_space<vmem>> -> memref<1x128x128xf32, #tpu.memory_space<vmem>>
          %dma_start3A_168 = tpu.memref_squeeze %dma_start3A_167 : memref<1x128x128xf32, #tpu.memory_space<vmem>> -> memref<128x128xf32, #tpu.memory_space<vmem>>
          %dma_start3A_169 = arith.constant 0 : i32
          %dma_start3A_170 = tpu.memref_slice %arg7[%add3A_140, %dma_start3A_169] : memref<40x128xi32, #tpu.memory_space<vmem>> -> memref<1x128xi32, #tpu.memory_space<vmem>>
          %dma_start3A_171 = tpu.memref_squeeze %dma_start3A_170 : memref<1x128xi32, #tpu.memory_space<vmem>> -> memref<128xi32, #tpu.memory_space<vmem>>
          %dma_start3A_172 = arith.constant 0 : i32
          %dma_start3A_173 = arith.constant 0 : i32
          %dma_start3A_174 = tpu.memref_slice %arg9[%dma_start3A_172, %dma_start3A_173] : memref<10112x128xf32, #tpu.memory_space<vmem_shared>> -> memref<10112x128xf32, #tpu.memory_space<vmem_shared>>
          tpu.enqueue_indirect_dma source(%dma_start3A_168 : memref<128x128xf32, #tpu.memory_space<vmem>>) target(%dma_start3A_174 : memref<10112x128xf32, #tpu.memory_space<vmem_shared>>) offsets(%dma_start3A_171 : memref<128xi32, #tpu.memory_space<vmem>>) semaphore(%run_scoped3A_164 : memref<!tpu.dma_semaphore, #tpu.memory_space<semaphore_mem>>) {add = true}
          %dma_wait3A_175 = arith.constant 0 : i32
          %dma_wait3A_176 = arith.constant 0 : i32
          %dma_wait3A_177 = tpu.memref_slice %arg8[%run_scoped3A_156, %dma_wait3A_175, %dma_wait3A_176] : memref<2x128x128xf32, #tpu.memory_space<vmem>> -> memref<1x128x128xf32, #tpu.memory_space<vmem>>
          %dma_wait3A_178 = tpu.memref_squeeze %dma_wait3A_177 : memref<1x128x128xf32, #tpu.memory_space<vmem>> -> memref<128x128xf32, #tpu.memory_space<vmem>>
          %dma_wait3A_179 = arith.constant 0 : i32
          %dma_wait3A_180 = tpu.memref_slice %arg7[%add3A_140, %dma_wait3A_179] : memref<40x128xi32, #tpu.memory_space<vmem>> -> memref<1x128xi32, #tpu.memory_space<vmem>>
          %dma_wait3A_181 = tpu.memref_squeeze %dma_wait3A_180 : memref<1x128xi32, #tpu.memory_space<vmem>> -> memref<128xi32, #tpu.memory_space<vmem>>
          %dma_wait3A_182 = arith.constant 0 : i32
          %dma_wait3A_183 = arith.constant 0 : i32
          %dma_wait3A_184 = tpu.memref_slice %arg9[%dma_wait3A_182, %dma_wait3A_183] : memref<10112x128xf32, #tpu.memory_space<vmem_shared>> -> memref<10112x128xf32, #tpu.memory_space<vmem_shared>>
          tpu.wait_indirect_dma semaphore(%run_scoped3A_164 : memref<!tpu.dma_semaphore, #tpu.memory_space<semaphore_mem>>) src(%dma_wait3A_178 : memref<128x128xf32, #tpu.memory_space<vmem>>) dst(%dma_wait3A_184 : memref<10112x128xf32, #tpu.memory_space<vmem_shared>>)
          tpu.yield
        }) : () -> ()
        %add3A_157 = arith.constant 2 : i32
        %add3A_158 = arith.addi %add3A_140, %add3A_157 : i32
        %lt3A_159 = arith.constant 40 : i32
        %lt3A_160 = arith.cmpi slt, %add3A_158, %lt3A_159 : i32
        %convert_element_type3A_161 = arith.extui %lt3A_160 : i1 to i32
        %cond3A_162 = arith.constant 0 : i32
        %cond3A_163 = arith.cmpi ne, %convert_element_type3A_161, %cond3A_162 : i32
        scf.if %cond3A_163 {
          %add3A_164 = arith.constant 2 : i32
          %add3A_165 = arith.addi %add3A_140, %add3A_164 : i32
          %dma_start3A_166 = arith.constant 1 : i32
          %dma_start3A_167 = arith.constant 0 : i32
          %dma_start3A_168 = arith.constant 0 : i32
          %dma_start3A_169 = tpu.memref_slice %arg8[%dma_start3A_166, %dma_start3A_167, %dma_start3A_168] : memref<2x128x128xf32, #tpu.memory_space<vmem>> -> memref<1x128x128xf32, #tpu.memory_space<vmem>>
          %dma_start3A_170 = tpu.memref_squeeze %dma_start3A_169 : memref<1x128x128xf32, #tpu.memory_space<vmem>> -> memref<128x128xf32, #tpu.memory_space<vmem>>
          %dma_start3A_171 = arith.constant 0 : i32
          %dma_start3A_172 = tpu.memref_slice %arg6[%add3A_165, %dma_start3A_171] : memref<40x128xi32, #tpu.memory_space<vmem>> -> memref<1x128xi32, #tpu.memory_space<vmem>>
          %dma_start3A_173 = tpu.memref_squeeze %dma_start3A_172 : memref<1x128xi32, #tpu.memory_space<vmem>> -> memref<128xi32, #tpu.memory_space<vmem>>
          %dma_start3A_174 = arith.constant 0 : i32
          %dma_start3A_175 = arith.constant 0 : i32
          %dma_start3A_176 = tpu.memref_slice %arg2[%dma_start3A_174, %dma_start3A_175] : memref<10000x128xf32, #tpu.memory_space<hbm>> -> memref<10000x128xf32, #tpu.memory_space<hbm>>
          tpu.enqueue_indirect_dma source(%dma_start3A_176 : memref<10000x128xf32, #tpu.memory_space<hbm>>) target(%dma_start3A_170 : memref<128x128xf32, #tpu.memory_space<vmem>>) offsets(%dma_start3A_173 : memref<128xi32, #tpu.memory_space<vmem>>) semaphore(%arg11 : memref<!tpu.dma_semaphore, #tpu.memory_space<semaphore_mem>>)
        } else {
        }
      }
      %scan3A_110 = arith.constant 20 : i32
    } else {
    }
    %barrier3A_35 = arith.constant 0 : index
    tpu.barrier barrier_id(%barrier3A_35)
    %mul3A_36 = arith.constant 632 : i32
    %mul3A_37 = arith.muli %arg1, %mul3A_36 : i32
    %mul3A_38 = arith.constant 632 : i32
    %mul3A_39 = arith.muli %arg1, %mul3A_38 : i32
    "tpu.region"() ({
      %run_scoped3A_40 = tpu.sem_alloc : memref<!tpu.dma_semaphore, #tpu.memory_space<semaphore_mem>>
      %dma_start3A = arith.constant 0 : i32
      %dma_start3A_41 = arith.constant 0 : i32
      %dma_start3A_42 = tpu.memref_slice %arg5[%arg0, %dma_start3A, %dma_start3A_41] : memref<2x10112x128xf32, #tpu.memory_space<hbm>> -> memref<1x10112x128xf32, #tpu.memory_space<hbm>>
      %dma_start3A_43 = tpu.memref_squeeze %dma_start3A_42 : memref<1x10112x128xf32, #tpu.memory_space<hbm>> -> memref<10112x128xf32, #tpu.memory_space<hbm>>
      %dma_start3A_44 = arith.constant 0 : i32
      %dma_start3A_45 = tpu.memref_slice %dma_start3A_43[%mul3A_39, %dma_start3A_44] : memref<10112x128xf32, #tpu.memory_space<hbm>> -> memref<632x128xf32, #tpu.memory_space<hbm>>
      %dma_start3A_46 = arith.constant 0 : i32
      %dma_start3A_47 = tpu.memref_slice %arg9[%mul3A_37, %dma_start3A_46] : memref<10112x128xf32, #tpu.memory_space<vmem_shared>> -> memref<632x128xf32, #tpu.memory_space<vmem_shared>>
      tpu.enqueue_dma source(%dma_start3A_47 : memref<632x128xf32, #tpu.memory_space<vmem_shared>>) target(%dma_start3A_45 : memref<632x128xf32, #tpu.memory_space<hbm>>) target_semaphore(%run_scoped3A_40 : memref<!tpu.dma_semaphore, #tpu.memory_space<semaphore_mem>>)
      %dma_wait3A = arith.constant 0 : i32
      %dma_wait3A_48 = arith.constant 0 : i32
      %dma_wait3A_49 = tpu.memref_slice %arg5[%arg0, %dma_wait3A, %dma_wait3A_48] : memref<2x10112x128xf32, #tpu.memory_space<hbm>> -> memref<1x10112x128xf32, #tpu.memory_space<hbm>>
      %dma_wait3A_50 = tpu.memref_squeeze %dma_wait3A_49 : memref<1x10112x128xf32, #tpu.memory_space<hbm>> -> memref<10112x128xf32, #tpu.memory_space<hbm>>
      %dma_wait3A_51 = arith.constant 0 : i32
      %dma_wait3A_52 = tpu.memref_slice %dma_wait3A_50[%mul3A_39, %dma_wait3A_51] : memref<10112x128xf32, #tpu.memory_space<hbm>> -> memref<632x128xf32, #tpu.memory_space<hbm>>
      %dma_wait3A_53 = arith.constant 0 : i32
      %dma_wait3A_54 = tpu.memref_slice %arg9[%mul3A_37, %dma_wait3A_53] : memref<10112x128xf32, #tpu.memory_space<vmem_shared>> -> memref<632x128xf32, #tpu.memory_space<vmem_shared>>
      tpu.wait_dma2 semaphore(%run_scoped3A_40 : memref<!tpu.dma_semaphore, #tpu.memory_space<semaphore_mem>>) src(%dma_wait3A_54 : memref<632x128xf32, #tpu.memory_space<vmem_shared>>) dst(%dma_wait3A_52 : memref<632x128xf32, #tpu.memory_space<hbm>>)
      tpu.yield
    }) : () -> ()
    return
  }
}

module attributes {stable_mosaic.version = 14 : i64} {
  func.func @_tc_pre_body(%arg0: i32, %arg1: memref<2000x128xf32, #tpu.memory_space<vmem>>, %arg2: memref<128x128xf32, #tpu.memory_space<vmem>>, %arg3: memref<1x128xf32, #tpu.memory_space<vmem>>, %arg4: memref<2000x128xf32, #tpu.memory_space<vmem>>) attributes {dimension_semantics = [#tpu.dimension_semantics<arbitrary>], iteration_bounds = array<i64: 5>, scalar_prefetch = 0 : i64, scratch_operands = 0 : i64, tpu.core_type = #tpu.core_type<tc>, window_params = [{transform_indices = @transform_0, window_bounds = array<i64: 2000, 128>}, {pipeline_mode = #tpu.pipeline_mode<synchronous>, transform_indices = @transform_1, window_bounds = array<i64: 128, 128>}, {pipeline_mode = #tpu.pipeline_mode<synchronous>, transform_indices = @transform_2, window_bounds = array<i64: 1, 128>}, {transform_indices = @transform_3, window_bounds = array<i64: 2000, 128>}]} {
    %get3A = arith.constant 0 : index
    %get3A_0 = arith.constant 0 : index
    %get3A_1 = vector.load %arg1[%get3A, %get3A_0] : memref<2000x128xf32, #tpu.memory_space<vmem>>, vector<2000x128xf32>
    %mul3A = arith.mulf %get3A_1, %get3A_1 : vector<2000x128xf32>
    %reduce_sum3A = arith.constant dense<0.000000e+00> : vector<2000xf32>
    %reduce_sum3A_2 = vector.multi_reduction <add>, %mul3A, %reduce_sum3A [1] : vector<2000x128xf32> to vector<2000xf32>
    %broadcast_in_dim3A = vector.shape_cast %reduce_sum3A_2 : vector<2000xf32> to vector<2000x1xf32>
    %sqrt3A = math.sqrt %broadcast_in_dim3A : vector<2000x1xf32>
    %max3A = arith.constant 1.000000e-15 : f32
    %max3A_3 = vector.broadcast %max3A : f32 to vector<2000x1xf32>
    %max3A_4 = arith.maximumf %sqrt3A, %max3A_3 : vector<2000x1xf32>
    %tanh3A = math.tanh %max3A_4 : vector<2000x1xf32>
    %mul3A_5 = vector.broadcast %tanh3A : vector<2000x1xf32> to vector<2000x128xf32>
    %mul3A_6 = arith.mulf %mul3A_5, %get3A_1 : vector<2000x128xf32>
    %div3A = vector.broadcast %max3A_4 : vector<2000x1xf32> to vector<2000x128xf32>
    %div3A_7 = arith.divf %mul3A_6, %div3A : vector<2000x128xf32>
    %mul3A_8 = arith.mulf %div3A_7, %div3A_7 : vector<2000x128xf32>
    %reduce_sum3A_9 = arith.constant dense<0.000000e+00> : vector<2000xf32>
    %reduce_sum3A_10 = vector.multi_reduction <add>, %mul3A_8, %reduce_sum3A_9 [1] : vector<2000x128xf32> to vector<2000xf32>
    %broadcast_in_dim3A_11 = vector.shape_cast %reduce_sum3A_10 : vector<2000xf32> to vector<2000x1xf32>
    %sqrt3A_12 = math.sqrt %broadcast_in_dim3A_11 : vector<2000x1xf32>
    %max3A_13 = arith.constant 1.000000e-15 : f32
    %max3A_14 = vector.broadcast %max3A_13 : f32 to vector<2000x1xf32>
    %max3A_15 = arith.maximumf %sqrt3A_12, %max3A_14 : vector<2000x1xf32>
    %gt3A = arith.constant 0.995999991 : f32
    %gt3A_16 = vector.broadcast %gt3A : f32 to vector<2000x1xf32>
    %gt3A_17 = arith.cmpf ogt, %max3A_15, %gt3A_16 : vector<2000x1xf32>
    %div3A_18 = vector.broadcast %max3A_15 : vector<2000x1xf32> to vector<2000x128xf32>
    %div3A_19 = arith.divf %div3A_7, %div3A_18 : vector<2000x128xf32>
    %mul3A_20 = arith.constant 0.995999991 : f32
    %mul3A_21 = vector.broadcast %mul3A_20 : f32 to vector<2000x128xf32>
    %mul3A_22 = arith.mulf %div3A_19, %mul3A_21 : vector<2000x128xf32>
    %broadcast_in_dim3A_23 = vector.shape_cast %gt3A_17 : vector<2000x1xi1> to vector<2000x1xi1>
    %broadcast_in_dim3A_24 = vector.broadcast %broadcast_in_dim3A_23 : vector<2000x1xi1> to vector<2000x128xi1>
    %select_n3A = arith.select %broadcast_in_dim3A_24, %mul3A_22, %div3A_7 : vector<2000x128xi1>, vector<2000x128xf32>
    %get3A_25 = arith.constant 0 : index
    %get3A_26 = arith.constant 0 : index
    %get3A_27 = vector.load %arg2[%get3A_25, %get3A_26] : memref<128x128xf32, #tpu.memory_space<vmem>>, vector<128x128xf32>
    %get3A_28 = arith.constant 0 : index
    %get3A_29 = arith.constant 0 : index
    %get3A_30 = vector.load %arg3[%get3A_28, %get3A_29] : memref<1x128xf32, #tpu.memory_space<vmem>>, vector<1x128xf32>
    %mul3A_31 = arith.mulf %select_n3A, %select_n3A : vector<2000x128xf32>
    %reduce_sum3A_32 = arith.constant dense<0.000000e+00> : vector<2000xf32>
    %reduce_sum3A_33 = vector.multi_reduction <add>, %mul3A_31, %reduce_sum3A_32 [1] : vector<2000x128xf32> to vector<2000xf32>
    %broadcast_in_dim3A_34 = vector.shape_cast %reduce_sum3A_33 : vector<2000xf32> to vector<2000x1xf32>
    %sqrt3A_35 = math.sqrt %broadcast_in_dim3A_34 : vector<2000x1xf32>
    %max3A_36 = arith.constant 1.000000e-15 : f32
    %max3A_37 = vector.broadcast %max3A_36 : f32 to vector<2000x1xf32>
    %max3A_38 = arith.maximumf %sqrt3A_35, %max3A_37 : vector<2000x1xf32>
    %dot_general3A = arith.constant dense<0.000000e+00> : vector<2000x128xf32>
    %dot_general3A_39 = tpu.matmul %select_n3A, %get3A_27, %dot_general3A {dimension_numbers = #tpu.dot_dimension_numbers<[1], [0], [0], [1], [0, 0, 1, 1], [], []>, transpose_lhs_hint = false} : vector<2000x128xf32>, vector<128x128xf32>, vector<2000x128xf32> -> vector<2000x128xf32>
    %mul3A_40 = arith.mulf %dot_general3A_39, %dot_general3A_39 : vector<2000x128xf32>
    %reduce_sum3A_41 = arith.constant dense<0.000000e+00> : vector<2000xf32>
    %reduce_sum3A_42 = vector.multi_reduction <add>, %mul3A_40, %reduce_sum3A_41 [1] : vector<2000x128xf32> to vector<2000xf32>
    %broadcast_in_dim3A_43 = vector.shape_cast %reduce_sum3A_42 : vector<2000xf32> to vector<2000x1xf32>
    %sqrt3A_44 = math.sqrt %broadcast_in_dim3A_43 : vector<2000x1xf32>
    %max3A_45 = arith.constant 1.000000e-15 : f32
    %max3A_46 = vector.broadcast %max3A_45 : f32 to vector<2000x1xf32>
    %max3A_47 = arith.maximumf %sqrt3A_44, %max3A_46 : vector<2000x1xf32>
    %div3A_48 = arith.divf %max3A_47, %max3A_38 : vector<2000x1xf32>
    %jit3A = arith.constant -0.99999988 : f32
    %jit3A_49 = arith.constant 0.99999988 : f32
    %max3A_50 = vector.broadcast %jit3A : f32 to vector<2000x1xf32>
    %max3A_51 = arith.maximumf %max3A_50, %max3A_38 : vector<2000x1xf32>
    %min3A = vector.broadcast %jit3A_49 : f32 to vector<2000x1xf32>
    %min3A_52 = arith.minimumf %min3A, %max3A_51 : vector<2000x1xf32>
    %add3A = arith.constant 1.000000e+00 : f32
    %add3A_53 = vector.broadcast %add3A : f32 to vector<2000x1xf32>
    %add3A_54 = arith.addf %add3A_53, %min3A_52 : vector<2000x1xf32>
    %sub3A = arith.constant 1.000000e+00 : f32
    %sub3A_55 = vector.broadcast %sub3A : f32 to vector<2000x1xf32>
    %sub3A_56 = arith.subf %sub3A_55, %min3A_52 : vector<2000x1xf32>
    %div3A_57 = arith.divf %add3A_54, %sub3A_56 : vector<2000x1xf32>
    %log3A = math.log %div3A_57 : vector<2000x1xf32>
    %mul3A_58 = arith.constant 5.000000e-01 : f32
    %mul3A_59 = vector.broadcast %mul3A_58 : f32 to vector<2000x1xf32>
    %mul3A_60 = arith.mulf %mul3A_59, %log3A : vector<2000x1xf32>
    %mul3A_61 = arith.mulf %div3A_48, %mul3A_60 : vector<2000x1xf32>
    %tanh3A_62 = math.tanh %mul3A_61 : vector<2000x1xf32>
    %mul3A_63 = vector.broadcast %tanh3A_62 : vector<2000x1xf32> to vector<2000x128xf32>
    %mul3A_64 = arith.mulf %mul3A_63, %dot_general3A_39 : vector<2000x128xf32>
    %div3A_65 = vector.broadcast %max3A_47 : vector<2000x1xf32> to vector<2000x128xf32>
    %div3A_66 = arith.divf %mul3A_64, %div3A_65 : vector<2000x128xf32>
    %eq3A = arith.constant 0.000000e+00 : f32
    %eq3A_67 = vector.broadcast %eq3A : f32 to vector<2000x1xf32>
    %eq3A_68 = arith.cmpf oeq, %broadcast_in_dim3A_43, %eq3A_67 : vector<2000x1xf32>
    %broadcast_in_dim3A_69 = arith.constant 0.000000e+00 : f32
    %broadcast_in_dim3A_70 = vector.broadcast %broadcast_in_dim3A_69 : f32 to vector<2000x128xf32>
    %broadcast_in_dim3A_71 = vector.shape_cast %eq3A_68 : vector<2000x1xi1> to vector<2000x1xi1>
    %broadcast_in_dim3A_72 = vector.broadcast %broadcast_in_dim3A_71 : vector<2000x1xi1> to vector<2000x128xi1>
    %select_n3A_73 = arith.select %broadcast_in_dim3A_72, %broadcast_in_dim3A_70, %div3A_66 : vector<2000x128xi1>, vector<2000x128xf32>
    %mul3A_74 = arith.mulf %select_n3A_73, %select_n3A_73 : vector<2000x128xf32>
    %reduce_sum3A_75 = arith.constant dense<0.000000e+00> : vector<2000xf32>
    %reduce_sum3A_76 = vector.multi_reduction <add>, %mul3A_74, %reduce_sum3A_75 [1] : vector<2000x128xf32> to vector<2000xf32>
    %broadcast_in_dim3A_77 = vector.shape_cast %reduce_sum3A_76 : vector<2000xf32> to vector<2000x1xf32>
    %sqrt3A_78 = math.sqrt %broadcast_in_dim3A_77 : vector<2000x1xf32>
    %max3A_79 = arith.constant 1.000000e-15 : f32
    %max3A_80 = vector.broadcast %max3A_79 : f32 to vector<2000x1xf32>
    %max3A_81 = arith.maximumf %sqrt3A_78, %max3A_80 : vector<2000x1xf32>
    %gt3A_82 = arith.constant 0.995999991 : f32
    %gt3A_83 = vector.broadcast %gt3A_82 : f32 to vector<2000x1xf32>
    %gt3A_84 = arith.cmpf ogt, %max3A_81, %gt3A_83 : vector<2000x1xf32>
    %div3A_85 = vector.broadcast %max3A_81 : vector<2000x1xf32> to vector<2000x128xf32>
    %div3A_86 = arith.divf %select_n3A_73, %div3A_85 : vector<2000x128xf32>
    %mul3A_87 = arith.constant 0.995999991 : f32
    %mul3A_88 = vector.broadcast %mul3A_87 : f32 to vector<2000x128xf32>
    %mul3A_89 = arith.mulf %div3A_86, %mul3A_88 : vector<2000x128xf32>
    %broadcast_in_dim3A_90 = vector.shape_cast %gt3A_84 : vector<2000x1xi1> to vector<2000x1xi1>
    %broadcast_in_dim3A_91 = vector.broadcast %broadcast_in_dim3A_90 : vector<2000x1xi1> to vector<2000x128xi1>
    %select_n3A_92 = arith.select %broadcast_in_dim3A_91, %mul3A_89, %select_n3A_73 : vector<2000x128xi1>, vector<2000x128xf32>
    %mul3A_93 = arith.mulf %get3A_30, %get3A_30 : vector<1x128xf32>
    %reduce_sum3A_94 = arith.constant dense<0.000000e+00> : vector<1xf32>
    %reduce_sum3A_95 = vector.multi_reduction <add>, %mul3A_93, %reduce_sum3A_94 [1] : vector<1x128xf32> to vector<1xf32>
    %broadcast_in_dim3A_96 = vector.shape_cast %reduce_sum3A_95 : vector<1xf32> to vector<1x1xf32>
    %sqrt3A_97 = math.sqrt %broadcast_in_dim3A_96 : vector<1x1xf32>
    %max3A_98 = arith.constant 1.000000e-15 : f32
    %max3A_99 = vector.broadcast %max3A_98 : f32 to vector<1x1xf32>
    %max3A_100 = arith.maximumf %sqrt3A_97, %max3A_99 : vector<1x1xf32>
    %tanh3A_101 = math.tanh %max3A_100 : vector<1x1xf32>
    %mul3A_102 = vector.broadcast %tanh3A_101 : vector<1x1xf32> to vector<1x128xf32>
    %mul3A_103 = arith.mulf %mul3A_102, %get3A_30 : vector<1x128xf32>
    %div3A_104 = vector.broadcast %max3A_100 : vector<1x1xf32> to vector<1x128xf32>
    %div3A_105 = arith.divf %mul3A_103, %div3A_104 : vector<1x128xf32>
    %mul3A_106 = arith.mulf %div3A_105, %div3A_105 : vector<1x128xf32>
    %reduce_sum3A_107 = arith.constant dense<0.000000e+00> : vector<1xf32>
    %reduce_sum3A_108 = vector.multi_reduction <add>, %mul3A_106, %reduce_sum3A_107 [1] : vector<1x128xf32> to vector<1xf32>
    %broadcast_in_dim3A_109 = vector.shape_cast %reduce_sum3A_108 : vector<1xf32> to vector<1x1xf32>
    %sqrt3A_110 = math.sqrt %broadcast_in_dim3A_109 : vector<1x1xf32>
    %max3A_111 = arith.constant 1.000000e-15 : f32
    %max3A_112 = vector.broadcast %max3A_111 : f32 to vector<1x1xf32>
    %max3A_113 = arith.maximumf %sqrt3A_110, %max3A_112 : vector<1x1xf32>
    %gt3A_114 = arith.constant 0.995999991 : f32
    %gt3A_115 = vector.broadcast %gt3A_114 : f32 to vector<1x1xf32>
    %gt3A_116 = arith.cmpf ogt, %max3A_113, %gt3A_115 : vector<1x1xf32>
    %div3A_117 = vector.broadcast %max3A_113 : vector<1x1xf32> to vector<1x128xf32>
    %div3A_118 = arith.divf %div3A_105, %div3A_117 : vector<1x128xf32>
    %mul3A_119 = arith.constant 0.995999991 : f32
    %mul3A_120 = vector.broadcast %mul3A_119 : f32 to vector<1x128xf32>
    %mul3A_121 = arith.mulf %div3A_118, %mul3A_120 : vector<1x128xf32>
    %broadcast_in_dim3A_122 = vector.shape_cast %gt3A_116 : vector<1x1xi1> to vector<1x1xi1>
    %broadcast_in_dim3A_123 = vector.broadcast %broadcast_in_dim3A_122 : vector<1x1xi1> to vector<1x128xi1>
    %select_n3A_124 = arith.select %broadcast_in_dim3A_123, %mul3A_121, %div3A_105 : vector<1x128xi1>, vector<1x128xf32>
    %mul3A_125 = arith.mulf %select_n3A_92, %select_n3A_92 : vector<2000x128xf32>
    %reduce_sum3A_126 = arith.constant dense<0.000000e+00> : vector<2000xf32>
    %reduce_sum3A_127 = vector.multi_reduction <add>, %mul3A_125, %reduce_sum3A_126 [1] : vector<2000x128xf32> to vector<2000xf32>
    %broadcast_in_dim3A_128 = vector.shape_cast %reduce_sum3A_127 : vector<2000xf32> to vector<2000x1xf32>
    %mul3A_129 = arith.mulf %select_n3A_124, %select_n3A_124 : vector<1x128xf32>
    %reduce_sum3A_130 = arith.constant dense<0.000000e+00> : vector<1xf32>
    %reduce_sum3A_131 = vector.multi_reduction <add>, %mul3A_129, %reduce_sum3A_130 [1] : vector<1x128xf32> to vector<1xf32>
    %broadcast_in_dim3A_132 = vector.shape_cast %reduce_sum3A_131 : vector<1xf32> to vector<1x1xf32>
    %mul3A_133 = vector.broadcast %select_n3A_124 : vector<1x128xf32> to vector<2000x128xf32>
    %mul3A_134 = arith.mulf %select_n3A_92, %mul3A_133 : vector<2000x128xf32>
    %reduce_sum3A_135 = arith.constant dense<0.000000e+00> : vector<2000xf32>
    %reduce_sum3A_136 = vector.multi_reduction <add>, %mul3A_134, %reduce_sum3A_135 [1] : vector<2000x128xf32> to vector<2000xf32>
    %broadcast_in_dim3A_137 = vector.shape_cast %reduce_sum3A_136 : vector<2000xf32> to vector<2000x1xf32>
    %mul3A_138 = arith.constant 2.000000e+00 : f32
    %mul3A_139 = vector.broadcast %mul3A_138 : f32 to vector<2000x1xf32>
    %mul3A_140 = arith.mulf %mul3A_139, %broadcast_in_dim3A_137 : vector<2000x1xf32>
    %add3A_141 = arith.constant 1.000000e+00 : f32
    %add3A_142 = vector.broadcast %add3A_141 : f32 to vector<2000x1xf32>
    %add3A_143 = arith.addf %add3A_142, %mul3A_140 : vector<2000x1xf32>
    %add3A_144 = vector.broadcast %broadcast_in_dim3A_132 : vector<1x1xf32> to vector<2000x1xf32>
    %add3A_145 = arith.addf %add3A_143, %add3A_144 : vector<2000x1xf32>
    %mul3A_146 = vector.broadcast %add3A_145 : vector<2000x1xf32> to vector<2000x128xf32>
    %mul3A_147 = arith.mulf %mul3A_146, %select_n3A_92 : vector<2000x128xf32>
    %sub3A_148 = arith.constant 1.000000e+00 : f32
    %sub3A_149 = vector.broadcast %sub3A_148 : f32 to vector<2000x1xf32>
    %sub3A_150 = arith.subf %sub3A_149, %broadcast_in_dim3A_128 : vector<2000x1xf32>
    %mul3A_151 = vector.broadcast %sub3A_150 : vector<2000x1xf32> to vector<2000x128xf32>
    %mul3A_152 = vector.broadcast %select_n3A_124 : vector<1x128xf32> to vector<2000x128xf32>
    %mul3A_153 = arith.mulf %mul3A_151, %mul3A_152 : vector<2000x128xf32>
    %add3A_154 = arith.addf %mul3A_147, %mul3A_153 : vector<2000x128xf32>
    %mul3A_155 = arith.constant 2.000000e+00 : f32
    %mul3A_156 = vector.broadcast %mul3A_155 : f32 to vector<2000x1xf32>
    %mul3A_157 = arith.mulf %mul3A_156, %broadcast_in_dim3A_137 : vector<2000x1xf32>
    %add3A_158 = arith.constant 1.000000e+00 : f32
    %add3A_159 = vector.broadcast %add3A_158 : f32 to vector<2000x1xf32>
    %add3A_160 = arith.addf %add3A_159, %mul3A_157 : vector<2000x1xf32>
    %mul3A_161 = vector.broadcast %broadcast_in_dim3A_132 : vector<1x1xf32> to vector<2000x1xf32>
    %mul3A_162 = arith.mulf %broadcast_in_dim3A_128, %mul3A_161 : vector<2000x1xf32>
    %add3A_163 = arith.addf %add3A_160, %mul3A_162 : vector<2000x1xf32>
    %max3A_164 = arith.constant 1.000000e-15 : f32
    %max3A_165 = vector.broadcast %max3A_164 : f32 to vector<2000x1xf32>
    %max3A_166 = arith.maximumf %add3A_163, %max3A_165 : vector<2000x1xf32>
    %div3A_167 = vector.broadcast %max3A_166 : vector<2000x1xf32> to vector<2000x128xf32>
    %div3A_168 = arith.divf %add3A_154, %div3A_167 : vector<2000x128xf32>
    %mul3A_169 = arith.mulf %div3A_168, %div3A_168 : vector<2000x128xf32>
    %reduce_sum3A_170 = arith.constant dense<0.000000e+00> : vector<2000xf32>
    %reduce_sum3A_171 = vector.multi_reduction <add>, %mul3A_169, %reduce_sum3A_170 [1] : vector<2000x128xf32> to vector<2000xf32>
    %broadcast_in_dim3A_172 = vector.shape_cast %reduce_sum3A_171 : vector<2000xf32> to vector<2000x1xf32>
    %sqrt3A_173 = math.sqrt %broadcast_in_dim3A_172 : vector<2000x1xf32>
    %max3A_174 = arith.constant 1.000000e-15 : f32
    %max3A_175 = vector.broadcast %max3A_174 : f32 to vector<2000x1xf32>
    %max3A_176 = arith.maximumf %sqrt3A_173, %max3A_175 : vector<2000x1xf32>
    %gt3A_177 = arith.constant 0.995999991 : f32
    %gt3A_178 = vector.broadcast %gt3A_177 : f32 to vector<2000x1xf32>
    %gt3A_179 = arith.cmpf ogt, %max3A_176, %gt3A_178 : vector<2000x1xf32>
    %div3A_180 = vector.broadcast %max3A_176 : vector<2000x1xf32> to vector<2000x128xf32>
    %div3A_181 = arith.divf %div3A_168, %div3A_180 : vector<2000x128xf32>
    %mul3A_182 = arith.constant 0.995999991 : f32
    %mul3A_183 = vector.broadcast %mul3A_182 : f32 to vector<2000x128xf32>
    %mul3A_184 = arith.mulf %div3A_181, %mul3A_183 : vector<2000x128xf32>
    %broadcast_in_dim3A_185 = vector.shape_cast %gt3A_179 : vector<2000x1xi1> to vector<2000x1xi1>
    %broadcast_in_dim3A_186 = vector.broadcast %broadcast_in_dim3A_185 : vector<2000x1xi1> to vector<2000x128xi1>
    %select_n3A_187 = arith.select %broadcast_in_dim3A_186, %mul3A_184, %div3A_168 : vector<2000x128xi1>, vector<2000x128xf32>
    %mul3A_188 = arith.mulf %select_n3A_187, %select_n3A_187 : vector<2000x128xf32>
    %reduce_sum3A_189 = arith.constant dense<0.000000e+00> : vector<2000xf32>
    %reduce_sum3A_190 = vector.multi_reduction <add>, %mul3A_188, %reduce_sum3A_189 [1] : vector<2000x128xf32> to vector<2000xf32>
    %broadcast_in_dim3A_191 = vector.shape_cast %reduce_sum3A_190 : vector<2000xf32> to vector<2000x1xf32>
    %sqrt3A_192 = math.sqrt %broadcast_in_dim3A_191 : vector<2000x1xf32>
    %max3A_193 = arith.constant 1.000000e-15 : f32
    %max3A_194 = vector.broadcast %max3A_193 : f32 to vector<2000x1xf32>
    %max3A_195 = arith.maximumf %sqrt3A_192, %max3A_194 : vector<2000x1xf32>
    %jit3A_196 = arith.constant -0.99999988 : f32
    %jit3A_197 = arith.constant 0.99999988 : f32
    %max3A_198 = vector.broadcast %jit3A_196 : f32 to vector<2000x1xf32>
    %max3A_199 = arith.maximumf %max3A_198, %max3A_195 : vector<2000x1xf32>
    %min3A_200 = vector.broadcast %jit3A_197 : f32 to vector<2000x1xf32>
    %min3A_201 = arith.minimumf %min3A_200, %max3A_199 : vector<2000x1xf32>
    %add3A_202 = arith.constant 1.000000e+00 : f32
    %add3A_203 = vector.broadcast %add3A_202 : f32 to vector<2000x1xf32>
    %add3A_204 = arith.addf %add3A_203, %min3A_201 : vector<2000x1xf32>
    %sub3A_205 = arith.constant 1.000000e+00 : f32
    %sub3A_206 = vector.broadcast %sub3A_205 : f32 to vector<2000x1xf32>
    %sub3A_207 = arith.subf %sub3A_206, %min3A_201 : vector<2000x1xf32>
    %div3A_208 = arith.divf %add3A_204, %sub3A_207 : vector<2000x1xf32>
    %log3A_209 = math.log %div3A_208 : vector<2000x1xf32>
    %mul3A_210 = arith.constant 5.000000e-01 : f32
    %mul3A_211 = vector.broadcast %mul3A_210 : f32 to vector<2000x1xf32>
    %mul3A_212 = arith.mulf %mul3A_211, %log3A_209 : vector<2000x1xf32>
    %mul3A_213 = vector.broadcast %mul3A_212 : vector<2000x1xf32> to vector<2000x128xf32>
    %mul3A_214 = arith.mulf %mul3A_213, %select_n3A_187 : vector<2000x128xf32>
    %div3A_215 = vector.broadcast %max3A_195 : vector<2000x1xf32> to vector<2000x128xf32>
    %div3A_216 = arith.divf %mul3A_214, %div3A_215 : vector<2000x128xf32>
    %swap3A = arith.constant 0 : index
    %swap3A_217 = arith.constant 0 : index
    %swap3A_218 = vector.load %arg4[%swap3A, %swap3A_217] : memref<2000x128xf32, #tpu.memory_space<vmem>>, vector<2000x128xf32>
    tpu.vector_store %arg4[%swap3A, %swap3A_217], %div3A_216 {strides = array<i32>} : memref<2000x128xf32, #tpu.memory_space<vmem>>, vector<2000x128xf32>,
    return
  }
  func.func @transform_0(%arg0: i32) -> (i32, i32) {
    %c0_i32 = arith.constant 0 : i32
    %c0_i32_0 = arith.constant 0 : i32
    return %arg0, %c0_i32 : i32, i32
  }
  func.func @transform_1(%arg0: i32) -> (i32, i32) {
    %c0_i32 = arith.constant 0 : i32
    %c0_i32_0 = arith.constant 0 : i32
    %c0_i32_1 = arith.constant 0 : i32
    return %c0_i32, %c0_i32_0 : i32, i32
  }
  func.func @transform_2(%arg0: i32) -> (i32, i32) {
    %c0_i32 = arith.constant 0 : i32
    %c0_i32_0 = arith.constant 0 : i32
    %c0_i32_1 = arith.constant 0 : i32
    return %c0_i32, %c0_i32_0 : i32, i32
  }
  func.func @transform_3(%arg0: i32) -> (i32, i32) {
    %c0_i32 = arith.constant 0 : i32
    %c0_i32_0 = arith.constant 0 : i32
    return %arg0, %c0_i32 : i32, i32
  }
}

module attributes {stable_mosaic.version = 14 : i64} {
  func.func @_tc_mid_body(%arg0: i32, %arg1: memref<2x2000x128xf32, #tpu.memory_space<vmem>>, %arg2: memref<128x128xf32, #tpu.memory_space<vmem>>, %arg3: memref<1x128xf32, #tpu.memory_space<vmem>>, %arg4: memref<2000x128xf32, #tpu.memory_space<vmem>>) attributes {dimension_semantics = [#tpu.dimension_semantics<arbitrary>], iteration_bounds = array<i64: 5>, scalar_prefetch = 0 : i64, scratch_operands = 0 : i64, tpu.core_type = #tpu.core_type<tc>, window_params = [{transform_indices = @transform_0, window_bounds = array<i64: 2, 2000, 128>}, {pipeline_mode = #tpu.pipeline_mode<synchronous>, transform_indices = @transform_1, window_bounds = array<i64: 128, 128>}, {pipeline_mode = #tpu.pipeline_mode<synchronous>, transform_indices = @transform_2, window_bounds = array<i64: 1, 128>}, {transform_indices = @transform_3, window_bounds = array<i64: 2000, 128>}]} {
    %get3A = arith.constant 0 : index
    %get3A_0 = arith.constant 0 : index
    %get3A_1 = arith.constant 0 : index
    %get3A_2 = vector.load %arg1[%get3A, %get3A_0, %get3A_1] : memref<2x2000x128xf32, #tpu.memory_space<vmem>>, vector<1x2000x128xf32>
    %get3A_3 = vector.shape_cast %get3A_2 : vector<1x2000x128xf32> to vector<2000x128xf32>
    %get3A_4 = arith.constant 1 : index
    %get3A_5 = arith.constant 0 : index
    %get3A_6 = arith.constant 0 : index
    %get3A_7 = vector.load %arg1[%get3A_4, %get3A_5, %get3A_6] : memref<2x2000x128xf32, #tpu.memory_space<vmem>>, vector<1x2000x128xf32>
    %get3A_8 = vector.shape_cast %get3A_7 : vector<1x2000x128xf32> to vector<2000x128xf32>
    %add3A = arith.addf %get3A_3, %get3A_8 : vector<2000x128xf32>
    %mul3A = arith.mulf %add3A, %add3A : vector<2000x128xf32>
    %reduce_sum3A = arith.constant dense<0.000000e+00> : vector<2000xf32>
    %reduce_sum3A_9 = vector.multi_reduction <add>, %mul3A, %reduce_sum3A [1] : vector<2000x128xf32> to vector<2000xf32>
    %broadcast_in_dim3A = vector.shape_cast %reduce_sum3A_9 : vector<2000xf32> to vector<2000x1xf32>
    %sqrt3A = math.sqrt %broadcast_in_dim3A : vector<2000x1xf32>
    %max3A = arith.constant 1.000000e-15 : f32
    %max3A_10 = vector.broadcast %max3A : f32 to vector<2000x1xf32>
    %max3A_11 = arith.maximumf %sqrt3A, %max3A_10 : vector<2000x1xf32>
    %tanh3A = math.tanh %max3A_11 : vector<2000x1xf32>
    %mul3A_12 = vector.broadcast %tanh3A : vector<2000x1xf32> to vector<2000x128xf32>
    %mul3A_13 = arith.mulf %mul3A_12, %add3A : vector<2000x128xf32>
    %div3A = vector.broadcast %max3A_11 : vector<2000x1xf32> to vector<2000x128xf32>
    %div3A_14 = arith.divf %mul3A_13, %div3A : vector<2000x128xf32>
    %mul3A_15 = arith.mulf %div3A_14, %div3A_14 : vector<2000x128xf32>
    %reduce_sum3A_16 = arith.constant dense<0.000000e+00> : vector<2000xf32>
    %reduce_sum3A_17 = vector.multi_reduction <add>, %mul3A_15, %reduce_sum3A_16 [1] : vector<2000x128xf32> to vector<2000xf32>
    %broadcast_in_dim3A_18 = vector.shape_cast %reduce_sum3A_17 : vector<2000xf32> to vector<2000x1xf32>
    %sqrt3A_19 = math.sqrt %broadcast_in_dim3A_18 : vector<2000x1xf32>
    %max3A_20 = arith.constant 1.000000e-15 : f32
    %max3A_21 = vector.broadcast %max3A_20 : f32 to vector<2000x1xf32>
    %max3A_22 = arith.maximumf %sqrt3A_19, %max3A_21 : vector<2000x1xf32>
    %gt3A = arith.constant 0.995999991 : f32
    %gt3A_23 = vector.broadcast %gt3A : f32 to vector<2000x1xf32>
    %gt3A_24 = arith.cmpf ogt, %max3A_22, %gt3A_23 : vector<2000x1xf32>
    %div3A_25 = vector.broadcast %max3A_22 : vector<2000x1xf32> to vector<2000x128xf32>
    %div3A_26 = arith.divf %div3A_14, %div3A_25 : vector<2000x128xf32>
    %mul3A_27 = arith.constant 0.995999991 : f32
    %mul3A_28 = vector.broadcast %mul3A_27 : f32 to vector<2000x128xf32>
    %mul3A_29 = arith.mulf %div3A_26, %mul3A_28 : vector<2000x128xf32>
    %broadcast_in_dim3A_30 = vector.shape_cast %gt3A_24 : vector<2000x1xi1> to vector<2000x1xi1>
    %broadcast_in_dim3A_31 = vector.broadcast %broadcast_in_dim3A_30 : vector<2000x1xi1> to vector<2000x128xi1>
    %select_n3A = arith.select %broadcast_in_dim3A_31, %mul3A_29, %div3A_14 : vector<2000x128xi1>, vector<2000x128xf32>
    %mul3A_32 = arith.mulf %select_n3A, %select_n3A : vector<2000x128xf32>
    %reduce_sum3A_33 = arith.constant dense<0.000000e+00> : vector<2000xf32>
    %reduce_sum3A_34 = vector.multi_reduction <add>, %mul3A_32, %reduce_sum3A_33 [1] : vector<2000x128xf32> to vector<2000xf32>
    %broadcast_in_dim3A_35 = vector.shape_cast %reduce_sum3A_34 : vector<2000xf32> to vector<2000x1xf32>
    %sqrt3A_36 = math.sqrt %broadcast_in_dim3A_35 : vector<2000x1xf32>
    %max3A_37 = arith.constant 1.000000e-15 : f32
    %max3A_38 = vector.broadcast %max3A_37 : f32 to vector<2000x1xf32>
    %max3A_39 = arith.maximumf %sqrt3A_36, %max3A_38 : vector<2000x1xf32>
    %jit3A = arith.constant -0.99999988 : f32
    %jit3A_40 = arith.constant 0.99999988 : f32
    %max3A_41 = vector.broadcast %jit3A : f32 to vector<2000x1xf32>
    %max3A_42 = arith.maximumf %max3A_41, %max3A_39 : vector<2000x1xf32>
    %min3A = vector.broadcast %jit3A_40 : f32 to vector<2000x1xf32>
    %min3A_43 = arith.minimumf %min3A, %max3A_42 : vector<2000x1xf32>
    %add3A_44 = arith.constant 1.000000e+00 : f32
    %add3A_45 = vector.broadcast %add3A_44 : f32 to vector<2000x1xf32>
    %add3A_46 = arith.addf %add3A_45, %min3A_43 : vector<2000x1xf32>
    %sub3A = arith.constant 1.000000e+00 : f32
    %sub3A_47 = vector.broadcast %sub3A : f32 to vector<2000x1xf32>
    %sub3A_48 = arith.subf %sub3A_47, %min3A_43 : vector<2000x1xf32>
    %div3A_49 = arith.divf %add3A_46, %sub3A_48 : vector<2000x1xf32>
    %log3A = math.log %div3A_49 : vector<2000x1xf32>
    %mul3A_50 = arith.constant 5.000000e-01 : f32
    %mul3A_51 = vector.broadcast %mul3A_50 : f32 to vector<2000x1xf32>
    %mul3A_52 = arith.mulf %mul3A_51, %log3A : vector<2000x1xf32>
    %mul3A_53 = vector.broadcast %mul3A_52 : vector<2000x1xf32> to vector<2000x128xf32>
    %mul3A_54 = arith.mulf %mul3A_53, %select_n3A : vector<2000x128xf32>
    %div3A_55 = vector.broadcast %max3A_39 : vector<2000x1xf32> to vector<2000x128xf32>
    %div3A_56 = arith.divf %mul3A_54, %div3A_55 : vector<2000x128xf32>
    %max3A_57 = arith.constant 0.000000e+00 : f32
    %max3A_58 = vector.broadcast %max3A_57 : f32 to vector<2000x128xf32>
    %max3A_59 = arith.maximumf %div3A_56, %max3A_58 : vector<2000x128xf32>
    %mul3A_60 = arith.mulf %max3A_59, %max3A_59 : vector<2000x128xf32>
    %reduce_sum3A_61 = arith.constant dense<0.000000e+00> : vector<2000xf32>
    %reduce_sum3A_62 = vector.multi_reduction <add>, %mul3A_60, %reduce_sum3A_61 [1] : vector<2000x128xf32> to vector<2000xf32>
    %broadcast_in_dim3A_63 = vector.shape_cast %reduce_sum3A_62 : vector<2000xf32> to vector<2000x1xf32>
    %sqrt3A_64 = math.sqrt %broadcast_in_dim3A_63 : vector<2000x1xf32>
    %max3A_65 = arith.constant 1.000000e-15 : f32
    %max3A_66 = vector.broadcast %max3A_65 : f32 to vector<2000x1xf32>
    %max3A_67 = arith.maximumf %sqrt3A_64, %max3A_66 : vector<2000x1xf32>
    %tanh3A_68 = math.tanh %max3A_67 : vector<2000x1xf32>
    %mul3A_69 = vector.broadcast %tanh3A_68 : vector<2000x1xf32> to vector<2000x128xf32>
    %mul3A_70 = arith.mulf %mul3A_69, %max3A_59 : vector<2000x128xf32>
    %div3A_71 = vector.broadcast %max3A_67 : vector<2000x1xf32> to vector<2000x128xf32>
    %div3A_72 = arith.divf %mul3A_70, %div3A_71 : vector<2000x128xf32>
    %mul3A_73 = arith.mulf %div3A_72, %div3A_72 : vector<2000x128xf32>
    %reduce_sum3A_74 = arith.constant dense<0.000000e+00> : vector<2000xf32>
    %reduce_sum3A_75 = vector.multi_reduction <add>, %mul3A_73, %reduce_sum3A_74 [1] : vector<2000x128xf32> to vector<2000xf32>
    %broadcast_in_dim3A_76 = vector.shape_cast %reduce_sum3A_75 : vector<2000xf32> to vector<2000x1xf32>
    %sqrt3A_77 = math.sqrt %broadcast_in_dim3A_76 : vector<2000x1xf32>
    %max3A_78 = arith.constant 1.000000e-15 : f32
    %max3A_79 = vector.broadcast %max3A_78 : f32 to vector<2000x1xf32>
    %max3A_80 = arith.maximumf %sqrt3A_77, %max3A_79 : vector<2000x1xf32>
    %gt3A_81 = arith.constant 0.995999991 : f32
    %gt3A_82 = vector.broadcast %gt3A_81 : f32 to vector<2000x1xf32>
    %gt3A_83 = arith.cmpf ogt, %max3A_80, %gt3A_82 : vector<2000x1xf32>
    %div3A_84 = vector.broadcast %max3A_80 : vector<2000x1xf32> to vector<2000x128xf32>
    %div3A_85 = arith.divf %div3A_72, %div3A_84 : vector<2000x128xf32>
    %mul3A_86 = arith.constant 0.995999991 : f32
    %mul3A_87 = vector.broadcast %mul3A_86 : f32 to vector<2000x128xf32>
    %mul3A_88 = arith.mulf %div3A_85, %mul3A_87 : vector<2000x128xf32>
    %broadcast_in_dim3A_89 = vector.shape_cast %gt3A_83 : vector<2000x1xi1> to vector<2000x1xi1>
    %broadcast_in_dim3A_90 = vector.broadcast %broadcast_in_dim3A_89 : vector<2000x1xi1> to vector<2000x128xi1>
    %select_n3A_91 = arith.select %broadcast_in_dim3A_90, %mul3A_88, %div3A_72 : vector<2000x128xi1>, vector<2000x128xf32>
    %get3A_92 = arith.constant 0 : index
    %get3A_93 = arith.constant 0 : index
    %get3A_94 = vector.load %arg2[%get3A_92, %get3A_93] : memref<128x128xf32, #tpu.memory_space<vmem>>, vector<128x128xf32>
    %get3A_95 = arith.constant 0 : index
    %get3A_96 = arith.constant 0 : index
    %get3A_97 = vector.load %arg3[%get3A_95, %get3A_96] : memref<1x128xf32, #tpu.memory_space<vmem>>, vector<1x128xf32>
    %mul3A_98 = arith.mulf %select_n3A_91, %select_n3A_91 : vector<2000x128xf32>
    %reduce_sum3A_99 = arith.constant dense<0.000000e+00> : vector<2000xf32>
    %reduce_sum3A_100 = vector.multi_reduction <add>, %mul3A_98, %reduce_sum3A_99 [1] : vector<2000x128xf32> to vector<2000xf32>
    %broadcast_in_dim3A_101 = vector.shape_cast %reduce_sum3A_100 : vector<2000xf32> to vector<2000x1xf32>
    %sqrt3A_102 = math.sqrt %broadcast_in_dim3A_101 : vector<2000x1xf32>
    %max3A_103 = arith.constant 1.000000e-15 : f32
    %max3A_104 = vector.broadcast %max3A_103 : f32 to vector<2000x1xf32>
    %max3A_105 = arith.maximumf %sqrt3A_102, %max3A_104 : vector<2000x1xf32>
    %dot_general3A = arith.constant dense<0.000000e+00> : vector<2000x128xf32>
    %dot_general3A_106 = tpu.matmul %select_n3A_91, %get3A_94, %dot_general3A {dimension_numbers = #tpu.dot_dimension_numbers<[1], [0], [0], [1], [0, 0, 1, 1], [], []>, transpose_lhs_hint = false} : vector<2000x128xf32>, vector<128x128xf32>, vector<2000x128xf32> -> vector<2000x128xf32>
    %mul3A_107 = arith.mulf %dot_general3A_106, %dot_general3A_106 : vector<2000x128xf32>
    %reduce_sum3A_108 = arith.constant dense<0.000000e+00> : vector<2000xf32>
    %reduce_sum3A_109 = vector.multi_reduction <add>, %mul3A_107, %reduce_sum3A_108 [1] : vector<2000x128xf32> to vector<2000xf32>
    %broadcast_in_dim3A_110 = vector.shape_cast %reduce_sum3A_109 : vector<2000xf32> to vector<2000x1xf32>
    %sqrt3A_111 = math.sqrt %broadcast_in_dim3A_110 : vector<2000x1xf32>
    %max3A_112 = arith.constant 1.000000e-15 : f32
    %max3A_113 = vector.broadcast %max3A_112 : f32 to vector<2000x1xf32>
    %max3A_114 = arith.maximumf %sqrt3A_111, %max3A_113 : vector<2000x1xf32>
    %div3A_115 = arith.divf %max3A_114, %max3A_105 : vector<2000x1xf32>
    %jit3A_116 = arith.constant -0.99999988 : f32
    %jit3A_117 = arith.constant 0.99999988 : f32
    %max3A_118 = vector.broadcast %jit3A_116 : f32 to vector<2000x1xf32>
    %max3A_119 = arith.maximumf %max3A_118, %max3A_105 : vector<2000x1xf32>
    %min3A_120 = vector.broadcast %jit3A_117 : f32 to vector<2000x1xf32>
    %min3A_121 = arith.minimumf %min3A_120, %max3A_119 : vector<2000x1xf32>
    %add3A_122 = arith.constant 1.000000e+00 : f32
    %add3A_123 = vector.broadcast %add3A_122 : f32 to vector<2000x1xf32>
    %add3A_124 = arith.addf %add3A_123, %min3A_121 : vector<2000x1xf32>
    %sub3A_125 = arith.constant 1.000000e+00 : f32
    %sub3A_126 = vector.broadcast %sub3A_125 : f32 to vector<2000x1xf32>
    %sub3A_127 = arith.subf %sub3A_126, %min3A_121 : vector<2000x1xf32>
    %div3A_128 = arith.divf %add3A_124, %sub3A_127 : vector<2000x1xf32>
    %log3A_129 = math.log %div3A_128 : vector<2000x1xf32>
    %mul3A_130 = arith.constant 5.000000e-01 : f32
    %mul3A_131 = vector.broadcast %mul3A_130 : f32 to vector<2000x1xf32>
    %mul3A_132 = arith.mulf %mul3A_131, %log3A_129 : vector<2000x1xf32>
    %mul3A_133 = arith.mulf %div3A_115, %mul3A_132 : vector<2000x1xf32>
    %tanh3A_134 = math.tanh %mul3A_133 : vector<2000x1xf32>
    %mul3A_135 = vector.broadcast %tanh3A_134 : vector<2000x1xf32> to vector<2000x128xf32>
    %mul3A_136 = arith.mulf %mul3A_135, %dot_general3A_106 : vector<2000x128xf32>
    %div3A_137 = vector.broadcast %max3A_114 : vector<2000x1xf32> to vector<2000x128xf32>
    %div3A_138 = arith.divf %mul3A_136, %div3A_137 : vector<2000x128xf32>
    %eq3A = arith.constant 0.000000e+00 : f32
    %eq3A_139 = vector.broadcast %eq3A : f32 to vector<2000x1xf32>
    %eq3A_140 = arith.cmpf oeq, %broadcast_in_dim3A_110, %eq3A_139 : vector<2000x1xf32>
    %broadcast_in_dim3A_141 = arith.constant 0.000000e+00 : f32
    %broadcast_in_dim3A_142 = vector.broadcast %broadcast_in_dim3A_141 : f32 to vector<2000x128xf32>
    %broadcast_in_dim3A_143 = vector.shape_cast %eq3A_140 : vector<2000x1xi1> to vector<2000x1xi1>
    %broadcast_in_dim3A_144 = vector.broadcast %broadcast_in_dim3A_143 : vector<2000x1xi1> to vector<2000x128xi1>
    %select_n3A_145 = arith.select %broadcast_in_dim3A_144, %broadcast_in_dim3A_142, %div3A_138 : vector<2000x128xi1>, vector<2000x128xf32>
    %mul3A_146 = arith.mulf %select_n3A_145, %select_n3A_145 : vector<2000x128xf32>
    %reduce_sum3A_147 = arith.constant dense<0.000000e+00> : vector<2000xf32>
    %reduce_sum3A_148 = vector.multi_reduction <add>, %mul3A_146, %reduce_sum3A_147 [1] : vector<2000x128xf32> to vector<2000xf32>
    %broadcast_in_dim3A_149 = vector.shape_cast %reduce_sum3A_148 : vector<2000xf32> to vector<2000x1xf32>
    %sqrt3A_150 = math.sqrt %broadcast_in_dim3A_149 : vector<2000x1xf32>
    %max3A_151 = arith.constant 1.000000e-15 : f32
    %max3A_152 = vector.broadcast %max3A_151 : f32 to vector<2000x1xf32>
    %max3A_153 = arith.maximumf %sqrt3A_150, %max3A_152 : vector<2000x1xf32>
    %gt3A_154 = arith.constant 0.995999991 : f32
    %gt3A_155 = vector.broadcast %gt3A_154 : f32 to vector<2000x1xf32>
    %gt3A_156 = arith.cmpf ogt, %max3A_153, %gt3A_155 : vector<2000x1xf32>
    %div3A_157 = vector.broadcast %max3A_153 : vector<2000x1xf32> to vector<2000x128xf32>
    %div3A_158 = arith.divf %select_n3A_145, %div3A_157 : vector<2000x128xf32>
    %mul3A_159 = arith.constant 0.995999991 : f32
    %mul3A_160 = vector.broadcast %mul3A_159 : f32 to vector<2000x128xf32>
    %mul3A_161 = arith.mulf %div3A_158, %mul3A_160 : vector<2000x128xf32>
    %broadcast_in_dim3A_162 = vector.shape_cast %gt3A_156 : vector<2000x1xi1> to vector<2000x1xi1>
    %broadcast_in_dim3A_163 = vector.broadcast %broadcast_in_dim3A_162 : vector<2000x1xi1> to vector<2000x128xi1>
    %select_n3A_164 = arith.select %broadcast_in_dim3A_163, %mul3A_161, %select_n3A_145 : vector<2000x128xi1>, vector<2000x128xf32>
    %mul3A_165 = arith.mulf %get3A_97, %get3A_97 : vector<1x128xf32>
    %reduce_sum3A_166 = arith.constant dense<0.000000e+00> : vector<1xf32>
    %reduce_sum3A_167 = vector.multi_reduction <add>, %mul3A_165, %reduce_sum3A_166 [1] : vector<1x128xf32> to vector<1xf32>
    %broadcast_in_dim3A_168 = vector.shape_cast %reduce_sum3A_167 : vector<1xf32> to vector<1x1xf32>
    %sqrt3A_169 = math.sqrt %broadcast_in_dim3A_168 : vector<1x1xf32>
    %max3A_170 = arith.constant 1.000000e-15 : f32
    %max3A_171 = vector.broadcast %max3A_170 : f32 to vector<1x1xf32>
    %max3A_172 = arith.maximumf %sqrt3A_169, %max3A_171 : vector<1x1xf32>
    %tanh3A_173 = math.tanh %max3A_172 : vector<1x1xf32>
    %mul3A_174 = vector.broadcast %tanh3A_173 : vector<1x1xf32> to vector<1x128xf32>
    %mul3A_175 = arith.mulf %mul3A_174, %get3A_97 : vector<1x128xf32>
    %div3A_176 = vector.broadcast %max3A_172 : vector<1x1xf32> to vector<1x128xf32>
    %div3A_177 = arith.divf %mul3A_175, %div3A_176 : vector<1x128xf32>
    %mul3A_178 = arith.mulf %div3A_177, %div3A_177 : vector<1x128xf32>
    %reduce_sum3A_179 = arith.constant dense<0.000000e+00> : vector<1xf32>
    %reduce_sum3A_180 = vector.multi_reduction <add>, %mul3A_178, %reduce_sum3A_179 [1] : vector<1x128xf32> to vector<1xf32>
    %broadcast_in_dim3A_181 = vector.shape_cast %reduce_sum3A_180 : vector<1xf32> to vector<1x1xf32>
    %sqrt3A_182 = math.sqrt %broadcast_in_dim3A_181 : vector<1x1xf32>
    %max3A_183 = arith.constant 1.000000e-15 : f32
    %max3A_184 = vector.broadcast %max3A_183 : f32 to vector<1x1xf32>
    %max3A_185 = arith.maximumf %sqrt3A_182, %max3A_184 : vector<1x1xf32>
    %gt3A_186 = arith.constant 0.995999991 : f32
    %gt3A_187 = vector.broadcast %gt3A_186 : f32 to vector<1x1xf32>
    %gt3A_188 = arith.cmpf ogt, %max3A_185, %gt3A_187 : vector<1x1xf32>
    %div3A_189 = vector.broadcast %max3A_185 : vector<1x1xf32> to vector<1x128xf32>
    %div3A_190 = arith.divf %div3A_177, %div3A_189 : vector<1x128xf32>
    %mul3A_191 = arith.constant 0.995999991 : f32
    %mul3A_192 = vector.broadcast %mul3A_191 : f32 to vector<1x128xf32>
    %mul3A_193 = arith.mulf %div3A_190, %mul3A_192 : vector<1x128xf32>
    %broadcast_in_dim3A_194 = vector.shape_cast %gt3A_188 : vector<1x1xi1> to vector<1x1xi1>
    %broadcast_in_dim3A_195 = vector.broadcast %broadcast_in_dim3A_194 : vector<1x1xi1> to vector<1x128xi1>
    %select_n3A_196 = arith.select %broadcast_in_dim3A_195, %mul3A_193, %div3A_177 : vector<1x128xi1>, vector<1x128xf32>
    %mul3A_197 = arith.mulf %select_n3A_164, %select_n3A_164 : vector<2000x128xf32>
    %reduce_sum3A_198 = arith.constant dense<0.000000e+00> : vector<2000xf32>
    %reduce_sum3A_199 = vector.multi_reduction <add>, %mul3A_197, %reduce_sum3A_198 [1] : vector<2000x128xf32> to vector<2000xf32>
    %broadcast_in_dim3A_200 = vector.shape_cast %reduce_sum3A_199 : vector<2000xf32> to vector<2000x1xf32>
    %mul3A_201 = arith.mulf %select_n3A_196, %select_n3A_196 : vector<1x128xf32>
    %reduce_sum3A_202 = arith.constant dense<0.000000e+00> : vector<1xf32>
    %reduce_sum3A_203 = vector.multi_reduction <add>, %mul3A_201, %reduce_sum3A_202 [1] : vector<1x128xf32> to vector<1xf32>
    %broadcast_in_dim3A_204 = vector.shape_cast %reduce_sum3A_203 : vector<1xf32> to vector<1x1xf32>
    %mul3A_205 = vector.broadcast %select_n3A_196 : vector<1x128xf32> to vector<2000x128xf32>
    %mul3A_206 = arith.mulf %select_n3A_164, %mul3A_205 : vector<2000x128xf32>
    %reduce_sum3A_207 = arith.constant dense<0.000000e+00> : vector<2000xf32>
    %reduce_sum3A_208 = vector.multi_reduction <add>, %mul3A_206, %reduce_sum3A_207 [1] : vector<2000x128xf32> to vector<2000xf32>
    %broadcast_in_dim3A_209 = vector.shape_cast %reduce_sum3A_208 : vector<2000xf32> to vector<2000x1xf32>
    %mul3A_210 = arith.constant 2.000000e+00 : f32
    %mul3A_211 = vector.broadcast %mul3A_210 : f32 to vector<2000x1xf32>
    %mul3A_212 = arith.mulf %mul3A_211, %broadcast_in_dim3A_209 : vector<2000x1xf32>
    %add3A_213 = arith.constant 1.000000e+00 : f32
    %add3A_214 = vector.broadcast %add3A_213 : f32 to vector<2000x1xf32>
    %add3A_215 = arith.addf %add3A_214, %mul3A_212 : vector<2000x1xf32>
    %add3A_216 = vector.broadcast %broadcast_in_dim3A_204 : vector<1x1xf32> to vector<2000x1xf32>
    %add3A_217 = arith.addf %add3A_215, %add3A_216 : vector<2000x1xf32>
    %mul3A_218 = vector.broadcast %add3A_217 : vector<2000x1xf32> to vector<2000x128xf32>
    %mul3A_219 = arith.mulf %mul3A_218, %select_n3A_164 : vector<2000x128xf32>
    %sub3A_220 = arith.constant 1.000000e+00 : f32
    %sub3A_221 = vector.broadcast %sub3A_220 : f32 to vector<2000x1xf32>
    %sub3A_222 = arith.subf %sub3A_221, %broadcast_in_dim3A_200 : vector<2000x1xf32>
    %mul3A_223 = vector.broadcast %sub3A_222 : vector<2000x1xf32> to vector<2000x128xf32>
    %mul3A_224 = vector.broadcast %select_n3A_196 : vector<1x128xf32> to vector<2000x128xf32>
    %mul3A_225 = arith.mulf %mul3A_223, %mul3A_224 : vector<2000x128xf32>
    %add3A_226 = arith.addf %mul3A_219, %mul3A_225 : vector<2000x128xf32>
    %mul3A_227 = arith.constant 2.000000e+00 : f32
    %mul3A_228 = vector.broadcast %mul3A_227 : f32 to vector<2000x1xf32>
    %mul3A_229 = arith.mulf %mul3A_228, %broadcast_in_dim3A_209 : vector<2000x1xf32>
    %add3A_230 = arith.constant 1.000000e+00 : f32
    %add3A_231 = vector.broadcast %add3A_230 : f32 to vector<2000x1xf32>
    %add3A_232 = arith.addf %add3A_231, %mul3A_229 : vector<2000x1xf32>
    %mul3A_233 = vector.broadcast %broadcast_in_dim3A_204 : vector<1x1xf32> to vector<2000x1xf32>
    %mul3A_234 = arith.mulf %broadcast_in_dim3A_200, %mul3A_233 : vector<2000x1xf32>
    %add3A_235 = arith.addf %add3A_232, %mul3A_234 : vector<2000x1xf32>
    %max3A_236 = arith.constant 1.000000e-15 : f32
    %max3A_237 = vector.broadcast %max3A_236 : f32 to vector<2000x1xf32>
    %max3A_238 = arith.maximumf %add3A_235, %max3A_237 : vector<2000x1xf32>
    %div3A_239 = vector.broadcast %max3A_238 : vector<2000x1xf32> to vector<2000x128xf32>
    %div3A_240 = arith.divf %add3A_226, %div3A_239 : vector<2000x128xf32>
    %mul3A_241 = arith.mulf %div3A_240, %div3A_240 : vector<2000x128xf32>
    %reduce_sum3A_242 = arith.constant dense<0.000000e+00> : vector<2000xf32>
    %reduce_sum3A_243 = vector.multi_reduction <add>, %mul3A_241, %reduce_sum3A_242 [1] : vector<2000x128xf32> to vector<2000xf32>
    %broadcast_in_dim3A_244 = vector.shape_cast %reduce_sum3A_243 : vector<2000xf32> to vector<2000x1xf32>
    %sqrt3A_245 = math.sqrt %broadcast_in_dim3A_244 : vector<2000x1xf32>
    %max3A_246 = arith.constant 1.000000e-15 : f32
    %max3A_247 = vector.broadcast %max3A_246 : f32 to vector<2000x1xf32>
    %max3A_248 = arith.maximumf %sqrt3A_245, %max3A_247 : vector<2000x1xf32>
    %gt3A_249 = arith.constant 0.995999991 : f32
    %gt3A_250 = vector.broadcast %gt3A_249 : f32 to vector<2000x1xf32>
    %gt3A_251 = arith.cmpf ogt, %max3A_248, %gt3A_250 : vector<2000x1xf32>
    %div3A_252 = vector.broadcast %max3A_248 : vector<2000x1xf32> to vector<2000x128xf32>
    %div3A_253 = arith.divf %div3A_240, %div3A_252 : vector<2000x128xf32>
    %mul3A_254 = arith.constant 0.995999991 : f32
    %mul3A_255 = vector.broadcast %mul3A_254 : f32 to vector<2000x128xf32>
    %mul3A_256 = arith.mulf %div3A_253, %mul3A_255 : vector<2000x128xf32>
    %broadcast_in_dim3A_257 = vector.shape_cast %gt3A_251 : vector<2000x1xi1> to vector<2000x1xi1>
    %broadcast_in_dim3A_258 = vector.broadcast %broadcast_in_dim3A_257 : vector<2000x1xi1> to vector<2000x128xi1>
    %select_n3A_259 = arith.select %broadcast_in_dim3A_258, %mul3A_256, %div3A_240 : vector<2000x128xi1>, vector<2000x128xf32>
    %mul3A_260 = arith.mulf %select_n3A_259, %select_n3A_259 : vector<2000x128xf32>
    %reduce_sum3A_261 = arith.constant dense<0.000000e+00> : vector<2000xf32>
    %reduce_sum3A_262 = vector.multi_reduction <add>, %mul3A_260, %reduce_sum3A_261 [1] : vector<2000x128xf32> to vector<2000xf32>
    %broadcast_in_dim3A_263 = vector.shape_cast %reduce_sum3A_262 : vector<2000xf32> to vector<2000x1xf32>
    %sqrt3A_264 = math.sqrt %broadcast_in_dim3A_263 : vector<2000x1xf32>
    %max3A_265 = arith.constant 1.000000e-15 : f32
    %max3A_266 = vector.broadcast %max3A_265 : f32 to vector<2000x1xf32>
    %max3A_267 = arith.maximumf %sqrt3A_264, %max3A_266 : vector<2000x1xf32>
    %jit3A_268 = arith.constant -0.99999988 : f32
    %jit3A_269 = arith.constant 0.99999988 : f32
    %max3A_270 = vector.broadcast %jit3A_268 : f32 to vector<2000x1xf32>
    %max3A_271 = arith.maximumf %max3A_270, %max3A_267 : vector<2000x1xf32>
    %min3A_272 = vector.broadcast %jit3A_269 : f32 to vector<2000x1xf32>
    %min3A_273 = arith.minimumf %min3A_272, %max3A_271 : vector<2000x1xf32>
    %add3A_274 = arith.constant 1.000000e+00 : f32
    %add3A_275 = vector.broadcast %add3A_274 : f32 to vector<2000x1xf32>
    %add3A_276 = arith.addf %add3A_275, %min3A_273 : vector<2000x1xf32>
    %sub3A_277 = arith.constant 1.000000e+00 : f32
    %sub3A_278 = vector.broadcast %sub3A_277 : f32 to vector<2000x1xf32>
    %sub3A_279 = arith.subf %sub3A_278, %min3A_273 : vector<2000x1xf32>
    %div3A_280 = arith.divf %add3A_276, %sub3A_279 : vector<2000x1xf32>
    %log3A_281 = math.log %div3A_280 : vector<2000x1xf32>
    %mul3A_282 = arith.constant 5.000000e-01 : f32
    %mul3A_283 = vector.broadcast %mul3A_282 : f32 to vector<2000x1xf32>
    %mul3A_284 = arith.mulf %mul3A_283, %log3A_281 : vector<2000x1xf32>
    %mul3A_285 = vector.broadcast %mul3A_284 : vector<2000x1xf32> to vector<2000x128xf32>
    %mul3A_286 = arith.mulf %mul3A_285, %select_n3A_259 : vector<2000x128xf32>
    %div3A_287 = vector.broadcast %max3A_267 : vector<2000x1xf32> to vector<2000x128xf32>
    %div3A_288 = arith.divf %mul3A_286, %div3A_287 : vector<2000x128xf32>
    %swap3A = arith.constant 0 : index
    %swap3A_289 = arith.constant 0 : index
    %swap3A_290 = vector.load %arg4[%swap3A, %swap3A_289] : memref<2000x128xf32, #tpu.memory_space<vmem>>, vector<2000x128xf32>
    tpu.vector_store %arg4[%swap3A, %swap3A_289], %div3A_288 {strides = array<i32>} : memref<2000x128xf32, #tpu.memory_space<vmem>>, vector<2000x128xf32>,
    return
  }
  func.func @transform_0(%arg0: i32) -> (i32, i32, i32) {
    %c0_i32 = arith.constant 0 : i32
    %c0_i32_0 = arith.constant 0 : i32
    %c0_i32_1 = arith.constant 0 : i32
    return %c0_i32, %arg0, %c0_i32_0 : i32, i32, i32
  }
  func.func @transform_1(%arg0: i32) -> (i32, i32) {
    %c0_i32 = arith.constant 0 : i32
    %c0_i32_0 = arith.constant 0 : i32
    %c0_i32_1 = arith.constant 0 : i32
    return %c0_i32, %c0_i32_0 : i32, i32
  }
  func.func @transform_2(%arg0: i32) -> (i32, i32) {
    %c0_i32 = arith.constant 0 : i32
    %c0_i32_0 = arith.constant 0 : i32
    %c0_i32_1 = arith.constant 0 : i32
    return %c0_i32, %c0_i32_0 : i32, i32
  }
  func.func @transform_3(%arg0: i32) -> (i32, i32) {
    %c0_i32 = arith.constant 0 : i32
    %c0_i32_0 = arith.constant 0 : i32
    return %arg0, %c0_i32 : i32, i32
  }
}

module attributes {stable_mosaic.version = 14 : i64} {
  func.func @_tc_post_body(%arg0: i32, %arg1: memref<2x2000x128xf32, #tpu.memory_space<vmem>>, %arg2: memref<2000x128xf32, #tpu.memory_space<vmem>>) attributes {dimension_semantics = [#tpu.dimension_semantics<arbitrary>], iteration_bounds = array<i64: 5>, scalar_prefetch = 0 : i64, scratch_operands = 0 : i64, tpu.core_type = #tpu.core_type<tc>, window_params = [{transform_indices = @transform_0, window_bounds = array<i64: 2, 2000, 128>}, {transform_indices = @transform_1, window_bounds = array<i64: 2000, 128>}]} {
    %get3A = arith.constant 0 : index
    %get3A_0 = arith.constant 0 : index
    %get3A_1 = arith.constant 0 : index
    %get3A_2 = vector.load %arg1[%get3A, %get3A_0, %get3A_1] : memref<2x2000x128xf32, #tpu.memory_space<vmem>>, vector<1x2000x128xf32>
    %get3A_3 = vector.shape_cast %get3A_2 : vector<1x2000x128xf32> to vector<2000x128xf32>
    %get3A_4 = arith.constant 1 : index
    %get3A_5 = arith.constant 0 : index
    %get3A_6 = arith.constant 0 : index
    %get3A_7 = vector.load %arg1[%get3A_4, %get3A_5, %get3A_6] : memref<2x2000x128xf32, #tpu.memory_space<vmem>>, vector<1x2000x128xf32>
    %get3A_8 = vector.shape_cast %get3A_7 : vector<1x2000x128xf32> to vector<2000x128xf32>
    %add3A = arith.addf %get3A_3, %get3A_8 : vector<2000x128xf32>
    %mul3A = arith.mulf %add3A, %add3A : vector<2000x128xf32>
    %reduce_sum3A = arith.constant dense<0.000000e+00> : vector<2000xf32>
    %reduce_sum3A_9 = vector.multi_reduction <add>, %mul3A, %reduce_sum3A [1] : vector<2000x128xf32> to vector<2000xf32>
    %broadcast_in_dim3A = vector.shape_cast %reduce_sum3A_9 : vector<2000xf32> to vector<2000x1xf32>
    %sqrt3A = math.sqrt %broadcast_in_dim3A : vector<2000x1xf32>
    %max3A = arith.constant 1.000000e-15 : f32
    %max3A_10 = vector.broadcast %max3A : f32 to vector<2000x1xf32>
    %max3A_11 = arith.maximumf %sqrt3A, %max3A_10 : vector<2000x1xf32>
    %tanh3A = math.tanh %max3A_11 : vector<2000x1xf32>
    %mul3A_12 = vector.broadcast %tanh3A : vector<2000x1xf32> to vector<2000x128xf32>
    %mul3A_13 = arith.mulf %mul3A_12, %add3A : vector<2000x128xf32>
    %div3A = vector.broadcast %max3A_11 : vector<2000x1xf32> to vector<2000x128xf32>
    %div3A_14 = arith.divf %mul3A_13, %div3A : vector<2000x128xf32>
    %mul3A_15 = arith.mulf %div3A_14, %div3A_14 : vector<2000x128xf32>
    %reduce_sum3A_16 = arith.constant dense<0.000000e+00> : vector<2000xf32>
    %reduce_sum3A_17 = vector.multi_reduction <add>, %mul3A_15, %reduce_sum3A_16 [1] : vector<2000x128xf32> to vector<2000xf32>
    %broadcast_in_dim3A_18 = vector.shape_cast %reduce_sum3A_17 : vector<2000xf32> to vector<2000x1xf32>
    %sqrt3A_19 = math.sqrt %broadcast_in_dim3A_18 : vector<2000x1xf32>
    %max3A_20 = arith.constant 1.000000e-15 : f32
    %max3A_21 = vector.broadcast %max3A_20 : f32 to vector<2000x1xf32>
    %max3A_22 = arith.maximumf %sqrt3A_19, %max3A_21 : vector<2000x1xf32>
    %gt3A = arith.constant 0.995999991 : f32
    %gt3A_23 = vector.broadcast %gt3A : f32 to vector<2000x1xf32>
    %gt3A_24 = arith.cmpf ogt, %max3A_22, %gt3A_23 : vector<2000x1xf32>
    %div3A_25 = vector.broadcast %max3A_22 : vector<2000x1xf32> to vector<2000x128xf32>
    %div3A_26 = arith.divf %div3A_14, %div3A_25 : vector<2000x128xf32>
    %mul3A_27 = arith.constant 0.995999991 : f32
    %mul3A_28 = vector.broadcast %mul3A_27 : f32 to vector<2000x128xf32>
    %mul3A_29 = arith.mulf %div3A_26, %mul3A_28 : vector<2000x128xf32>
    %broadcast_in_dim3A_30 = vector.shape_cast %gt3A_24 : vector<2000x1xi1> to vector<2000x1xi1>
    %broadcast_in_dim3A_31 = vector.broadcast %broadcast_in_dim3A_30 : vector<2000x1xi1> to vector<2000x128xi1>
    %select_n3A = arith.select %broadcast_in_dim3A_31, %mul3A_29, %div3A_14 : vector<2000x128xi1>, vector<2000x128xf32>
    %mul3A_32 = arith.mulf %select_n3A, %select_n3A : vector<2000x128xf32>
    %reduce_sum3A_33 = arith.constant dense<0.000000e+00> : vector<2000xf32>
    %reduce_sum3A_34 = vector.multi_reduction <add>, %mul3A_32, %reduce_sum3A_33 [1] : vector<2000x128xf32> to vector<2000xf32>
    %broadcast_in_dim3A_35 = vector.shape_cast %reduce_sum3A_34 : vector<2000xf32> to vector<2000x1xf32>
    %sqrt3A_36 = math.sqrt %broadcast_in_dim3A_35 : vector<2000x1xf32>
    %max3A_37 = arith.constant 1.000000e-15 : f32
    %max3A_38 = vector.broadcast %max3A_37 : f32 to vector<2000x1xf32>
    %max3A_39 = arith.maximumf %sqrt3A_36, %max3A_38 : vector<2000x1xf32>
    %jit3A = arith.constant -0.99999988 : f32
    %jit3A_40 = arith.constant 0.99999988 : f32
    %max3A_41 = vector.broadcast %jit3A : f32 to vector<2000x1xf32>
    %max3A_42 = arith.maximumf %max3A_41, %max3A_39 : vector<2000x1xf32>
    %min3A = vector.broadcast %jit3A_40 : f32 to vector<2000x1xf32>
    %min3A_43 = arith.minimumf %min3A, %max3A_42 : vector<2000x1xf32>
    %add3A_44 = arith.constant 1.000000e+00 : f32
    %add3A_45 = vector.broadcast %add3A_44 : f32 to vector<2000x1xf32>
    %add3A_46 = arith.addf %add3A_45, %min3A_43 : vector<2000x1xf32>
    %sub3A = arith.constant 1.000000e+00 : f32
    %sub3A_47 = vector.broadcast %sub3A : f32 to vector<2000x1xf32>
    %sub3A_48 = arith.subf %sub3A_47, %min3A_43 : vector<2000x1xf32>
    %div3A_49 = arith.divf %add3A_46, %sub3A_48 : vector<2000x1xf32>
    %log3A = math.log %div3A_49 : vector<2000x1xf32>
    %mul3A_50 = arith.constant 5.000000e-01 : f32
    %mul3A_51 = vector.broadcast %mul3A_50 : f32 to vector<2000x1xf32>
    %mul3A_52 = arith.mulf %mul3A_51, %log3A : vector<2000x1xf32>
    %mul3A_53 = vector.broadcast %mul3A_52 : vector<2000x1xf32> to vector<2000x128xf32>
    %mul3A_54 = arith.mulf %mul3A_53, %select_n3A : vector<2000x128xf32>
    %div3A_55 = vector.broadcast %max3A_39 : vector<2000x1xf32> to vector<2000x128xf32>
    %div3A_56 = arith.divf %mul3A_54, %div3A_55 : vector<2000x128xf32>
    %max3A_57 = arith.constant 0.000000e+00 : f32
    %max3A_58 = vector.broadcast %max3A_57 : f32 to vector<2000x128xf32>
    %max3A_59 = arith.maximumf %div3A_56, %max3A_58 : vector<2000x128xf32>
    %mul3A_60 = arith.mulf %max3A_59, %max3A_59 : vector<2000x128xf32>
    %reduce_sum3A_61 = arith.constant dense<0.000000e+00> : vector<2000xf32>
    %reduce_sum3A_62 = vector.multi_reduction <add>, %mul3A_60, %reduce_sum3A_61 [1] : vector<2000x128xf32> to vector<2000xf32>
    %broadcast_in_dim3A_63 = vector.shape_cast %reduce_sum3A_62 : vector<2000xf32> to vector<2000x1xf32>
    %sqrt3A_64 = math.sqrt %broadcast_in_dim3A_63 : vector<2000x1xf32>
    %max3A_65 = arith.constant 1.000000e-15 : f32
    %max3A_66 = vector.broadcast %max3A_65 : f32 to vector<2000x1xf32>
    %max3A_67 = arith.maximumf %sqrt3A_64, %max3A_66 : vector<2000x1xf32>
    %tanh3A_68 = math.tanh %max3A_67 : vector<2000x1xf32>
    %mul3A_69 = vector.broadcast %tanh3A_68 : vector<2000x1xf32> to vector<2000x128xf32>
    %mul3A_70 = arith.mulf %mul3A_69, %max3A_59 : vector<2000x128xf32>
    %div3A_71 = vector.broadcast %max3A_67 : vector<2000x1xf32> to vector<2000x128xf32>
    %div3A_72 = arith.divf %mul3A_70, %div3A_71 : vector<2000x128xf32>
    %mul3A_73 = arith.mulf %div3A_72, %div3A_72 : vector<2000x128xf32>
    %reduce_sum3A_74 = arith.constant dense<0.000000e+00> : vector<2000xf32>
    %reduce_sum3A_75 = vector.multi_reduction <add>, %mul3A_73, %reduce_sum3A_74 [1] : vector<2000x128xf32> to vector<2000xf32>
    %broadcast_in_dim3A_76 = vector.shape_cast %reduce_sum3A_75 : vector<2000xf32> to vector<2000x1xf32>
    %sqrt3A_77 = math.sqrt %broadcast_in_dim3A_76 : vector<2000x1xf32>
    %max3A_78 = arith.constant 1.000000e-15 : f32
    %max3A_79 = vector.broadcast %max3A_78 : f32 to vector<2000x1xf32>
    %max3A_80 = arith.maximumf %sqrt3A_77, %max3A_79 : vector<2000x1xf32>
    %gt3A_81 = arith.constant 0.995999991 : f32
    %gt3A_82 = vector.broadcast %gt3A_81 : f32 to vector<2000x1xf32>
    %gt3A_83 = arith.cmpf ogt, %max3A_80, %gt3A_82 : vector<2000x1xf32>
    %div3A_84 = vector.broadcast %max3A_80 : vector<2000x1xf32> to vector<2000x128xf32>
    %div3A_85 = arith.divf %div3A_72, %div3A_84 : vector<2000x128xf32>
    %mul3A_86 = arith.constant 0.995999991 : f32
    %mul3A_87 = vector.broadcast %mul3A_86 : f32 to vector<2000x128xf32>
    %mul3A_88 = arith.mulf %div3A_85, %mul3A_87 : vector<2000x128xf32>
    %broadcast_in_dim3A_89 = vector.shape_cast %gt3A_83 : vector<2000x1xi1> to vector<2000x1xi1>
    %broadcast_in_dim3A_90 = vector.broadcast %broadcast_in_dim3A_89 : vector<2000x1xi1> to vector<2000x128xi1>
    %select_n3A_91 = arith.select %broadcast_in_dim3A_90, %mul3A_88, %div3A_72 : vector<2000x128xi1>, vector<2000x128xf32>
    %swap3A = arith.constant 0 : index
    %swap3A_92 = arith.constant 0 : index
    %swap3A_93 = vector.load %arg2[%swap3A, %swap3A_92] : memref<2000x128xf32, #tpu.memory_space<vmem>>, vector<2000x128xf32>
    tpu.vector_store %arg2[%swap3A, %swap3A_92], %select_n3A_91 {strides = array<i32>} : memref<2000x128xf32, #tpu.memory_space<vmem>>, vector<2000x128xf32>,
    return
  }
  func.func @transform_0(%arg0: i32) -> (i32, i32, i32) {
    %c0_i32 = arith.constant 0 : i32
    %c0_i32_0 = arith.constant 0 : i32
    %c0_i32_1 = arith.constant 0 : i32
    return %c0_i32, %arg0, %c0_i32_0 : i32, i32, i32
  }
  func.func @transform_1(%arg0: i32) -> (i32, i32) {
    %c0_i32 = arith.constant 0 : i32
    %c0_i32_0 = arith.constant 0 : i32
    return %arg0, %c0_i32 : i32, i32
  }
}

</mosaic_0001>

<sc_bundles>
// kernel: kernel.10.cloned.1.call-start
scs
__scs_entry_jumppad:
0x0: {  	(pc) =	sbr.rel $0x88, $3  }
0x1: {  	(tag) =	ssettag $0x0;
	lr =	simm.s32 $0x1  }
0x2: {  	[smem:$0x3F9B] =	sst lr;
	_ =	strace $0xD0000000  }
0x3: {  	_ = 	snop  }
0x4: {  	_ = 	snop  }
0x5: {  	_ = 	snop  }
0x6: {  	_ = 	snop  }
0x7: {  	_ = 	snop  }
__scs_overlays_trampoline_lowered:
0x8: {  	[smem:$0x3FAA] =	sst s0  }
0x9: {  	[smem:$0x3FAB] =	sst s1  }
0xa: {  	[smem:$0x3FAC] =	sst s2  }
0xb: {  	[smem:$0x3FAD] =	sst s3  }
0xc: {  	[smem:$0x3FAE] =	sst s4  }
0xd: {  	[smem:$0x3FAF] =	sst s5  }
0xe: {  	[smem:$0x3FB0] =	sst s6  }
0xf: {  	[smem:$0x3FB1] =	sst s7  }
0x10: {  	[smem:$0x3FB2] =	sst s8  }
0x11: {  	[smem:$0x3FB3] =	sst s9;
	s0 =	simm.s32 @!p0 $0x0  }
0x12: {  	s1 =	sld [smem:$0x3F99];
	s0 =	simm.s32 @p0 $0x1  }
0x13: {  	[smem:$0x3FB4] =	sst s0;
	s0 =	simm.s32 @!p1 $0x0  }
0x14: {  	s2 =	sld [smem:$0x3F98];
	s0 =	simm.s32 @p1 $0x1  }
0x15: {  	[smem:$0x3FB5] =	sst s0;
	s0 =	simm.s32 @!p2 $0x0  }
0x16: {  	s3 =	sld [smem:$0x3FDB];
	s0 =	simm.s32 @p2 $0x1  }
0x17: {  	s4 =	simm.s32 $0x1BF5;
	[smem:$0x3FB7] =	sst s0  }
0x18: {  	s0 =	sld [smem:$0x3F9A];
	_ =	swait.ge [sflag:s4], $0x0  }
0x19: {  	s7 =	sld [smem:$0x3F9B]  }
0x1a: {  	s8 =	sadd.s32 $0xFFFFE003, lr  }
0x1b: {  	s9 =	sadd.s32 $0xFFFFFEF7, lr;
	s5 =	simm.s32 $0xFFFFFFFF;
	p2 =	slt.u32 s8, $0xFFFFF086  }
0x1c: {  	p1 =	slt.u32 s9, $0xF7A;
	s5 =	simm.s32 @!p2 $0x0  }
0x1d: {  	s5 =	simm.s32 @p1 $0x1;
	p0 =	seq.s32 s7, s2  }
0x1e: {  	s7 =	smul.u32 @!p0 $0xF7A, s2;
	p2 =	seq.s32 @!p0 s5, $0x0  }
0x1f: {  	s9 =	smul.u32 $0xF7A, s1;
	s8 =	simm.s32 @!p0 $0x1BF5;
	p2 =	por !p2, p0  }
0x20: {  	[sflag:s8] =	ssyncset.s32 @!p0 $0xFFFFF086;
	s6 =	sadd.s32 @!p0 s3, s7;
	s7 =	simm.s32 @!p0 $0x108  }
0x21: {  	s3 =	sadd.s32 s3, s9;
	s6 =	sadd.s32 @!p0 $0x88, s6;
	s7 =	simm.s32 @p2 $0x1082  }
0x22: {  	[simem:s7], [sflag:s8] =	dma.local @!p0 [hbm:s6], $0xF7A  }
0x23: {  	s9 =	sor.u32 $0xD0000000, s2;
	s6 =	simm.s32 $0x108;
	_ =	swait.ge @!p0 [sflag:s8], $0x0  }
0x24: {  	s3 =	sadd.s32 $0x88, s3;
	s6 =	simm.s32 @!p1 $0x1082;
	[sflag:s4] =	ssyncset.s32 $0xFFFFF086  }
0x25: {  	[simem:s6], [sflag:s4] =	dma.local [hbm:s3], $0xF7A  }
0x26: {  	[smem:$0x3F9B] =	sst s1;
	(tag) =	ssettag s2;
	_ =	strace s9  }
0x27: {  	s1 =	sld [smem:$0x3FAB]  }
0x28: {  	s2 =	sld [smem:$0x3FAC]  }
0x29: {  	s4 =	sld [smem:$0x3FAE]  }
0x2a: {  	p0 =	seq.s32 s5, $0x0;
	s5 =	sld [smem:$0x3FAF]  }
0x2b: {  	s6 =	sld [smem:$0x3FB0]  }
0x2c: {  	s7 =	sld [smem:$0x3FB1]  }
0x2d: {  	s3 =	simm.s32 $0x108;
	s8 =	sld [smem:$0x3FB2]  }
0x2e: {  	s3 =	simm.s32 @!p0 $0x1082;
	s9 =	sld [smem:$0x3FB3]  }
0x2f: {  	lr =	sadd.s32 s0, s3;
	s0 =	sld [smem:$0x3FAA]  }
0x30: {  	s3 =	sld [smem:$0x3FAD]  }
0x31: {  	[smem:$0x3FB6] =	sst s10  }
0x32: {  	s10 =	sld [smem:$0x3FB4];
	_ =	sdelay $0x3  }
0x33: {  	p0 =	seq.s32 s10, $0x1;
	s10 =	sld [smem:$0x3FB6];
	_ =	sdelay $0x3  }
0x34: {  	[smem:$0x3FB6] =	sst s10  }
0x35: {  	s10 =	sld [smem:$0x3FB5];
	_ =	sdelay $0x3  }
0x36: {  	p1 =	seq.s32 s10, $0x1;
	s10 =	sld [smem:$0x3FB6];
	_ =	sdelay $0x3  }
0x37: {  	[smem:$0x3FB6] =	sst s10  }
0x38: {  	s10 =	sld [smem:$0x3FB7]  }
0x39: {  	_ = 	snop;
	(pc) =	sbr.ind lr, $3  }
0x3a: {  	_ = 	snop  }
0x3b: {  	_ = 	snop  }
0x3c: {  	p2 =	seq.s32 s10, $0x1;
	s10 =	sld [smem:$0x3FB6]  }
0x3d: {  	_ =	shalt  }
0x3e: {  	_ =	shalt  }
0x3f: {  	_ =	shalt  }
0x40: {  	_ =	shalt  }
0x41: {  	_ =	shalt  }
0x42: {  	_ =	shalt  }
0x43: {  	_ =	shalt  }
0x44: {  	_ =	shalt  }
0x45: {  	_ =	shalt  }
0x46: {  	_ =	shalt  }
0x47: {  	_ =	shalt  }
0x48: {  	_ =	shalt  }
0x49: {  	_ =	shalt  }
0x4a: {  	_ =	shalt  }
0x4b: {  	_ =	shalt  }
0x4c: {  	_ =	shalt  }
0x4d: {  	_ =	shalt  }
0x4e: {  	_ =	shalt  }
0x4f: {  	_ =	shalt  }
0x50: {  	_ =	shalt  }
0x51: {  	_ =	shalt  }
0x52: {  	_ =	shalt  }
0x53: {  	_ =	shalt  }
0x54: {  	_ =	shalt  }
0x55: {  	_ =	shalt  }
0x56: {  	_ =	shalt  }
0x57: {  	_ =	shalt  }
0x58: {  	_ =	shalt  }
0x59: {  	_ =	shalt  }
0x5a: {  	_ =	shalt  }
0x5b: {  	_ =	shalt  }
0x5c: {  	_ =	shalt  }
0x5d: {  	_ =	shalt  }
0x5e: {  	_ =	shalt  }
0x5f: {  	_ =	shalt  }
0x60: {  	_ =	shalt  }
0x61: {  	_ =	shalt  }
0x62: {  	_ =	shalt  }
0x63: {  	_ =	shalt  }
0x64: {  	_ =	shalt  }
0x65: {  	_ =	shalt  }
0x66: {  	_ =	shalt  }
0x67: {  	_ =	shalt  }
0x68: {  	_ =	shalt  }
0x69: {  	_ =	shalt  }
0x6a: {  	_ =	shalt  }
0x6b: {  	_ =	shalt  }
0x6c: {  	_ =	shalt  }
0x6d: {  	_ =	shalt  }
0x6e: {  	_ =	shalt  }
0x6f: {  	_ =	shalt  }
0x70: {  	_ =	shalt  }
0x71: {  	_ =	shalt  }
0x72: {  	_ =	shalt  }
0x73: {  	_ =	shalt  }
0x74: {  	_ =	shalt  }
0x75: {  	_ =	shalt  }
0x76: {  	_ =	shalt  }
0x77: {  	_ =	shalt  }
0x78: {  	_ =	shalt  }
0x79: {  	_ =	shalt  }
0x7a: {  	_ =	shalt  }
0x7b: {  	_ =	shalt  }
0x7c: {  	_ =	shalt  }
0x7d: {  	_ =	shalt  }
0x7e: {  	_ =	shalt  }
0x7f: {  	_ =	shalt  }
0x80: {  	_ =	shalt  }
0x81: {  	_ =	shalt  }
0x82: {  	_ =	shalt  }
0x83: {  	_ =	shalt  }
0x84: {  	_ =	shalt  }
0x85: {  	_ =	shalt  }
0x86: {  	_ =	shalt  }
0x87: {  	_ =	shalt  }
.Lfunc_end0:
.L_simem_size_0:
called_computation.1_lowered:
.L_overlay_start_0:
0x88: {  	s2 =	sld [smem:$0x3FD9]  }
0x89: {  	s3 =	sld [smem:$0x3FFE];
	_ =	sdelay $0x1  }
0x8a: {  	s1 =	srdreg.scid  }
0x8b: {  	s0 =	sand.u32 $0x1, s1  }
0x8c: {  	s17 =	sshll.u32 s0, $0xA;
	s2 =	sadd.s32 s3, s2  }
0x8d: {  	s2 =	sadd.s32 s2, s17  }
0x8e: {  	[smem:$0x3FC2] =	sst s2  }
0x8f: {  	_ = 	snop  }
0x90: {  	s2 =	sld [smem:$0x3FD0];
	(tm) =	ssettm $0x1  }
0x91: {  	s18 =	sld [smem:$0x3FFB];
	_ =	sdelay $0x3  }
0x92: {  	_ =	strace s18  }
0x93: {  	s3 =	sld [smem:$0x3FFC];
	_ =	sdelay $0x3  }
0x94: {  	_ =	strace s3  }
0x95: {  	s3 =	sld [smem:$0x3FFD];
	_ =	sdelay $0x3  }
0x96: {  	_ =	strace s3  }
0x97: {  	_ =	strace $0x8FFFFFFF  }
0x98: {  	s19 =	sld [smem:$0x3FDB];
	_ =	sdelay $0x1  }
0x99: {  	s4 =	simm.s32 $_scs_section_size  }
0x9a: {  	s5 =	simm.s32 $_size__tile_overlayer_lowered;
	s6 =	simm.s32 $_tile_overlayer_lowered  }
0x9b: {  	s22 =	simm.s32 $0x1BFF;
	s21 =	sshll.u32 s6, $0x1;
	s3 =	sadd.s32 s4, s19  }
0x9c: {  	s7 =	simm.s32 $0x0;
	s20 =	sshll.u32 s5, $0x1;
	s5 =	sadd.s32 s21, s3  }
0x9d: {  	[timem:s7], [sflag:s22] =	dma.local [hbm:s5], s20  }
0x9e: {  	_ =	swait.ge [sflag:s22], s20  }
0x9f: {  	s4 =	ssub.s32 $0x0, s20;
	[sflag:s22] =	ssyncset.done $0x0  }
0xa0: {  	[sflag:s22] =	ssyncadd.s32 s4;
	_ =	sdelay $0x1  }
0xa1: {  	s23 =	simm.s32 $0x1B8B  }
0xa2: {  	_ =	swait.ge [sflag:s23], $0x1  }
0xa3: {  	[sflag:s23] =	ssyncset.done $0x0  }
0xa4: {  	s25 =	simm.s32 $0x1B8E;
	s24 =	sld [smem:$0x3FFE];
	[sflag:s23] =	ssyncadd.s32 $0xFFFFFFFF  }
0xa5: {  	s26 =	simm.s32 $execute0_lowered;
	[smem:$0x3FD2] =	sst s25  }
0xa6: {  	s5 =	sshll.u32 s26, $0x1;
	_ =	strace $0x80000049;
	[dreg:$0x1] =	wrdreg $0xFFFFFFFF  }
0xa7: {  	s28 =	simm.s32 $_size_execute0_lowered;
	s3 =	sadd.s32 s3, s5;
	[dreg:$0x0] =	wrdreg $0x0  }
0xa8: {  	s5 =	sshll.u32 s28, $0x1;
	[dreg:$0x2] =	wrdreg s3  }
0xa9: {  	[dreg:$0x3] =	wrdreg s5  }
0xaa: {  	[dreg:$0x4] =	wrdreg $0xC0  }
0xab: {  	_ =	task [dreg:s7], $0x5FFFF  }
0xac: {  	[dreg:$0x1] =	wrdreg $0xFFFFFFFF  }
0xad: {  	[dreg:$0x0] =	wrdreg $0x60  }
0xae: {  	[dreg:$0x2] =	wrdreg s2  }
0xaf: {  	[dreg:$0x3] =	wrdreg s24  }
0xb0: {  	[dreg:$0x4] =	wrdreg $0xA8000  }
0xb1: {  	[dreg:$0x5] =	wrdreg $0x9  }
0xb2: {  	_ =	task.clear_ibuf [dreg:s7], $0x6FFFF;
	_ =	strace $0x90000049  }
0xb3: {  	s29 =	simm.s32 $0x9;
	_ =	strace $0x8000004B  }
0xb4: {  	_ =	swait.ge [sflag:s29], $0x1  }
0xb5: {  	[sflag:s29] =	ssyncadd.s32 $0xFFFFFFFF  }
0xb6: {  	_ =	strace $0x9000004B  }
0xb7: {  	_ =	sfence  }
0xb8: {  	s30 =	sld [smem:$0x0];
	_ =	sdelay $0x2  }
0xb9: {  	s31 =	sshll.u32 s1, $0xD;
	s1 =	sshrl.u32 s1, $0x2  }
0xba: {  	s3 =	sand.u32 $0x4000, s31;
	s1 =	sadd.s32 s1, s30  }
0xbb: {  	s0 =	sor.u32 s3, s0;
	s1 =	sshll.u32 s1, $0x11  }
0xbc: {  	s0 =	sor.u32 s1, s0  }
0xbd: {  	s0 =	sadd.s32 $0x8F2B, s0  }
0xbe: {  	[sflag:s0] =	ssyncadd.remote.s32 $0x1  }
0xbf: {  	_ =	sfence.sel $0xFFFF  }
0xc0: {  	[dreg:$0x0] =	wrdreg $0xFFFFFFFF;
	(pc) =	sbr.abs _section_cstart, $3  }
0xc1: {  	[dreg:$0x1] =	wrdreg $0xFFFFFFFF  }
0xc2: {  	_ =	task.clear_ibuf [dreg:s7], $0x2FFFF;
	_ =	strace $0x9FFFFFFF  }
0xc3: {  	(tm) =	ssettm $0x7FFFFFFF  }
tec
execute0_lowered:
.L_overlay_start_1:
0x0: {  	(tag) =	ssettag $0x1  }
0x1: {  	s1 =	rddreg [dreg:$0x0]  }
0x2: {  	s5 =	rddreg [dreg:$0x1]  }
0x3: {  	s3 =	rddreg [dreg:$0x2];
	s4 =	simm.s32 $0x0  }
0x4: {  	s6 =	srdreg.scid;
	s2 =	stileid.u32;
	s21 =	simm.s32 $0x1400  }
0x5: {  	s22 =	simm.s32 $0x80;
	s23 =	simm.s32 $0x6800;
	s30 =	smul.u32 $0x4F000, s2  }
0x6: {  	s26 =	simm.s32 $0x2;
	s28 =	simm.s32 $0x2700;
	s11 =	smul.u32 $0x2800, s2  }
0x7: {  	s29 =	simm.s32 $0x2780;
	[smem:$0x7FF] =	sst s4;
	s12 =	smul.u32 $0x500, s2  }
0x8: {  	s10 =	sand.u32 $0x1, s6;
	s16 =	sadd.s32 $0x1400, s5;
	s25 =	smul.u32 $0x2780, s2  }
0x9: {  	s17 =	sadd.s32 $0xB400, s5;
	_ =	strace $0x8000004A;
	s7 =	smul.u32 $0x27800, s10  }
0xa: {  	s8 =	ssub.s32 $0x2, s10;
	p0 =	seq.s32 s10, $0x1;
	s6 =	sshrl.u32 s30, $0x2  }
0xb: {  	s31 =	sshrl.u32 s8, $0x1;
	s20 =	sshrl.u32 s11, $0x3;
	s10 =	sadd.s32 s16, s12  }
0xc: {  	s11 =	sadd.s32 s17, s12;
	s18 =	sadd.s32 s7, s5;
	s5 =	sadd.s32 s6, s3  }
0xd: {  	s19 =	ssub.s32 s8, s31;
	s13 =	sadd.s32 $0x280, s20;
	s15 =	sadd.s32 $0x5000, s20  }
0xe: {  	s20 =	sadd.s32 $0x5280, s20;
	s6 =	sadd.s32 $0x4000, s5;
	s7 =	sadd.s32 $0x8000, s5  }
.Ltmp0:
0xf: {  	s8 =	sadd.s32 $0xC000, s5;
	s9 =	sadd.s32 $0x10000, s5;
	(pc) =	sbr.rel .LBB2_1-.Ltmp0, $4  }
0x10: {  	s12 =	sadd.s32 s16, s13;
	s13 =	sadd.s32 s17, s13;
	s14 =	sadd.s32 s16, s15  }
0x11: {  	s15 =	sadd.s32 s17, s15;
	s16 =	sadd.s32 s16, s20;
	s17 =	sadd.s32 s17, s20  }
0x12: {  	s24 =	sadd.s32 $0x15400, s18;
	s18 =	smax.u32 s19, $0x1;
	s19 =	simm.s32 $0x2800  }
0x13: {  	v0 =	vimm.f32 $0.0e+00;
	s20 =	simm.s32 $0x3;
	s24 =	sadd.s32 s25, s24;
	s25 =	simm.s32 $0x1  }
.LBB2_8:
0x14: {  	[tilespmem:s23], [sflag:$0x2] =	stream.indirect.gather [hbm4b:s1+s22], $0x80, s31, s22, $0xb8;
	[tilespmem:$0x1E400] =	vst v63  }
.LBB2_14:
0x15: {  	_ =	swait.ge [sflag:s25], $0x4000  }
0x16: {  	[sflag:s25] =	ssyncset.done $0x0  }
0x17: {  	[sflag:s25] =	ssyncadd.s32 $0xFFFFC000  }
0x18: {  	[spmem:s3] =	stream.indirect.scatter.add.f32 [tilespmem:s19], [sflag:$0x3], $0x80, s28, s22, $0xb8;
	[tilespmem:$0x1E400] =	vst v63  }
0x19: {  	_ =	swait.ge [sflag:s20], $0x4000  }
0x1a: {  	[sflag:s20] =	ssyncset.done $0x0  }
0x1b: {  	[sflag:s20] =	ssyncadd.s32 $0xFFFFC000  }
0x1c: {  	_ =	swait.ge [sflag:s26], $0x4000  }
0x1d: {  	[sflag:s26] =	ssyncset.done $0x0  }
0x1e: {  	[sflag:s26] =	ssyncadd.s32 $0xFFFFC000  }
0x1f: {  	[spmem:s3] =	stream.indirect.scatter.add.f32 [tilespmem:s23], [sflag:$0x3], $0x80, s29, s22, $0xb8;
	[tilespmem:$0x1E400] =	vst v63  }
0x20: {  	_ =	swait.ge [sflag:s20], $0x4000  }
0x21: {  	s0 =	sshll.u32 s2, $0x6;
	s4 =	sadd.s32 $0x1, s4;
	[sflag:s20] =	ssyncset.done $0x0  }
0x22: {  	s30 =	sshrl.u32 s5, $0x3;
	p1 =	sne.s32 s4, s18;
	[sflag:s20] =	ssyncadd.s32 $0xFFFFC000  }
.Ltmp1:
0x23: {  	s0 =	sor.u32 $0x1C03, s0;
	[bflag:$0x0] =	sbarrier.arrive $0xFFFF;
	(pc) =	sbr.rel @!p1 .LBB2_15-.Ltmp1, $4  }
0x24: {  	[hbm:s24], [sflag:s0] =	dma.local [spmem:s30], $0x2780  }
0x25: {  	_ =	swait.ge [sflag:s20], $0x2780  }
0x26: {  	[sflag:s20] =	ssyncset.done $0x0  }
0x27: {  	[sflag:s20] =	ssyncadd.s32 $0xFFFFD880  }
.LBB2_1:
0x28: {  	s30 =	simm.s32 $0x0;
	s31 =	simm.s32 $0x200  }
.LBB2_2:
0x29: {  	p1 =	sne.s32 s31, $0xFE00;
	[tilespmem:s30+$0x2870] =	vst v0  }
0x2a: {  	[tilespmem:s30+$0x2800] =	vst v0  }
0x2b: {  	[tilespmem:s30+$0x2810] =	vst v0  }
.Ltmp2:
0x2c: {  	[tilespmem:s30+$0x2820] =	vst v0;
	(pc) =	sbr.rel @p1 .LBB2_2-.Ltmp2, $4  }
0x2d: {  	[tilespmem:s30+$0x2830] =	vst v0  }
0x2e: {  	[tilespmem:s30+$0x2840] =	vst v0  }
0x2f: {  	[tilespmem:s30+$0x2850] =	vst v0  }
0x30: {  	[tilespmem:s30+$0x2860] =	vst v0;
	s30 =	sshra.s32 s31, $0x2;
	s31 =	sadd.s32 $0x200, s31  }
0x31: {  	[tilespmem:s30+$0x2870] =	vst v0  }
0x32: {  	[tilespmem:s30+$0x2800] =	vst v0  }
0x33: {  	[tilespmem:s30+$0x2810] =	vst v0  }
0x34: {  	[tilespmem:s30+$0x2820] =	vst v0  }
0x35: {  	[tilespmem:s30+$0x2830] =	vst v0  }
0x36: {  	[tilespmem:s30+$0x2840] =	vst v0  }
0x37: {  	[tilespmem:s30+$0x2850] =	vst v0  }
0x38: {  	[tilespmem:s30+$0x2860] =	vst v0  }
0x39: {  	[spmem:s5] =	stream.linear.scatter [tilespmem:s19], [sflag:$0x3], $0x4000, $0x38;
	[tilespmem:$0x1E400] =	vst v63  }
0x3a: {  	_ =	swait.ge [sflag:s20], $0x4000  }
0x3b: {  	[sflag:s20] =	ssyncset.done $0x0  }
0x3c: {  	[sflag:s20] =	ssyncadd.s32 $0xFFFFC000  }
0x3d: {  	[spmem:s6] =	stream.linear.scatter [tilespmem:s19], [sflag:$0x3], $0x4000, $0x38;
	[tilespmem:$0x1E400] =	vst v63  }
0x3e: {  	_ =	swait.ge [sflag:s20], $0x4000  }
0x3f: {  	[sflag:s20] =	ssyncset.done $0x0  }
0x40: {  	[sflag:s20] =	ssyncadd.s32 $0xFFFFC000  }
0x41: {  	[spmem:s7] =	stream.linear.scatter [tilespmem:s19], [sflag:$0x3], $0x4000, $0x38;
	[tilespmem:$0x1E400] =	vst v63  }
0x42: {  	_ =	swait.ge [sflag:s20], $0x4000  }
0x43: {  	[sflag:s20] =	ssyncset.done $0x0  }
0x44: {  	[sflag:s20] =	ssyncadd.s32 $0xFFFFC000  }
0x45: {  	[spmem:s8] =	stream.linear.scatter [tilespmem:s19], [sflag:$0x3], $0x4000, $0x38;
	[tilespmem:$0x1E400] =	vst v63  }
0x46: {  	_ =	swait.ge [sflag:s20], $0x4000  }
0x47: {  	[sflag:s20] =	ssyncset.done $0x0  }
0x48: {  	[sflag:s20] =	ssyncadd.s32 $0xFFFFC000  }
0x49: {  	[spmem:s9] =	stream.linear.scatter [tilespmem:s19], [sflag:$0x3], $0x3C00, $0x38;
	[tilespmem:$0x1E400] =	vst v63  }
.Ltmp3:
0x4a: {  	_ =	swait.ge [sflag:s20], $0x3C00;
	(pc) =	sbr.rel @!p0 .LBB2_4-.Ltmp3, $3  }
0x4b: {  	[sflag:s20] =	ssyncset.done $0x0  }
0x4c: {  	[sflag:s20] =	ssyncadd.s32 $0xFFFFC400  }
0x4d: {  	[bflag:$0x0] =	sbarrier.arrive $0xFFFF;
	_ =	sdelay $0x1  }
0x4e: {  	s0 =	simm.s32 $0x0  }
0x4f: {  	[tilespmem:s0], [sflag:$0x3] =	stream.linear.gather [hbm4b:s14+s0], $0x1400, $0x38;
	[tilespmem:$0x1E400] =	vst v63  }
0x50: {  	_ =	swait.ge [sflag:s20], $0x1400  }
0x51: {  	[sflag:s20] =	ssyncset.done $0x0  }
0x52: {  	[sflag:s20] =	ssyncadd.s32 $0xFFFFEC00  }
0x53: {  	[tilespmem:s21], [sflag:$0x3] =	stream.linear.gather [hbm4b:s15+s0], $0x1400, $0x38;
	[tilespmem:$0x1E400] =	vst v63  }
0x54: {  	_ =	swait.ge [sflag:s20], $0x1400  }
0x55: {  	[sflag:s20] =	ssyncset.done $0x0  }
0x56: {  	[sflag:s20] =	ssyncadd.s32 $0xFFFFEC00  }
0x57: {  	[tilespmem:s19], [sflag:$0x1] =	stream.indirect.gather [hbm4b:s1+s22], $0x80, s0, s22, $0xb8;
	[tilespmem:$0x1E400] =	vst v63  }
0x58: {  	_ = 	snop  }
0x59: {  	[tilespmem:s23], [sflag:$0x2] =	stream.indirect.gather [hbm4b:s1+s22], $0x80, s22, s22, $0xb8;
	[tilespmem:$0x1E400] =	vst v63  }
0x5a: {  	_ =	swait.ge [sflag:s25], $0x4000  }
0x5b: {  	[sflag:s25] =	ssyncset.done $0x0  }
0x5c: {  	s0 =	simm.s32 $0x1400;
	[sflag:s25] =	ssyncadd.s32 $0xFFFFC000  }
0x5d: {  	[spmem:s3] =	stream.indirect.scatter.add.f32 [tilespmem:s19], [sflag:$0x3], $0x80, s0, s22, $0xb8;
	[tilespmem:$0x1E400] =	vst v63  }
0x5e: {  	_ =	swait.ge [sflag:s20], $0x4000  }
0x5f: {  	[sflag:s20] =	ssyncset.done $0x0  }
0x60: {  	s0 =	simm.s32 $0x100;
	[sflag:s20] =	ssyncadd.s32 $0xFFFFC000  }
0x61: {  	[tilespmem:s19], [sflag:$0x1] =	stream.indirect.gather [hbm4b:s1+s22], $0x80, s0, s22, $0xb8;
	[tilespmem:$0x1E400] =	vst v63  }
0x62: {  	_ =	swait.ge [sflag:s26], $0x4000  }
0x63: {  	[sflag:s26] =	ssyncset.done $0x0  }
0x64: {  	s0 =	simm.s32 $0x1480;
	[sflag:s26] =	ssyncadd.s32 $0xFFFFC000  }
0x65: {  	[spmem:s3] =	stream.indirect.scatter.add.f32 [tilespmem:s23], [sflag:$0x3], $0x80, s0, s22, $0xb8;
	[tilespmem:$0x1E400] =	vst v63  }
0x66: {  	_ =	swait.ge [sflag:s20], $0x4000  }
0x67: {  	[sflag:s20] =	ssyncset.done $0x0  }
0x68: {  	s30 =	simm.s32 $0x400;
	s31 =	simm.s32 $0x180;
	[sflag:s20] =	ssyncadd.s32 $0xFFFFC000  }
.LBB2_10:
0x69: {  	[tilespmem:s23], [sflag:$0x2] =	stream.indirect.gather [hbm4b:s1+s22], $0x80, s31, s22, $0xb8;
	[tilespmem:$0x1E400] =	vst v63  }
0x6a: {  	s0 =	smov.u32 s30  }
0x6b: {  	p1 =	sne.s32 s30, $0x4800;
	s30 =	sadd.s32 $0x400, s30;
	_ =	swait.ge [sflag:s25], $0x4000  }
0x6c: {  	s0 =	sshra.s32 s0, $0x2;
	[sflag:s25] =	ssyncset.done $0x0  }
0x6d: {  	s31 =	sadd.s32 $0x1400, s0;
	[sflag:s25] =	ssyncadd.s32 $0xFFFFC000  }
0x6e: {  	[spmem:s3] =	stream.indirect.scatter.add.f32 [tilespmem:s19], [sflag:$0x3], $0x80, s31, s22, $0xb8;
	[tilespmem:$0x1E400] =	vst v63  }
0x6f: {  	_ =	swait.ge [sflag:s20], $0x4000  }
0x70: {  	[sflag:s20] =	ssyncset.done $0x0  }
0x71: {  	s31 =	sadd.s32 $0x100, s0;
	[sflag:s20] =	ssyncadd.s32 $0xFFFFC000  }
0x72: {  	[tilespmem:s19], [sflag:$0x1] =	stream.indirect.gather [hbm4b:s1+s22], $0x80, s31, s22, $0xb8;
	[tilespmem:$0x1E400] =	vst v63  }
0x73: {  	_ =	swait.ge [sflag:s26], $0x4000  }
0x74: {  	[sflag:s26] =	ssyncset.done $0x0  }
.Ltmp4:
0x75: {  	s31 =	sadd.s32 $0x1480, s0;
	[sflag:s26] =	ssyncadd.s32 $0xFFFFC000;
	(pc) =	sbr.rel @p1 .LBB2_10-.Ltmp4, $4  }
0x76: {  	[spmem:s3] =	stream.indirect.scatter.add.f32 [tilespmem:s23], [sflag:$0x3], $0x80, s31, s22, $0xb8;
	[tilespmem:$0x1E400] =	vst v63  }
0x77: {  	_ =	swait.ge [sflag:s20], $0x4000  }
0x78: {  	[sflag:s20] =	ssyncset.done $0x0  }
0x79: {  	s31 =	sadd.s32 $0x180, s0;
	[sflag:s20] =	ssyncadd.s32 $0xFFFFC000  }
0x7a: {  	[tilespmem:s23], [sflag:$0x2] =	stream.indirect.gather [hbm4b:s1+s22], $0x80, s31, s22, $0xb8;
	[tilespmem:$0x1E400] =	vst v63  }
0x7b: {  	_ =	swait.ge [sflag:s25], $0x4000  }
0x7c: {  	[sflag:s25] =	ssyncset.done $0x0  }
0x7d: {  	[sflag:s25] =	ssyncadd.s32 $0xFFFFC000  }
0x7e: {  	[spmem:s3] =	stream.indirect.scatter.add.f32 [tilespmem:s19], [sflag:$0x3], $0x80, s28, s22, $0xb8;
	[tilespmem:$0x1E400] =	vst v63  }
0x7f: {  	_ =	swait.ge [sflag:s20], $0x4000  }
0x80: {  	[sflag:s20] =	ssyncset.done $0x0  }
0x81: {  	[sflag:s20] =	ssyncadd.s32 $0xFFFFC000  }
0x82: {  	_ =	swait.ge [sflag:s26], $0x4000  }
0x83: {  	[sflag:s26] =	ssyncset.done $0x0  }
0x84: {  	[sflag:s26] =	ssyncadd.s32 $0xFFFFC000  }
0x85: {  	[spmem:s3] =	stream.indirect.scatter.add.f32 [tilespmem:s23], [sflag:$0x3], $0x80, s29, s22, $0xb8;
	[tilespmem:$0x1E400] =	vst v63  }
0x86: {  	_ =	swait.ge [sflag:s20], $0x4000  }
0x87: {  	[sflag:s20] =	ssyncset.done $0x0  }
0x88: {  	s0 =	simm.s32 $0x0;
	[sflag:s20] =	ssyncadd.s32 $0xFFFFC000  }
0x89: {  	[tilespmem:s0], [sflag:$0x3] =	stream.linear.gather [hbm4b:s16+s0], $0x1400, $0x38;
	[tilespmem:$0x1E400] =	vst v63  }
0x8a: {  	_ =	swait.ge [sflag:s20], $0x1400  }
0x8b: {  	[sflag:s20] =	ssyncset.done $0x0  }
0x8c: {  	[sflag:s20] =	ssyncadd.s32 $0xFFFFEC00  }
0x8d: {  	[tilespmem:s21], [sflag:$0x3] =	stream.linear.gather [hbm4b:s17+s0], $0x1400, $0x38;
	[tilespmem:$0x1E400] =	vst v63  }
0x8e: {  	_ =	swait.ge [sflag:s20], $0x1400  }
0x8f: {  	[sflag:s20] =	ssyncset.done $0x0  }
0x90: {  	[sflag:s20] =	ssyncadd.s32 $0xFFFFEC00  }
0x91: {  	[tilespmem:s19], [sflag:$0x1] =	stream.indirect.gather [hbm4b:s1+s22], $0x80, s0, s22, $0xb8;
	[tilespmem:$0x1E400] =	vst v63  }
0x92: {  	_ = 	snop  }
0x93: {  	[tilespmem:s23], [sflag:$0x2] =	stream.indirect.gather [hbm4b:s1+s22], $0x80, s22, s22, $0xb8;
	[tilespmem:$0x1E400] =	vst v63  }
0x94: {  	_ =	swait.ge [sflag:s25], $0x4000  }
0x95: {  	[sflag:s25] =	ssyncset.done $0x0  }
0x96: {  	s0 =	simm.s32 $0x1400;
	[sflag:s25] =	ssyncadd.s32 $0xFFFFC000  }
0x97: {  	[spmem:s3] =	stream.indirect.scatter.add.f32 [tilespmem:s19], [sflag:$0x3], $0x80, s0, s22, $0xb8;
	[tilespmem:$0x1E400] =	vst v63  }
0x98: {  	_ =	swait.ge [sflag:s20], $0x4000  }
0x99: {  	[sflag:s20] =	ssyncset.done $0x0  }
0x9a: {  	s0 =	simm.s32 $0x100;
	[sflag:s20] =	ssyncadd.s32 $0xFFFFC000  }
0x9b: {  	[tilespmem:s19], [sflag:$0x1] =	stream.indirect.gather [hbm4b:s1+s22], $0x80, s0, s22, $0xb8;
	[tilespmem:$0x1E400] =	vst v63  }
0x9c: {  	_ =	swait.ge [sflag:s26], $0x4000  }
0x9d: {  	[sflag:s26] =	ssyncset.done $0x0  }
0x9e: {  	s0 =	simm.s32 $0x1480;
	[sflag:s26] =	ssyncadd.s32 $0xFFFFC000  }
0x9f: {  	[spmem:s3] =	stream.indirect.scatter.add.f32 [tilespmem:s23], [sflag:$0x3], $0x80, s0, s22, $0xb8;
	[tilespmem:$0x1E400] =	vst v63  }
0xa0: {  	_ =	swait.ge [sflag:s20], $0x4000  }
0xa1: {  	[sflag:s20] =	ssyncset.done $0x0  }
0xa2: {  	s30 =	simm.s32 $0x400;
	s31 =	simm.s32 $0x180;
	[sflag:s20] =	ssyncadd.s32 $0xFFFFC000  }
.LBB2_12:
0xa3: {  	[tilespmem:s23], [sflag:$0x2] =	stream.indirect.gather [hbm4b:s1+s22], $0x80, s31, s22, $0xb8;
	[tilespmem:$0x1E400] =	vst v63  }
0xa4: {  	s0 =	smov.u32 s30  }
0xa5: {  	p1 =	sne.s32 s30, $0x4800;
	s30 =	sadd.s32 $0x400, s30;
	_ =	swait.ge [sflag:s25], $0x4000  }
0xa6: {  	s0 =	sshra.s32 s0, $0x2;
	[sflag:s25] =	ssyncset.done $0x0  }
0xa7: {  	s31 =	sadd.s32 $0x1400, s0;
	[sflag:s25] =	ssyncadd.s32 $0xFFFFC000  }
0xa8: {  	[spmem:s3] =	stream.indirect.scatter.add.f32 [tilespmem:s19], [sflag:$0x3], $0x80, s31, s22, $0xb8;
	[tilespmem:$0x1E400] =	vst v63  }
0xa9: {  	_ =	swait.ge [sflag:s20], $0x4000  }
0xaa: {  	[sflag:s20] =	ssyncset.done $0x0  }
0xab: {  	s31 =	sadd.s32 $0x100, s0;
	[sflag:s20] =	ssyncadd.s32 $0xFFFFC000  }
0xac: {  	[tilespmem:s19], [sflag:$0x1] =	stream.indirect.gather [hbm4b:s1+s22], $0x80, s31, s22, $0xb8;
	[tilespmem:$0x1E400] =	vst v63  }
0xad: {  	_ =	swait.ge [sflag:s26], $0x4000  }
0xae: {  	[sflag:s26] =	ssyncset.done $0x0  }
.Ltmp5:
0xaf: {  	s31 =	sadd.s32 $0x1480, s0;
	[sflag:s26] =	ssyncadd.s32 $0xFFFFC000;
	(pc) =	sbr.rel @p1 .LBB2_12-.Ltmp5, $4  }
0xb0: {  	[spmem:s3] =	stream.indirect.scatter.add.f32 [tilespmem:s23], [sflag:$0x3], $0x80, s31, s22, $0xb8;
	[tilespmem:$0x1E400] =	vst v63  }
0xb1: {  	_ =	swait.ge [sflag:s20], $0x4000  }
0xb2: {  	[sflag:s20] =	ssyncset.done $0x0  }
0xb3: {  	s31 =	sadd.s32 $0x180, s0;
	[sflag:s20] =	ssyncadd.s32 $0xFFFFC000  }
.Ltmp6:
0xb4: {  	(pc) =	sbr.rel .LBB2_14-.Ltmp6, $2  }
0xb5: {  	_ =	sdelay $0x2  }
0xb6: {  	[tilespmem:s23], [sflag:$0x2] =	stream.indirect.gather [hbm4b:s1+s22], $0x80, s31, s22, $0xb8;
	[tilespmem:$0x1E400] =	vst v63  }
.LBB2_4:
0xb7: {  	s30 =	simm.s32 $0x0  }
0xb8: {  	[tilespmem:s30], [sflag:$0x3] =	stream.linear.gather [hbm4b:s10+s30], $0x1400, $0x38;
	[tilespmem:$0x1E400] =	vst v63  }
0xb9: {  	_ =	swait.ge [sflag:s20], $0x1400  }
0xba: {  	[sflag:s20] =	ssyncset.done $0x0  }
0xbb: {  	[sflag:s20] =	ssyncadd.s32 $0xFFFFEC00  }
0xbc: {  	[tilespmem:s21], [sflag:$0x3] =	stream.linear.gather [hbm4b:s11+s30], $0x1400, $0x38;
	[tilespmem:$0x1E400] =	vst v63  }
0xbd: {  	_ =	swait.ge [sflag:s20], $0x1400  }
0xbe: {  	[sflag:s20] =	ssyncset.done $0x0  }
0xbf: {  	[sflag:s20] =	ssyncadd.s32 $0xFFFFEC00  }
0xc0: {  	[tilespmem:s19], [sflag:$0x1] =	stream.indirect.gather [hbm4b:s1+s22], $0x80, s30, s22, $0xb8;
	[tilespmem:$0x1E400] =	vst v63  }
0xc1: {  	_ = 	snop  }
0xc2: {  	[tilespmem:s23], [sflag:$0x2] =	stream.indirect.gather [hbm4b:s1+s22], $0x80, s22, s22, $0xb8;
	[tilespmem:$0x1E400] =	vst v63  }
0xc3: {  	_ =	swait.ge [sflag:s25], $0x4000  }
0xc4: {  	[sflag:s25] =	ssyncset.done $0x0  }
0xc5: {  	s30 =	simm.s32 $0x1400;
	[sflag:s25] =	ssyncadd.s32 $0xFFFFC000  }
0xc6: {  	[spmem:s3] =	stream.indirect.scatter.add.f32 [tilespmem:s19], [sflag:$0x3], $0x80, s30, s22, $0xb8;
	[tilespmem:$0x1E400] =	vst v63  }
0xc7: {  	_ =	swait.ge [sflag:s20], $0x4000  }
0xc8: {  	[sflag:s20] =	ssyncset.done $0x0  }
0xc9: {  	s30 =	simm.s32 $0x100;
	[sflag:s20] =	ssyncadd.s32 $0xFFFFC000  }
0xca: {  	[tilespmem:s19], [sflag:$0x1] =	stream.indirect.gather [hbm4b:s1+s22], $0x80, s30, s22, $0xb8;
	[tilespmem:$0x1E400] =	vst v63  }
0xcb: {  	_ =	swait.ge [sflag:s26], $0x4000  }
0xcc: {  	[sflag:s26] =	ssyncset.done $0x0  }
0xcd: {  	s30 =	simm.s32 $0x1480;
	[sflag:s26] =	ssyncadd.s32 $0xFFFFC000  }
0xce: {  	[spmem:s3] =	stream.indirect.scatter.add.f32 [tilespmem:s23], [sflag:$0x3], $0x80, s30, s22, $0xb8;
	[tilespmem:$0x1E400] =	vst v63  }
0xcf: {  	_ =	swait.ge [sflag:s20], $0x4000  }
0xd0: {  	[sflag:s20] =	ssyncset.done $0x0  }
0xd1: {  	s31 =	simm.s32 $0x180;
	s30 =	simm.s32 $0x400;
	[sflag:s20] =	ssyncadd.s32 $0xFFFFC000  }
.LBB2_5:
0xd2: {  	[tilespmem:s23], [sflag:$0x2] =	stream.indirect.gather [hbm4b:s1+s22], $0x80, s31, s22, $0xb8;
	[tilespmem:$0x1E400] =	vst v63  }
0xd3: {  	s31 =	smov.u32 s30  }
0xd4: {  	p1 =	sne.s32 s30, $0x4800;
	s30 =	sadd.s32 $0x400, s30;
	_ =	swait.ge [sflag:s25], $0x4000  }
0xd5: {  	s31 =	sshra.s32 s31, $0x2;
	[sflag:s25] =	ssyncset.done $0x0  }
0xd6: {  	s0 =	sadd.s32 $0x1400, s31;
	[sflag:s25] =	ssyncadd.s32 $0xFFFFC000  }
0xd7: {  	[spmem:s3] =	stream.indirect.scatter.add.f32 [tilespmem:s19], [sflag:$0x3], $0x80, s0, s22, $0xb8;
	[tilespmem:$0x1E400] =	vst v63  }
0xd8: {  	_ =	swait.ge [sflag:s20], $0x4000  }
0xd9: {  	[sflag:s20] =	ssyncset.done $0x0  }
0xda: {  	s0 =	sadd.s32 $0x100, s31;
	[sflag:s20] =	ssyncadd.s32 $0xFFFFC000  }
0xdb: {  	[tilespmem:s19], [sflag:$0x1] =	stream.indirect.gather [hbm4b:s1+s22], $0x80, s0, s22, $0xb8;
	[tilespmem:$0x1E400] =	vst v63  }
0xdc: {  	_ =	swait.ge [sflag:s26], $0x4000  }
0xdd: {  	[sflag:s26] =	ssyncset.done $0x0  }
.Ltmp7:
0xde: {  	s0 =	sadd.s32 $0x1480, s31;
	[sflag:s26] =	ssyncadd.s32 $0xFFFFC000;
	(pc) =	sbr.rel @p1 .LBB2_5-.Ltmp7, $4  }
0xdf: {  	[spmem:s3] =	stream.indirect.scatter.add.f32 [tilespmem:s23], [sflag:$0x3], $0x80, s0, s22, $0xb8;
	[tilespmem:$0x1E400] =	vst v63  }
0xe0: {  	_ =	swait.ge [sflag:s20], $0x4000  }
0xe1: {  	[sflag:s20] =	ssyncset.done $0x0  }
0xe2: {  	s31 =	sadd.s32 $0x180, s31;
	[sflag:s20] =	ssyncadd.s32 $0xFFFFC000  }
0xe3: {  	[tilespmem:s23], [sflag:$0x2] =	stream.indirect.gather [hbm4b:s1+s22], $0x80, s31, s22, $0xb8;
	[tilespmem:$0x1E400] =	vst v63  }
0xe4: {  	_ =	swait.ge [sflag:s25], $0x4000  }
0xe5: {  	[sflag:s25] =	ssyncset.done $0x0  }
0xe6: {  	[sflag:s25] =	ssyncadd.s32 $0xFFFFC000  }
0xe7: {  	[spmem:s3] =	stream.indirect.scatter.add.f32 [tilespmem:s19], [sflag:$0x3], $0x80, s28, s22, $0xb8;
	[tilespmem:$0x1E400] =	vst v63  }
0xe8: {  	_ =	swait.ge [sflag:s20], $0x4000  }
0xe9: {  	[sflag:s20] =	ssyncset.done $0x0  }
0xea: {  	[sflag:s20] =	ssyncadd.s32 $0xFFFFC000  }
0xeb: {  	_ =	swait.ge [sflag:s26], $0x4000  }
0xec: {  	[sflag:s26] =	ssyncset.done $0x0  }
0xed: {  	[sflag:s26] =	ssyncadd.s32 $0xFFFFC000  }
0xee: {  	[spmem:s3] =	stream.indirect.scatter.add.f32 [tilespmem:s23], [sflag:$0x3], $0x80, s29, s22, $0xb8;
	[tilespmem:$0x1E400] =	vst v63  }
0xef: {  	_ =	swait.ge [sflag:s20], $0x4000  }
0xf0: {  	[sflag:s20] =	ssyncset.done $0x0  }
0xf1: {  	s0 =	simm.s32 $0x0;
	[sflag:s20] =	ssyncadd.s32 $0xFFFFC000  }
0xf2: {  	[tilespmem:s0], [sflag:$0x3] =	stream.linear.gather [hbm4b:s12+s0], $0x1400, $0x38;
	[tilespmem:$0x1E400] =	vst v63  }
0xf3: {  	_ =	swait.ge [sflag:s20], $0x1400  }
0xf4: {  	[sflag:s20] =	ssyncset.done $0x0  }
0xf5: {  	[sflag:s20] =	ssyncadd.s32 $0xFFFFEC00  }
0xf6: {  	[tilespmem:s21], [sflag:$0x3] =	stream.linear.gather [hbm4b:s13+s0], $0x1400, $0x38;
	[tilespmem:$0x1E400] =	vst v63  }
0xf7: {  	_ =	swait.ge [sflag:s20], $0x1400  }
0xf8: {  	[sflag:s20] =	ssyncset.done $0x0  }
0xf9: {  	[sflag:s20] =	ssyncadd.s32 $0xFFFFEC00  }
0xfa: {  	[tilespmem:s19], [sflag:$0x1] =	stream.indirect.gather [hbm4b:s1+s22], $0x80, s0, s22, $0xb8;
	[tilespmem:$0x1E400] =	vst v63  }
0xfb: {  	_ = 	snop  }
0xfc: {  	[tilespmem:s23], [sflag:$0x2] =	stream.indirect.gather [hbm4b:s1+s22], $0x80, s22, s22, $0xb8;
	[tilespmem:$0x1E400] =	vst v63  }
0xfd: {  	_ =	swait.ge [sflag:s25], $0x4000  }
0xfe: {  	[sflag:s25] =	ssyncset.done $0x0  }
0xff: {  	s0 =	simm.s32 $0x1400;
	[sflag:s25] =	ssyncadd.s32 $0xFFFFC000  }
0x100: {  	[spmem:s3] =	stream.indirect.scatter.add.f32 [tilespmem:s19], [sflag:$0x3], $0x80, s0, s22, $0xb8;
	[tilespmem:$0x1E400] =	vst v63  }
0x101: {  	_ =	swait.ge [sflag:s20], $0x4000  }
0x102: {  	[sflag:s20] =	ssyncset.done $0x0  }
0x103: {  	s0 =	simm.s32 $0x100;
	[sflag:s20] =	ssyncadd.s32 $0xFFFFC000  }
0x104: {  	[tilespmem:s19], [sflag:$0x1] =	stream.indirect.gather [hbm4b:s1+s22], $0x80, s0, s22, $0xb8;
	[tilespmem:$0x1E400] =	vst v63  }
0x105: {  	_ =	swait.ge [sflag:s26], $0x4000  }
0x106: {  	[sflag:s26] =	ssyncset.done $0x0  }
0x107: {  	s0 =	simm.s32 $0x1480;
	[sflag:s26] =	ssyncadd.s32 $0xFFFFC000  }
0x108: {  	[spmem:s3] =	stream.indirect.scatter.add.f32 [tilespmem:s23], [sflag:$0x3], $0x80, s0, s22, $0xb8;
	[tilespmem:$0x1E400] =	vst v63  }
0x109: {  	_ =	swait.ge [sflag:s20], $0x4000  }
0x10a: {  	[sflag:s20] =	ssyncset.done $0x0  }
0x10b: {  	s30 =	simm.s32 $0x400;
	s31 =	simm.s32 $0x180;
	[sflag:s20] =	ssyncadd.s32 $0xFFFFC000  }
.LBB2_7:
0x10c: {  	[tilespmem:s23], [sflag:$0x2] =	stream.indirect.gather [hbm4b:s1+s22], $0x80, s31, s22, $0xb8;
	[tilespmem:$0x1E400] =	vst v63  }
0x10d: {  	s0 =	smov.u32 s30  }
0x10e: {  	p1 =	seq.s32 s30, $0x4800;
	s30 =	sadd.s32 $0x400, s30;
	_ =	swait.ge [sflag:s25], $0x4000  }
0x10f: {  	s0 =	sshra.s32 s0, $0x2;
	[sflag:s25] =	ssyncset.done $0x0  }
0x110: {  	s31 =	sadd.s32 $0x1400, s0;
	[sflag:s25] =	ssyncadd.s32 $0xFFFFC000  }
0x111: {  	[spmem:s3] =	stream.indirect.scatter.add.f32 [tilespmem:s19], [sflag:$0x3], $0x80, s31, s22, $0xb8;
	[tilespmem:$0x1E400] =	vst v63  }
0x112: {  	_ =	swait.ge [sflag:s20], $0x4000  }
0x113: {  	[sflag:s20] =	ssyncset.done $0x0  }
0x114: {  	s31 =	sadd.s32 $0x100, s0;
	[sflag:s20] =	ssyncadd.s32 $0xFFFFC000  }
0x115: {  	[tilespmem:s19], [sflag:$0x1] =	stream.indirect.gather [hbm4b:s1+s22], $0x80, s31, s22, $0xb8;
	[tilespmem:$0x1E400] =	vst v63  }
0x116: {  	_ =	swait.ge [sflag:s26], $0x4000  }
0x117: {  	[sflag:s26] =	ssyncset.done $0x0  }
.Ltmp8:
0x118: {  	s31 =	sadd.s32 $0x1480, s0;
	[sflag:s26] =	ssyncadd.s32 $0xFFFFC000;
	(pc) =	sbr.rel @!p1 .LBB2_7-.Ltmp8, $4  }
0x119: {  	[spmem:s3] =	stream.indirect.scatter.add.f32 [tilespmem:s23], [sflag:$0x3], $0x80, s31, s22, $0xb8;
	[tilespmem:$0x1E400] =	vst v63  }
0x11a: {  	_ =	swait.ge [sflag:s20], $0x4000  }
0x11b: {  	[sflag:s20] =	ssyncset.done $0x0  }
0x11c: {  	s31 =	sadd.s32 $0x180, s0;
	[sflag:s20] =	ssyncadd.s32 $0xFFFFC000  }
.Ltmp9:
0x11d: {  	_ = 	snop;
	(pc) =	sbr.rel .LBB2_8-.Ltmp9, $1  }
0x11e: {  	_ =	sdelay $0x3  }
.LBB2_15:
0x11f: {  	_ =	sfence.sel $0x180000  }
0x120: {  	[bflag:$0x0] =	sbarrier.arrive $0xFFFF  }
0x121: {  	_ =	strace $0x9000004A  }
0x122: {  	[bflag:$0x2] =	sbarrier.arrive $0xFFFF  }
0x123: {  	p0 =	sne.s32 s2, $0x0;
	s0 =	rddreg [dreg:$0x3]  }
0x124: {  	s0 =	sadd.s32 @!p0 $0x100000, s0  }
0x125: {  	[sflag:s0] =	ssyncadd.tile.s32 @!p0 $0x1;
	_ =	shalt  }
.Lfunc_end2:
_tile_overlayer_lowered:
.L_overlay_start_2:
0x126: {  	(tag) =	ssettag $0x2  }
0x127: {  	s0 =	rddreg [dreg:$0x0];
	s2 =	stileid.u32  }
0x128: {  	s1 =	rddreg [dreg:$0x1];
	p0 =	sne.s32 s2, $0x0  }
0x129: {  	s3 =	rddreg [dreg:$0x2];
	[bflag:$0x3] =	sbarrier.arrive $0xFFFF;
	s2 =	simm.s32 @!p0 $0x1C03  }
0x12a: {  	[timem:s3], [sflag:s2] =	dma.local @!p0 [hbm:s0], s1  }
0x12b: {  	s0 =	simm.s32 @!p0 $0x3  }
0x12c: {  	_ =	swait.ge @!p0 [sflag:s0], s1  }
0x12d: {  	s1 =	ssub.s32 @!p0 $0x0, s1;
	[sflag:s0] =	ssyncset.done @!p0 $0x0  }
0x12e: {  	[sflag:s0] =	ssyncadd.s32 @!p0 s1  }
0x12f: {  	[bflag:$0x3] =	sbarrier.arrive $0xFFFF  }
0x130: {  	_ =	shalt  }

// kernel: kernel.7.cloned.1.call-start
scs
__scs_entry_jumppad:
0x0: {  	(pc) =	sbr.rel $0x88, $3  }
0x1: {  	(tag) =	ssettag $0x0;
	lr =	simm.s32 $0x1  }
0x2: {  	[smem:$0x3F9B] =	sst lr;
	_ =	strace $0xD0000000  }
0x3: {  	_ = 	snop  }
0x4: {  	_ = 	snop  }
0x5: {  	_ = 	snop  }
0x6: {  	_ = 	snop  }
0x7: {  	_ = 	snop  }
__scs_overlays_trampoline_lowered:
0x8: {  	[smem:$0x3FAA] =	sst s0  }
0x9: {  	[smem:$0x3FAB] =	sst s1  }
0xa: {  	[smem:$0x3FAC] =	sst s2  }
0xb: {  	[smem:$0x3FAD] =	sst s3  }
0xc: {  	[smem:$0x3FAE] =	sst s4  }
0xd: {  	[smem:$0x3FAF] =	sst s5  }
0xe: {  	[smem:$0x3FB0] =	sst s6  }
0xf: {  	[smem:$0x3FB1] =	sst s7  }
0x10: {  	[smem:$0x3FB2] =	sst s8  }
0x11: {  	[smem:$0x3FB3] =	sst s9;
	s0 =	simm.s32 @!p0 $0x0  }
0x12: {  	s1 =	sld [smem:$0x3F99];
	s0 =	simm.s32 @p0 $0x1  }
0x13: {  	[smem:$0x3FB4] =	sst s0;
	s0 =	simm.s32 @!p1 $0x0  }
0x14: {  	s2 =	sld [smem:$0x3F98];
	s0 =	simm.s32 @p1 $0x1  }
0x15: {  	[smem:$0x3FB5] =	sst s0;
	s0 =	simm.s32 @!p2 $0x0  }
0x16: {  	s3 =	sld [smem:$0x3FDB];
	s0 =	simm.s32 @p2 $0x1  }
0x17: {  	s4 =	simm.s32 $0x1BF5;
	[smem:$0x3FB7] =	sst s0  }
0x18: {  	s0 =	sld [smem:$0x3F9A];
	_ =	swait.ge [sflag:s4], $0x0  }
0x19: {  	s7 =	sld [smem:$0x3F9B]  }
0x1a: {  	s8 =	sadd.s32 $0xFFFFE003, lr  }
0x1b: {  	s9 =	sadd.s32 $0xFFFFFEF7, lr;
	s5 =	simm.s32 $0xFFFFFFFF;
	p2 =	slt.u32 s8, $0xFFFFF086  }
0x1c: {  	p1 =	slt.u32 s9, $0xF7A;
	s5 =	simm.s32 @!p2 $0x0  }
0x1d: {  	s5 =	simm.s32 @p1 $0x1;
	p0 =	seq.s32 s7, s2  }
0x1e: {  	s7 =	smul.u32 @!p0 $0xF7A, s2;
	p2 =	seq.s32 @!p0 s5, $0x0  }
0x1f: {  	s9 =	smul.u32 $0xF7A, s1;
	s8 =	simm.s32 @!p0 $0x1BF5;
	p2 =	por !p2, p0  }
0x20: {  	[sflag:s8] =	ssyncset.s32 @!p0 $0xFFFFF086;
	s6 =	sadd.s32 @!p0 s3, s7;
	s7 =	simm.s32 @!p0 $0x108  }
0x21: {  	s3 =	sadd.s32 s3, s9;
	s6 =	sadd.s32 @!p0 $0x88, s6;
	s7 =	simm.s32 @p2 $0x1082  }
0x22: {  	[simem:s7], [sflag:s8] =	dma.local @!p0 [hbm:s6], $0xF7A  }
0x23: {  	s9 =	sor.u32 $0xD0000000, s2;
	s6 =	simm.s32 $0x108;
	_ =	swait.ge @!p0 [sflag:s8], $0x0  }
0x24: {  	s3 =	sadd.s32 $0x88, s3;
	s6 =	simm.s32 @!p1 $0x1082;
	[sflag:s4] =	ssyncset.s32 $0xFFFFF086  }
0x25: {  	[simem:s6], [sflag:s4] =	dma.local [hbm:s3], $0xF7A  }
0x26: {  	[smem:$0x3F9B] =	sst s1;
	(tag) =	ssettag s2;
	_ =	strace s9  }
0x27: {  	s1 =	sld [smem:$0x3FAB]  }
0x28: {  	s2 =	sld [smem:$0x3FAC]  }
0x29: {  	s4 =	sld [smem:$0x3FAE]  }
0x2a: {  	p0 =	seq.s32 s5, $0x0;
	s5 =	sld [smem:$0x3FAF]  }
0x2b: {  	s6 =	sld [smem:$0x3FB0]  }
0x2c: {  	s7 =	sld [smem:$0x3FB1]  }
0x2d: {  	s3 =	simm.s32 $0x108;
	s8 =	sld [smem:$0x3FB2]  }
0x2e: {  	s3 =	simm.s32 @!p0 $0x1082;
	s9 =	sld [smem:$0x3FB3]  }
0x2f: {  	lr =	sadd.s32 s0, s3;
	s0 =	sld [smem:$0x3FAA]  }
0x30: {  	s3 =	sld [smem:$0x3FAD]  }
0x31: {  	[smem:$0x3FB6] =	sst s10  }
0x32: {  	s10 =	sld [smem:$0x3FB4];
	_ =	sdelay $0x3  }
0x33: {  	p0 =	seq.s32 s10, $0x1;
	s10 =	sld [smem:$0x3FB6];
	_ =	sdelay $0x3  }
0x34: {  	[smem:$0x3FB6] =	sst s10  }
0x35: {  	s10 =	sld [smem:$0x3FB5];
	_ =	sdelay $0x3  }
0x36: {  	p1 =	seq.s32 s10, $0x1;
	s10 =	sld [smem:$0x3FB6];
	_ =	sdelay $0x3  }
0x37: {  	[smem:$0x3FB6] =	sst s10  }
0x38: {  	s10 =	sld [smem:$0x3FB7]  }
0x39: {  	_ = 	snop;
	(pc) =	sbr.ind lr, $3  }
0x3a: {  	_ = 	snop  }
0x3b: {  	_ = 	snop  }
0x3c: {  	p2 =	seq.s32 s10, $0x1;
	s10 =	sld [smem:$0x3FB6]  }
0x3d: {  	_ =	shalt  }
0x3e: {  	_ =	shalt  }
0x3f: {  	_ =	shalt  }
0x40: {  	_ =	shalt  }
0x41: {  	_ =	shalt  }
0x42: {  	_ =	shalt  }
0x43: {  	_ =	shalt  }
0x44: {  	_ =	shalt  }
0x45: {  	_ =	shalt  }
0x46: {  	_ =	shalt  }
0x47: {  	_ =	shalt  }
0x48: {  	_ =	shalt  }
0x49: {  	_ =	shalt  }
0x4a: {  	_ =	shalt  }
0x4b: {  	_ =	shalt  }
0x4c: {  	_ =	shalt  }
0x4d: {  	_ =	shalt  }
0x4e: {  	_ =	shalt  }
0x4f: {  	_ =	shalt  }
0x50: {  	_ =	shalt  }
0x51: {  	_ =	shalt  }
0x52: {  	_ =	shalt  }
0x53: {  	_ =	shalt  }
0x54: {  	_ =	shalt  }
0x55: {  	_ =	shalt  }
0x56: {  	_ =	shalt  }
0x57: {  	_ =	shalt  }
0x58: {  	_ =	shalt  }
0x59: {  	_ =	shalt  }
0x5a: {  	_ =	shalt  }
0x5b: {  	_ =	shalt  }
0x5c: {  	_ =	shalt  }
0x5d: {  	_ =	shalt  }
0x5e: {  	_ =	shalt  }
0x5f: {  	_ =	shalt  }
0x60: {  	_ =	shalt  }
0x61: {  	_ =	shalt  }
0x62: {  	_ =	shalt  }
0x63: {  	_ =	shalt  }
0x64: {  	_ =	shalt  }
0x65: {  	_ =	shalt  }
0x66: {  	_ =	shalt  }
0x67: {  	_ =	shalt  }
0x68: {  	_ =	shalt  }
0x69: {  	_ =	shalt  }
0x6a: {  	_ =	shalt  }
0x6b: {  	_ =	shalt  }
0x6c: {  	_ =	shalt  }
0x6d: {  	_ =	shalt  }
0x6e: {  	_ =	shalt  }
0x6f: {  	_ =	shalt  }
0x70: {  	_ =	shalt  }
0x71: {  	_ =	shalt  }
0x72: {  	_ =	shalt  }
0x73: {  	_ =	shalt  }
0x74: {  	_ =	shalt  }
0x75: {  	_ =	shalt  }
0x76: {  	_ =	shalt  }
0x77: {  	_ =	shalt  }
0x78: {  	_ =	shalt  }
0x79: {  	_ =	shalt  }
0x7a: {  	_ =	shalt  }
0x7b: {  	_ =	shalt  }
0x7c: {  	_ =	shalt  }
0x7d: {  	_ =	shalt  }
0x7e: {  	_ =	shalt  }
0x7f: {  	_ =	shalt  }
0x80: {  	_ =	shalt  }
0x81: {  	_ =	shalt  }
0x82: {  	_ =	shalt  }
0x83: {  	_ =	shalt  }
0x84: {  	_ =	shalt  }
0x85: {  	_ =	shalt  }
0x86: {  	_ =	shalt  }
0x87: {  	_ =	shalt  }
.Lfunc_end0:
.L_simem_size_0:
called_computation_lowered:
.L_overlay_start_0:
0x88: {  	s2 =	sld [smem:$0x3FD9]  }
0x89: {  	s3 =	sld [smem:$0x3FFE];
	_ =	sdelay $0x1  }
0x8a: {  	s1 =	srdreg.scid  }
0x8b: {  	s0 =	sand.u32 $0x1, s1  }
0x8c: {  	s17 =	sshll.u32 s0, $0xA;
	s2 =	sadd.s32 s3, s2  }
0x8d: {  	s2 =	sadd.s32 s2, s17  }
0x8e: {  	[smem:$0x3FC2] =	sst s2  }
0x8f: {  	_ = 	snop  }
0x90: {  	s2 =	sld [smem:$0x3FD0];
	(tm) =	ssettm $0x1  }
0x91: {  	s18 =	sld [smem:$0x3FFB];
	_ =	sdelay $0x3  }
0x92: {  	_ =	strace s18  }
0x93: {  	s3 =	sld [smem:$0x3FFC];
	_ =	sdelay $0x3  }
0x94: {  	_ =	strace s3  }
0x95: {  	s3 =	sld [smem:$0x3FFD];
	_ =	sdelay $0x3  }
0x96: {  	_ =	strace s3  }
0x97: {  	_ =	strace $0x8FFFFFFF  }
0x98: {  	s19 =	sld [smem:$0x3FDB];
	_ =	sdelay $0x1  }
0x99: {  	s4 =	simm.s32 $_scs_section_size  }
0x9a: {  	s5 =	simm.s32 $_size__tile_overlayer_lowered;
	s6 =	simm.s32 $_tile_overlayer_lowered  }
0x9b: {  	s22 =	simm.s32 $0x1BFF;
	s21 =	sshll.u32 s6, $0x1;
	s3 =	sadd.s32 s4, s19  }
0x9c: {  	s7 =	simm.s32 $0x0;
	s20 =	sshll.u32 s5, $0x1;
	s5 =	sadd.s32 s21, s3  }
0x9d: {  	[timem:s7], [sflag:s22] =	dma.local [hbm:s5], s20  }
0x9e: {  	_ =	swait.ge [sflag:s22], s20  }
0x9f: {  	s4 =	ssub.s32 $0x0, s20;
	[sflag:s22] =	ssyncset.done $0x0  }
0xa0: {  	[sflag:s22] =	ssyncadd.s32 s4;
	_ =	sdelay $0x1  }
0xa1: {  	s23 =	simm.s32 $0x1B8B  }
0xa2: {  	_ =	swait.ge [sflag:s23], $0x1  }
0xa3: {  	[sflag:s23] =	ssyncset.done $0x0  }
0xa4: {  	s25 =	simm.s32 $0x1B8E;
	s24 =	sld [smem:$0x3FFE];
	[sflag:s23] =	ssyncadd.s32 $0xFFFFFFFF  }
0xa5: {  	s26 =	simm.s32 $execute0_lowered;
	[smem:$0x3FD2] =	sst s25  }
0xa6: {  	s5 =	sshll.u32 s26, $0x1;
	_ =	strace $0x80000046;
	[dreg:$0x1] =	wrdreg $0xFFFFFFFF  }
0xa7: {  	s28 =	simm.s32 $_size_execute0_lowered;
	s3 =	sadd.s32 s3, s5;
	[dreg:$0x0] =	wrdreg $0x0  }
0xa8: {  	s5 =	sshll.u32 s28, $0x1;
	[dreg:$0x2] =	wrdreg s3  }
0xa9: {  	[dreg:$0x3] =	wrdreg s5  }
0xaa: {  	[dreg:$0x4] =	wrdreg $0xC0  }
0xab: {  	_ =	task [dreg:s7], $0x5FFFF  }
0xac: {  	[dreg:$0x1] =	wrdreg $0xFFFFFFFF  }
0xad: {  	[dreg:$0x0] =	wrdreg $0x60  }
0xae: {  	[dreg:$0x2] =	wrdreg s2  }
0xaf: {  	[dreg:$0x3] =	wrdreg s24  }
0xb0: {  	[dreg:$0x4] =	wrdreg $0xA8000  }
0xb1: {  	[dreg:$0x5] =	wrdreg $0x9  }
0xb2: {  	_ =	task.clear_ibuf [dreg:s7], $0x6FFFF;
	_ =	strace $0x90000046  }
0xb3: {  	s29 =	simm.s32 $0x9;
	_ =	strace $0x80000048  }
0xb4: {  	_ =	swait.ge [sflag:s29], $0x1  }
0xb5: {  	[sflag:s29] =	ssyncadd.s32 $0xFFFFFFFF  }
0xb6: {  	_ =	strace $0x90000048  }
0xb7: {  	_ =	sfence  }
0xb8: {  	s30 =	sld [smem:$0x0];
	_ =	sdelay $0x2  }
0xb9: {  	s31 =	sshll.u32 s1, $0xD;
	s1 =	sshrl.u32 s1, $0x2  }
0xba: {  	s3 =	sand.u32 $0x4000, s31;
	s1 =	sadd.s32 s1, s30  }
0xbb: {  	s0 =	sor.u32 s3, s0;
	s1 =	sshll.u32 s1, $0x11  }
0xbc: {  	s0 =	sor.u32 s1, s0  }
0xbd: {  	s0 =	sadd.s32 $0x8F2B, s0  }
0xbe: {  	[sflag:s0] =	ssyncadd.remote.s32 $0x1  }
0xbf: {  	_ =	sfence.sel $0xFFFF  }
0xc0: {  	[dreg:$0x0] =	wrdreg $0xFFFFFFFF;
	(pc) =	sbr.abs _section_cstart, $3  }
0xc1: {  	[dreg:$0x1] =	wrdreg $0xFFFFFFFF  }
0xc2: {  	_ =	task.clear_ibuf [dreg:s7], $0x2FFFF;
	_ =	strace $0x9FFFFFFF  }
0xc3: {  	(tm) =	ssettm $0x7FFFFFFF  }
tec
execute0_lowered:
.L_overlay_start_1:
0x0: {  	(tag) =	ssettag $0x1  }
0x1: {  	s1 =	rddreg [dreg:$0x0]  }
0x2: {  	s5 =	rddreg [dreg:$0x1]  }
0x3: {  	s3 =	rddreg [dreg:$0x2];
	s4 =	simm.s32 $0x0  }
0x4: {  	s6 =	srdreg.scid;
	s2 =	stileid.u32;
	s21 =	simm.s32 $0x1400  }
0x5: {  	s22 =	simm.s32 $0x80;
	s23 =	simm.s32 $0x6800;
	s30 =	smul.u32 $0x4F000, s2  }
0x6: {  	s26 =	simm.s32 $0x2;
	s28 =	simm.s32 $0x2700;
	s11 =	smul.u32 $0x2800, s2  }
0x7: {  	s29 =	simm.s32 $0x2780;
	[smem:$0x7FF] =	sst s4;
	s12 =	smul.u32 $0x500, s2  }
0x8: {  	s10 =	sand.u32 $0x1, s6;
	s16 =	sadd.s32 $0x1400, s5;
	s25 =	smul.u32 $0x2780, s2  }
0x9: {  	s17 =	sadd.s32 $0xB400, s5;
	_ =	strace $0x80000047;
	s7 =	smul.u32 $0x27800, s10  }
0xa: {  	s8 =	ssub.s32 $0x2, s10;
	p0 =	seq.s32 s10, $0x1;
	s6 =	sshrl.u32 s30, $0x2  }
0xb: {  	s31 =	sshrl.u32 s8, $0x1;
	s20 =	sshrl.u32 s11, $0x3;
	s10 =	sadd.s32 s16, s12  }
0xc: {  	s11 =	sadd.s32 s17, s12;
	s18 =	sadd.s32 s7, s5;
	s5 =	sadd.s32 s6, s3  }
0xd: {  	s19 =	ssub.s32 s8, s31;
	s13 =	sadd.s32 $0x280, s20;
	s15 =	sadd.s32 $0x5000, s20  }
0xe: {  	s20 =	sadd.s32 $0x5280, s20;
	s6 =	sadd.s32 $0x4000, s5;
	s7 =	sadd.s32 $0x8000, s5  }
.Ltmp0:
0xf: {  	s8 =	sadd.s32 $0xC000, s5;
	s9 =	sadd.s32 $0x10000, s5;
	(pc) =	sbr.rel .LBB2_1-.Ltmp0, $4  }
0x10: {  	s12 =	sadd.s32 s16, s13;
	s13 =	sadd.s32 s17, s13;
	s14 =	sadd.s32 s16, s15  }
0x11: {  	s15 =	sadd.s32 s17, s15;
	s16 =	sadd.s32 s16, s20;
	s17 =	sadd.s32 s17, s20  }
0x12: {  	s24 =	sadd.s32 $0x15400, s18;
	s18 =	smax.u32 s19, $0x1;
	s19 =	simm.s32 $0x2800  }
0x13: {  	v0 =	vimm.f32 $0.0e+00;
	s20 =	simm.s32 $0x3;
	s24 =	sadd.s32 s25, s24;
	s25 =	simm.s32 $0x1  }
.LBB2_8:
0x14: {  	[tilespmem:s23], [sflag:$0x2] =	stream.indirect.gather [hbm4b:s1+s22], $0x80, s31, s22, $0xb8;
	[tilespmem:$0x1E400] =	vst v63  }
.LBB2_14:
0x15: {  	_ =	swait.ge [sflag:s25], $0x4000  }
0x16: {  	[sflag:s25] =	ssyncset.done $0x0  }
0x17: {  	[sflag:s25] =	ssyncadd.s32 $0xFFFFC000  }
0x18: {  	[spmem:s3] =	stream.indirect.scatter.add.f32 [tilespmem:s19], [sflag:$0x3], $0x80, s28, s22, $0xb8;
	[tilespmem:$0x1E400] =	vst v63  }
0x19: {  	_ =	swait.ge [sflag:s20], $0x4000  }
0x1a: {  	[sflag:s20] =	ssyncset.done $0x0  }
0x1b: {  	[sflag:s20] =	ssyncadd.s32 $0xFFFFC000  }
0x1c: {  	_ =	swait.ge [sflag:s26], $0x4000  }
0x1d: {  	[sflag:s26] =	ssyncset.done $0x0  }
0x1e: {  	[sflag:s26] =	ssyncadd.s32 $0xFFFFC000  }
0x1f: {  	[spmem:s3] =	stream.indirect.scatter.add.f32 [tilespmem:s23], [sflag:$0x3], $0x80, s29, s22, $0xb8;
	[tilespmem:$0x1E400] =	vst v63  }
0x20: {  	_ =	swait.ge [sflag:s20], $0x4000  }
0x21: {  	s0 =	sshll.u32 s2, $0x6;
	s4 =	sadd.s32 $0x1, s4;
	[sflag:s20] =	ssyncset.done $0x0  }
0x22: {  	s30 =	sshrl.u32 s5, $0x3;
	p1 =	sne.s32 s4, s18;
	[sflag:s20] =	ssyncadd.s32 $0xFFFFC000  }
.Ltmp1:
0x23: {  	s0 =	sor.u32 $0x1C03, s0;
	[bflag:$0x0] =	sbarrier.arrive $0xFFFF;
	(pc) =	sbr.rel @!p1 .LBB2_15-.Ltmp1, $4  }
0x24: {  	[hbm:s24], [sflag:s0] =	dma.local [spmem:s30], $0x2780  }
0x25: {  	_ =	swait.ge [sflag:s20], $0x2780  }
0x26: {  	[sflag:s20] =	ssyncset.done $0x0  }
0x27: {  	[sflag:s20] =	ssyncadd.s32 $0xFFFFD880  }
.LBB2_1:
0x28: {  	s30 =	simm.s32 $0x0;
	s31 =	simm.s32 $0x200  }
.LBB2_2:
0x29: {  	p1 =	sne.s32 s31, $0xFE00;
	[tilespmem:s30+$0x2870] =	vst v0  }
0x2a: {  	[tilespmem:s30+$0x2800] =	vst v0  }
0x2b: {  	[tilespmem:s30+$0x2810] =	vst v0  }
.Ltmp2:
0x2c: {  	[tilespmem:s30+$0x2820] =	vst v0;
	(pc) =	sbr.rel @p1 .LBB2_2-.Ltmp2, $4  }
0x2d: {  	[tilespmem:s30+$0x2830] =	vst v0  }
0x2e: {  	[tilespmem:s30+$0x2840] =	vst v0  }
0x2f: {  	[tilespmem:s30+$0x2850] =	vst v0  }
0x30: {  	[tilespmem:s30+$0x2860] =	vst v0;
	s30 =	sshra.s32 s31, $0x2;
	s31 =	sadd.s32 $0x200, s31  }
0x31: {  	[tilespmem:s30+$0x2870] =	vst v0  }
0x32: {  	[tilespmem:s30+$0x2800] =	vst v0  }
0x33: {  	[tilespmem:s30+$0x2810] =	vst v0  }
0x34: {  	[tilespmem:s30+$0x2820] =	vst v0  }
0x35: {  	[tilespmem:s30+$0x2830] =	vst v0  }
0x36: {  	[tilespmem:s30+$0x2840] =	vst v0  }
0x37: {  	[tilespmem:s30+$0x2850] =	vst v0  }
0x38: {  	[tilespmem:s30+$0x2860] =	vst v0  }
0x39: {  	[spmem:s5] =	stream.linear.scatter [tilespmem:s19], [sflag:$0x3], $0x4000, $0x38;
	[tilespmem:$0x1E400] =	vst v63  }
0x3a: {  	_ =	swait.ge [sflag:s20], $0x4000  }
0x3b: {  	[sflag:s20] =	ssyncset.done $0x0  }
0x3c: {  	[sflag:s20] =	ssyncadd.s32 $0xFFFFC000  }
0x3d: {  	[spmem:s6] =	stream.linear.scatter [tilespmem:s19], [sflag:$0x3], $0x4000, $0x38;
	[tilespmem:$0x1E400] =	vst v63  }
0x3e: {  	_ =	swait.ge [sflag:s20], $0x4000  }
0x3f: {  	[sflag:s20] =	ssyncset.done $0x0  }
0x40: {  	[sflag:s20] =	ssyncadd.s32 $0xFFFFC000  }
0x41: {  	[spmem:s7] =	stream.linear.scatter [tilespmem:s19], [sflag:$0x3], $0x4000, $0x38;
	[tilespmem:$0x1E400] =	vst v63  }
0x42: {  	_ =	swait.ge [sflag:s20], $0x4000  }
0x43: {  	[sflag:s20] =	ssyncset.done $0x0  }
0x44: {  	[sflag:s20] =	ssyncadd.s32 $0xFFFFC000  }
0x45: {  	[spmem:s8] =	stream.linear.scatter [tilespmem:s19], [sflag:$0x3], $0x4000, $0x38;
	[tilespmem:$0x1E400] =	vst v63  }
0x46: {  	_ =	swait.ge [sflag:s20], $0x4000  }
0x47: {  	[sflag:s20] =	ssyncset.done $0x0  }
0x48: {  	[sflag:s20] =	ssyncadd.s32 $0xFFFFC000  }
0x49: {  	[spmem:s9] =	stream.linear.scatter [tilespmem:s19], [sflag:$0x3], $0x3C00, $0x38;
	[tilespmem:$0x1E400] =	vst v63  }
.Ltmp3:
0x4a: {  	_ =	swait.ge [sflag:s20], $0x3C00;
	(pc) =	sbr.rel @!p0 .LBB2_4-.Ltmp3, $3  }
0x4b: {  	[sflag:s20] =	ssyncset.done $0x0  }
0x4c: {  	[sflag:s20] =	ssyncadd.s32 $0xFFFFC400  }
0x4d: {  	[bflag:$0x0] =	sbarrier.arrive $0xFFFF;
	_ =	sdelay $0x1  }
0x4e: {  	s0 =	simm.s32 $0x0  }
0x4f: {  	[tilespmem:s0], [sflag:$0x3] =	stream.linear.gather [hbm4b:s14+s0], $0x1400, $0x38;
	[tilespmem:$0x1E400] =	vst v63  }
0x50: {  	_ =	swait.ge [sflag:s20], $0x1400  }
0x51: {  	[sflag:s20] =	ssyncset.done $0x0  }
0x52: {  	[sflag:s20] =	ssyncadd.s32 $0xFFFFEC00  }
0x53: {  	[tilespmem:s21], [sflag:$0x3] =	stream.linear.gather [hbm4b:s15+s0], $0x1400, $0x38;
	[tilespmem:$0x1E400] =	vst v63  }
0x54: {  	_ =	swait.ge [sflag:s20], $0x1400  }
0x55: {  	[sflag:s20] =	ssyncset.done $0x0  }
0x56: {  	[sflag:s20] =	ssyncadd.s32 $0xFFFFEC00  }
0x57: {  	[tilespmem:s19], [sflag:$0x1] =	stream.indirect.gather [hbm4b:s1+s22], $0x80, s0, s22, $0xb8;
	[tilespmem:$0x1E400] =	vst v63  }
0x58: {  	_ = 	snop  }
0x59: {  	[tilespmem:s23], [sflag:$0x2] =	stream.indirect.gather [hbm4b:s1+s22], $0x80, s22, s22, $0xb8;
	[tilespmem:$0x1E400] =	vst v63  }
0x5a: {  	_ =	swait.ge [sflag:s25], $0x4000  }
0x5b: {  	[sflag:s25] =	ssyncset.done $0x0  }
0x5c: {  	s0 =	simm.s32 $0x1400;
	[sflag:s25] =	ssyncadd.s32 $0xFFFFC000  }
0x5d: {  	[spmem:s3] =	stream.indirect.scatter.add.f32 [tilespmem:s19], [sflag:$0x3], $0x80, s0, s22, $0xb8;
	[tilespmem:$0x1E400] =	vst v63  }
0x5e: {  	_ =	swait.ge [sflag:s20], $0x4000  }
0x5f: {  	[sflag:s20] =	ssyncset.done $0x0  }
0x60: {  	s0 =	simm.s32 $0x100;
	[sflag:s20] =	ssyncadd.s32 $0xFFFFC000  }
0x61: {  	[tilespmem:s19], [sflag:$0x1] =	stream.indirect.gather [hbm4b:s1+s22], $0x80, s0, s22, $0xb8;
	[tilespmem:$0x1E400] =	vst v63  }
0x62: {  	_ =	swait.ge [sflag:s26], $0x4000  }
0x63: {  	[sflag:s26] =	ssyncset.done $0x0  }
0x64: {  	s0 =	simm.s32 $0x1480;
	[sflag:s26] =	ssyncadd.s32 $0xFFFFC000  }
0x65: {  	[spmem:s3] =	stream.indirect.scatter.add.f32 [tilespmem:s23], [sflag:$0x3], $0x80, s0, s22, $0xb8;
	[tilespmem:$0x1E400] =	vst v63  }
0x66: {  	_ =	swait.ge [sflag:s20], $0x4000  }
0x67: {  	[sflag:s20] =	ssyncset.done $0x0  }
0x68: {  	s30 =	simm.s32 $0x400;
	s31 =	simm.s32 $0x180;
	[sflag:s20] =	ssyncadd.s32 $0xFFFFC000  }
.LBB2_10:
0x69: {  	[tilespmem:s23], [sflag:$0x2] =	stream.indirect.gather [hbm4b:s1+s22], $0x80, s31, s22, $0xb8;
	[tilespmem:$0x1E400] =	vst v63  }
0x6a: {  	s0 =	smov.u32 s30  }
0x6b: {  	p1 =	sne.s32 s30, $0x4800;
	s30 =	sadd.s32 $0x400, s30;
	_ =	swait.ge [sflag:s25], $0x4000  }
0x6c: {  	s0 =	sshra.s32 s0, $0x2;
	[sflag:s25] =	ssyncset.done $0x0  }
0x6d: {  	s31 =	sadd.s32 $0x1400, s0;
	[sflag:s25] =	ssyncadd.s32 $0xFFFFC000  }
0x6e: {  	[spmem:s3] =	stream.indirect.scatter.add.f32 [tilespmem:s19], [sflag:$0x3], $0x80, s31, s22, $0xb8;
	[tilespmem:$0x1E400] =	vst v63  }
0x6f: {  	_ =	swait.ge [sflag:s20], $0x4000  }
0x70: {  	[sflag:s20] =	ssyncset.done $0x0  }
0x71: {  	s31 =	sadd.s32 $0x100, s0;
	[sflag:s20] =	ssyncadd.s32 $0xFFFFC000  }
0x72: {  	[tilespmem:s19], [sflag:$0x1] =	stream.indirect.gather [hbm4b:s1+s22], $0x80, s31, s22, $0xb8;
	[tilespmem:$0x1E400] =	vst v63  }
0x73: {  	_ =	swait.ge [sflag:s26], $0x4000  }
0x74: {  	[sflag:s26] =	ssyncset.done $0x0  }
.Ltmp4:
0x75: {  	s31 =	sadd.s32 $0x1480, s0;
	[sflag:s26] =	ssyncadd.s32 $0xFFFFC000;
	(pc) =	sbr.rel @p1 .LBB2_10-.Ltmp4, $4  }
0x76: {  	[spmem:s3] =	stream.indirect.scatter.add.f32 [tilespmem:s23], [sflag:$0x3], $0x80, s31, s22, $0xb8;
	[tilespmem:$0x1E400] =	vst v63  }
0x77: {  	_ =	swait.ge [sflag:s20], $0x4000  }
0x78: {  	[sflag:s20] =	ssyncset.done $0x0  }
0x79: {  	s31 =	sadd.s32 $0x180, s0;
	[sflag:s20] =	ssyncadd.s32 $0xFFFFC000  }
0x7a: {  	[tilespmem:s23], [sflag:$0x2] =	stream.indirect.gather [hbm4b:s1+s22], $0x80, s31, s22, $0xb8;
	[tilespmem:$0x1E400] =	vst v63  }
0x7b: {  	_ =	swait.ge [sflag:s25], $0x4000  }
0x7c: {  	[sflag:s25] =	ssyncset.done $0x0  }
0x7d: {  	[sflag:s25] =	ssyncadd.s32 $0xFFFFC000  }
0x7e: {  	[spmem:s3] =	stream.indirect.scatter.add.f32 [tilespmem:s19], [sflag:$0x3], $0x80, s28, s22, $0xb8;
	[tilespmem:$0x1E400] =	vst v63  }
0x7f: {  	_ =	swait.ge [sflag:s20], $0x4000  }
0x80: {  	[sflag:s20] =	ssyncset.done $0x0  }
0x81: {  	[sflag:s20] =	ssyncadd.s32 $0xFFFFC000  }
0x82: {  	_ =	swait.ge [sflag:s26], $0x4000  }
0x83: {  	[sflag:s26] =	ssyncset.done $0x0  }
0x84: {  	[sflag:s26] =	ssyncadd.s32 $0xFFFFC000  }
0x85: {  	[spmem:s3] =	stream.indirect.scatter.add.f32 [tilespmem:s23], [sflag:$0x3], $0x80, s29, s22, $0xb8;
	[tilespmem:$0x1E400] =	vst v63  }
0x86: {  	_ =	swait.ge [sflag:s20], $0x4000  }
0x87: {  	[sflag:s20] =	ssyncset.done $0x0  }
0x88: {  	s0 =	simm.s32 $0x0;
	[sflag:s20] =	ssyncadd.s32 $0xFFFFC000  }
0x89: {  	[tilespmem:s0], [sflag:$0x3] =	stream.linear.gather [hbm4b:s16+s0], $0x1400, $0x38;
	[tilespmem:$0x1E400] =	vst v63  }
0x8a: {  	_ =	swait.ge [sflag:s20], $0x1400  }
0x8b: {  	[sflag:s20] =	ssyncset.done $0x0  }
0x8c: {  	[sflag:s20] =	ssyncadd.s32 $0xFFFFEC00  }
0x8d: {  	[tilespmem:s21], [sflag:$0x3] =	stream.linear.gather [hbm4b:s17+s0], $0x1400, $0x38;
	[tilespmem:$0x1E400] =	vst v63  }
0x8e: {  	_ =	swait.ge [sflag:s20], $0x1400  }
0x8f: {  	[sflag:s20] =	ssyncset.done $0x0  }
0x90: {  	[sflag:s20] =	ssyncadd.s32 $0xFFFFEC00  }
0x91: {  	[tilespmem:s19], [sflag:$0x1] =	stream.indirect.gather [hbm4b:s1+s22], $0x80, s0, s22, $0xb8;
	[tilespmem:$0x1E400] =	vst v63  }
0x92: {  	_ = 	snop  }
0x93: {  	[tilespmem:s23], [sflag:$0x2] =	stream.indirect.gather [hbm4b:s1+s22], $0x80, s22, s22, $0xb8;
	[tilespmem:$0x1E400] =	vst v63  }
0x94: {  	_ =	swait.ge [sflag:s25], $0x4000  }
0x95: {  	[sflag:s25] =	ssyncset.done $0x0  }
0x96: {  	s0 =	simm.s32 $0x1400;
	[sflag:s25] =	ssyncadd.s32 $0xFFFFC000  }
0x97: {  	[spmem:s3] =	stream.indirect.scatter.add.f32 [tilespmem:s19], [sflag:$0x3], $0x80, s0, s22, $0xb8;
	[tilespmem:$0x1E400] =	vst v63  }
0x98: {  	_ =	swait.ge [sflag:s20], $0x4000  }
0x99: {  	[sflag:s20] =	ssyncset.done $0x0  }
0x9a: {  	s0 =	simm.s32 $0x100;
	[sflag:s20] =	ssyncadd.s32 $0xFFFFC000  }
0x9b: {  	[tilespmem:s19], [sflag:$0x1] =	stream.indirect.gather [hbm4b:s1+s22], $0x80, s0, s22, $0xb8;
	[tilespmem:$0x1E400] =	vst v63  }
0x9c: {  	_ =	swait.ge [sflag:s26], $0x4000  }
0x9d: {  	[sflag:s26] =	ssyncset.done $0x0  }
0x9e: {  	s0 =	simm.s32 $0x1480;
	[sflag:s26] =	ssyncadd.s32 $0xFFFFC000  }
0x9f: {  	[spmem:s3] =	stream.indirect.scatter.add.f32 [tilespmem:s23], [sflag:$0x3], $0x80, s0, s22, $0xb8;
	[tilespmem:$0x1E400] =	vst v63  }
0xa0: {  	_ =	swait.ge [sflag:s20], $0x4000  }
0xa1: {  	[sflag:s20] =	ssyncset.done $0x0  }
0xa2: {  	s30 =	simm.s32 $0x400;
	s31 =	simm.s32 $0x180;
	[sflag:s20] =	ssyncadd.s32 $0xFFFFC000  }
.LBB2_12:
0xa3: {  	[tilespmem:s23], [sflag:$0x2] =	stream.indirect.gather [hbm4b:s1+s22], $0x80, s31, s22, $0xb8;
	[tilespmem:$0x1E400] =	vst v63  }
0xa4: {  	s0 =	smov.u32 s30  }
0xa5: {  	p1 =	sne.s32 s30, $0x4800;
	s30 =	sadd.s32 $0x400, s30;
	_ =	swait.ge [sflag:s25], $0x4000  }
0xa6: {  	s0 =	sshra.s32 s0, $0x2;
	[sflag:s25] =	ssyncset.done $0x0  }
0xa7: {  	s31 =	sadd.s32 $0x1400, s0;
	[sflag:s25] =	ssyncadd.s32 $0xFFFFC000  }
0xa8: {  	[spmem:s3] =	stream.indirect.scatter.add.f32 [tilespmem:s19], [sflag:$0x3], $0x80, s31, s22, $0xb8;
	[tilespmem:$0x1E400] =	vst v63  }
0xa9: {  	_ =	swait.ge [sflag:s20], $0x4000  }
0xaa: {  	[sflag:s20] =	ssyncset.done $0x0  }
0xab: {  	s31 =	sadd.s32 $0x100, s0;
	[sflag:s20] =	ssyncadd.s32 $0xFFFFC000  }
0xac: {  	[tilespmem:s19], [sflag:$0x1] =	stream.indirect.gather [hbm4b:s1+s22], $0x80, s31, s22, $0xb8;
	[tilespmem:$0x1E400] =	vst v63  }
0xad: {  	_ =	swait.ge [sflag:s26], $0x4000  }
0xae: {  	[sflag:s26] =	ssyncset.done $0x0  }
.Ltmp5:
0xaf: {  	s31 =	sadd.s32 $0x1480, s0;
	[sflag:s26] =	ssyncadd.s32 $0xFFFFC000;
	(pc) =	sbr.rel @p1 .LBB2_12-.Ltmp5, $4  }
0xb0: {  	[spmem:s3] =	stream.indirect.scatter.add.f32 [tilespmem:s23], [sflag:$0x3], $0x80, s31, s22, $0xb8;
	[tilespmem:$0x1E400] =	vst v63  }
0xb1: {  	_ =	swait.ge [sflag:s20], $0x4000  }
0xb2: {  	[sflag:s20] =	ssyncset.done $0x0  }
0xb3: {  	s31 =	sadd.s32 $0x180, s0;
	[sflag:s20] =	ssyncadd.s32 $0xFFFFC000  }
.Ltmp6:
0xb4: {  	(pc) =	sbr.rel .LBB2_14-.Ltmp6, $2  }
0xb5: {  	_ =	sdelay $0x2  }
0xb6: {  	[tilespmem:s23], [sflag:$0x2] =	stream.indirect.gather [hbm4b:s1+s22], $0x80, s31, s22, $0xb8;
	[tilespmem:$0x1E400] =	vst v63  }
.LBB2_4:
0xb7: {  	s30 =	simm.s32 $0x0  }
0xb8: {  	[tilespmem:s30], [sflag:$0x3] =	stream.linear.gather [hbm4b:s10+s30], $0x1400, $0x38;
	[tilespmem:$0x1E400] =	vst v63  }
0xb9: {  	_ =	swait.ge [sflag:s20], $0x1400  }
0xba: {  	[sflag:s20] =	ssyncset.done $0x0  }
0xbb: {  	[sflag:s20] =	ssyncadd.s32 $0xFFFFEC00  }
0xbc: {  	[tilespmem:s21], [sflag:$0x3] =	stream.linear.gather [hbm4b:s11+s30], $0x1400, $0x38;
	[tilespmem:$0x1E400] =	vst v63  }
0xbd: {  	_ =	swait.ge [sflag:s20], $0x1400  }
0xbe: {  	[sflag:s20] =	ssyncset.done $0x0  }
0xbf: {  	[sflag:s20] =	ssyncadd.s32 $0xFFFFEC00  }
0xc0: {  	[tilespmem:s19], [sflag:$0x1] =	stream.indirect.gather [hbm4b:s1+s22], $0x80, s30, s22, $0xb8;
	[tilespmem:$0x1E400] =	vst v63  }
0xc1: {  	_ = 	snop  }
0xc2: {  	[tilespmem:s23], [sflag:$0x2] =	stream.indirect.gather [hbm4b:s1+s22], $0x80, s22, s22, $0xb8;
	[tilespmem:$0x1E400] =	vst v63  }
0xc3: {  	_ =	swait.ge [sflag:s25], $0x4000  }
0xc4: {  	[sflag:s25] =	ssyncset.done $0x0  }
0xc5: {  	s30 =	simm.s32 $0x1400;
	[sflag:s25] =	ssyncadd.s32 $0xFFFFC000  }
0xc6: {  	[spmem:s3] =	stream.indirect.scatter.add.f32 [tilespmem:s19], [sflag:$0x3], $0x80, s30, s22, $0xb8;
	[tilespmem:$0x1E400] =	vst v63  }
0xc7: {  	_ =	swait.ge [sflag:s20], $0x4000  }
0xc8: {  	[sflag:s20] =	ssyncset.done $0x0  }
0xc9: {  	s30 =	simm.s32 $0x100;
	[sflag:s20] =	ssyncadd.s32 $0xFFFFC000  }
0xca: {  	[tilespmem:s19], [sflag:$0x1] =	stream.indirect.gather [hbm4b:s1+s22], $0x80, s30, s22, $0xb8;
	[tilespmem:$0x1E400] =	vst v63  }
0xcb: {  	_ =	swait.ge [sflag:s26], $0x4000  }
0xcc: {  	[sflag:s26] =	ssyncset.done $0x0  }
0xcd: {  	s30 =	simm.s32 $0x1480;
	[sflag:s26] =	ssyncadd.s32 $0xFFFFC000  }
0xce: {  	[spmem:s3] =	stream.indirect.scatter.add.f32 [tilespmem:s23], [sflag:$0x3], $0x80, s30, s22, $0xb8;
	[tilespmem:$0x1E400] =	vst v63  }
0xcf: {  	_ =	swait.ge [sflag:s20], $0x4000  }
0xd0: {  	[sflag:s20] =	ssyncset.done $0x0  }
0xd1: {  	s31 =	simm.s32 $0x180;
	s30 =	simm.s32 $0x400;
	[sflag:s20] =	ssyncadd.s32 $0xFFFFC000  }
.LBB2_5:
0xd2: {  	[tilespmem:s23], [sflag:$0x2] =	stream.indirect.gather [hbm4b:s1+s22], $0x80, s31, s22, $0xb8;
	[tilespmem:$0x1E400] =	vst v63  }
0xd3: {  	s31 =	smov.u32 s30  }
0xd4: {  	p1 =	sne.s32 s30, $0x4800;
	s30 =	sadd.s32 $0x400, s30;
	_ =	swait.ge [sflag:s25], $0x4000  }
0xd5: {  	s31 =	sshra.s32 s31, $0x2;
	[sflag:s25] =	ssyncset.done $0x0  }
0xd6: {  	s0 =	sadd.s32 $0x1400, s31;
	[sflag:s25] =	ssyncadd.s32 $0xFFFFC000  }
0xd7: {  	[spmem:s3] =	stream.indirect.scatter.add.f32 [tilespmem:s19], [sflag:$0x3], $0x80, s0, s22, $0xb8;
	[tilespmem:$0x1E400] =	vst v63  }
0xd8: {  	_ =	swait.ge [sflag:s20], $0x4000  }
0xd9: {  	[sflag:s20] =	ssyncset.done $0x0  }
0xda: {  	s0 =	sadd.s32 $0x100, s31;
	[sflag:s20] =	ssyncadd.s32 $0xFFFFC000  }
0xdb: {  	[tilespmem:s19], [sflag:$0x1] =	stream.indirect.gather [hbm4b:s1+s22], $0x80, s0, s22, $0xb8;
	[tilespmem:$0x1E400] =	vst v63  }
0xdc: {  	_ =	swait.ge [sflag:s26], $0x4000  }
0xdd: {  	[sflag:s26] =	ssyncset.done $0x0  }
.Ltmp7:
0xde: {  	s0 =	sadd.s32 $0x1480, s31;
	[sflag:s26] =	ssyncadd.s32 $0xFFFFC000;
	(pc) =	sbr.rel @p1 .LBB2_5-.Ltmp7, $4  }
0xdf: {  	[spmem:s3] =	stream.indirect.scatter.add.f32 [tilespmem:s23], [sflag:$0x3], $0x80, s0, s22, $0xb8;
	[tilespmem:$0x1E400] =	vst v63  }
0xe0: {  	_ =	swait.ge [sflag:s20], $0x4000  }
0xe1: {  	[sflag:s20] =	ssyncset.done $0x0  }
0xe2: {  	s31 =	sadd.s32 $0x180, s31;
	[sflag:s20] =	ssyncadd.s32 $0xFFFFC000  }
0xe3: {  	[tilespmem:s23], [sflag:$0x2] =	stream.indirect.gather [hbm4b:s1+s22], $0x80, s31, s22, $0xb8;
	[tilespmem:$0x1E400] =	vst v63  }
0xe4: {  	_ =	swait.ge [sflag:s25], $0x4000  }
0xe5: {  	[sflag:s25] =	ssyncset.done $0x0  }
0xe6: {  	[sflag:s25] =	ssyncadd.s32 $0xFFFFC000  }
0xe7: {  	[spmem:s3] =	stream.indirect.scatter.add.f32 [tilespmem:s19], [sflag:$0x3], $0x80, s28, s22, $0xb8;
	[tilespmem:$0x1E400] =	vst v63  }
0xe8: {  	_ =	swait.ge [sflag:s20], $0x4000  }
0xe9: {  	[sflag:s20] =	ssyncset.done $0x0  }
0xea: {  	[sflag:s20] =	ssyncadd.s32 $0xFFFFC000  }
0xeb: {  	_ =	swait.ge [sflag:s26], $0x4000  }
0xec: {  	[sflag:s26] =	ssyncset.done $0x0  }
0xed: {  	[sflag:s26] =	ssyncadd.s32 $0xFFFFC000  }
0xee: {  	[spmem:s3] =	stream.indirect.scatter.add.f32 [tilespmem:s23], [sflag:$0x3], $0x80, s29, s22, $0xb8;
	[tilespmem:$0x1E400] =	vst v63  }
0xef: {  	_ =	swait.ge [sflag:s20], $0x4000  }
0xf0: {  	[sflag:s20] =	ssyncset.done $0x0  }
0xf1: {  	s0 =	simm.s32 $0x0;
	[sflag:s20] =	ssyncadd.s32 $0xFFFFC000  }
0xf2: {  	[tilespmem:s0], [sflag:$0x3] =	stream.linear.gather [hbm4b:s12+s0], $0x1400, $0x38;
	[tilespmem:$0x1E400] =	vst v63  }
0xf3: {  	_ =	swait.ge [sflag:s20], $0x1400  }
0xf4: {  	[sflag:s20] =	ssyncset.done $0x0  }
0xf5: {  	[sflag:s20] =	ssyncadd.s32 $0xFFFFEC00  }
0xf6: {  	[tilespmem:s21], [sflag:$0x3] =	stream.linear.gather [hbm4b:s13+s0], $0x1400, $0x38;
	[tilespmem:$0x1E400] =	vst v63  }
0xf7: {  	_ =	swait.ge [sflag:s20], $0x1400  }
0xf8: {  	[sflag:s20] =	ssyncset.done $0x0  }
0xf9: {  	[sflag:s20] =	ssyncadd.s32 $0xFFFFEC00  }
0xfa: {  	[tilespmem:s19], [sflag:$0x1] =	stream.indirect.gather [hbm4b:s1+s22], $0x80, s0, s22, $0xb8;
	[tilespmem:$0x1E400] =	vst v63  }
0xfb: {  	_ = 	snop  }
0xfc: {  	[tilespmem:s23], [sflag:$0x2] =	stream.indirect.gather [hbm4b:s1+s22], $0x80, s22, s22, $0xb8;
	[tilespmem:$0x1E400] =	vst v63  }
0xfd: {  	_ =	swait.ge [sflag:s25], $0x4000  }
0xfe: {  	[sflag:s25] =	ssyncset.done $0x0  }
0xff: {  	s0 =	simm.s32 $0x1400;
	[sflag:s25] =	ssyncadd.s32 $0xFFFFC000  }
0x100: {  	[spmem:s3] =	stream.indirect.scatter.add.f32 [tilespmem:s19], [sflag:$0x3], $0x80, s0, s22, $0xb8;
	[tilespmem:$0x1E400] =	vst v63  }
0x101: {  	_ =	swait.ge [sflag:s20], $0x4000  }
0x102: {  	[sflag:s20] =	ssyncset.done $0x0  }
0x103: {  	s0 =	simm.s32 $0x100;
	[sflag:s20] =	ssyncadd.s32 $0xFFFFC000  }
0x104: {  	[tilespmem:s19], [sflag:$0x1] =	stream.indirect.gather [hbm4b:s1+s22], $0x80, s0, s22, $0xb8;
	[tilespmem:$0x1E400] =	vst v63  }
0x105: {  	_ =	swait.ge [sflag:s26], $0x4000  }
0x106: {  	[sflag:s26] =	ssyncset.done $0x0  }
0x107: {  	s0 =	simm.s32 $0x1480;
	[sflag:s26] =	ssyncadd.s32 $0xFFFFC000  }
0x108: {  	[spmem:s3] =	stream.indirect.scatter.add.f32 [tilespmem:s23], [sflag:$0x3], $0x80, s0, s22, $0xb8;
	[tilespmem:$0x1E400] =	vst v63  }
0x109: {  	_ =	swait.ge [sflag:s20], $0x4000  }
0x10a: {  	[sflag:s20] =	ssyncset.done $0x0  }
0x10b: {  	s30 =	simm.s32 $0x400;
	s31 =	simm.s32 $0x180;
	[sflag:s20] =	ssyncadd.s32 $0xFFFFC000  }
.LBB2_7:
0x10c: {  	[tilespmem:s23], [sflag:$0x2] =	stream.indirect.gather [hbm4b:s1+s22], $0x80, s31, s22, $0xb8;
	[tilespmem:$0x1E400] =	vst v63  }
0x10d: {  	s0 =	smov.u32 s30  }
0x10e: {  	p1 =	seq.s32 s30, $0x4800;
	s30 =	sadd.s32 $0x400, s30;
	_ =	swait.ge [sflag:s25], $0x4000  }
0x10f: {  	s0 =	sshra.s32 s0, $0x2;
	[sflag:s25] =	ssyncset.done $0x0  }
0x110: {  	s31 =	sadd.s32 $0x1400, s0;
	[sflag:s25] =	ssyncadd.s32 $0xFFFFC000  }
0x111: {  	[spmem:s3] =	stream.indirect.scatter.add.f32 [tilespmem:s19], [sflag:$0x3], $0x80, s31, s22, $0xb8;
	[tilespmem:$0x1E400] =	vst v63  }
0x112: {  	_ =	swait.ge [sflag:s20], $0x4000  }
0x113: {  	[sflag:s20] =	ssyncset.done $0x0  }
0x114: {  	s31 =	sadd.s32 $0x100, s0;
	[sflag:s20] =	ssyncadd.s32 $0xFFFFC000  }
0x115: {  	[tilespmem:s19], [sflag:$0x1] =	stream.indirect.gather [hbm4b:s1+s22], $0x80, s31, s22, $0xb8;
	[tilespmem:$0x1E400] =	vst v63  }
0x116: {  	_ =	swait.ge [sflag:s26], $0x4000  }
0x117: {  	[sflag:s26] =	ssyncset.done $0x0  }
.Ltmp8:
0x118: {  	s31 =	sadd.s32 $0x1480, s0;
	[sflag:s26] =	ssyncadd.s32 $0xFFFFC000;
	(pc) =	sbr.rel @!p1 .LBB2_7-.Ltmp8, $4  }
0x119: {  	[spmem:s3] =	stream.indirect.scatter.add.f32 [tilespmem:s23], [sflag:$0x3], $0x80, s31, s22, $0xb8;
	[tilespmem:$0x1E400] =	vst v63  }
0x11a: {  	_ =	swait.ge [sflag:s20], $0x4000  }
0x11b: {  	[sflag:s20] =	ssyncset.done $0x0  }
0x11c: {  	s31 =	sadd.s32 $0x180, s0;
	[sflag:s20] =	ssyncadd.s32 $0xFFFFC000  }
.Ltmp9:
0x11d: {  	_ = 	snop;
	(pc) =	sbr.rel .LBB2_8-.Ltmp9, $1  }
0x11e: {  	_ =	sdelay $0x3  }
.LBB2_15:
0x11f: {  	_ =	sfence.sel $0x180000  }
0x120: {  	[bflag:$0x0] =	sbarrier.arrive $0xFFFF  }
0x121: {  	_ =	strace $0x90000047  }
0x122: {  	[bflag:$0x2] =	sbarrier.arrive $0xFFFF  }
0x123: {  	p0 =	sne.s32 s2, $0x0;
	s0 =	rddreg [dreg:$0x3]  }
0x124: {  	s0 =	sadd.s32 @!p0 $0x100000, s0  }
0x125: {  	[sflag:s0] =	ssyncadd.tile.s32 @!p0 $0x1;
	_ =	shalt  }
.Lfunc_end2:
_tile_overlayer_lowered:
.L_overlay_start_2:
0x126: {  	(tag) =	ssettag $0x2  }
0x127: {  	s0 =	rddreg [dreg:$0x0];
	s2 =	stileid.u32  }
0x128: {  	s1 =	rddreg [dreg:$0x1];
	p0 =	sne.s32 s2, $0x0  }
0x129: {  	s3 =	rddreg [dreg:$0x2];
	[bflag:$0x3] =	sbarrier.arrive $0xFFFF;
	s2 =	simm.s32 @!p0 $0x1C03  }
0x12a: {  	[timem:s3], [sflag:s2] =	dma.local @!p0 [hbm:s0], s1  }
0x12b: {  	s0 =	simm.s32 @!p0 $0x3  }
0x12c: {  	_ =	swait.ge @!p0 [sflag:s0], s1  }
0x12d: {  	s1 =	ssub.s32 @!p0 $0x0, s1;
	[sflag:s0] =	ssyncset.done @!p0 $0x0  }
0x12e: {  	[sflag:s0] =	ssyncadd.s32 @!p0 s1  }
0x12f: {  	[bflag:$0x3] =	sbarrier.arrive $0xFFFF  }
0x130: {  	_ =	shalt  }

</sc_bundles>
